<compile_context>
chip_gen: v7x
topology: tpu7x:2x2x1
jax: 0.10.2.dev20260603
libtpu: 0.0.44.dev20260713+nightly
codegen_flags: <defaults>
</compile_context>

<pallas_src>
import functools

import jax
import jax.numpy as jnp
from jax import lax
from jax.experimental import pallas as pl
from jax.experimental.pallas import tpu as pltpu
from jax.experimental.pallas import tpu_sc as plsc

_ALPHA = 0.25
_IOU_THR = 0.5
_NEG_POS_RATIO = 3
_B, _N, _G = 16, 16384, 20
_NR, _NC = 128, 128
_NV = _N // 16


_BPS = 2


def _dense_body(gt_ref, a_ref, b_ref, conf_ref,
                loc_out, pos_out, npos_out, k_out, vbits_out,
                iou_buf):
    i = pl.program_id(0)

    @pl.when(i == 0)
    def _init():
        loc_out[...] = jnp.zeros_like(loc_out)
        pos_out[...] = jnp.zeros_like(pos_out)
        npos_out[...] = jnp.zeros_like(npos_out)

    a1 = a_ref[0]
    a2 = a_ref[1]
    a3 = a_ref[2]
    a4 = a_ref[3]
    area_a = (a3 - a1) * (a4 - a2)

    rows = lax.broadcasted_iota(jnp.int32, (_NR, _NC), 0)
    cols = lax.broadcasted_iota(jnp.int32, (_NR, _NC), 1)
    flat = rows * _NC + cols

    for sub in range(_BPS):
        _dense_batch(gt_ref, i * _BPS + sub, sub, area_a, flat,
                     a1, a2, a3, a4, b_ref, conf_ref,
                     loc_out, pos_out, npos_out, k_out, vbits_out, iou_buf)


def _dense_batch(gt_ref, bidx, sub, area_a, flat, a1, a2, a3, a4,
                 b_ref, conf_ref,
                 loc_out, pos_out, npos_out, k_out, vbits_out, iou_buf):
    i = bidx

    best_iou = jnp.full((_NR, _NC), -1.0, jnp.float32)
    mg1 = jnp.zeros((_NR, _NC), jnp.float32)
    mg2 = jnp.zeros((_NR, _NC), jnp.float32)
    mg3 = jnp.zeros((_NR, _NC), jnp.float32)
    mg4 = jnp.zeros((_NR, _NC), jnp.float32)
    force = jnp.zeros((_NR, _NC), jnp.bool_)

    rowmax = []
    for g in range(_G):
        g1 = gt_ref[i, g, 0]
        g2 = gt_ref[i, g, 1]
        g3 = gt_ref[i, g, 2]
        g4 = gt_ref[i, g, 3]
        x1 = jnp.maximum(a1, g1)
        y1 = jnp.maximum(a2, g2)
        x2 = jnp.minimum(a3, g3)
        y2 = jnp.minimum(a4, g4)
        inter = jnp.clip(x2 - x1, 0.0) * jnp.clip(y2 - y1, 0.0)
        area_g = (g3 - g1) * (g4 - g2)
        iou_g = inter / (area_a + area_g - inter + 1e-10)
        iou_buf[g] = iou_g
        better = iou_g > best_iou
        best_iou = jnp.where(better, iou_g, best_iou)
        mg1 = jnp.where(better, g1, mg1)
        mg2 = jnp.where(better, g2, mg2)
        mg3 = jnp.where(better, g3, mg3)
        mg4 = jnp.where(better, g4, mg4)
        rowmax.append(jnp.max(iou_g, axis=0))

    colmax = [jnp.max(rm) for rm in rowmax]
    rowmin = []
    for g in range(_G):
        cand = jnp.where(iou_buf[g] == colmax[g], flat, _N)
        rowmin.append(jnp.min(cand, axis=0))
    argfirst = [jnp.min(rm) for rm in rowmin]
    for g in range(_G):
        force = force | (flat == argfirst[g])

    pos = (best_iou > _IOU_THR) | force
    npos_f = jnp.sum(pos.astype(jnp.float32))
    npos_i = npos_f.astype(jnp.int32)

    b1 = b_ref[0, sub]
    b2 = b_ref[1, sub]
    b3 = b_ref[2, sub]
    b4 = b_ref[3, sub]
    x1 = jnp.maximum(b1, mg1)
    y1 = jnp.maximum(b2, mg2)
    x2 = jnp.minimum(b3, mg3)
    y2 = jnp.minimum(b4, mg4)
    inter = jnp.clip(x2 - x1, 0.0) * jnp.clip(y2 - y1, 0.0)
    area_b = (b3 - b1) * (b4 - b2)
    area_m = (mg3 - mg1) * (mg4 - mg2)
    iou_m = inter / (area_b + area_m - inter + 1e-10)
    rho2 = ((b1 + b3 - mg1 - mg3) * 0.5) ** 2 + ((b2 + b4 - mg2 - mg4) * 0.5) ** 2
    ex1 = jnp.minimum(b1, mg1)
    ey1 = jnp.minimum(b2, mg2)
    ex2 = jnp.maximum(b3, mg3)
    ey2 = jnp.maximum(b4, mg4)
    c2 = (ex2 - ex1) ** 2 + (ey2 - ey1) ** 2
    loc_all = 1.0 - iou_m + rho2 / (c2 + 1e-10)
    loc_sum = jnp.sum(jnp.where(pos, loc_all, 0.0))

    p = conf_ref[sub]
    l = jnp.log(p / (1.0 - p + 1e-10))
    pf = 1.0 / (1.0 + jnp.exp(-l))
    sp = jnp.log1p(jnp.exp(-jnp.abs(l)))
    relu_l = jnp.maximum(l, 0.0)
    focal_pos = _ALPHA * (1.0 - pf) ** 2 * (relu_l - l + sp)
    focal_neg = (1.0 - _ALPHA) * pf * pf * (relu_l + sp)
    pos_loss = jnp.sum(jnp.where(pos, focal_pos, 0.0))

    v = jnp.where(pos, 0.0, focal_neg)
    k = jnp.minimum(npos_i * _NEG_POS_RATIO, _N - npos_i)

    loc_out[...] += jnp.full(loc_out.shape, loc_sum, jnp.float32)
    pos_out[...] += jnp.full(pos_out.shape, pos_loss, jnp.float32)
    npos_out[...] += jnp.full(npos_out.shape, npos_f, jnp.float32)
    k_out[sub] = jnp.full((1, _NC), k, jnp.int32)
    vbits_out[sub] = lax.bitcast_convert_type(v, jnp.int32)


_sc_mesh = plsc.VectorSubcoreMesh(core_axis_name="c", subcore_axis_name="s")


@functools.partial(
    pl.kernel,
    mesh=_sc_mesh,
    out_type=jax.ShapeDtypeStruct((_B, 16), jnp.float32),
    scratch_types=[
        pltpu.VMEM((_N,), jnp.int32),
        pltpu.VMEM((16,), jnp.int32),
        pltpu.VMEM((16,), jnp.float32),
    ],
    compiler_params=pltpu.CompilerParams(needs_layout_passes=False),
)
def _sc_topk_sum(vbits_hbm, k_hbm, out_hbm, vb, kv, ov):
    wid = lax.axis_index("s") * 2 + lax.axis_index("c")

    @pl.when(wid < _B)
    def _():
        b = wid
        pltpu.sync_copy(vbits_hbm.at[b], vb)
        pltpu.sync_copy(k_hbm.at[b], kv)
        k_sc = jnp.max(kv[...])

        one = jnp.ones((16,), jnp.int32)
        zero = jnp.zeros((16,), jnp.int32)

        def count_ge(mid):
            def body(j, acc):
                m = vb[pl.ds(j * 16, 16)] >= mid
                return acc + plsc.all_reduce_population_count(m)
            return jnp.max(lax.fori_loop(0, _NV, body, zero, unroll=16))

        def bs(_, carry):
            lo, hi = carry
            mid = lo + ((hi - lo + 1) >> 1)
            take = count_ge(mid) >= k_sc
            return (jnp.where(take, mid, lo), jnp.where(take, hi, mid - 1))

        lo, _hi = lax.fori_loop(
            0, 31, bs, (jnp.int32(0), jnp.int32(0x7F7FFFFF)))

        def body2(j, carry):
            sacc, cacc = carry
            xb = vb[pl.ds(j * 16, 16)]
            m = xb > lo
            xf = plsc.bitcast(xb, jnp.float32)
            return (sacc + jnp.where(m, xf, 0.0),
                    cacc + plsc.all_reduce_population_count(m))

        sacc, cacc = lax.fori_loop(
            0, _NV, body2,
            (jnp.zeros((16,), jnp.float32), zero),
            unroll=8)

        sum_gt = jnp.sum(sacc)
        cnt_gt = jnp.max(cacc)
        tval = lax.bitcast_convert_type(lo, jnp.float32)
        neg = sum_gt + (k_sc - cnt_gt).astype(jnp.float32) * tval
        neg = jnp.where(k_sc > 0, neg, 0.0)
        ov[...] = jnp.full((16,), neg, jnp.float32)
        pltpu.sync_copy(ov, out_hbm.at[b])


@jax.jit
def kernel(bbox_pred, conf_pred, anchors, gt_boxes):
    at = anchors.T.reshape(4, _NR, _NC)
    bt = bbox_pred.transpose(2, 0, 1).reshape(4, _B, _NR, _NC)
    conf = conf_pred.reshape(_B, _NR, _NC)

    full3d = pl.BlockSpec((4, _NR, _NC), lambda i: (0, 0, 0))
    per_b4 = pl.BlockSpec((4, _BPS, _NR, _NC), lambda i: (0, i, 0, 0))
    per_b = pl.BlockSpec((_BPS, _NR, _NC), lambda i: (i, 0, 0))
    acc = pl.BlockSpec((1, _NC), lambda i: (0, 0))
    per_row = pl.BlockSpec((_BPS, 1, _NC), lambda i: (i, 0, 0))

    loc_p, pos_p, npos_p, k_p, vbits = pl.pallas_call(
        _dense_body,
        grid=(_B // _BPS,),
        in_specs=[pl.BlockSpec(memory_space=pltpu.SMEM), full3d, per_b4, per_b],
        out_specs=[acc, acc, acc, per_row, per_b],
        out_shape=[
            jax.ShapeDtypeStruct((1, _NC), jnp.float32),
            jax.ShapeDtypeStruct((1, _NC), jnp.float32),
            jax.ShapeDtypeStruct((1, _NC), jnp.float32),
            jax.ShapeDtypeStruct((_B, 1, _NC), jnp.int32),
            jax.ShapeDtypeStruct((_B, _NR, _NC), jnp.int32),
        ],
        scratch_shapes=[pltpu.VMEM((_G, _NR, _NC), jnp.float32)],
    )(gt_boxes, at, bt, conf)

    neg_rows = _sc_topk_sum(vbits.reshape(_B, _N), k_p[:, 0, :16])

    num_pos = npos_p[0, 0].astype(jnp.int32)
    denom = jnp.maximum(1, num_pos)
    total_loc = loc_p[0, 0] / denom
    total_conf = (pos_p[0, 0] + jnp.sum(neg_rows[:, 0])) / denom
    total = 1.5 * total_loc + total_conf
    return (total, total_conf, total_loc)

# --- scband reference (transcript-rebuilt; emitter-appended) ---
"""Pipeline reference for scband-detection-loss-4827543241462 (READ-ONLY COPY).

The authoritative reference and input builder live on the scoring server;
editing this copy changes nothing except your own understanding.
"""

import jax, jax.numpy as jnp
import numpy as np

ALPHA = 0.25
GAMMA = 2.0
IOU_THRESHOLD = 0.5
NEG_POS_RATIO = 3
B, N, G = 16, 16384, 20


def _make_boxes(key, shape_prefix, wmin, wmax):
    k1, k2 = jax.random.split(key)
    cxy = jax.random.uniform(k1, tuple(shape_prefix) + (2,), minval=0.1, maxval=0.9)
    wh = jax.random.uniform(k2, tuple(shape_prefix) + (2,), minval=wmin, maxval=wmax)
    return jnp.concatenate([cxy - wh / 2.0, cxy + wh / 2.0], axis=-1)


def setup_inputs(seed: int = 0):
    key = jax.random.key(seed)
    kb, kc, ka, kg = jax.random.split(key, 4)
    bbox_pred = _make_boxes(kb, (B, N), 0.05, 0.3)
    conf_pred = jax.random.uniform(kc, (B, N), minval=0.01, maxval=0.99)
    anchors = _make_boxes(ka, (N,), 0.05, 0.3)
    gt_boxes = _make_boxes(kg, (B, G), 0.1, 0.4)
    return {"bbox_pred": bbox_pred, "conf_pred": conf_pred, "anchors": anchors, "gt_boxes": gt_boxes}


def _box_iou(boxes1, boxes2):
    x1 = jnp.maximum(boxes1[..., 0], boxes2[..., 0])
    y1 = jnp.maximum(boxes1[..., 1], boxes2[..., 1])
    x2 = jnp.minimum(boxes1[..., 2], boxes2[..., 2])
    y2 = jnp.minimum(boxes1[..., 3], boxes2[..., 3])
    inter = jnp.clip(x2 - x1, 0.0) * jnp.clip(y2 - y1, 0.0)
    area1 = (boxes1[..., 2] - boxes1[..., 0]) * (boxes1[..., 3] - boxes1[..., 1])
    area2 = (boxes2[..., 2] - boxes2[..., 0]) * (boxes2[..., 3] - boxes2[..., 1])
    union = area1 + area2 - inter
    return inter / (union + 1e-10)


def _safe_log(x):
    return jnp.clip(jnp.log(x), -100.0, None)


def _bce_prob(p, t):
    return -(t * _safe_log(p) + (1.0 - t) * _safe_log(1.0 - p))


def _focal(logits, t):
    p = jax.nn.sigmoid(logits)
    ce = jnp.maximum(logits, 0.0) - logits * t + jnp.log1p(jnp.exp(-jnp.abs(logits)))
    p_t = p * t + (1.0 - p) * (1.0 - t)
    loss = ce * (1.0 - p_t) ** GAMMA
    alpha_t = ALPHA * t + (1.0 - ALPHA) * (1.0 - t)
    return alpha_t * loss


def _diou_loss(pred, gt):
    iou = _box_iou(pred, gt)
    cxp = (pred[:, 0] + pred[:, 2]) / 2.0
    cyp = (pred[:, 1] + pred[:, 3]) / 2.0
    cxg = (gt[:, 0] + gt[:, 2]) / 2.0
    cyg = (gt[:, 1] + gt[:, 3]) / 2.0
    rho2 = (cxp - cxg) ** 2 + (cyp - cyg) ** 2
    ex1 = jnp.minimum(pred[:, 0], gt[:, 0])
    ey1 = jnp.minimum(pred[:, 1], gt[:, 1])
    ex2 = jnp.maximum(pred[:, 2], gt[:, 2])
    ey2 = jnp.maximum(pred[:, 3], gt[:, 3])
    c2 = (ex2 - ex1) ** 2 + (ey2 - ey1) ** 2
    return 1.0 - iou + rho2 / (c2 + 1e-10)


def reference(bbox_pred, conf_pred, anchors, gt_boxes):
    total_loc = jnp.float32(0.0)
    total_conf = jnp.float32(0.0)
    num_pos = jnp.int32(0)
    for i in range(B):
        gt = gt_boxes[i]
        ious = _box_iou(anchors[:, None, :], gt[None, :, :])
        best_gt_iou = ious.max(axis=1)
        best_gt_idx = ious.argmax(axis=1)
        best_anchor_idx = ious.argmax(axis=0)
        positive_mask = best_gt_iou > IOU_THRESHOLD
        positive_mask = positive_mask.at[best_anchor_idx].set(True)
        num_positive = positive_mask.sum().astype(jnp.int32)
        num_pos = num_pos + num_positive
        matched_gt = gt[best_gt_idx]
        loc_all = _diou_loss(bbox_pred[i], matched_gt)
        total_loc = total_loc + jnp.where(positive_mask, loc_all, 0.0).sum()
        conf_target = positive_mask.astype(jnp.float32)
        neg_conf_loss = _bce_prob(conf_pred[i], conf_target)
        neg_conf_loss = jnp.where(positive_mask, 0.0, neg_conf_loss)
        neg_order = jnp.argsort(-neg_conf_loss)
        num_neg = jnp.minimum(num_positive * NEG_POS_RATIO, N - num_positive)
        logits = jnp.log(conf_pred[i] / (1.0 - conf_pred[i] + 1e-10))
        pos_loss = jnp.where(positive_mask, _focal(logits, conf_target), 0.0).sum()
        sorted_logits = logits[neg_order]
        sorted_t = conf_target[neg_order]
        neg_mask = jnp.arange(N) < num_neg
        neg_loss = jnp.where(neg_mask, _focal(sorted_logits, sorted_t), 0.0).sum()
        conf_loss = pos_loss + neg_loss
        total_conf = total_conf + conf_loss
    denom = jnp.maximum(1, num_pos)
    total_loc = total_loc / denom
    total_conf = total_conf / denom
    total = 1.5 * total_loc + total_conf
    return (total, total_conf, total_loc)

if __name__ == "__main__":
    import jax
    _d = setup_inputs()
    print(jax.jit(kernel)(*tuple(_d.values())))

</pallas_src>

<mosaic_0001>
#map = affine_map<(d0, d1) -> (0, 0)>
module attributes {stable_mosaic.version = 14 : i64} {
  func.func @_sc_topk_sum(%arg0: i32, %arg1: i32, %arg2: memref<16x16384xi32, #tpu.memory_space<hbm>>, %arg3: memref<16x16xi32, #tpu.memory_space<hbm>>, %arg4: memref<16x16xf32, #tpu.memory_space<hbm>>, %arg5: memref<16384xi32, #tpu.memory_space<vmem>>, %arg6: memref<16xi32, #tpu.memory_space<vmem>>, %arg7: memref<16xf32, #tpu.memory_space<vmem>>) attributes {dimension_semantics = [#tpu.dimension_semantics<core_parallel>, #tpu.dimension_semantics<subcore_parallel>], iteration_bounds = array<i64: 2, 16>, scalar_prefetch = 0 : i64, scratch_operands = 3 : i64, tpu.core_type = #tpu.core_type<sc_vector_subcore>, window_params = [{transform_indices = #map}, {transform_indices = #map}, {transform_indices = #map}]} {
    %mul3A = arith.constant 2 : i32
    %mul3A_0 = arith.muli %arg1, %mul3A : i32
    %add3A = arith.addi %mul3A_0, %arg0 : i32
    %lt3A = arith.constant 16 : i32
    %lt3A_1 = arith.cmpi slt, %add3A, %lt3A : i32
    %convert_element_type3A = arith.extui %lt3A_1 : i1 to i32
    %cond3A = arith.constant 0 : i32
    %cond3A_2 = arith.cmpi ne, %convert_element_type3A, %cond3A : i32
    scf.if %cond3A_2 {
      "tpu.region"() ({
        %run_scoped3A = tpu.sem_alloc : memref<!tpu.dma_semaphore, #tpu.memory_space<semaphore_mem>>
        %dma_start3A = arith.constant 0 : i32
        %dma_start3A_46 = tpu.memref_slice %arg2[%add3A, %dma_start3A] : memref<16x16384xi32, #tpu.memory_space<hbm>> -> memref<1x16384xi32, #tpu.memory_space<hbm>>
        %dma_start3A_47 = tpu.memref_squeeze %dma_start3A_46 : memref<1x16384xi32, #tpu.memory_space<hbm>> -> memref<16384xi32, #tpu.memory_space<hbm>>
        %dma_start3A_48 = arith.constant 0 : i32
        %dma_start3A_49 = tpu.memref_slice %arg2[%add3A, %dma_start3A_48] : memref<16x16384xi32, #tpu.memory_space<hbm>> -> memref<1x16384xi32, #tpu.memory_space<hbm>>
        %dma_start3A_50 = tpu.memref_squeeze %dma_start3A_49 : memref<1x16384xi32, #tpu.memory_space<hbm>> -> memref<16384xi32, #tpu.memory_space<hbm>>
        tpu.enqueue_dma source(%dma_start3A_50 : memref<16384xi32, #tpu.memory_space<hbm>>) target(%arg5 : memref<16384xi32, #tpu.memory_space<vmem>>) target_semaphore(%run_scoped3A : memref<!tpu.dma_semaphore, #tpu.memory_space<semaphore_mem>>)
        %dma_wait3A = arith.constant 0 : i32
        %dma_wait3A_51 = tpu.memref_slice %arg2[%add3A, %dma_wait3A] : memref<16x16384xi32, #tpu.memory_space<hbm>> -> memref<1x16384xi32, #tpu.memory_space<hbm>>
        %dma_wait3A_52 = tpu.memref_squeeze %dma_wait3A_51 : memref<1x16384xi32, #tpu.memory_space<hbm>> -> memref<16384xi32, #tpu.memory_space<hbm>>
        %dma_wait3A_53 = arith.constant 0 : i32
        %dma_wait3A_54 = tpu.memref_slice %arg2[%add3A, %dma_wait3A_53] : memref<16x16384xi32, #tpu.memory_space<hbm>> -> memref<1x16384xi32, #tpu.memory_space<hbm>>
        %dma_wait3A_55 = tpu.memref_squeeze %dma_wait3A_54 : memref<1x16384xi32, #tpu.memory_space<hbm>> -> memref<16384xi32, #tpu.memory_space<hbm>>
        tpu.wait_dma2 semaphore(%run_scoped3A : memref<!tpu.dma_semaphore, #tpu.memory_space<semaphore_mem>>) src(%dma_wait3A_55 : memref<16384xi32, #tpu.memory_space<hbm>>) dst(%arg5 : memref<16384xi32, #tpu.memory_space<vmem>>)
        tpu.yield
      }) : () -> ()
      "tpu.region"() ({
        %run_scoped3A = tpu.sem_alloc : memref<!tpu.dma_semaphore, #tpu.memory_space<semaphore_mem>>
        %dma_start3A = arith.constant 0 : i32
        %dma_start3A_46 = tpu.memref_slice %arg3[%add3A, %dma_start3A] : memref<16x16xi32, #tpu.memory_space<hbm>> -> memref<1x16xi32, #tpu.memory_space<hbm>>
        %dma_start3A_47 = tpu.memref_squeeze %dma_start3A_46 : memref<1x16xi32, #tpu.memory_space<hbm>> -> memref<16xi32, #tpu.memory_space<hbm>>
        %dma_start3A_48 = arith.constant 0 : i32
        %dma_start3A_49 = tpu.memref_slice %arg3[%add3A, %dma_start3A_48] : memref<16x16xi32, #tpu.memory_space<hbm>> -> memref<1x16xi32, #tpu.memory_space<hbm>>
        %dma_start3A_50 = tpu.memref_squeeze %dma_start3A_49 : memref<1x16xi32, #tpu.memory_space<hbm>> -> memref<16xi32, #tpu.memory_space<hbm>>
        tpu.enqueue_dma source(%dma_start3A_50 : memref<16xi32, #tpu.memory_space<hbm>>) target(%arg6 : memref<16xi32, #tpu.memory_space<vmem>>) target_semaphore(%run_scoped3A : memref<!tpu.dma_semaphore, #tpu.memory_space<semaphore_mem>>)
        %dma_wait3A = arith.constant 0 : i32
        %dma_wait3A_51 = tpu.memref_slice %arg3[%add3A, %dma_wait3A] : memref<16x16xi32, #tpu.memory_space<hbm>> -> memref<1x16xi32, #tpu.memory_space<hbm>>
        %dma_wait3A_52 = tpu.memref_squeeze %dma_wait3A_51 : memref<1x16xi32, #tpu.memory_space<hbm>> -> memref<16xi32, #tpu.memory_space<hbm>>
        %dma_wait3A_53 = arith.constant 0 : i32
        %dma_wait3A_54 = tpu.memref_slice %arg3[%add3A, %dma_wait3A_53] : memref<16x16xi32, #tpu.memory_space<hbm>> -> memref<1x16xi32, #tpu.memory_space<hbm>>
        %dma_wait3A_55 = tpu.memref_squeeze %dma_wait3A_54 : memref<1x16xi32, #tpu.memory_space<hbm>> -> memref<16xi32, #tpu.memory_space<hbm>>
        tpu.wait_dma2 semaphore(%run_scoped3A : memref<!tpu.dma_semaphore, #tpu.memory_space<semaphore_mem>>) src(%dma_wait3A_55 : memref<16xi32, #tpu.memory_space<hbm>>) dst(%arg6 : memref<16xi32, #tpu.memory_space<vmem>>)
        tpu.yield
      }) : () -> ()
      %get3A = arith.constant 0 : index
      %get3A_3 = tpu.vector_load %arg6[%get3A] {strides = array<i32>} : memref<16xi32, #tpu.memory_space<vmem>>, vector<16xi32>,
      %reduce_max3A = arith.constant true
      %reduce_max3A_4 = vector.broadcast %reduce_max3A : i1 to vector<16xi1>
      %reduce_max3A_5 = arith.constant -2147483648 : i32
      %reduce_max3A_6 = vector.broadcast %reduce_max3A_5 : i32 to vector<16xi32>
      %reduce_max3A_7 = arith.xori %get3A_3, %reduce_max3A_6 : vector<16xi32>
      %reduce_max3A_8 = tpu.scan <max>, %reduce_max3A_7 masked %reduce_max3A_4 : vector<16xi32>, vector<16xi1> -> vector<16xi32>
      %reduce_max3A_9 = arith.xori %reduce_max3A_8, %reduce_max3A_6 : vector<16xi32>
      %reduce_max3A_10 = vector.extract %reduce_max3A_9[15] : i32 from vector<16xi32>
      %broadcast_in_dim3A = arith.constant 1 : i32
      %broadcast_in_dim3A_11 = vector.broadcast %broadcast_in_dim3A : i32 to vector<16xi32>
      %broadcast_in_dim3A_12 = arith.constant 0 : i32
      %broadcast_in_dim3A_13 = vector.broadcast %broadcast_in_dim3A_12 : i32 to vector<16xi32>
      %scan3A = arith.constant 0 : i32
      %scan3A_14 = arith.constant 2139095039 : i32
      %scan3A_15 = arith.constant 0 : i32
      %scan3A_16 = arith.constant 31 : i32
      %scan3A_17 = arith.addi %scan3A_15, %scan3A_16 : i32
      %scan3A_18 = arith.constant 1 : i32
      %scan3A_19:2 = scf.for %scan3A_46 = %scan3A_15 to %scan3A_17 step %scan3A_18 iter_args(%scan3A_47 = %scan3A, %scan3A_48 = %scan3A_14) -> (i32, i32)  : i32 {
        %sub3A_49 = arith.subi %scan3A_48, %scan3A_47 : i32
        %add3A_50 = arith.constant 1 : i32
        %add3A_51 = arith.addi %sub3A_49, %add3A_50 : i32
        %shift_right_arithmetic3A = arith.constant 1 : i32
        %shift_right_arithmetic3A_52 = arith.shrsi %add3A_51, %shift_right_arithmetic3A : i32
        %add3A_53 = arith.addi %scan3A_47, %shift_right_arithmetic3A_52 : i32
        %scan3A_54 = arith.constant 0 : i32
        %scan3A_55 = arith.constant 1024 : i32
        %scan3A_56 = arith.addi %scan3A_54, %scan3A_55 : i32
        %scan3A_57 = arith.constant 16 : i32
        %scan3A_58 = scf.for %scan3A_72 = %scan3A_54 to %scan3A_56 step %scan3A_57 iter_args(%scan3A_73 = %broadcast_in_dim3A_13) -> (vector<16xi32>)  : i32 {
          %mul3A_74 = arith.constant 16 : i32
          %mul3A_75 = arith.muli %scan3A_72, %mul3A_74 : i32
          %get3A_76 = arith.index_cast %mul3A_75 : i32 to index
          %get3A_77 = tpu.vector_load %arg5[%get3A_76] {strides = array<i32>} : memref<16384xi32, #tpu.memory_space<vmem>>, vector<16xi32>,
          %ge3A_78 = vector.broadcast %add3A_53 : i32 to vector<16xi32>
          %ge3A_79 = arith.cmpi sge, %get3A_77, %ge3A_78 : vector<16xi32>
          %all_reduce_population_count3A = tpu.all_reduce %ge3A_79 {dim = 0 : i64, kind = #tpu.reduction_kind<sum>} : vector<16xi1> -> vector<16xi32>
          %add3A_80 = arith.addi %scan3A_73, %all_reduce_population_count3A : vector<16xi32>
          %scan3A_81 = arith.constant 1 : i32
          %scan3A_82 = arith.addi %scan3A_72, %scan3A_81 : i32
          %mul3A_83 = arith.constant 16 : i32
          %mul3A_84 = arith.muli %scan3A_82, %mul3A_83 : i32
          %get3A_85 = arith.index_cast %mul3A_84 : i32 to index
          %get3A_86 = tpu.vector_load %arg5[%get3A_85] {strides = array<i32>} : memref<16384xi32, #tpu.memory_space<vmem>>, vector<16xi32>,
          %ge3A_87 = vector.broadcast %add3A_53 : i32 to vector<16xi32>
          %ge3A_88 = arith.cmpi sge, %get3A_86, %ge3A_87 : vector<16xi32>
          %all_reduce_population_count3A_89 = tpu.all_reduce %ge3A_88 {dim = 0 : i64, kind = #tpu.reduction_kind<sum>} : vector<16xi1> -> vector<16xi32>
          %add3A_90 = arith.addi %add3A_80, %all_reduce_population_count3A_89 : vector<16xi32>
          %scan3A_91 = arith.constant 2 : i32
          %scan3A_92 = arith.addi %scan3A_72, %scan3A_91 : i32
          %mul3A_93 = arith.constant 16 : i32
          %mul3A_94 = arith.muli %scan3A_92, %mul3A_93 : i32
          %get3A_95 = arith.index_cast %mul3A_94 : i32 to index
          %get3A_96 = tpu.vector_load %arg5[%get3A_95] {strides = array<i32>} : memref<16384xi32, #tpu.memory_space<vmem>>, vector<16xi32>,
          %ge3A_97 = vector.broadcast %add3A_53 : i32 to vector<16xi32>
          %ge3A_98 = arith.cmpi sge, %get3A_96, %ge3A_97 : vector<16xi32>
          %all_reduce_population_count3A_99 = tpu.all_reduce %ge3A_98 {dim = 0 : i64, kind = #tpu.reduction_kind<sum>} : vector<16xi1> -> vector<16xi32>
          %add3A_100 = arith.addi %add3A_90, %all_reduce_population_count3A_99 : vector<16xi32>
          %scan3A_101 = arith.constant 3 : i32
          %scan3A_102 = arith.addi %scan3A_72, %scan3A_101 : i32
          %mul3A_103 = arith.constant 16 : i32
          %mul3A_104 = arith.muli %scan3A_102, %mul3A_103 : i32
          %get3A_105 = arith.index_cast %mul3A_104 : i32 to index
          %get3A_106 = tpu.vector_load %arg5[%get3A_105] {strides = array<i32>} : memref<16384xi32, #tpu.memory_space<vmem>>, vector<16xi32>,
          %ge3A_107 = vector.broadcast %add3A_53 : i32 to vector<16xi32>
          %ge3A_108 = arith.cmpi sge, %get3A_106, %ge3A_107 : vector<16xi32>
          %all_reduce_population_count3A_109 = tpu.all_reduce %ge3A_108 {dim = 0 : i64, kind = #tpu.reduction_kind<sum>} : vector<16xi1> -> vector<16xi32>
          %add3A_110 = arith.addi %add3A_100, %all_reduce_population_count3A_109 : vector<16xi32>
          %scan3A_111 = arith.constant 4 : i32
          %scan3A_112 = arith.addi %scan3A_72, %scan3A_111 : i32
          %mul3A_113 = arith.constant 16 : i32
          %mul3A_114 = arith.muli %scan3A_112, %mul3A_113 : i32
          %get3A_115 = arith.index_cast %mul3A_114 : i32 to index
          %get3A_116 = tpu.vector_load %arg5[%get3A_115] {strides = array<i32>} : memref<16384xi32, #tpu.memory_space<vmem>>, vector<16xi32>,
          %ge3A_117 = vector.broadcast %add3A_53 : i32 to vector<16xi32>
          %ge3A_118 = arith.cmpi sge, %get3A_116, %ge3A_117 : vector<16xi32>
          %all_reduce_population_count3A_119 = tpu.all_reduce %ge3A_118 {dim = 0 : i64, kind = #tpu.reduction_kind<sum>} : vector<16xi1> -> vector<16xi32>
          %add3A_120 = arith.addi %add3A_110, %all_reduce_population_count3A_119 : vector<16xi32>
          %scan3A_121 = arith.constant 5 : i32
          %scan3A_122 = arith.addi %scan3A_72, %scan3A_121 : i32
          %mul3A_123 = arith.constant 16 : i32
          %mul3A_124 = arith.muli %scan3A_122, %mul3A_123 : i32
          %get3A_125 = arith.index_cast %mul3A_124 : i32 to index
          %get3A_126 = tpu.vector_load %arg5[%get3A_125] {strides = array<i32>} : memref<16384xi32, #tpu.memory_space<vmem>>, vector<16xi32>,
          %ge3A_127 = vector.broadcast %add3A_53 : i32 to vector<16xi32>
          %ge3A_128 = arith.cmpi sge, %get3A_126, %ge3A_127 : vector<16xi32>
          %all_reduce_population_count3A_129 = tpu.all_reduce %ge3A_128 {dim = 0 : i64, kind = #tpu.reduction_kind<sum>} : vector<16xi1> -> vector<16xi32>
          %add3A_130 = arith.addi %add3A_120, %all_reduce_population_count3A_129 : vector<16xi32>
          %scan3A_131 = arith.constant 6 : i32
          %scan3A_132 = arith.addi %scan3A_72, %scan3A_131 : i32
          %mul3A_133 = arith.constant 16 : i32
          %mul3A_134 = arith.muli %scan3A_132, %mul3A_133 : i32
          %get3A_135 = arith.index_cast %mul3A_134 : i32 to index
          %get3A_136 = tpu.vector_load %arg5[%get3A_135] {strides = array<i32>} : memref<16384xi32, #tpu.memory_space<vmem>>, vector<16xi32>,
          %ge3A_137 = vector.broadcast %add3A_53 : i32 to vector<16xi32>
          %ge3A_138 = arith.cmpi sge, %get3A_136, %ge3A_137 : vector<16xi32>
          %all_reduce_population_count3A_139 = tpu.all_reduce %ge3A_138 {dim = 0 : i64, kind = #tpu.reduction_kind<sum>} : vector<16xi1> -> vector<16xi32>
          %add3A_140 = arith.addi %add3A_130, %all_reduce_population_count3A_139 : vector<16xi32>
          %scan3A_141 = arith.constant 7 : i32
          %scan3A_142 = arith.addi %scan3A_72, %scan3A_141 : i32
          %mul3A_143 = arith.constant 16 : i32
          %mul3A_144 = arith.muli %scan3A_142, %mul3A_143 : i32
          %get3A_145 = arith.index_cast %mul3A_144 : i32 to index
          %get3A_146 = tpu.vector_load %arg5[%get3A_145] {strides = array<i32>} : memref<16384xi32, #tpu.memory_space<vmem>>, vector<16xi32>,
          %ge3A_147 = vector.broadcast %add3A_53 : i32 to vector<16xi32>
          %ge3A_148 = arith.cmpi sge, %get3A_146, %ge3A_147 : vector<16xi32>
          %all_reduce_population_count3A_149 = tpu.all_reduce %ge3A_148 {dim = 0 : i64, kind = #tpu.reduction_kind<sum>} : vector<16xi1> -> vector<16xi32>
          %add3A_150 = arith.addi %add3A_140, %all_reduce_population_count3A_149 : vector<16xi32>
          %scan3A_151 = arith.constant 8 : i32
          %scan3A_152 = arith.addi %scan3A_72, %scan3A_151 : i32
          %mul3A_153 = arith.constant 16 : i32
          %mul3A_154 = arith.muli %scan3A_152, %mul3A_153 : i32
          %get3A_155 = arith.index_cast %mul3A_154 : i32 to index
          %get3A_156 = tpu.vector_load %arg5[%get3A_155] {strides = array<i32>} : memref<16384xi32, #tpu.memory_space<vmem>>, vector<16xi32>,
          %ge3A_157 = vector.broadcast %add3A_53 : i32 to vector<16xi32>
          %ge3A_158 = arith.cmpi sge, %get3A_156, %ge3A_157 : vector<16xi32>
          %all_reduce_population_count3A_159 = tpu.all_reduce %ge3A_158 {dim = 0 : i64, kind = #tpu.reduction_kind<sum>} : vector<16xi1> -> vector<16xi32>
          %add3A_160 = arith.addi %add3A_150, %all_reduce_population_count3A_159 : vector<16xi32>
          %scan3A_161 = arith.constant 9 : i32
          %scan3A_162 = arith.addi %scan3A_72, %scan3A_161 : i32
          %mul3A_163 = arith.constant 16 : i32
          %mul3A_164 = arith.muli %scan3A_162, %mul3A_163 : i32
          %get3A_165 = arith.index_cast %mul3A_164 : i32 to index
          %get3A_166 = tpu.vector_load %arg5[%get3A_165] {strides = array<i32>} : memref<16384xi32, #tpu.memory_space<vmem>>, vector<16xi32>,
          %ge3A_167 = vector.broadcast %add3A_53 : i32 to vector<16xi32>
          %ge3A_168 = arith.cmpi sge, %get3A_166, %ge3A_167 : vector<16xi32>
          %all_reduce_population_count3A_169 = tpu.all_reduce %ge3A_168 {dim = 0 : i64, kind = #tpu.reduction_kind<sum>} : vector<16xi1> -> vector<16xi32>
          %add3A_170 = arith.addi %add3A_160, %all_reduce_population_count3A_169 : vector<16xi32>
          %scan3A_171 = arith.constant 10 : i32
          %scan3A_172 = arith.addi %scan3A_72, %scan3A_171 : i32
          %mul3A_173 = arith.constant 16 : i32
          %mul3A_174 = arith.muli %scan3A_172, %mul3A_173 : i32
          %get3A_175 = arith.index_cast %mul3A_174 : i32 to index
          %get3A_176 = tpu.vector_load %arg5[%get3A_175] {strides = array<i32>} : memref<16384xi32, #tpu.memory_space<vmem>>, vector<16xi32>,
          %ge3A_177 = vector.broadcast %add3A_53 : i32 to vector<16xi32>
          %ge3A_178 = arith.cmpi sge, %get3A_176, %ge3A_177 : vector<16xi32>
          %all_reduce_population_count3A_179 = tpu.all_reduce %ge3A_178 {dim = 0 : i64, kind = #tpu.reduction_kind<sum>} : vector<16xi1> -> vector<16xi32>
          %add3A_180 = arith.addi %add3A_170, %all_reduce_population_count3A_179 : vector<16xi32>
          %scan3A_181 = arith.constant 11 : i32
          %scan3A_182 = arith.addi %scan3A_72, %scan3A_181 : i32
          %mul3A_183 = arith.constant 16 : i32
          %mul3A_184 = arith.muli %scan3A_182, %mul3A_183 : i32
          %get3A_185 = arith.index_cast %mul3A_184 : i32 to index
          %get3A_186 = tpu.vector_load %arg5[%get3A_185] {strides = array<i32>} : memref<16384xi32, #tpu.memory_space<vmem>>, vector<16xi32>,
          %ge3A_187 = vector.broadcast %add3A_53 : i32 to vector<16xi32>
          %ge3A_188 = arith.cmpi sge, %get3A_186, %ge3A_187 : vector<16xi32>
          %all_reduce_population_count3A_189 = tpu.all_reduce %ge3A_188 {dim = 0 : i64, kind = #tpu.reduction_kind<sum>} : vector<16xi1> -> vector<16xi32>
          %add3A_190 = arith.addi %add3A_180, %all_reduce_population_count3A_189 : vector<16xi32>
          %scan3A_191 = arith.constant 12 : i32
          %scan3A_192 = arith.addi %scan3A_72, %scan3A_191 : i32
          %mul3A_193 = arith.constant 16 : i32
          %mul3A_194 = arith.muli %scan3A_192, %mul3A_193 : i32
          %get3A_195 = arith.index_cast %mul3A_194 : i32 to index
          %get3A_196 = tpu.vector_load %arg5[%get3A_195] {strides = array<i32>} : memref<16384xi32, #tpu.memory_space<vmem>>, vector<16xi32>,
          %ge3A_197 = vector.broadcast %add3A_53 : i32 to vector<16xi32>
          %ge3A_198 = arith.cmpi sge, %get3A_196, %ge3A_197 : vector<16xi32>
          %all_reduce_population_count3A_199 = tpu.all_reduce %ge3A_198 {dim = 0 : i64, kind = #tpu.reduction_kind<sum>} : vector<16xi1> -> vector<16xi32>
          %add3A_200 = arith.addi %add3A_190, %all_reduce_population_count3A_199 : vector<16xi32>
          %scan3A_201 = arith.constant 13 : i32
          %scan3A_202 = arith.addi %scan3A_72, %scan3A_201 : i32
          %mul3A_203 = arith.constant 16 : i32
          %mul3A_204 = arith.muli %scan3A_202, %mul3A_203 : i32
          %get3A_205 = arith.index_cast %mul3A_204 : i32 to index
          %get3A_206 = tpu.vector_load %arg5[%get3A_205] {strides = array<i32>} : memref<16384xi32, #tpu.memory_space<vmem>>, vector<16xi32>,
          %ge3A_207 = vector.broadcast %add3A_53 : i32 to vector<16xi32>
          %ge3A_208 = arith.cmpi sge, %get3A_206, %ge3A_207 : vector<16xi32>
          %all_reduce_population_count3A_209 = tpu.all_reduce %ge3A_208 {dim = 0 : i64, kind = #tpu.reduction_kind<sum>} : vector<16xi1> -> vector<16xi32>
          %add3A_210 = arith.addi %add3A_200, %all_reduce_population_count3A_209 : vector<16xi32>
          %scan3A_211 = arith.constant 14 : i32
          %scan3A_212 = arith.addi %scan3A_72, %scan3A_211 : i32
          %mul3A_213 = arith.constant 16 : i32
          %mul3A_214 = arith.muli %scan3A_212, %mul3A_213 : i32
          %get3A_215 = arith.index_cast %mul3A_214 : i32 to index
          %get3A_216 = tpu.vector_load %arg5[%get3A_215] {strides = array<i32>} : memref<16384xi32, #tpu.memory_space<vmem>>, vector<16xi32>,
          %ge3A_217 = vector.broadcast %add3A_53 : i32 to vector<16xi32>
          %ge3A_218 = arith.cmpi sge, %get3A_216, %ge3A_217 : vector<16xi32>
          %all_reduce_population_count3A_219 = tpu.all_reduce %ge3A_218 {dim = 0 : i64, kind = #tpu.reduction_kind<sum>} : vector<16xi1> -> vector<16xi32>
          %add3A_220 = arith.addi %add3A_210, %all_reduce_population_count3A_219 : vector<16xi32>
          %scan3A_221 = arith.constant 15 : i32
          %scan3A_222 = arith.addi %scan3A_72, %scan3A_221 : i32
          %mul3A_223 = arith.constant 16 : i32
          %mul3A_224 = arith.muli %scan3A_222, %mul3A_223 : i32
          %get3A_225 = arith.index_cast %mul3A_224 : i32 to index
          %get3A_226 = tpu.vector_load %arg5[%get3A_225] {strides = array<i32>} : memref<16384xi32, #tpu.memory_space<vmem>>, vector<16xi32>,
          %ge3A_227 = vector.broadcast %add3A_53 : i32 to vector<16xi32>
          %ge3A_228 = arith.cmpi sge, %get3A_226, %ge3A_227 : vector<16xi32>
          %all_reduce_population_count3A_229 = tpu.all_reduce %ge3A_228 {dim = 0 : i64, kind = #tpu.reduction_kind<sum>} : vector<16xi1> -> vector<16xi32>
          %add3A_230 = arith.addi %add3A_220, %all_reduce_population_count3A_229 : vector<16xi32>
          scf.yield %add3A_230 : vector<16xi32>
        }
        %scan3A_59 = arith.constant 1024 : i32
        %reduce_max3A_60 = arith.constant true
        %reduce_max3A_61 = vector.broadcast %reduce_max3A_60 : i1 to vector<16xi1>
        %reduce_max3A_62 = arith.constant -2147483648 : i32
        %reduce_max3A_63 = vector.broadcast %reduce_max3A_62 : i32 to vector<16xi32>
        %reduce_max3A_64 = arith.xori %scan3A_58, %reduce_max3A_63 : vector<16xi32>
        %reduce_max3A_65 = tpu.scan <max>, %reduce_max3A_64 masked %reduce_max3A_61 : vector<16xi32>, vector<16xi1> -> vector<16xi32>
        %reduce_max3A_66 = arith.xori %reduce_max3A_65, %reduce_max3A_63 : vector<16xi32>
        %reduce_max3A_67 = vector.extract %reduce_max3A_66[15] : i32 from vector<16xi32>
        %ge3A = arith.cmpi sge, %reduce_max3A_67, %reduce_max3A_10 : i32
        %select_n3A_68 = arith.select %ge3A, %add3A_53, %scan3A_47 : i32
        %sub3A_69 = arith.constant 1 : i32
        %sub3A_70 = arith.subi %add3A_53, %sub3A_69 : i32
        %select_n3A_71 = arith.select %ge3A, %scan3A_48, %sub3A_70 : i32
        scf.yield %select_n3A_68, %select_n3A_71 : i32, i32
      }
      %scan3A_20 = arith.constant 31 : i32
      %broadcast_in_dim3A_21 = arith.constant 0.000000e+00 : f32
      %broadcast_in_dim3A_22 = vector.broadcast %broadcast_in_dim3A_21 : f32 to vector<16xf32>
      %scan3A_23 = arith.constant 0 : i32
      %scan3A_24 = arith.constant 1024 : i32
      %scan3A_25 = arith.addi %scan3A_23, %scan3A_24 : i32
      %scan3A_26 = arith.constant 8 : i32
      %scan3A_27:2 = scf.for %scan3A_46 = %scan3A_23 to %scan3A_25 step %scan3A_26 iter_args(%scan3A_47 = %broadcast_in_dim3A_22, %scan3A_48 = %broadcast_in_dim3A_13) -> (vector<16xf32>, vector<16xi32>)  : i32 {
        %mul3A_49 = arith.constant 16 : i32
        %mul3A_50 = arith.muli %scan3A_46, %mul3A_49 : i32
        %get3A_51 = arith.index_cast %mul3A_50 : i32 to index
        %get3A_52 = tpu.vector_load %arg5[%get3A_51] {strides = array<i32>} : memref<16384xi32, #tpu.memory_space<vmem>>, vector<16xi32>,
        %gt3A_53 = vector.broadcast %scan3A_19#0 : i32 to vector<16xi32>
        %gt3A_54 = arith.cmpi sgt, %get3A_52, %gt3A_53 : vector<16xi32>
        %bitcast3A = vector.bitcast %get3A_52 : vector<16xi32> to vector<16xf32>
        %jit3A_55 = arith.constant 0.000000e+00 : f32
        %broadcast_in_dim3A_56 = vector.broadcast %jit3A_55 : f32 to vector<16xf32>
        %select_n3A_57 = arith.select %gt3A_54, %bitcast3A, %broadcast_in_dim3A_56 : vector<16xi1>, vector<16xf32>
        %add3A_58 = arith.addf %scan3A_47, %select_n3A_57 : vector<16xf32>
        %all_reduce_population_count3A = tpu.all_reduce %gt3A_54 {dim = 0 : i64, kind = #tpu.reduction_kind<sum>} : vector<16xi1> -> vector<16xi32>
        %add3A_59 = arith.addi %scan3A_48, %all_reduce_population_count3A : vector<16xi32>
        %scan3A_60 = arith.constant 1 : i32
        %scan3A_61 = arith.addi %scan3A_46, %scan3A_60 : i32
        %mul3A_62 = arith.constant 16 : i32
        %mul3A_63 = arith.muli %scan3A_61, %mul3A_62 : i32
        %get3A_64 = arith.index_cast %mul3A_63 : i32 to index
        %get3A_65 = tpu.vector_load %arg5[%get3A_64] {strides = array<i32>} : memref<16384xi32, #tpu.memory_space<vmem>>, vector<16xi32>,
        %gt3A_66 = vector.broadcast %scan3A_19#0 : i32 to vector<16xi32>
        %gt3A_67 = arith.cmpi sgt, %get3A_65, %gt3A_66 : vector<16xi32>
        %bitcast3A_68 = vector.bitcast %get3A_65 : vector<16xi32> to vector<16xf32>
        %jit3A_69 = arith.constant 0.000000e+00 : f32
        %broadcast_in_dim3A_70 = vector.broadcast %jit3A_69 : f32 to vector<16xf32>
        %select_n3A_71 = arith.select %gt3A_67, %bitcast3A_68, %broadcast_in_dim3A_70 : vector<16xi1>, vector<16xf32>
        %add3A_72 = arith.addf %add3A_58, %select_n3A_71 : vector<16xf32>
        %all_reduce_population_count3A_73 = tpu.all_reduce %gt3A_67 {dim = 0 : i64, kind = #tpu.reduction_kind<sum>} : vector<16xi1> -> vector<16xi32>
        %add3A_74 = arith.addi %add3A_59, %all_reduce_population_count3A_73 : vector<16xi32>
        %scan3A_75 = arith.constant 2 : i32
        %scan3A_76 = arith.addi %scan3A_46, %scan3A_75 : i32
        %mul3A_77 = arith.constant 16 : i32
        %mul3A_78 = arith.muli %scan3A_76, %mul3A_77 : i32
        %get3A_79 = arith.index_cast %mul3A_78 : i32 to index
        %get3A_80 = tpu.vector_load %arg5[%get3A_79] {strides = array<i32>} : memref<16384xi32, #tpu.memory_space<vmem>>, vector<16xi32>,
        %gt3A_81 = vector.broadcast %scan3A_19#0 : i32 to vector<16xi32>
        %gt3A_82 = arith.cmpi sgt, %get3A_80, %gt3A_81 : vector<16xi32>
        %bitcast3A_83 = vector.bitcast %get3A_80 : vector<16xi32> to vector<16xf32>
        %jit3A_84 = arith.constant 0.000000e+00 : f32
        %broadcast_in_dim3A_85 = vector.broadcast %jit3A_84 : f32 to vector<16xf32>
        %select_n3A_86 = arith.select %gt3A_82, %bitcast3A_83, %broadcast_in_dim3A_85 : vector<16xi1>, vector<16xf32>
        %add3A_87 = arith.addf %add3A_72, %select_n3A_86 : vector<16xf32>
        %all_reduce_population_count3A_88 = tpu.all_reduce %gt3A_82 {dim = 0 : i64, kind = #tpu.reduction_kind<sum>} : vector<16xi1> -> vector<16xi32>
        %add3A_89 = arith.addi %add3A_74, %all_reduce_population_count3A_88 : vector<16xi32>
        %scan3A_90 = arith.constant 3 : i32
        %scan3A_91 = arith.addi %scan3A_46, %scan3A_90 : i32
        %mul3A_92 = arith.constant 16 : i32
        %mul3A_93 = arith.muli %scan3A_91, %mul3A_92 : i32
        %get3A_94 = arith.index_cast %mul3A_93 : i32 to index
        %get3A_95 = tpu.vector_load %arg5[%get3A_94] {strides = array<i32>} : memref<16384xi32, #tpu.memory_space<vmem>>, vector<16xi32>,
        %gt3A_96 = vector.broadcast %scan3A_19#0 : i32 to vector<16xi32>
        %gt3A_97 = arith.cmpi sgt, %get3A_95, %gt3A_96 : vector<16xi32>
        %bitcast3A_98 = vector.bitcast %get3A_95 : vector<16xi32> to vector<16xf32>
        %jit3A_99 = arith.constant 0.000000e+00 : f32
        %broadcast_in_dim3A_100 = vector.broadcast %jit3A_99 : f32 to vector<16xf32>
        %select_n3A_101 = arith.select %gt3A_97, %bitcast3A_98, %broadcast_in_dim3A_100 : vector<16xi1>, vector<16xf32>
        %add3A_102 = arith.addf %add3A_87, %select_n3A_101 : vector<16xf32>
        %all_reduce_population_count3A_103 = tpu.all_reduce %gt3A_97 {dim = 0 : i64, kind = #tpu.reduction_kind<sum>} : vector<16xi1> -> vector<16xi32>
        %add3A_104 = arith.addi %add3A_89, %all_reduce_population_count3A_103 : vector<16xi32>
        %scan3A_105 = arith.constant 4 : i32
        %scan3A_106 = arith.addi %scan3A_46, %scan3A_105 : i32
        %mul3A_107 = arith.constant 16 : i32
        %mul3A_108 = arith.muli %scan3A_106, %mul3A_107 : i32
        %get3A_109 = arith.index_cast %mul3A_108 : i32 to index
        %get3A_110 = tpu.vector_load %arg5[%get3A_109] {strides = array<i32>} : memref<16384xi32, #tpu.memory_space<vmem>>, vector<16xi32>,
        %gt3A_111 = vector.broadcast %scan3A_19#0 : i32 to vector<16xi32>
        %gt3A_112 = arith.cmpi sgt, %get3A_110, %gt3A_111 : vector<16xi32>
        %bitcast3A_113 = vector.bitcast %get3A_110 : vector<16xi32> to vector<16xf32>
        %jit3A_114 = arith.constant 0.000000e+00 : f32
        %broadcast_in_dim3A_115 = vector.broadcast %jit3A_114 : f32 to vector<16xf32>
        %select_n3A_116 = arith.select %gt3A_112, %bitcast3A_113, %broadcast_in_dim3A_115 : vector<16xi1>, vector<16xf32>
        %add3A_117 = arith.addf %add3A_102, %select_n3A_116 : vector<16xf32>
        %all_reduce_population_count3A_118 = tpu.all_reduce %gt3A_112 {dim = 0 : i64, kind = #tpu.reduction_kind<sum>} : vector<16xi1> -> vector<16xi32>
        %add3A_119 = arith.addi %add3A_104, %all_reduce_population_count3A_118 : vector<16xi32>
        %scan3A_120 = arith.constant 5 : i32
        %scan3A_121 = arith.addi %scan3A_46, %scan3A_120 : i32
        %mul3A_122 = arith.constant 16 : i32
        %mul3A_123 = arith.muli %scan3A_121, %mul3A_122 : i32
        %get3A_124 = arith.index_cast %mul3A_123 : i32 to index
        %get3A_125 = tpu.vector_load %arg5[%get3A_124] {strides = array<i32>} : memref<16384xi32, #tpu.memory_space<vmem>>, vector<16xi32>,
        %gt3A_126 = vector.broadcast %scan3A_19#0 : i32 to vector<16xi32>
        %gt3A_127 = arith.cmpi sgt, %get3A_125, %gt3A_126 : vector<16xi32>
        %bitcast3A_128 = vector.bitcast %get3A_125 : vector<16xi32> to vector<16xf32>
        %jit3A_129 = arith.constant 0.000000e+00 : f32
        %broadcast_in_dim3A_130 = vector.broadcast %jit3A_129 : f32 to vector<16xf32>
        %select_n3A_131 = arith.select %gt3A_127, %bitcast3A_128, %broadcast_in_dim3A_130 : vector<16xi1>, vector<16xf32>
        %add3A_132 = arith.addf %add3A_117, %select_n3A_131 : vector<16xf32>
        %all_reduce_population_count3A_133 = tpu.all_reduce %gt3A_127 {dim = 0 : i64, kind = #tpu.reduction_kind<sum>} : vector<16xi1> -> vector<16xi32>
        %add3A_134 = arith.addi %add3A_119, %all_reduce_population_count3A_133 : vector<16xi32>
        %scan3A_135 = arith.constant 6 : i32
        %scan3A_136 = arith.addi %scan3A_46, %scan3A_135 : i32
        %mul3A_137 = arith.constant 16 : i32
        %mul3A_138 = arith.muli %scan3A_136, %mul3A_137 : i32
        %get3A_139 = arith.index_cast %mul3A_138 : i32 to index
        %get3A_140 = tpu.vector_load %arg5[%get3A_139] {strides = array<i32>} : memref<16384xi32, #tpu.memory_space<vmem>>, vector<16xi32>,
        %gt3A_141 = vector.broadcast %scan3A_19#0 : i32 to vector<16xi32>
        %gt3A_142 = arith.cmpi sgt, %get3A_140, %gt3A_141 : vector<16xi32>
        %bitcast3A_143 = vector.bitcast %get3A_140 : vector<16xi32> to vector<16xf32>
        %jit3A_144 = arith.constant 0.000000e+00 : f32
        %broadcast_in_dim3A_145 = vector.broadcast %jit3A_144 : f32 to vector<16xf32>
        %select_n3A_146 = arith.select %gt3A_142, %bitcast3A_143, %broadcast_in_dim3A_145 : vector<16xi1>, vector<16xf32>
        %add3A_147 = arith.addf %add3A_132, %select_n3A_146 : vector<16xf32>
        %all_reduce_population_count3A_148 = tpu.all_reduce %gt3A_142 {dim = 0 : i64, kind = #tpu.reduction_kind<sum>} : vector<16xi1> -> vector<16xi32>
        %add3A_149 = arith.addi %add3A_134, %all_reduce_population_count3A_148 : vector<16xi32>
        %scan3A_150 = arith.constant 7 : i32
        %scan3A_151 = arith.addi %scan3A_46, %scan3A_150 : i32
        %mul3A_152 = arith.constant 16 : i32
        %mul3A_153 = arith.muli %scan3A_151, %mul3A_152 : i32
        %get3A_154 = arith.index_cast %mul3A_153 : i32 to index
        %get3A_155 = tpu.vector_load %arg5[%get3A_154] {strides = array<i32>} : memref<16384xi32, #tpu.memory_space<vmem>>, vector<16xi32>,
        %gt3A_156 = vector.broadcast %scan3A_19#0 : i32 to vector<16xi32>
        %gt3A_157 = arith.cmpi sgt, %get3A_155, %gt3A_156 : vector<16xi32>
        %bitcast3A_158 = vector.bitcast %get3A_155 : vector<16xi32> to vector<16xf32>
        %jit3A_159 = arith.constant 0.000000e+00 : f32
        %broadcast_in_dim3A_160 = vector.broadcast %jit3A_159 : f32 to vector<16xf32>
        %select_n3A_161 = arith.select %gt3A_157, %bitcast3A_158, %broadcast_in_dim3A_160 : vector<16xi1>, vector<16xf32>
        %add3A_162 = arith.addf %add3A_147, %select_n3A_161 : vector<16xf32>
        %all_reduce_population_count3A_163 = tpu.all_reduce %gt3A_157 {dim = 0 : i64, kind = #tpu.reduction_kind<sum>} : vector<16xi1> -> vector<16xi32>
        %add3A_164 = arith.addi %add3A_149, %all_reduce_population_count3A_163 : vector<16xi32>
        scf.yield %add3A_162, %add3A_164 : vector<16xf32>, vector<16xi32>
      }
      %scan3A_28 = arith.constant 1024 : i32
      %reduce_sum3A = arith.constant true
      %reduce_sum3A_29 = vector.broadcast %reduce_sum3A : i1 to vector<16xi1>
      %reduce_sum3A_30 = tpu.scan <sum>, %scan3A_27#0 masked %reduce_sum3A_29 : vector<16xf32>, vector<16xi1> -> vector<16xf32>
      %reduce_sum3A_31 = vector.extract %reduce_sum3A_30[15] : f32 from vector<16xf32>
      %reduce_max3A_32 = arith.constant true
      %reduce_max3A_33 = vector.broadcast %reduce_max3A_32 : i1 to vector<16xi1>
      %reduce_max3A_34 = arith.constant -2147483648 : i32
      %reduce_max3A_35 = vector.broadcast %reduce_max3A_34 : i32 to vector<16xi32>
      %reduce_max3A_36 = arith.xori %scan3A_27#1, %reduce_max3A_35 : vector<16xi32>
      %reduce_max3A_37 = tpu.scan <max>, %reduce_max3A_36 masked %reduce_max3A_33 : vector<16xi32>, vector<16xi1> -> vector<16xi32>
      %reduce_max3A_38 = arith.xori %reduce_max3A_37, %reduce_max3A_35 : vector<16xi32>
      %reduce_max3A_39 = vector.extract %reduce_max3A_38[15] : i32 from vector<16xi32>
      %bitcast_convert_type3A = arith.bitcast %scan3A_19#0 : i32 to f32
      %sub3A = arith.subi %reduce_max3A_10, %reduce_max3A_39 : i32
      %convert_element_type3A_40 = arith.sitofp %sub3A : i32 to f32
      %mul3A_41 = arith.mulf %convert_element_type3A_40, %bitcast_convert_type3A : f32
      %add3A_42 = arith.addf %reduce_sum3A_31, %mul3A_41 : f32
      %gt3A = arith.constant 0 : i32
      %gt3A_43 = arith.cmpi sgt, %reduce_max3A_10, %gt3A : i32
      %jit3A = arith.constant 0.000000e+00 : f32
      %select_n3A = arith.select %gt3A_43, %add3A_42, %jit3A : f32
      %broadcast_in_dim3A_44 = vector.broadcast %select_n3A : f32 to vector<16xf32>
      %swap3A = arith.constant 0 : index
      %swap3A_45 = tpu.vector_load %arg7[%swap3A] {strides = array<i32>} : memref<16xf32, #tpu.memory_space<vmem>>, vector<16xf32>,
      tpu.vector_store %arg7[%swap3A], %broadcast_in_dim3A_44 {strides = array<i32>} : memref<16xf32, #tpu.memory_space<vmem>>, vector<16xf32>,
      "tpu.region"() ({
        %run_scoped3A = tpu.sem_alloc : memref<!tpu.dma_semaphore, #tpu.memory_space<semaphore_mem>>
        %dma_start3A = arith.constant 0 : i32
        %dma_start3A_46 = tpu.memref_slice %arg4[%add3A, %dma_start3A] : memref<16x16xf32, #tpu.memory_space<hbm>> -> memref<1x16xf32, #tpu.memory_space<hbm>>
        %dma_start3A_47 = tpu.memref_squeeze %dma_start3A_46 : memref<1x16xf32, #tpu.memory_space<hbm>> -> memref<16xf32, #tpu.memory_space<hbm>>
        %dma_start3A_48 = arith.constant 0 : i32
        %dma_start3A_49 = tpu.memref_slice %arg4[%add3A, %dma_start3A_48] : memref<16x16xf32, #tpu.memory_space<hbm>> -> memref<1x16xf32, #tpu.memory_space<hbm>>
        %dma_start3A_50 = tpu.memref_squeeze %dma_start3A_49 : memref<1x16xf32, #tpu.memory_space<hbm>> -> memref<16xf32, #tpu.memory_space<hbm>>
        tpu.enqueue_dma source(%arg7 : memref<16xf32, #tpu.memory_space<vmem>>) target(%dma_start3A_50 : memref<16xf32, #tpu.memory_space<hbm>>) target_semaphore(%run_scoped3A : memref<!tpu.dma_semaphore, #tpu.memory_space<semaphore_mem>>)
        %dma_wait3A = arith.constant 0 : i32
        %dma_wait3A_51 = tpu.memref_slice %arg4[%add3A, %dma_wait3A] : memref<16x16xf32, #tpu.memory_space<hbm>> -> memref<1x16xf32, #tpu.memory_space<hbm>>
        %dma_wait3A_52 = tpu.memref_squeeze %dma_wait3A_51 : memref<1x16xf32, #tpu.memory_space<hbm>> -> memref<16xf32, #tpu.memory_space<hbm>>
        %dma_wait3A_53 = arith.constant 0 : i32
        %dma_wait3A_54 = tpu.memref_slice %arg4[%add3A, %dma_wait3A_53] : memref<16x16xf32, #tpu.memory_space<hbm>> -> memref<1x16xf32, #tpu.memory_space<hbm>>
        %dma_wait3A_55 = tpu.memref_squeeze %dma_wait3A_54 : memref<1x16xf32, #tpu.memory_space<hbm>> -> memref<16xf32, #tpu.memory_space<hbm>>
        tpu.wait_dma2 semaphore(%run_scoped3A : memref<!tpu.dma_semaphore, #tpu.memory_space<semaphore_mem>>) src(%arg7 : memref<16xf32, #tpu.memory_space<vmem>>) dst(%dma_wait3A_55 : memref<16xf32, #tpu.memory_space<hbm>>)
        tpu.yield
      }) : () -> ()
    } else {
    }
    return
  }
}

module attributes {stable_mosaic.version = 14 : i64} {
  func.func @_dense_body(%arg0: i32, %arg1: memref<16x20x4xf32, #tpu.memory_space<smem>>, %arg2: memref<4x128x128xf32, #tpu.memory_space<vmem>>, %arg3: memref<4x2x128x128xf32, #tpu.memory_space<vmem>>, %arg4: memref<2x128x128xf32, #tpu.memory_space<vmem>>, %arg5: memref<1x128xf32, #tpu.memory_space<vmem>>, %arg6: memref<1x128xf32, #tpu.memory_space<vmem>>, %arg7: memref<1x128xf32, #tpu.memory_space<vmem>>, %arg8: memref<2x1x128xi32, #tpu.memory_space<vmem>>, %arg9: memref<2x128x128xi32, #tpu.memory_space<vmem>>, %arg10: memref<20x128x128xf32, #tpu.memory_space<vmem>>) attributes {dimension_semantics = [#tpu.dimension_semantics<arbitrary>], iteration_bounds = array<i64: 8>, scalar_prefetch = 0 : i64, scratch_operands = 1 : i64, tpu.core_type = #tpu.core_type<tc>, window_params = [{transform_indices = @transform_0, window_bounds = array<i64: 16, 20, 4>}, {pipeline_mode = #tpu.pipeline_mode<synchronous>, transform_indices = @transform_1, window_bounds = array<i64: 4, 128, 128>}, {transform_indices = @transform_2, window_bounds = array<i64: 4, 2, 128, 128>}, {transform_indices = @transform_3, window_bounds = array<i64: 2, 128, 128>}, {pipeline_mode = #tpu.pipeline_mode<synchronous>, transform_indices = @transform_4, window_bounds = array<i64: 1, 128>}, {pipeline_mode = #tpu.pipeline_mode<synchronous>, transform_indices = @transform_5, window_bounds = array<i64: 1, 128>}, {pipeline_mode = #tpu.pipeline_mode<synchronous>, transform_indices = @transform_6, window_bounds = array<i64: 1, 128>}, {transform_indices = @transform_7, window_bounds = array<i64: 2, 1, 128>}, {transform_indices = @transform_8, window_bounds = array<i64: 2, 128, 128>}]} {
    %eq3A = arith.constant 0 : i32
    %eq3A_0 = arith.cmpi eq, %arg0, %eq3A : i32
    %convert_element_type3A = arith.extui %eq3A_0 : i1 to i32
    %cond3A = arith.constant 0 : i32
    %cond3A_1 = arith.cmpi ne, %convert_element_type3A, %cond3A : i32
    scf.if %cond3A_1 {
      %broadcast_in_dim3A_3885 = arith.constant 0.000000e+00 : f32
      %broadcast_in_dim3A_3886 = vector.broadcast %broadcast_in_dim3A_3885 : f32 to vector<1x128xf32>
      %swap3A_3887 = arith.constant 0 : index
      %swap3A_3888 = arith.constant 0 : index
      %swap3A_3889 = vector.load %arg5[%swap3A_3887, %swap3A_3888] : memref<1x128xf32, #tpu.memory_space<vmem>>, vector<1x128xf32>
      tpu.vector_store %arg5[%swap3A_3887, %swap3A_3888], %broadcast_in_dim3A_3886 {strides = array<i32>} : memref<1x128xf32, #tpu.memory_space<vmem>>, vector<1x128xf32>,
      %broadcast_in_dim3A_3890 = arith.constant 0.000000e+00 : f32
      %broadcast_in_dim3A_3891 = vector.broadcast %broadcast_in_dim3A_3890 : f32 to vector<1x128xf32>
      %swap3A_3892 = arith.constant 0 : index
      %swap3A_3893 = arith.constant 0 : index
      %swap3A_3894 = vector.load %arg6[%swap3A_3892, %swap3A_3893] : memref<1x128xf32, #tpu.memory_space<vmem>>, vector<1x128xf32>
      tpu.vector_store %arg6[%swap3A_3892, %swap3A_3893], %broadcast_in_dim3A_3891 {strides = array<i32>} : memref<1x128xf32, #tpu.memory_space<vmem>>, vector<1x128xf32>,
      %broadcast_in_dim3A_3895 = arith.constant 0.000000e+00 : f32
      %broadcast_in_dim3A_3896 = vector.broadcast %broadcast_in_dim3A_3895 : f32 to vector<1x128xf32>
      %swap3A_3897 = arith.constant 0 : index
      %swap3A_3898 = arith.constant 0 : index
      %swap3A_3899 = vector.load %arg7[%swap3A_3897, %swap3A_3898] : memref<1x128xf32, #tpu.memory_space<vmem>>, vector<1x128xf32>
      tpu.vector_store %arg7[%swap3A_3897, %swap3A_3898], %broadcast_in_dim3A_3896 {strides = array<i32>} : memref<1x128xf32, #tpu.memory_space<vmem>>, vector<1x128xf32>,
    } else {
    }
    %get3A = arith.constant 0 : index
    %get3A_2 = arith.constant 0 : index
    %get3A_3 = arith.constant 0 : index
    %get3A_4 = vector.load %arg2[%get3A, %get3A_2, %get3A_3] : memref<4x128x128xf32, #tpu.memory_space<vmem>>, vector<1x128x128xf32>
    %get3A_5 = vector.shape_cast %get3A_4 : vector<1x128x128xf32> to vector<128x128xf32>
    %get3A_6 = arith.constant 1 : index
    %get3A_7 = arith.constant 0 : index
    %get3A_8 = arith.constant 0 : index
    %get3A_9 = vector.load %arg2[%get3A_6, %get3A_7, %get3A_8] : memref<4x128x128xf32, #tpu.memory_space<vmem>>, vector<1x128x128xf32>
    %get3A_10 = vector.shape_cast %get3A_9 : vector<1x128x128xf32> to vector<128x128xf32>
    %get3A_11 = arith.constant 2 : index
    %get3A_12 = arith.constant 0 : index
    %get3A_13 = arith.constant 0 : index
    %get3A_14 = vector.load %arg2[%get3A_11, %get3A_12, %get3A_13] : memref<4x128x128xf32, #tpu.memory_space<vmem>>, vector<1x128x128xf32>
    %get3A_15 = vector.shape_cast %get3A_14 : vector<1x128x128xf32> to vector<128x128xf32>
    %get3A_16 = arith.constant 3 : index
    %get3A_17 = arith.constant 0 : index
    %get3A_18 = arith.constant 0 : index
    %get3A_19 = vector.load %arg2[%get3A_16, %get3A_17, %get3A_18] : memref<4x128x128xf32, #tpu.memory_space<vmem>>, vector<1x128x128xf32>
    %get3A_20 = vector.shape_cast %get3A_19 : vector<1x128x128xf32> to vector<128x128xf32>
    %sub3A = arith.subf %get3A_15, %get3A_5 : vector<128x128xf32>
    %sub3A_21 = arith.subf %get3A_20, %get3A_10 : vector<128x128xf32>
    %mul3A = arith.mulf %sub3A, %sub3A_21 : vector<128x128xf32>
    %iota3A = tpu.iota {dimensions = array<i32: 0>} : vector<128x128xi32>
    %iota3A_22 = tpu.iota {dimensions = array<i32: 1>} : vector<128x128xi32>
    %mul3A_23 = arith.constant 128 : i32
    %mul3A_24 = vector.broadcast %mul3A_23 : i32 to vector<128x128xi32>
    %mul3A_25 = arith.muli %iota3A, %mul3A_24 : vector<128x128xi32>
    %add3A = arith.addi %mul3A_25, %iota3A_22 : vector<128x128xi32>
    %mul3A_26 = arith.constant 2 : i32
    %mul3A_27 = arith.muli %arg0, %mul3A_26 : i32
    %add3A_28 = arith.constant 0 : i32
    %add3A_29 = arith.addi %mul3A_27, %add3A_28 : i32
    %broadcast_in_dim3A = arith.constant -1.000000e+00 : f32
    %broadcast_in_dim3A_30 = vector.broadcast %broadcast_in_dim3A : f32 to vector<128x128xf32>
    %broadcast_in_dim3A_31 = arith.constant 0.000000e+00 : f32
    %broadcast_in_dim3A_32 = vector.broadcast %broadcast_in_dim3A_31 : f32 to vector<128x128xf32>
    %broadcast_in_dim3A_33 = arith.constant 0.000000e+00 : f32
    %broadcast_in_dim3A_34 = vector.broadcast %broadcast_in_dim3A_33 : f32 to vector<128x128xf32>
    %broadcast_in_dim3A_35 = arith.constant 0.000000e+00 : f32
    %broadcast_in_dim3A_36 = vector.broadcast %broadcast_in_dim3A_35 : f32 to vector<128x128xf32>
    %broadcast_in_dim3A_37 = arith.constant 0.000000e+00 : f32
    %broadcast_in_dim3A_38 = vector.broadcast %broadcast_in_dim3A_37 : f32 to vector<128x128xf32>
    %broadcast_in_dim3A_39 = arith.constant false
    %broadcast_in_dim3A_40 = vector.broadcast %broadcast_in_dim3A_39 : i1 to vector<128x128xi1>
    %get3A_41 = arith.index_cast %add3A_29 : i32 to index
    %get3A_42 = arith.constant 0 : index
    %get3A_43 = arith.constant 0 : index
    %get3A_44 = memref.load %arg1[%get3A_41, %get3A_42, %get3A_43] : memref<16x20x4xf32, #tpu.memory_space<smem>>
    %get3A_45 = arith.index_cast %add3A_29 : i32 to index
    %get3A_46 = arith.constant 0 : index
    %get3A_47 = arith.constant 1 : index
    %get3A_48 = memref.load %arg1[%get3A_45, %get3A_46, %get3A_47] : memref<16x20x4xf32, #tpu.memory_space<smem>>
    %get3A_49 = arith.index_cast %add3A_29 : i32 to index
    %get3A_50 = arith.constant 0 : index
    %get3A_51 = arith.constant 2 : index
    %get3A_52 = memref.load %arg1[%get3A_49, %get3A_50, %get3A_51] : memref<16x20x4xf32, #tpu.memory_space<smem>>
    %get3A_53 = arith.index_cast %add3A_29 : i32 to index
    %get3A_54 = arith.constant 0 : index
    %get3A_55 = arith.constant 3 : index
    %get3A_56 = memref.load %arg1[%get3A_53, %get3A_54, %get3A_55] : memref<16x20x4xf32, #tpu.memory_space<smem>>
    %max3A = vector.broadcast %get3A_44 : f32 to vector<128x128xf32>
    %max3A_57 = arith.maximumf %get3A_5, %max3A : vector<128x128xf32>
    %max3A_58 = vector.broadcast %get3A_48 : f32 to vector<128x128xf32>
    %max3A_59 = arith.maximumf %get3A_10, %max3A_58 : vector<128x128xf32>
    %min3A = vector.broadcast %get3A_52 : f32 to vector<128x128xf32>
    %min3A_60 = arith.minimumf %get3A_15, %min3A : vector<128x128xf32>
    %min3A_61 = vector.broadcast %get3A_56 : f32 to vector<128x128xf32>
    %min3A_62 = arith.minimumf %get3A_20, %min3A_61 : vector<128x128xf32>
    %sub3A_63 = arith.subf %min3A_60, %max3A_57 : vector<128x128xf32>
    %jit3A = arith.constant 0.000000e+00 : f32
    %max3A_64 = vector.broadcast %jit3A : f32 to vector<128x128xf32>
    %max3A_65 = arith.maximumf %max3A_64, %sub3A_63 : vector<128x128xf32>
    %sub3A_66 = arith.subf %min3A_62, %max3A_59 : vector<128x128xf32>
    %jit3A_67 = arith.constant 0.000000e+00 : f32
    %max3A_68 = vector.broadcast %jit3A_67 : f32 to vector<128x128xf32>
    %max3A_69 = arith.maximumf %max3A_68, %sub3A_66 : vector<128x128xf32>
    %mul3A_70 = arith.mulf %max3A_65, %max3A_69 : vector<128x128xf32>
    %sub3A_71 = arith.subf %get3A_52, %get3A_44 : f32
    %sub3A_72 = arith.subf %get3A_56, %get3A_48 : f32
    %mul3A_73 = arith.mulf %sub3A_71, %sub3A_72 : f32
    %add3A_74 = vector.broadcast %mul3A_73 : f32 to vector<128x128xf32>
    %add3A_75 = arith.addf %mul3A, %add3A_74 : vector<128x128xf32>
    %sub3A_76 = arith.subf %add3A_75, %mul3A_70 : vector<128x128xf32>
    %add3A_77 = arith.constant 1.000000e-10 : f32
    %add3A_78 = vector.broadcast %add3A_77 : f32 to vector<128x128xf32>
    %add3A_79 = arith.addf %sub3A_76, %add3A_78 : vector<128x128xf32>
    %div3A = arith.divf %mul3A_70, %add3A_79 : vector<128x128xf32>
    %swap3A = arith.constant 0 : index
    %swap3A_80 = arith.constant 0 : index
    %swap3A_81 = arith.constant 0 : index
    %swap3A_82 = vector.load %arg10[%swap3A, %swap3A_80, %swap3A_81] : memref<20x128x128xf32, #tpu.memory_space<vmem>>, vector<1x128x128xf32>
    %swap3A_83 = vector.shape_cast %swap3A_82 : vector<1x128x128xf32> to vector<128x128xf32>
    %swap3A_84 = vector.shape_cast %div3A : vector<128x128xf32> to vector<1x128x128xf32>
    tpu.vector_store %arg10[%swap3A, %swap3A_80, %swap3A_81], %swap3A_84 {strides = array<i32>} : memref<20x128x128xf32, #tpu.memory_space<vmem>>, vector<1x128x128xf32>,
    %gt3A = arith.cmpf ogt, %div3A, %broadcast_in_dim3A_30 : vector<128x128xf32>
    %select_n3A = arith.select %gt3A, %div3A, %broadcast_in_dim3A_30 : vector<128x128xi1>, vector<128x128xf32>
    %broadcast_in_dim3A_85 = vector.broadcast %get3A_44 : f32 to vector<128x128xf32>
    %select_n3A_86 = arith.select %gt3A, %broadcast_in_dim3A_85, %broadcast_in_dim3A_32 : vector<128x128xi1>, vector<128x128xf32>
    %broadcast_in_dim3A_87 = vector.broadcast %get3A_48 : f32 to vector<128x128xf32>
    %select_n3A_88 = arith.select %gt3A, %broadcast_in_dim3A_87, %broadcast_in_dim3A_34 : vector<128x128xi1>, vector<128x128xf32>
    %broadcast_in_dim3A_89 = vector.broadcast %get3A_52 : f32 to vector<128x128xf32>
    %select_n3A_90 = arith.select %gt3A, %broadcast_in_dim3A_89, %broadcast_in_dim3A_36 : vector<128x128xi1>, vector<128x128xf32>
    %broadcast_in_dim3A_91 = vector.broadcast %get3A_56 : f32 to vector<128x128xf32>
    %select_n3A_92 = arith.select %gt3A, %broadcast_in_dim3A_91, %broadcast_in_dim3A_38 : vector<128x128xi1>, vector<128x128xf32>
    %reduce_max3A = arith.constant dense<0xFF800000> : vector<128xf32>
    %reduce_max3A_93 = vector.multi_reduction <maximumf>, %div3A, %reduce_max3A [0] : vector<128x128xf32> to vector<128xf32>
    %get3A_94 = arith.index_cast %add3A_29 : i32 to index
    %get3A_95 = arith.constant 1 : index
    %get3A_96 = arith.constant 0 : index
    %get3A_97 = memref.load %arg1[%get3A_94, %get3A_95, %get3A_96] : memref<16x20x4xf32, #tpu.memory_space<smem>>
    %get3A_98 = arith.index_cast %add3A_29 : i32 to index
    %get3A_99 = arith.constant 1 : index
    %get3A_100 = arith.constant 1 : index
    %get3A_101 = memref.load %arg1[%get3A_98, %get3A_99, %get3A_100] : memref<16x20x4xf32, #tpu.memory_space<smem>>
    %get3A_102 = arith.index_cast %add3A_29 : i32 to index
    %get3A_103 = arith.constant 1 : index
    %get3A_104 = arith.constant 2 : index
    %get3A_105 = memref.load %arg1[%get3A_102, %get3A_103, %get3A_104] : memref<16x20x4xf32, #tpu.memory_space<smem>>
    %get3A_106 = arith.index_cast %add3A_29 : i32 to index
    %get3A_107 = arith.constant 1 : index
    %get3A_108 = arith.constant 3 : index
    %get3A_109 = memref.load %arg1[%get3A_106, %get3A_107, %get3A_108] : memref<16x20x4xf32, #tpu.memory_space<smem>>
    %max3A_110 = vector.broadcast %get3A_97 : f32 to vector<128x128xf32>
    %max3A_111 = arith.maximumf %get3A_5, %max3A_110 : vector<128x128xf32>
    %max3A_112 = vector.broadcast %get3A_101 : f32 to vector<128x128xf32>
    %max3A_113 = arith.maximumf %get3A_10, %max3A_112 : vector<128x128xf32>
    %min3A_114 = vector.broadcast %get3A_105 : f32 to vector<128x128xf32>
    %min3A_115 = arith.minimumf %get3A_15, %min3A_114 : vector<128x128xf32>
    %min3A_116 = vector.broadcast %get3A_109 : f32 to vector<128x128xf32>
    %min3A_117 = arith.minimumf %get3A_20, %min3A_116 : vector<128x128xf32>
    %sub3A_118 = arith.subf %min3A_115, %max3A_111 : vector<128x128xf32>
    %jit3A_119 = arith.constant 0.000000e+00 : f32
    %max3A_120 = vector.broadcast %jit3A_119 : f32 to vector<128x128xf32>
    %max3A_121 = arith.maximumf %max3A_120, %sub3A_118 : vector<128x128xf32>
    %sub3A_122 = arith.subf %min3A_117, %max3A_113 : vector<128x128xf32>
    %jit3A_123 = arith.constant 0.000000e+00 : f32
    %max3A_124 = vector.broadcast %jit3A_123 : f32 to vector<128x128xf32>
    %max3A_125 = arith.maximumf %max3A_124, %sub3A_122 : vector<128x128xf32>
    %mul3A_126 = arith.mulf %max3A_121, %max3A_125 : vector<128x128xf32>
    %sub3A_127 = arith.subf %get3A_105, %get3A_97 : f32
    %sub3A_128 = arith.subf %get3A_109, %get3A_101 : f32
    %mul3A_129 = arith.mulf %sub3A_127, %sub3A_128 : f32
    %add3A_130 = vector.broadcast %mul3A_129 : f32 to vector<128x128xf32>
    %add3A_131 = arith.addf %mul3A, %add3A_130 : vector<128x128xf32>
    %sub3A_132 = arith.subf %add3A_131, %mul3A_126 : vector<128x128xf32>
    %add3A_133 = arith.constant 1.000000e-10 : f32
    %add3A_134 = vector.broadcast %add3A_133 : f32 to vector<128x128xf32>
    %add3A_135 = arith.addf %sub3A_132, %add3A_134 : vector<128x128xf32>
    %div3A_136 = arith.divf %mul3A_126, %add3A_135 : vector<128x128xf32>
    %swap3A_137 = arith.constant 1 : index
    %swap3A_138 = arith.constant 0 : index
    %swap3A_139 = arith.constant 0 : index
    %swap3A_140 = vector.load %arg10[%swap3A_137, %swap3A_138, %swap3A_139] : memref<20x128x128xf32, #tpu.memory_space<vmem>>, vector<1x128x128xf32>
    %swap3A_141 = vector.shape_cast %swap3A_140 : vector<1x128x128xf32> to vector<128x128xf32>
    %swap3A_142 = vector.shape_cast %div3A_136 : vector<128x128xf32> to vector<1x128x128xf32>
    tpu.vector_store %arg10[%swap3A_137, %swap3A_138, %swap3A_139], %swap3A_142 {strides = array<i32>} : memref<20x128x128xf32, #tpu.memory_space<vmem>>, vector<1x128x128xf32>,
    %gt3A_143 = arith.cmpf ogt, %div3A_136, %select_n3A : vector<128x128xf32>
    %select_n3A_144 = arith.select %gt3A_143, %div3A_136, %select_n3A : vector<128x128xi1>, vector<128x128xf32>
    %broadcast_in_dim3A_145 = vector.broadcast %get3A_97 : f32 to vector<128x128xf32>
    %select_n3A_146 = arith.select %gt3A_143, %broadcast_in_dim3A_145, %select_n3A_86 : vector<128x128xi1>, vector<128x128xf32>
    %broadcast_in_dim3A_147 = vector.broadcast %get3A_101 : f32 to vector<128x128xf32>
    %select_n3A_148 = arith.select %gt3A_143, %broadcast_in_dim3A_147, %select_n3A_88 : vector<128x128xi1>, vector<128x128xf32>
    %broadcast_in_dim3A_149 = vector.broadcast %get3A_105 : f32 to vector<128x128xf32>
    %select_n3A_150 = arith.select %gt3A_143, %broadcast_in_dim3A_149, %select_n3A_90 : vector<128x128xi1>, vector<128x128xf32>
    %broadcast_in_dim3A_151 = vector.broadcast %get3A_109 : f32 to vector<128x128xf32>
    %select_n3A_152 = arith.select %gt3A_143, %broadcast_in_dim3A_151, %select_n3A_92 : vector<128x128xi1>, vector<128x128xf32>
    %reduce_max3A_153 = arith.constant dense<0xFF800000> : vector<128xf32>
    %reduce_max3A_154 = vector.multi_reduction <maximumf>, %div3A_136, %reduce_max3A_153 [0] : vector<128x128xf32> to vector<128xf32>
    %get3A_155 = arith.index_cast %add3A_29 : i32 to index
    %get3A_156 = arith.constant 2 : index
    %get3A_157 = arith.constant 0 : index
    %get3A_158 = memref.load %arg1[%get3A_155, %get3A_156, %get3A_157] : memref<16x20x4xf32, #tpu.memory_space<smem>>
    %get3A_159 = arith.index_cast %add3A_29 : i32 to index
    %get3A_160 = arith.constant 2 : index
    %get3A_161 = arith.constant 1 : index
    %get3A_162 = memref.load %arg1[%get3A_159, %get3A_160, %get3A_161] : memref<16x20x4xf32, #tpu.memory_space<smem>>
    %get3A_163 = arith.index_cast %add3A_29 : i32 to index
    %get3A_164 = arith.constant 2 : index
    %get3A_165 = arith.constant 2 : index
    %get3A_166 = memref.load %arg1[%get3A_163, %get3A_164, %get3A_165] : memref<16x20x4xf32, #tpu.memory_space<smem>>
    %get3A_167 = arith.index_cast %add3A_29 : i32 to index
    %get3A_168 = arith.constant 2 : index
    %get3A_169 = arith.constant 3 : index
    %get3A_170 = memref.load %arg1[%get3A_167, %get3A_168, %get3A_169] : memref<16x20x4xf32, #tpu.memory_space<smem>>
    %max3A_171 = vector.broadcast %get3A_158 : f32 to vector<128x128xf32>
    %max3A_172 = arith.maximumf %get3A_5, %max3A_171 : vector<128x128xf32>
    %max3A_173 = vector.broadcast %get3A_162 : f32 to vector<128x128xf32>
    %max3A_174 = arith.maximumf %get3A_10, %max3A_173 : vector<128x128xf32>
    %min3A_175 = vector.broadcast %get3A_166 : f32 to vector<128x128xf32>
    %min3A_176 = arith.minimumf %get3A_15, %min3A_175 : vector<128x128xf32>
    %min3A_177 = vector.broadcast %get3A_170 : f32 to vector<128x128xf32>
    %min3A_178 = arith.minimumf %get3A_20, %min3A_177 : vector<128x128xf32>
    %sub3A_179 = arith.subf %min3A_176, %max3A_172 : vector<128x128xf32>
    %jit3A_180 = arith.constant 0.000000e+00 : f32
    %max3A_181 = vector.broadcast %jit3A_180 : f32 to vector<128x128xf32>
    %max3A_182 = arith.maximumf %max3A_181, %sub3A_179 : vector<128x128xf32>
    %sub3A_183 = arith.subf %min3A_178, %max3A_174 : vector<128x128xf32>
    %jit3A_184 = arith.constant 0.000000e+00 : f32
    %max3A_185 = vector.broadcast %jit3A_184 : f32 to vector<128x128xf32>
    %max3A_186 = arith.maximumf %max3A_185, %sub3A_183 : vector<128x128xf32>
    %mul3A_187 = arith.mulf %max3A_182, %max3A_186 : vector<128x128xf32>
    %sub3A_188 = arith.subf %get3A_166, %get3A_158 : f32
    %sub3A_189 = arith.subf %get3A_170, %get3A_162 : f32
    %mul3A_190 = arith.mulf %sub3A_188, %sub3A_189 : f32
    %add3A_191 = vector.broadcast %mul3A_190 : f32 to vector<128x128xf32>
    %add3A_192 = arith.addf %mul3A, %add3A_191 : vector<128x128xf32>
    %sub3A_193 = arith.subf %add3A_192, %mul3A_187 : vector<128x128xf32>
    %add3A_194 = arith.constant 1.000000e-10 : f32
    %add3A_195 = vector.broadcast %add3A_194 : f32 to vector<128x128xf32>
    %add3A_196 = arith.addf %sub3A_193, %add3A_195 : vector<128x128xf32>
    %div3A_197 = arith.divf %mul3A_187, %add3A_196 : vector<128x128xf32>
    %swap3A_198 = arith.constant 2 : index
    %swap3A_199 = arith.constant 0 : index
    %swap3A_200 = arith.constant 0 : index
    %swap3A_201 = vector.load %arg10[%swap3A_198, %swap3A_199, %swap3A_200] : memref<20x128x128xf32, #tpu.memory_space<vmem>>, vector<1x128x128xf32>
    %swap3A_202 = vector.shape_cast %swap3A_201 : vector<1x128x128xf32> to vector<128x128xf32>
    %swap3A_203 = vector.shape_cast %div3A_197 : vector<128x128xf32> to vector<1x128x128xf32>
    tpu.vector_store %arg10[%swap3A_198, %swap3A_199, %swap3A_200], %swap3A_203 {strides = array<i32>} : memref<20x128x128xf32, #tpu.memory_space<vmem>>, vector<1x128x128xf32>,
    %gt3A_204 = arith.cmpf ogt, %div3A_197, %select_n3A_144 : vector<128x128xf32>
    %select_n3A_205 = arith.select %gt3A_204, %div3A_197, %select_n3A_144 : vector<128x128xi1>, vector<128x128xf32>
    %broadcast_in_dim3A_206 = vector.broadcast %get3A_158 : f32 to vector<128x128xf32>
    %select_n3A_207 = arith.select %gt3A_204, %broadcast_in_dim3A_206, %select_n3A_146 : vector<128x128xi1>, vector<128x128xf32>
    %broadcast_in_dim3A_208 = vector.broadcast %get3A_162 : f32 to vector<128x128xf32>
    %select_n3A_209 = arith.select %gt3A_204, %broadcast_in_dim3A_208, %select_n3A_148 : vector<128x128xi1>, vector<128x128xf32>
    %broadcast_in_dim3A_210 = vector.broadcast %get3A_166 : f32 to vector<128x128xf32>
    %select_n3A_211 = arith.select %gt3A_204, %broadcast_in_dim3A_210, %select_n3A_150 : vector<128x128xi1>, vector<128x128xf32>
    %broadcast_in_dim3A_212 = vector.broadcast %get3A_170 : f32 to vector<128x128xf32>
    %select_n3A_213 = arith.select %gt3A_204, %broadcast_in_dim3A_212, %select_n3A_152 : vector<128x128xi1>, vector<128x128xf32>
    %reduce_max3A_214 = arith.constant dense<0xFF800000> : vector<128xf32>
    %reduce_max3A_215 = vector.multi_reduction <maximumf>, %div3A_197, %reduce_max3A_214 [0] : vector<128x128xf32> to vector<128xf32>
    %get3A_216 = arith.index_cast %add3A_29 : i32 to index
    %get3A_217 = arith.constant 3 : index
    %get3A_218 = arith.constant 0 : index
    %get3A_219 = memref.load %arg1[%get3A_216, %get3A_217, %get3A_218] : memref<16x20x4xf32, #tpu.memory_space<smem>>
    %get3A_220 = arith.index_cast %add3A_29 : i32 to index
    %get3A_221 = arith.constant 3 : index
    %get3A_222 = arith.constant 1 : index
    %get3A_223 = memref.load %arg1[%get3A_220, %get3A_221, %get3A_222] : memref<16x20x4xf32, #tpu.memory_space<smem>>
    %get3A_224 = arith.index_cast %add3A_29 : i32 to index
    %get3A_225 = arith.constant 3 : index
    %get3A_226 = arith.constant 2 : index
    %get3A_227 = memref.load %arg1[%get3A_224, %get3A_225, %get3A_226] : memref<16x20x4xf32, #tpu.memory_space<smem>>
    %get3A_228 = arith.index_cast %add3A_29 : i32 to index
    %get3A_229 = arith.constant 3 : index
    %get3A_230 = arith.constant 3 : index
    %get3A_231 = memref.load %arg1[%get3A_228, %get3A_229, %get3A_230] : memref<16x20x4xf32, #tpu.memory_space<smem>>
    %max3A_232 = vector.broadcast %get3A_219 : f32 to vector<128x128xf32>
    %max3A_233 = arith.maximumf %get3A_5, %max3A_232 : vector<128x128xf32>
    %max3A_234 = vector.broadcast %get3A_223 : f32 to vector<128x128xf32>
    %max3A_235 = arith.maximumf %get3A_10, %max3A_234 : vector<128x128xf32>
    %min3A_236 = vector.broadcast %get3A_227 : f32 to vector<128x128xf32>
    %min3A_237 = arith.minimumf %get3A_15, %min3A_236 : vector<128x128xf32>
    %min3A_238 = vector.broadcast %get3A_231 : f32 to vector<128x128xf32>
    %min3A_239 = arith.minimumf %get3A_20, %min3A_238 : vector<128x128xf32>
    %sub3A_240 = arith.subf %min3A_237, %max3A_233 : vector<128x128xf32>
    %jit3A_241 = arith.constant 0.000000e+00 : f32
    %max3A_242 = vector.broadcast %jit3A_241 : f32 to vector<128x128xf32>
    %max3A_243 = arith.maximumf %max3A_242, %sub3A_240 : vector<128x128xf32>
    %sub3A_244 = arith.subf %min3A_239, %max3A_235 : vector<128x128xf32>
    %jit3A_245 = arith.constant 0.000000e+00 : f32
    %max3A_246 = vector.broadcast %jit3A_245 : f32 to vector<128x128xf32>
    %max3A_247 = arith.maximumf %max3A_246, %sub3A_244 : vector<128x128xf32>
    %mul3A_248 = arith.mulf %max3A_243, %max3A_247 : vector<128x128xf32>
    %sub3A_249 = arith.subf %get3A_227, %get3A_219 : f32
    %sub3A_250 = arith.subf %get3A_231, %get3A_223 : f32
    %mul3A_251 = arith.mulf %sub3A_249, %sub3A_250 : f32
    %add3A_252 = vector.broadcast %mul3A_251 : f32 to vector<128x128xf32>
    %add3A_253 = arith.addf %mul3A, %add3A_252 : vector<128x128xf32>
    %sub3A_254 = arith.subf %add3A_253, %mul3A_248 : vector<128x128xf32>
    %add3A_255 = arith.constant 1.000000e-10 : f32
    %add3A_256 = vector.broadcast %add3A_255 : f32 to vector<128x128xf32>
    %add3A_257 = arith.addf %sub3A_254, %add3A_256 : vector<128x128xf32>
    %div3A_258 = arith.divf %mul3A_248, %add3A_257 : vector<128x128xf32>
    %swap3A_259 = arith.constant 3 : index
    %swap3A_260 = arith.constant 0 : index
    %swap3A_261 = arith.constant 0 : index
    %swap3A_262 = vector.load %arg10[%swap3A_259, %swap3A_260, %swap3A_261] : memref<20x128x128xf32, #tpu.memory_space<vmem>>, vector<1x128x128xf32>
    %swap3A_263 = vector.shape_cast %swap3A_262 : vector<1x128x128xf32> to vector<128x128xf32>
    %swap3A_264 = vector.shape_cast %div3A_258 : vector<128x128xf32> to vector<1x128x128xf32>
    tpu.vector_store %arg10[%swap3A_259, %swap3A_260, %swap3A_261], %swap3A_264 {strides = array<i32>} : memref<20x128x128xf32, #tpu.memory_space<vmem>>, vector<1x128x128xf32>,
    %gt3A_265 = arith.cmpf ogt, %div3A_258, %select_n3A_205 : vector<128x128xf32>
    %select_n3A_266 = arith.select %gt3A_265, %div3A_258, %select_n3A_205 : vector<128x128xi1>, vector<128x128xf32>
    %broadcast_in_dim3A_267 = vector.broadcast %get3A_219 : f32 to vector<128x128xf32>
    %select_n3A_268 = arith.select %gt3A_265, %broadcast_in_dim3A_267, %select_n3A_207 : vector<128x128xi1>, vector<128x128xf32>
    %broadcast_in_dim3A_269 = vector.broadcast %get3A_223 : f32 to vector<128x128xf32>
    %select_n3A_270 = arith.select %gt3A_265, %broadcast_in_dim3A_269, %select_n3A_209 : vector<128x128xi1>, vector<128x128xf32>
    %broadcast_in_dim3A_271 = vector.broadcast %get3A_227 : f32 to vector<128x128xf32>
    %select_n3A_272 = arith.select %gt3A_265, %broadcast_in_dim3A_271, %select_n3A_211 : vector<128x128xi1>, vector<128x128xf32>
    %broadcast_in_dim3A_273 = vector.broadcast %get3A_231 : f32 to vector<128x128xf32>
    %select_n3A_274 = arith.select %gt3A_265, %broadcast_in_dim3A_273, %select_n3A_213 : vector<128x128xi1>, vector<128x128xf32>
    %reduce_max3A_275 = arith.constant dense<0xFF800000> : vector<128xf32>
    %reduce_max3A_276 = vector.multi_reduction <maximumf>, %div3A_258, %reduce_max3A_275 [0] : vector<128x128xf32> to vector<128xf32>
    %get3A_277 = arith.index_cast %add3A_29 : i32 to index
    %get3A_278 = arith.constant 4 : index
    %get3A_279 = arith.constant 0 : index
    %get3A_280 = memref.load %arg1[%get3A_277, %get3A_278, %get3A_279] : memref<16x20x4xf32, #tpu.memory_space<smem>>
    %get3A_281 = arith.index_cast %add3A_29 : i32 to index
    %get3A_282 = arith.constant 4 : index
    %get3A_283 = arith.constant 1 : index
    %get3A_284 = memref.load %arg1[%get3A_281, %get3A_282, %get3A_283] : memref<16x20x4xf32, #tpu.memory_space<smem>>
    %get3A_285 = arith.index_cast %add3A_29 : i32 to index
    %get3A_286 = arith.constant 4 : index
    %get3A_287 = arith.constant 2 : index
    %get3A_288 = memref.load %arg1[%get3A_285, %get3A_286, %get3A_287] : memref<16x20x4xf32, #tpu.memory_space<smem>>
    %get3A_289 = arith.index_cast %add3A_29 : i32 to index
    %get3A_290 = arith.constant 4 : index
    %get3A_291 = arith.constant 3 : index
    %get3A_292 = memref.load %arg1[%get3A_289, %get3A_290, %get3A_291] : memref<16x20x4xf32, #tpu.memory_space<smem>>
    %max3A_293 = vector.broadcast %get3A_280 : f32 to vector<128x128xf32>
    %max3A_294 = arith.maximumf %get3A_5, %max3A_293 : vector<128x128xf32>
    %max3A_295 = vector.broadcast %get3A_284 : f32 to vector<128x128xf32>
    %max3A_296 = arith.maximumf %get3A_10, %max3A_295 : vector<128x128xf32>
    %min3A_297 = vector.broadcast %get3A_288 : f32 to vector<128x128xf32>
    %min3A_298 = arith.minimumf %get3A_15, %min3A_297 : vector<128x128xf32>
    %min3A_299 = vector.broadcast %get3A_292 : f32 to vector<128x128xf32>
    %min3A_300 = arith.minimumf %get3A_20, %min3A_299 : vector<128x128xf32>
    %sub3A_301 = arith.subf %min3A_298, %max3A_294 : vector<128x128xf32>
    %jit3A_302 = arith.constant 0.000000e+00 : f32
    %max3A_303 = vector.broadcast %jit3A_302 : f32 to vector<128x128xf32>
    %max3A_304 = arith.maximumf %max3A_303, %sub3A_301 : vector<128x128xf32>
    %sub3A_305 = arith.subf %min3A_300, %max3A_296 : vector<128x128xf32>
    %jit3A_306 = arith.constant 0.000000e+00 : f32
    %max3A_307 = vector.broadcast %jit3A_306 : f32 to vector<128x128xf32>
    %max3A_308 = arith.maximumf %max3A_307, %sub3A_305 : vector<128x128xf32>
    %mul3A_309 = arith.mulf %max3A_304, %max3A_308 : vector<128x128xf32>
    %sub3A_310 = arith.subf %get3A_288, %get3A_280 : f32
    %sub3A_311 = arith.subf %get3A_292, %get3A_284 : f32
    %mul3A_312 = arith.mulf %sub3A_310, %sub3A_311 : f32
    %add3A_313 = vector.broadcast %mul3A_312 : f32 to vector<128x128xf32>
    %add3A_314 = arith.addf %mul3A, %add3A_313 : vector<128x128xf32>
    %sub3A_315 = arith.subf %add3A_314, %mul3A_309 : vector<128x128xf32>
    %add3A_316 = arith.constant 1.000000e-10 : f32
    %add3A_317 = vector.broadcast %add3A_316 : f32 to vector<128x128xf32>
    %add3A_318 = arith.addf %sub3A_315, %add3A_317 : vector<128x128xf32>
    %div3A_319 = arith.divf %mul3A_309, %add3A_318 : vector<128x128xf32>
    %swap3A_320 = arith.constant 4 : index
    %swap3A_321 = arith.constant 0 : index
    %swap3A_322 = arith.constant 0 : index
    %swap3A_323 = vector.load %arg10[%swap3A_320, %swap3A_321, %swap3A_322] : memref<20x128x128xf32, #tpu.memory_space<vmem>>, vector<1x128x128xf32>
    %swap3A_324 = vector.shape_cast %swap3A_323 : vector<1x128x128xf32> to vector<128x128xf32>
    %swap3A_325 = vector.shape_cast %div3A_319 : vector<128x128xf32> to vector<1x128x128xf32>
    tpu.vector_store %arg10[%swap3A_320, %swap3A_321, %swap3A_322], %swap3A_325 {strides = array<i32>} : memref<20x128x128xf32, #tpu.memory_space<vmem>>, vector<1x128x128xf32>,
    %gt3A_326 = arith.cmpf ogt, %div3A_319, %select_n3A_266 : vector<128x128xf32>
    %select_n3A_327 = arith.select %gt3A_326, %div3A_319, %select_n3A_266 : vector<128x128xi1>, vector<128x128xf32>
    %broadcast_in_dim3A_328 = vector.broadcast %get3A_280 : f32 to vector<128x128xf32>
    %select_n3A_329 = arith.select %gt3A_326, %broadcast_in_dim3A_328, %select_n3A_268 : vector<128x128xi1>, vector<128x128xf32>
    %broadcast_in_dim3A_330 = vector.broadcast %get3A_284 : f32 to vector<128x128xf32>
    %select_n3A_331 = arith.select %gt3A_326, %broadcast_in_dim3A_330, %select_n3A_270 : vector<128x128xi1>, vector<128x128xf32>
    %broadcast_in_dim3A_332 = vector.broadcast %get3A_288 : f32 to vector<128x128xf32>
    %select_n3A_333 = arith.select %gt3A_326, %broadcast_in_dim3A_332, %select_n3A_272 : vector<128x128xi1>, vector<128x128xf32>
    %broadcast_in_dim3A_334 = vector.broadcast %get3A_292 : f32 to vector<128x128xf32>
    %select_n3A_335 = arith.select %gt3A_326, %broadcast_in_dim3A_334, %select_n3A_274 : vector<128x128xi1>, vector<128x128xf32>
    %reduce_max3A_336 = arith.constant dense<0xFF800000> : vector<128xf32>
    %reduce_max3A_337 = vector.multi_reduction <maximumf>, %div3A_319, %reduce_max3A_336 [0] : vector<128x128xf32> to vector<128xf32>
    %get3A_338 = arith.index_cast %add3A_29 : i32 to index
    %get3A_339 = arith.constant 5 : index
    %get3A_340 = arith.constant 0 : index
    %get3A_341 = memref.load %arg1[%get3A_338, %get3A_339, %get3A_340] : memref<16x20x4xf32, #tpu.memory_space<smem>>
    %get3A_342 = arith.index_cast %add3A_29 : i32 to index
    %get3A_343 = arith.constant 5 : index
    %get3A_344 = arith.constant 1 : index
    %get3A_345 = memref.load %arg1[%get3A_342, %get3A_343, %get3A_344] : memref<16x20x4xf32, #tpu.memory_space<smem>>
    %get3A_346 = arith.index_cast %add3A_29 : i32 to index
    %get3A_347 = arith.constant 5 : index
    %get3A_348 = arith.constant 2 : index
    %get3A_349 = memref.load %arg1[%get3A_346, %get3A_347, %get3A_348] : memref<16x20x4xf32, #tpu.memory_space<smem>>
    %get3A_350 = arith.index_cast %add3A_29 : i32 to index
    %get3A_351 = arith.constant 5 : index
    %get3A_352 = arith.constant 3 : index
    %get3A_353 = memref.load %arg1[%get3A_350, %get3A_351, %get3A_352] : memref<16x20x4xf32, #tpu.memory_space<smem>>
    %max3A_354 = vector.broadcast %get3A_341 : f32 to vector<128x128xf32>
    %max3A_355 = arith.maximumf %get3A_5, %max3A_354 : vector<128x128xf32>
    %max3A_356 = vector.broadcast %get3A_345 : f32 to vector<128x128xf32>
    %max3A_357 = arith.maximumf %get3A_10, %max3A_356 : vector<128x128xf32>
    %min3A_358 = vector.broadcast %get3A_349 : f32 to vector<128x128xf32>
    %min3A_359 = arith.minimumf %get3A_15, %min3A_358 : vector<128x128xf32>
    %min3A_360 = vector.broadcast %get3A_353 : f32 to vector<128x128xf32>
    %min3A_361 = arith.minimumf %get3A_20, %min3A_360 : vector<128x128xf32>
    %sub3A_362 = arith.subf %min3A_359, %max3A_355 : vector<128x128xf32>
    %jit3A_363 = arith.constant 0.000000e+00 : f32
    %max3A_364 = vector.broadcast %jit3A_363 : f32 to vector<128x128xf32>
    %max3A_365 = arith.maximumf %max3A_364, %sub3A_362 : vector<128x128xf32>
    %sub3A_366 = arith.subf %min3A_361, %max3A_357 : vector<128x128xf32>
    %jit3A_367 = arith.constant 0.000000e+00 : f32
    %max3A_368 = vector.broadcast %jit3A_367 : f32 to vector<128x128xf32>
    %max3A_369 = arith.maximumf %max3A_368, %sub3A_366 : vector<128x128xf32>
    %mul3A_370 = arith.mulf %max3A_365, %max3A_369 : vector<128x128xf32>
    %sub3A_371 = arith.subf %get3A_349, %get3A_341 : f32
    %sub3A_372 = arith.subf %get3A_353, %get3A_345 : f32
    %mul3A_373 = arith.mulf %sub3A_371, %sub3A_372 : f32
    %add3A_374 = vector.broadcast %mul3A_373 : f32 to vector<128x128xf32>
    %add3A_375 = arith.addf %mul3A, %add3A_374 : vector<128x128xf32>
    %sub3A_376 = arith.subf %add3A_375, %mul3A_370 : vector<128x128xf32>
    %add3A_377 = arith.constant 1.000000e-10 : f32
    %add3A_378 = vector.broadcast %add3A_377 : f32 to vector<128x128xf32>
    %add3A_379 = arith.addf %sub3A_376, %add3A_378 : vector<128x128xf32>
    %div3A_380 = arith.divf %mul3A_370, %add3A_379 : vector<128x128xf32>
    %swap3A_381 = arith.constant 5 : index
    %swap3A_382 = arith.constant 0 : index
    %swap3A_383 = arith.constant 0 : index
    %swap3A_384 = vector.load %arg10[%swap3A_381, %swap3A_382, %swap3A_383] : memref<20x128x128xf32, #tpu.memory_space<vmem>>, vector<1x128x128xf32>
    %swap3A_385 = vector.shape_cast %swap3A_384 : vector<1x128x128xf32> to vector<128x128xf32>
    %swap3A_386 = vector.shape_cast %div3A_380 : vector<128x128xf32> to vector<1x128x128xf32>
    tpu.vector_store %arg10[%swap3A_381, %swap3A_382, %swap3A_383], %swap3A_386 {strides = array<i32>} : memref<20x128x128xf32, #tpu.memory_space<vmem>>, vector<1x128x128xf32>,
    %gt3A_387 = arith.cmpf ogt, %div3A_380, %select_n3A_327 : vector<128x128xf32>
    %select_n3A_388 = arith.select %gt3A_387, %div3A_380, %select_n3A_327 : vector<128x128xi1>, vector<128x128xf32>
    %broadcast_in_dim3A_389 = vector.broadcast %get3A_341 : f32 to vector<128x128xf32>
    %select_n3A_390 = arith.select %gt3A_387, %broadcast_in_dim3A_389, %select_n3A_329 : vector<128x128xi1>, vector<128x128xf32>
    %broadcast_in_dim3A_391 = vector.broadcast %get3A_345 : f32 to vector<128x128xf32>
    %select_n3A_392 = arith.select %gt3A_387, %broadcast_in_dim3A_391, %select_n3A_331 : vector<128x128xi1>, vector<128x128xf32>
    %broadcast_in_dim3A_393 = vector.broadcast %get3A_349 : f32 to vector<128x128xf32>
    %select_n3A_394 = arith.select %gt3A_387, %broadcast_in_dim3A_393, %select_n3A_333 : vector<128x128xi1>, vector<128x128xf32>
    %broadcast_in_dim3A_395 = vector.broadcast %get3A_353 : f32 to vector<128x128xf32>
    %select_n3A_396 = arith.select %gt3A_387, %broadcast_in_dim3A_395, %select_n3A_335 : vector<128x128xi1>, vector<128x128xf32>
    %reduce_max3A_397 = arith.constant dense<0xFF800000> : vector<128xf32>
    %reduce_max3A_398 = vector.multi_reduction <maximumf>, %div3A_380, %reduce_max3A_397 [0] : vector<128x128xf32> to vector<128xf32>
    %get3A_399 = arith.index_cast %add3A_29 : i32 to index
    %get3A_400 = arith.constant 6 : index
    %get3A_401 = arith.constant 0 : index
    %get3A_402 = memref.load %arg1[%get3A_399, %get3A_400, %get3A_401] : memref<16x20x4xf32, #tpu.memory_space<smem>>
    %get3A_403 = arith.index_cast %add3A_29 : i32 to index
    %get3A_404 = arith.constant 6 : index
    %get3A_405 = arith.constant 1 : index
    %get3A_406 = memref.load %arg1[%get3A_403, %get3A_404, %get3A_405] : memref<16x20x4xf32, #tpu.memory_space<smem>>
    %get3A_407 = arith.index_cast %add3A_29 : i32 to index
    %get3A_408 = arith.constant 6 : index
    %get3A_409 = arith.constant 2 : index
    %get3A_410 = memref.load %arg1[%get3A_407, %get3A_408, %get3A_409] : memref<16x20x4xf32, #tpu.memory_space<smem>>
    %get3A_411 = arith.index_cast %add3A_29 : i32 to index
    %get3A_412 = arith.constant 6 : index
    %get3A_413 = arith.constant 3 : index
    %get3A_414 = memref.load %arg1[%get3A_411, %get3A_412, %get3A_413] : memref<16x20x4xf32, #tpu.memory_space<smem>>
    %max3A_415 = vector.broadcast %get3A_402 : f32 to vector<128x128xf32>
    %max3A_416 = arith.maximumf %get3A_5, %max3A_415 : vector<128x128xf32>
    %max3A_417 = vector.broadcast %get3A_406 : f32 to vector<128x128xf32>
    %max3A_418 = arith.maximumf %get3A_10, %max3A_417 : vector<128x128xf32>
    %min3A_419 = vector.broadcast %get3A_410 : f32 to vector<128x128xf32>
    %min3A_420 = arith.minimumf %get3A_15, %min3A_419 : vector<128x128xf32>
    %min3A_421 = vector.broadcast %get3A_414 : f32 to vector<128x128xf32>
    %min3A_422 = arith.minimumf %get3A_20, %min3A_421 : vector<128x128xf32>
    %sub3A_423 = arith.subf %min3A_420, %max3A_416 : vector<128x128xf32>
    %jit3A_424 = arith.constant 0.000000e+00 : f32
    %max3A_425 = vector.broadcast %jit3A_424 : f32 to vector<128x128xf32>
    %max3A_426 = arith.maximumf %max3A_425, %sub3A_423 : vector<128x128xf32>
    %sub3A_427 = arith.subf %min3A_422, %max3A_418 : vector<128x128xf32>
    %jit3A_428 = arith.constant 0.000000e+00 : f32
    %max3A_429 = vector.broadcast %jit3A_428 : f32 to vector<128x128xf32>
    %max3A_430 = arith.maximumf %max3A_429, %sub3A_427 : vector<128x128xf32>
    %mul3A_431 = arith.mulf %max3A_426, %max3A_430 : vector<128x128xf32>
    %sub3A_432 = arith.subf %get3A_410, %get3A_402 : f32
    %sub3A_433 = arith.subf %get3A_414, %get3A_406 : f32
    %mul3A_434 = arith.mulf %sub3A_432, %sub3A_433 : f32
    %add3A_435 = vector.broadcast %mul3A_434 : f32 to vector<128x128xf32>
    %add3A_436 = arith.addf %mul3A, %add3A_435 : vector<128x128xf32>
    %sub3A_437 = arith.subf %add3A_436, %mul3A_431 : vector<128x128xf32>
    %add3A_438 = arith.constant 1.000000e-10 : f32
    %add3A_439 = vector.broadcast %add3A_438 : f32 to vector<128x128xf32>
    %add3A_440 = arith.addf %sub3A_437, %add3A_439 : vector<128x128xf32>
    %div3A_441 = arith.divf %mul3A_431, %add3A_440 : vector<128x128xf32>
    %swap3A_442 = arith.constant 6 : index
    %swap3A_443 = arith.constant 0 : index
    %swap3A_444 = arith.constant 0 : index
    %swap3A_445 = vector.load %arg10[%swap3A_442, %swap3A_443, %swap3A_444] : memref<20x128x128xf32, #tpu.memory_space<vmem>>, vector<1x128x128xf32>
    %swap3A_446 = vector.shape_cast %swap3A_445 : vector<1x128x128xf32> to vector<128x128xf32>
    %swap3A_447 = vector.shape_cast %div3A_441 : vector<128x128xf32> to vector<1x128x128xf32>
    tpu.vector_store %arg10[%swap3A_442, %swap3A_443, %swap3A_444], %swap3A_447 {strides = array<i32>} : memref<20x128x128xf32, #tpu.memory_space<vmem>>, vector<1x128x128xf32>,
    %gt3A_448 = arith.cmpf ogt, %div3A_441, %select_n3A_388 : vector<128x128xf32>
    %select_n3A_449 = arith.select %gt3A_448, %div3A_441, %select_n3A_388 : vector<128x128xi1>, vector<128x128xf32>
    %broadcast_in_dim3A_450 = vector.broadcast %get3A_402 : f32 to vector<128x128xf32>
    %select_n3A_451 = arith.select %gt3A_448, %broadcast_in_dim3A_450, %select_n3A_390 : vector<128x128xi1>, vector<128x128xf32>
    %broadcast_in_dim3A_452 = vector.broadcast %get3A_406 : f32 to vector<128x128xf32>
    %select_n3A_453 = arith.select %gt3A_448, %broadcast_in_dim3A_452, %select_n3A_392 : vector<128x128xi1>, vector<128x128xf32>
    %broadcast_in_dim3A_454 = vector.broadcast %get3A_410 : f32 to vector<128x128xf32>
    %select_n3A_455 = arith.select %gt3A_448, %broadcast_in_dim3A_454, %select_n3A_394 : vector<128x128xi1>, vector<128x128xf32>
    %broadcast_in_dim3A_456 = vector.broadcast %get3A_414 : f32 to vector<128x128xf32>
    %select_n3A_457 = arith.select %gt3A_448, %broadcast_in_dim3A_456, %select_n3A_396 : vector<128x128xi1>, vector<128x128xf32>
    %reduce_max3A_458 = arith.constant dense<0xFF800000> : vector<128xf32>
    %reduce_max3A_459 = vector.multi_reduction <maximumf>, %div3A_441, %reduce_max3A_458 [0] : vector<128x128xf32> to vector<128xf32>
    %get3A_460 = arith.index_cast %add3A_29 : i32 to index
    %get3A_461 = arith.constant 7 : index
    %get3A_462 = arith.constant 0 : index
    %get3A_463 = memref.load %arg1[%get3A_460, %get3A_461, %get3A_462] : memref<16x20x4xf32, #tpu.memory_space<smem>>
    %get3A_464 = arith.index_cast %add3A_29 : i32 to index
    %get3A_465 = arith.constant 7 : index
    %get3A_466 = arith.constant 1 : index
    %get3A_467 = memref.load %arg1[%get3A_464, %get3A_465, %get3A_466] : memref<16x20x4xf32, #tpu.memory_space<smem>>
    %get3A_468 = arith.index_cast %add3A_29 : i32 to index
    %get3A_469 = arith.constant 7 : index
    %get3A_470 = arith.constant 2 : index
    %get3A_471 = memref.load %arg1[%get3A_468, %get3A_469, %get3A_470] : memref<16x20x4xf32, #tpu.memory_space<smem>>
    %get3A_472 = arith.index_cast %add3A_29 : i32 to index
    %get3A_473 = arith.constant 7 : index
    %get3A_474 = arith.constant 3 : index
    %get3A_475 = memref.load %arg1[%get3A_472, %get3A_473, %get3A_474] : memref<16x20x4xf32, #tpu.memory_space<smem>>
    %max3A_476 = vector.broadcast %get3A_463 : f32 to vector<128x128xf32>
    %max3A_477 = arith.maximumf %get3A_5, %max3A_476 : vector<128x128xf32>
    %max3A_478 = vector.broadcast %get3A_467 : f32 to vector<128x128xf32>
    %max3A_479 = arith.maximumf %get3A_10, %max3A_478 : vector<128x128xf32>
    %min3A_480 = vector.broadcast %get3A_471 : f32 to vector<128x128xf32>
    %min3A_481 = arith.minimumf %get3A_15, %min3A_480 : vector<128x128xf32>
    %min3A_482 = vector.broadcast %get3A_475 : f32 to vector<128x128xf32>
    %min3A_483 = arith.minimumf %get3A_20, %min3A_482 : vector<128x128xf32>
    %sub3A_484 = arith.subf %min3A_481, %max3A_477 : vector<128x128xf32>
    %jit3A_485 = arith.constant 0.000000e+00 : f32
    %max3A_486 = vector.broadcast %jit3A_485 : f32 to vector<128x128xf32>
    %max3A_487 = arith.maximumf %max3A_486, %sub3A_484 : vector<128x128xf32>
    %sub3A_488 = arith.subf %min3A_483, %max3A_479 : vector<128x128xf32>
    %jit3A_489 = arith.constant 0.000000e+00 : f32
    %max3A_490 = vector.broadcast %jit3A_489 : f32 to vector<128x128xf32>
    %max3A_491 = arith.maximumf %max3A_490, %sub3A_488 : vector<128x128xf32>
    %mul3A_492 = arith.mulf %max3A_487, %max3A_491 : vector<128x128xf32>
    %sub3A_493 = arith.subf %get3A_471, %get3A_463 : f32
    %sub3A_494 = arith.subf %get3A_475, %get3A_467 : f32
    %mul3A_495 = arith.mulf %sub3A_493, %sub3A_494 : f32
    %add3A_496 = vector.broadcast %mul3A_495 : f32 to vector<128x128xf32>
    %add3A_497 = arith.addf %mul3A, %add3A_496 : vector<128x128xf32>
    %sub3A_498 = arith.subf %add3A_497, %mul3A_492 : vector<128x128xf32>
    %add3A_499 = arith.constant 1.000000e-10 : f32
    %add3A_500 = vector.broadcast %add3A_499 : f32 to vector<128x128xf32>
    %add3A_501 = arith.addf %sub3A_498, %add3A_500 : vector<128x128xf32>
    %div3A_502 = arith.divf %mul3A_492, %add3A_501 : vector<128x128xf32>
    %swap3A_503 = arith.constant 7 : index
    %swap3A_504 = arith.constant 0 : index
    %swap3A_505 = arith.constant 0 : index
    %swap3A_506 = vector.load %arg10[%swap3A_503, %swap3A_504, %swap3A_505] : memref<20x128x128xf32, #tpu.memory_space<vmem>>, vector<1x128x128xf32>
    %swap3A_507 = vector.shape_cast %swap3A_506 : vector<1x128x128xf32> to vector<128x128xf32>
    %swap3A_508 = vector.shape_cast %div3A_502 : vector<128x128xf32> to vector<1x128x128xf32>
    tpu.vector_store %arg10[%swap3A_503, %swap3A_504, %swap3A_505], %swap3A_508 {strides = array<i32>} : memref<20x128x128xf32, #tpu.memory_space<vmem>>, vector<1x128x128xf32>,
    %gt3A_509 = arith.cmpf ogt, %div3A_502, %select_n3A_449 : vector<128x128xf32>
    %select_n3A_510 = arith.select %gt3A_509, %div3A_502, %select_n3A_449 : vector<128x128xi1>, vector<128x128xf32>
    %broadcast_in_dim3A_511 = vector.broadcast %get3A_463 : f32 to vector<128x128xf32>
    %select_n3A_512 = arith.select %gt3A_509, %broadcast_in_dim3A_511, %select_n3A_451 : vector<128x128xi1>, vector<128x128xf32>
    %broadcast_in_dim3A_513 = vector.broadcast %get3A_467 : f32 to vector<128x128xf32>
    %select_n3A_514 = arith.select %gt3A_509, %broadcast_in_dim3A_513, %select_n3A_453 : vector<128x128xi1>, vector<128x128xf32>
    %broadcast_in_dim3A_515 = vector.broadcast %get3A_471 : f32 to vector<128x128xf32>
    %select_n3A_516 = arith.select %gt3A_509, %broadcast_in_dim3A_515, %select_n3A_455 : vector<128x128xi1>, vector<128x128xf32>
    %broadcast_in_dim3A_517 = vector.broadcast %get3A_475 : f32 to vector<128x128xf32>
    %select_n3A_518 = arith.select %gt3A_509, %broadcast_in_dim3A_517, %select_n3A_457 : vector<128x128xi1>, vector<128x128xf32>
    %reduce_max3A_519 = arith.constant dense<0xFF800000> : vector<128xf32>
    %reduce_max3A_520 = vector.multi_reduction <maximumf>, %div3A_502, %reduce_max3A_519 [0] : vector<128x128xf32> to vector<128xf32>
    %get3A_521 = arith.index_cast %add3A_29 : i32 to index
    %get3A_522 = arith.constant 8 : index
    %get3A_523 = arith.constant 0 : index
    %get3A_524 = memref.load %arg1[%get3A_521, %get3A_522, %get3A_523] : memref<16x20x4xf32, #tpu.memory_space<smem>>
    %get3A_525 = arith.index_cast %add3A_29 : i32 to index
    %get3A_526 = arith.constant 8 : index
    %get3A_527 = arith.constant 1 : index
    %get3A_528 = memref.load %arg1[%get3A_525, %get3A_526, %get3A_527] : memref<16x20x4xf32, #tpu.memory_space<smem>>
    %get3A_529 = arith.index_cast %add3A_29 : i32 to index
    %get3A_530 = arith.constant 8 : index
    %get3A_531 = arith.constant 2 : index
    %get3A_532 = memref.load %arg1[%get3A_529, %get3A_530, %get3A_531] : memref<16x20x4xf32, #tpu.memory_space<smem>>
    %get3A_533 = arith.index_cast %add3A_29 : i32 to index
    %get3A_534 = arith.constant 8 : index
    %get3A_535 = arith.constant 3 : index
    %get3A_536 = memref.load %arg1[%get3A_533, %get3A_534, %get3A_535] : memref<16x20x4xf32, #tpu.memory_space<smem>>
    %max3A_537 = vector.broadcast %get3A_524 : f32 to vector<128x128xf32>
    %max3A_538 = arith.maximumf %get3A_5, %max3A_537 : vector<128x128xf32>
    %max3A_539 = vector.broadcast %get3A_528 : f32 to vector<128x128xf32>
    %max3A_540 = arith.maximumf %get3A_10, %max3A_539 : vector<128x128xf32>
    %min3A_541 = vector.broadcast %get3A_532 : f32 to vector<128x128xf32>
    %min3A_542 = arith.minimumf %get3A_15, %min3A_541 : vector<128x128xf32>
    %min3A_543 = vector.broadcast %get3A_536 : f32 to vector<128x128xf32>
    %min3A_544 = arith.minimumf %get3A_20, %min3A_543 : vector<128x128xf32>
    %sub3A_545 = arith.subf %min3A_542, %max3A_538 : vector<128x128xf32>
    %jit3A_546 = arith.constant 0.000000e+00 : f32
    %max3A_547 = vector.broadcast %jit3A_546 : f32 to vector<128x128xf32>
    %max3A_548 = arith.maximumf %max3A_547, %sub3A_545 : vector<128x128xf32>
    %sub3A_549 = arith.subf %min3A_544, %max3A_540 : vector<128x128xf32>
    %jit3A_550 = arith.constant 0.000000e+00 : f32
    %max3A_551 = vector.broadcast %jit3A_550 : f32 to vector<128x128xf32>
    %max3A_552 = arith.maximumf %max3A_551, %sub3A_549 : vector<128x128xf32>
    %mul3A_553 = arith.mulf %max3A_548, %max3A_552 : vector<128x128xf32>
    %sub3A_554 = arith.subf %get3A_532, %get3A_524 : f32
    %sub3A_555 = arith.subf %get3A_536, %get3A_528 : f32
    %mul3A_556 = arith.mulf %sub3A_554, %sub3A_555 : f32
    %add3A_557 = vector.broadcast %mul3A_556 : f32 to vector<128x128xf32>
    %add3A_558 = arith.addf %mul3A, %add3A_557 : vector<128x128xf32>
    %sub3A_559 = arith.subf %add3A_558, %mul3A_553 : vector<128x128xf32>
    %add3A_560 = arith.constant 1.000000e-10 : f32
    %add3A_561 = vector.broadcast %add3A_560 : f32 to vector<128x128xf32>
    %add3A_562 = arith.addf %sub3A_559, %add3A_561 : vector<128x128xf32>
    %div3A_563 = arith.divf %mul3A_553, %add3A_562 : vector<128x128xf32>
    %swap3A_564 = arith.constant 8 : index
    %swap3A_565 = arith.constant 0 : index
    %swap3A_566 = arith.constant 0 : index
    %swap3A_567 = vector.load %arg10[%swap3A_564, %swap3A_565, %swap3A_566] : memref<20x128x128xf32, #tpu.memory_space<vmem>>, vector<1x128x128xf32>
    %swap3A_568 = vector.shape_cast %swap3A_567 : vector<1x128x128xf32> to vector<128x128xf32>
    %swap3A_569 = vector.shape_cast %div3A_563 : vector<128x128xf32> to vector<1x128x128xf32>
    tpu.vector_store %arg10[%swap3A_564, %swap3A_565, %swap3A_566], %swap3A_569 {strides = array<i32>} : memref<20x128x128xf32, #tpu.memory_space<vmem>>, vector<1x128x128xf32>,
    %gt3A_570 = arith.cmpf ogt, %div3A_563, %select_n3A_510 : vector<128x128xf32>
    %select_n3A_571 = arith.select %gt3A_570, %div3A_563, %select_n3A_510 : vector<128x128xi1>, vector<128x128xf32>
    %broadcast_in_dim3A_572 = vector.broadcast %get3A_524 : f32 to vector<128x128xf32>
    %select_n3A_573 = arith.select %gt3A_570, %broadcast_in_dim3A_572, %select_n3A_512 : vector<128x128xi1>, vector<128x128xf32>
    %broadcast_in_dim3A_574 = vector.broadcast %get3A_528 : f32 to vector<128x128xf32>
    %select_n3A_575 = arith.select %gt3A_570, %broadcast_in_dim3A_574, %select_n3A_514 : vector<128x128xi1>, vector<128x128xf32>
    %broadcast_in_dim3A_576 = vector.broadcast %get3A_532 : f32 to vector<128x128xf32>
    %select_n3A_577 = arith.select %gt3A_570, %broadcast_in_dim3A_576, %select_n3A_516 : vector<128x128xi1>, vector<128x128xf32>
    %broadcast_in_dim3A_578 = vector.broadcast %get3A_536 : f32 to vector<128x128xf32>
    %select_n3A_579 = arith.select %gt3A_570, %broadcast_in_dim3A_578, %select_n3A_518 : vector<128x128xi1>, vector<128x128xf32>
    %reduce_max3A_580 = arith.constant dense<0xFF800000> : vector<128xf32>
    %reduce_max3A_581 = vector.multi_reduction <maximumf>, %div3A_563, %reduce_max3A_580 [0] : vector<128x128xf32> to vector<128xf32>
    %get3A_582 = arith.index_cast %add3A_29 : i32 to index
    %get3A_583 = arith.constant 9 : index
    %get3A_584 = arith.constant 0 : index
    %get3A_585 = memref.load %arg1[%get3A_582, %get3A_583, %get3A_584] : memref<16x20x4xf32, #tpu.memory_space<smem>>
    %get3A_586 = arith.index_cast %add3A_29 : i32 to index
    %get3A_587 = arith.constant 9 : index
    %get3A_588 = arith.constant 1 : index
    %get3A_589 = memref.load %arg1[%get3A_586, %get3A_587, %get3A_588] : memref<16x20x4xf32, #tpu.memory_space<smem>>
    %get3A_590 = arith.index_cast %add3A_29 : i32 to index
    %get3A_591 = arith.constant 9 : index
    %get3A_592 = arith.constant 2 : index
    %get3A_593 = memref.load %arg1[%get3A_590, %get3A_591, %get3A_592] : memref<16x20x4xf32, #tpu.memory_space<smem>>
    %get3A_594 = arith.index_cast %add3A_29 : i32 to index
    %get3A_595 = arith.constant 9 : index
    %get3A_596 = arith.constant 3 : index
    %get3A_597 = memref.load %arg1[%get3A_594, %get3A_595, %get3A_596] : memref<16x20x4xf32, #tpu.memory_space<smem>>
    %max3A_598 = vector.broadcast %get3A_585 : f32 to vector<128x128xf32>
    %max3A_599 = arith.maximumf %get3A_5, %max3A_598 : vector<128x128xf32>
    %max3A_600 = vector.broadcast %get3A_589 : f32 to vector<128x128xf32>
    %max3A_601 = arith.maximumf %get3A_10, %max3A_600 : vector<128x128xf32>
    %min3A_602 = vector.broadcast %get3A_593 : f32 to vector<128x128xf32>
    %min3A_603 = arith.minimumf %get3A_15, %min3A_602 : vector<128x128xf32>
    %min3A_604 = vector.broadcast %get3A_597 : f32 to vector<128x128xf32>
    %min3A_605 = arith.minimumf %get3A_20, %min3A_604 : vector<128x128xf32>
    %sub3A_606 = arith.subf %min3A_603, %max3A_599 : vector<128x128xf32>
    %jit3A_607 = arith.constant 0.000000e+00 : f32
    %max3A_608 = vector.broadcast %jit3A_607 : f32 to vector<128x128xf32>
    %max3A_609 = arith.maximumf %max3A_608, %sub3A_606 : vector<128x128xf32>
    %sub3A_610 = arith.subf %min3A_605, %max3A_601 : vector<128x128xf32>
    %jit3A_611 = arith.constant 0.000000e+00 : f32
    %max3A_612 = vector.broadcast %jit3A_611 : f32 to vector<128x128xf32>
    %max3A_613 = arith.maximumf %max3A_612, %sub3A_610 : vector<128x128xf32>
    %mul3A_614 = arith.mulf %max3A_609, %max3A_613 : vector<128x128xf32>
    %sub3A_615 = arith.subf %get3A_593, %get3A_585 : f32
    %sub3A_616 = arith.subf %get3A_597, %get3A_589 : f32
    %mul3A_617 = arith.mulf %sub3A_615, %sub3A_616 : f32
    %add3A_618 = vector.broadcast %mul3A_617 : f32 to vector<128x128xf32>
    %add3A_619 = arith.addf %mul3A, %add3A_618 : vector<128x128xf32>
    %sub3A_620 = arith.subf %add3A_619, %mul3A_614 : vector<128x128xf32>
    %add3A_621 = arith.constant 1.000000e-10 : f32
    %add3A_622 = vector.broadcast %add3A_621 : f32 to vector<128x128xf32>
    %add3A_623 = arith.addf %sub3A_620, %add3A_622 : vector<128x128xf32>
    %div3A_624 = arith.divf %mul3A_614, %add3A_623 : vector<128x128xf32>
    %swap3A_625 = arith.constant 9 : index
    %swap3A_626 = arith.constant 0 : index
    %swap3A_627 = arith.constant 0 : index
    %swap3A_628 = vector.load %arg10[%swap3A_625, %swap3A_626, %swap3A_627] : memref<20x128x128xf32, #tpu.memory_space<vmem>>, vector<1x128x128xf32>
    %swap3A_629 = vector.shape_cast %swap3A_628 : vector<1x128x128xf32> to vector<128x128xf32>
    %swap3A_630 = vector.shape_cast %div3A_624 : vector<128x128xf32> to vector<1x128x128xf32>
    tpu.vector_store %arg10[%swap3A_625, %swap3A_626, %swap3A_627], %swap3A_630 {strides = array<i32>} : memref<20x128x128xf32, #tpu.memory_space<vmem>>, vector<1x128x128xf32>,
    %gt3A_631 = arith.cmpf ogt, %div3A_624, %select_n3A_571 : vector<128x128xf32>
    %select_n3A_632 = arith.select %gt3A_631, %div3A_624, %select_n3A_571 : vector<128x128xi1>, vector<128x128xf32>
    %broadcast_in_dim3A_633 = vector.broadcast %get3A_585 : f32 to vector<128x128xf32>
    %select_n3A_634 = arith.select %gt3A_631, %broadcast_in_dim3A_633, %select_n3A_573 : vector<128x128xi1>, vector<128x128xf32>
    %broadcast_in_dim3A_635 = vector.broadcast %get3A_589 : f32 to vector<128x128xf32>
    %select_n3A_636 = arith.select %gt3A_631, %broadcast_in_dim3A_635, %select_n3A_575 : vector<128x128xi1>, vector<128x128xf32>
    %broadcast_in_dim3A_637 = vector.broadcast %get3A_593 : f32 to vector<128x128xf32>
    %select_n3A_638 = arith.select %gt3A_631, %broadcast_in_dim3A_637, %select_n3A_577 : vector<128x128xi1>, vector<128x128xf32>
    %broadcast_in_dim3A_639 = vector.broadcast %get3A_597 : f32 to vector<128x128xf32>
    %select_n3A_640 = arith.select %gt3A_631, %broadcast_in_dim3A_639, %select_n3A_579 : vector<128x128xi1>, vector<128x128xf32>
    %reduce_max3A_641 = arith.constant dense<0xFF800000> : vector<128xf32>
    %reduce_max3A_642 = vector.multi_reduction <maximumf>, %div3A_624, %reduce_max3A_641 [0] : vector<128x128xf32> to vector<128xf32>
    %get3A_643 = arith.index_cast %add3A_29 : i32 to index
    %get3A_644 = arith.constant 10 : index
    %get3A_645 = arith.constant 0 : index
    %get3A_646 = memref.load %arg1[%get3A_643, %get3A_644, %get3A_645] : memref<16x20x4xf32, #tpu.memory_space<smem>>
    %get3A_647 = arith.index_cast %add3A_29 : i32 to index
    %get3A_648 = arith.constant 10 : index
    %get3A_649 = arith.constant 1 : index
    %get3A_650 = memref.load %arg1[%get3A_647, %get3A_648, %get3A_649] : memref<16x20x4xf32, #tpu.memory_space<smem>>
    %get3A_651 = arith.index_cast %add3A_29 : i32 to index
    %get3A_652 = arith.constant 10 : index
    %get3A_653 = arith.constant 2 : index
    %get3A_654 = memref.load %arg1[%get3A_651, %get3A_652, %get3A_653] : memref<16x20x4xf32, #tpu.memory_space<smem>>
    %get3A_655 = arith.index_cast %add3A_29 : i32 to index
    %get3A_656 = arith.constant 10 : index
    %get3A_657 = arith.constant 3 : index
    %get3A_658 = memref.load %arg1[%get3A_655, %get3A_656, %get3A_657] : memref<16x20x4xf32, #tpu.memory_space<smem>>
    %max3A_659 = vector.broadcast %get3A_646 : f32 to vector<128x128xf32>
    %max3A_660 = arith.maximumf %get3A_5, %max3A_659 : vector<128x128xf32>
    %max3A_661 = vector.broadcast %get3A_650 : f32 to vector<128x128xf32>
    %max3A_662 = arith.maximumf %get3A_10, %max3A_661 : vector<128x128xf32>
    %min3A_663 = vector.broadcast %get3A_654 : f32 to vector<128x128xf32>
    %min3A_664 = arith.minimumf %get3A_15, %min3A_663 : vector<128x128xf32>
    %min3A_665 = vector.broadcast %get3A_658 : f32 to vector<128x128xf32>
    %min3A_666 = arith.minimumf %get3A_20, %min3A_665 : vector<128x128xf32>
    %sub3A_667 = arith.subf %min3A_664, %max3A_660 : vector<128x128xf32>
    %jit3A_668 = arith.constant 0.000000e+00 : f32
    %max3A_669 = vector.broadcast %jit3A_668 : f32 to vector<128x128xf32>
    %max3A_670 = arith.maximumf %max3A_669, %sub3A_667 : vector<128x128xf32>
    %sub3A_671 = arith.subf %min3A_666, %max3A_662 : vector<128x128xf32>
    %jit3A_672 = arith.constant 0.000000e+00 : f32
    %max3A_673 = vector.broadcast %jit3A_672 : f32 to vector<128x128xf32>
    %max3A_674 = arith.maximumf %max3A_673, %sub3A_671 : vector<128x128xf32>
    %mul3A_675 = arith.mulf %max3A_670, %max3A_674 : vector<128x128xf32>
    %sub3A_676 = arith.subf %get3A_654, %get3A_646 : f32
    %sub3A_677 = arith.subf %get3A_658, %get3A_650 : f32
    %mul3A_678 = arith.mulf %sub3A_676, %sub3A_677 : f32
    %add3A_679 = vector.broadcast %mul3A_678 : f32 to vector<128x128xf32>
    %add3A_680 = arith.addf %mul3A, %add3A_679 : vector<128x128xf32>
    %sub3A_681 = arith.subf %add3A_680, %mul3A_675 : vector<128x128xf32>
    %add3A_682 = arith.constant 1.000000e-10 : f32
    %add3A_683 = vector.broadcast %add3A_682 : f32 to vector<128x128xf32>
    %add3A_684 = arith.addf %sub3A_681, %add3A_683 : vector<128x128xf32>
    %div3A_685 = arith.divf %mul3A_675, %add3A_684 : vector<128x128xf32>
    %swap3A_686 = arith.constant 10 : index
    %swap3A_687 = arith.constant 0 : index
    %swap3A_688 = arith.constant 0 : index
    %swap3A_689 = vector.load %arg10[%swap3A_686, %swap3A_687, %swap3A_688] : memref<20x128x128xf32, #tpu.memory_space<vmem>>, vector<1x128x128xf32>
    %swap3A_690 = vector.shape_cast %swap3A_689 : vector<1x128x128xf32> to vector<128x128xf32>
    %swap3A_691 = vector.shape_cast %div3A_685 : vector<128x128xf32> to vector<1x128x128xf32>
    tpu.vector_store %arg10[%swap3A_686, %swap3A_687, %swap3A_688], %swap3A_691 {strides = array<i32>} : memref<20x128x128xf32, #tpu.memory_space<vmem>>, vector<1x128x128xf32>,
    %gt3A_692 = arith.cmpf ogt, %div3A_685, %select_n3A_632 : vector<128x128xf32>
    %select_n3A_693 = arith.select %gt3A_692, %div3A_685, %select_n3A_632 : vector<128x128xi1>, vector<128x128xf32>
    %broadcast_in_dim3A_694 = vector.broadcast %get3A_646 : f32 to vector<128x128xf32>
    %select_n3A_695 = arith.select %gt3A_692, %broadcast_in_dim3A_694, %select_n3A_634 : vector<128x128xi1>, vector<128x128xf32>
    %broadcast_in_dim3A_696 = vector.broadcast %get3A_650 : f32 to vector<128x128xf32>
    %select_n3A_697 = arith.select %gt3A_692, %broadcast_in_dim3A_696, %select_n3A_636 : vector<128x128xi1>, vector<128x128xf32>
    %broadcast_in_dim3A_698 = vector.broadcast %get3A_654 : f32 to vector<128x128xf32>
    %select_n3A_699 = arith.select %gt3A_692, %broadcast_in_dim3A_698, %select_n3A_638 : vector<128x128xi1>, vector<128x128xf32>
    %broadcast_in_dim3A_700 = vector.broadcast %get3A_658 : f32 to vector<128x128xf32>
    %select_n3A_701 = arith.select %gt3A_692, %broadcast_in_dim3A_700, %select_n3A_640 : vector<128x128xi1>, vector<128x128xf32>
    %reduce_max3A_702 = arith.constant dense<0xFF800000> : vector<128xf32>
    %reduce_max3A_703 = vector.multi_reduction <maximumf>, %div3A_685, %reduce_max3A_702 [0] : vector<128x128xf32> to vector<128xf32>
    %get3A_704 = arith.index_cast %add3A_29 : i32 to index
    %get3A_705 = arith.constant 11 : index
    %get3A_706 = arith.constant 0 : index
    %get3A_707 = memref.load %arg1[%get3A_704, %get3A_705, %get3A_706] : memref<16x20x4xf32, #tpu.memory_space<smem>>
    %get3A_708 = arith.index_cast %add3A_29 : i32 to index
    %get3A_709 = arith.constant 11 : index
    %get3A_710 = arith.constant 1 : index
    %get3A_711 = memref.load %arg1[%get3A_708, %get3A_709, %get3A_710] : memref<16x20x4xf32, #tpu.memory_space<smem>>
    %get3A_712 = arith.index_cast %add3A_29 : i32 to index
    %get3A_713 = arith.constant 11 : index
    %get3A_714 = arith.constant 2 : index
    %get3A_715 = memref.load %arg1[%get3A_712, %get3A_713, %get3A_714] : memref<16x20x4xf32, #tpu.memory_space<smem>>
    %get3A_716 = arith.index_cast %add3A_29 : i32 to index
    %get3A_717 = arith.constant 11 : index
    %get3A_718 = arith.constant 3 : index
    %get3A_719 = memref.load %arg1[%get3A_716, %get3A_717, %get3A_718] : memref<16x20x4xf32, #tpu.memory_space<smem>>
    %max3A_720 = vector.broadcast %get3A_707 : f32 to vector<128x128xf32>
    %max3A_721 = arith.maximumf %get3A_5, %max3A_720 : vector<128x128xf32>
    %max3A_722 = vector.broadcast %get3A_711 : f32 to vector<128x128xf32>
    %max3A_723 = arith.maximumf %get3A_10, %max3A_722 : vector<128x128xf32>
    %min3A_724 = vector.broadcast %get3A_715 : f32 to vector<128x128xf32>
    %min3A_725 = arith.minimumf %get3A_15, %min3A_724 : vector<128x128xf32>
    %min3A_726 = vector.broadcast %get3A_719 : f32 to vector<128x128xf32>
    %min3A_727 = arith.minimumf %get3A_20, %min3A_726 : vector<128x128xf32>
    %sub3A_728 = arith.subf %min3A_725, %max3A_721 : vector<128x128xf32>
    %jit3A_729 = arith.constant 0.000000e+00 : f32
    %max3A_730 = vector.broadcast %jit3A_729 : f32 to vector<128x128xf32>
    %max3A_731 = arith.maximumf %max3A_730, %sub3A_728 : vector<128x128xf32>
    %sub3A_732 = arith.subf %min3A_727, %max3A_723 : vector<128x128xf32>
    %jit3A_733 = arith.constant 0.000000e+00 : f32
    %max3A_734 = vector.broadcast %jit3A_733 : f32 to vector<128x128xf32>
    %max3A_735 = arith.maximumf %max3A_734, %sub3A_732 : vector<128x128xf32>
    %mul3A_736 = arith.mulf %max3A_731, %max3A_735 : vector<128x128xf32>
    %sub3A_737 = arith.subf %get3A_715, %get3A_707 : f32
    %sub3A_738 = arith.subf %get3A_719, %get3A_711 : f32
    %mul3A_739 = arith.mulf %sub3A_737, %sub3A_738 : f32
    %add3A_740 = vector.broadcast %mul3A_739 : f32 to vector<128x128xf32>
    %add3A_741 = arith.addf %mul3A, %add3A_740 : vector<128x128xf32>
    %sub3A_742 = arith.subf %add3A_741, %mul3A_736 : vector<128x128xf32>
    %add3A_743 = arith.constant 1.000000e-10 : f32
    %add3A_744 = vector.broadcast %add3A_743 : f32 to vector<128x128xf32>
    %add3A_745 = arith.addf %sub3A_742, %add3A_744 : vector<128x128xf32>
    %div3A_746 = arith.divf %mul3A_736, %add3A_745 : vector<128x128xf32>
    %swap3A_747 = arith.constant 11 : index
    %swap3A_748 = arith.constant 0 : index
    %swap3A_749 = arith.constant 0 : index
    %swap3A_750 = vector.load %arg10[%swap3A_747, %swap3A_748, %swap3A_749] : memref<20x128x128xf32, #tpu.memory_space<vmem>>, vector<1x128x128xf32>
    %swap3A_751 = vector.shape_cast %swap3A_750 : vector<1x128x128xf32> to vector<128x128xf32>
    %swap3A_752 = vector.shape_cast %div3A_746 : vector<128x128xf32> to vector<1x128x128xf32>
    tpu.vector_store %arg10[%swap3A_747, %swap3A_748, %swap3A_749], %swap3A_752 {strides = array<i32>} : memref<20x128x128xf32, #tpu.memory_space<vmem>>, vector<1x128x128xf32>,
    %gt3A_753 = arith.cmpf ogt, %div3A_746, %select_n3A_693 : vector<128x128xf32>
    %select_n3A_754 = arith.select %gt3A_753, %div3A_746, %select_n3A_693 : vector<128x128xi1>, vector<128x128xf32>
    %broadcast_in_dim3A_755 = vector.broadcast %get3A_707 : f32 to vector<128x128xf32>
    %select_n3A_756 = arith.select %gt3A_753, %broadcast_in_dim3A_755, %select_n3A_695 : vector<128x128xi1>, vector<128x128xf32>
    %broadcast_in_dim3A_757 = vector.broadcast %get3A_711 : f32 to vector<128x128xf32>
    %select_n3A_758 = arith.select %gt3A_753, %broadcast_in_dim3A_757, %select_n3A_697 : vector<128x128xi1>, vector<128x128xf32>
    %broadcast_in_dim3A_759 = vector.broadcast %get3A_715 : f32 to vector<128x128xf32>
    %select_n3A_760 = arith.select %gt3A_753, %broadcast_in_dim3A_759, %select_n3A_699 : vector<128x128xi1>, vector<128x128xf32>
    %broadcast_in_dim3A_761 = vector.broadcast %get3A_719 : f32 to vector<128x128xf32>
    %select_n3A_762 = arith.select %gt3A_753, %broadcast_in_dim3A_761, %select_n3A_701 : vector<128x128xi1>, vector<128x128xf32>
    %reduce_max3A_763 = arith.constant dense<0xFF800000> : vector<128xf32>
    %reduce_max3A_764 = vector.multi_reduction <maximumf>, %div3A_746, %reduce_max3A_763 [0] : vector<128x128xf32> to vector<128xf32>
    %get3A_765 = arith.index_cast %add3A_29 : i32 to index
    %get3A_766 = arith.constant 12 : index
    %get3A_767 = arith.constant 0 : index
    %get3A_768 = memref.load %arg1[%get3A_765, %get3A_766, %get3A_767] : memref<16x20x4xf32, #tpu.memory_space<smem>>
    %get3A_769 = arith.index_cast %add3A_29 : i32 to index
    %get3A_770 = arith.constant 12 : index
    %get3A_771 = arith.constant 1 : index
    %get3A_772 = memref.load %arg1[%get3A_769, %get3A_770, %get3A_771] : memref<16x20x4xf32, #tpu.memory_space<smem>>
    %get3A_773 = arith.index_cast %add3A_29 : i32 to index
    %get3A_774 = arith.constant 12 : index
    %get3A_775 = arith.constant 2 : index
    %get3A_776 = memref.load %arg1[%get3A_773, %get3A_774, %get3A_775] : memref<16x20x4xf32, #tpu.memory_space<smem>>
    %get3A_777 = arith.index_cast %add3A_29 : i32 to index
    %get3A_778 = arith.constant 12 : index
    %get3A_779 = arith.constant 3 : index
    %get3A_780 = memref.load %arg1[%get3A_777, %get3A_778, %get3A_779] : memref<16x20x4xf32, #tpu.memory_space<smem>>
    %max3A_781 = vector.broadcast %get3A_768 : f32 to vector<128x128xf32>
    %max3A_782 = arith.maximumf %get3A_5, %max3A_781 : vector<128x128xf32>
    %max3A_783 = vector.broadcast %get3A_772 : f32 to vector<128x128xf32>
    %max3A_784 = arith.maximumf %get3A_10, %max3A_783 : vector<128x128xf32>
    %min3A_785 = vector.broadcast %get3A_776 : f32 to vector<128x128xf32>
    %min3A_786 = arith.minimumf %get3A_15, %min3A_785 : vector<128x128xf32>
    %min3A_787 = vector.broadcast %get3A_780 : f32 to vector<128x128xf32>
    %min3A_788 = arith.minimumf %get3A_20, %min3A_787 : vector<128x128xf32>
    %sub3A_789 = arith.subf %min3A_786, %max3A_782 : vector<128x128xf32>
    %jit3A_790 = arith.constant 0.000000e+00 : f32
    %max3A_791 = vector.broadcast %jit3A_790 : f32 to vector<128x128xf32>
    %max3A_792 = arith.maximumf %max3A_791, %sub3A_789 : vector<128x128xf32>
    %sub3A_793 = arith.subf %min3A_788, %max3A_784 : vector<128x128xf32>
    %jit3A_794 = arith.constant 0.000000e+00 : f32
    %max3A_795 = vector.broadcast %jit3A_794 : f32 to vector<128x128xf32>
    %max3A_796 = arith.maximumf %max3A_795, %sub3A_793 : vector<128x128xf32>
    %mul3A_797 = arith.mulf %max3A_792, %max3A_796 : vector<128x128xf32>
    %sub3A_798 = arith.subf %get3A_776, %get3A_768 : f32
    %sub3A_799 = arith.subf %get3A_780, %get3A_772 : f32
    %mul3A_800 = arith.mulf %sub3A_798, %sub3A_799 : f32
    %add3A_801 = vector.broadcast %mul3A_800 : f32 to vector<128x128xf32>
    %add3A_802 = arith.addf %mul3A, %add3A_801 : vector<128x128xf32>
    %sub3A_803 = arith.subf %add3A_802, %mul3A_797 : vector<128x128xf32>
    %add3A_804 = arith.constant 1.000000e-10 : f32
    %add3A_805 = vector.broadcast %add3A_804 : f32 to vector<128x128xf32>
    %add3A_806 = arith.addf %sub3A_803, %add3A_805 : vector<128x128xf32>
    %div3A_807 = arith.divf %mul3A_797, %add3A_806 : vector<128x128xf32>
    %swap3A_808 = arith.constant 12 : index
    %swap3A_809 = arith.constant 0 : index
    %swap3A_810 = arith.constant 0 : index
    %swap3A_811 = vector.load %arg10[%swap3A_808, %swap3A_809, %swap3A_810] : memref<20x128x128xf32, #tpu.memory_space<vmem>>, vector<1x128x128xf32>
    %swap3A_812 = vector.shape_cast %swap3A_811 : vector<1x128x128xf32> to vector<128x128xf32>
    %swap3A_813 = vector.shape_cast %div3A_807 : vector<128x128xf32> to vector<1x128x128xf32>
    tpu.vector_store %arg10[%swap3A_808, %swap3A_809, %swap3A_810], %swap3A_813 {strides = array<i32>} : memref<20x128x128xf32, #tpu.memory_space<vmem>>, vector<1x128x128xf32>,
    %gt3A_814 = arith.cmpf ogt, %div3A_807, %select_n3A_754 : vector<128x128xf32>
    %select_n3A_815 = arith.select %gt3A_814, %div3A_807, %select_n3A_754 : vector<128x128xi1>, vector<128x128xf32>
    %broadcast_in_dim3A_816 = vector.broadcast %get3A_768 : f32 to vector<128x128xf32>
    %select_n3A_817 = arith.select %gt3A_814, %broadcast_in_dim3A_816, %select_n3A_756 : vector<128x128xi1>, vector<128x128xf32>
    %broadcast_in_dim3A_818 = vector.broadcast %get3A_772 : f32 to vector<128x128xf32>
    %select_n3A_819 = arith.select %gt3A_814, %broadcast_in_dim3A_818, %select_n3A_758 : vector<128x128xi1>, vector<128x128xf32>
    %broadcast_in_dim3A_820 = vector.broadcast %get3A_776 : f32 to vector<128x128xf32>
    %select_n3A_821 = arith.select %gt3A_814, %broadcast_in_dim3A_820, %select_n3A_760 : vector<128x128xi1>, vector<128x128xf32>
    %broadcast_in_dim3A_822 = vector.broadcast %get3A_780 : f32 to vector<128x128xf32>
    %select_n3A_823 = arith.select %gt3A_814, %broadcast_in_dim3A_822, %select_n3A_762 : vector<128x128xi1>, vector<128x128xf32>
    %reduce_max3A_824 = arith.constant dense<0xFF800000> : vector<128xf32>
    %reduce_max3A_825 = vector.multi_reduction <maximumf>, %div3A_807, %reduce_max3A_824 [0] : vector<128x128xf32> to vector<128xf32>
    %get3A_826 = arith.index_cast %add3A_29 : i32 to index
    %get3A_827 = arith.constant 13 : index
    %get3A_828 = arith.constant 0 : index
    %get3A_829 = memref.load %arg1[%get3A_826, %get3A_827, %get3A_828] : memref<16x20x4xf32, #tpu.memory_space<smem>>
    %get3A_830 = arith.index_cast %add3A_29 : i32 to index
    %get3A_831 = arith.constant 13 : index
    %get3A_832 = arith.constant 1 : index
    %get3A_833 = memref.load %arg1[%get3A_830, %get3A_831, %get3A_832] : memref<16x20x4xf32, #tpu.memory_space<smem>>
    %get3A_834 = arith.index_cast %add3A_29 : i32 to index
    %get3A_835 = arith.constant 13 : index
    %get3A_836 = arith.constant 2 : index
    %get3A_837 = memref.load %arg1[%get3A_834, %get3A_835, %get3A_836] : memref<16x20x4xf32, #tpu.memory_space<smem>>
    %get3A_838 = arith.index_cast %add3A_29 : i32 to index
    %get3A_839 = arith.constant 13 : index
    %get3A_840 = arith.constant 3 : index
    %get3A_841 = memref.load %arg1[%get3A_838, %get3A_839, %get3A_840] : memref<16x20x4xf32, #tpu.memory_space<smem>>
    %max3A_842 = vector.broadcast %get3A_829 : f32 to vector<128x128xf32>
    %max3A_843 = arith.maximumf %get3A_5, %max3A_842 : vector<128x128xf32>
    %max3A_844 = vector.broadcast %get3A_833 : f32 to vector<128x128xf32>
    %max3A_845 = arith.maximumf %get3A_10, %max3A_844 : vector<128x128xf32>
    %min3A_846 = vector.broadcast %get3A_837 : f32 to vector<128x128xf32>
    %min3A_847 = arith.minimumf %get3A_15, %min3A_846 : vector<128x128xf32>
    %min3A_848 = vector.broadcast %get3A_841 : f32 to vector<128x128xf32>
    %min3A_849 = arith.minimumf %get3A_20, %min3A_848 : vector<128x128xf32>
    %sub3A_850 = arith.subf %min3A_847, %max3A_843 : vector<128x128xf32>
    %jit3A_851 = arith.constant 0.000000e+00 : f32
    %max3A_852 = vector.broadcast %jit3A_851 : f32 to vector<128x128xf32>
    %max3A_853 = arith.maximumf %max3A_852, %sub3A_850 : vector<128x128xf32>
    %sub3A_854 = arith.subf %min3A_849, %max3A_845 : vector<128x128xf32>
    %jit3A_855 = arith.constant 0.000000e+00 : f32
    %max3A_856 = vector.broadcast %jit3A_855 : f32 to vector<128x128xf32>
    %max3A_857 = arith.maximumf %max3A_856, %sub3A_854 : vector<128x128xf32>
    %mul3A_858 = arith.mulf %max3A_853, %max3A_857 : vector<128x128xf32>
    %sub3A_859 = arith.subf %get3A_837, %get3A_829 : f32
    %sub3A_860 = arith.subf %get3A_841, %get3A_833 : f32
    %mul3A_861 = arith.mulf %sub3A_859, %sub3A_860 : f32
    %add3A_862 = vector.broadcast %mul3A_861 : f32 to vector<128x128xf32>
    %add3A_863 = arith.addf %mul3A, %add3A_862 : vector<128x128xf32>
    %sub3A_864 = arith.subf %add3A_863, %mul3A_858 : vector<128x128xf32>
    %add3A_865 = arith.constant 1.000000e-10 : f32
    %add3A_866 = vector.broadcast %add3A_865 : f32 to vector<128x128xf32>
    %add3A_867 = arith.addf %sub3A_864, %add3A_866 : vector<128x128xf32>
    %div3A_868 = arith.divf %mul3A_858, %add3A_867 : vector<128x128xf32>
    %swap3A_869 = arith.constant 13 : index
    %swap3A_870 = arith.constant 0 : index
    %swap3A_871 = arith.constant 0 : index
    %swap3A_872 = vector.load %arg10[%swap3A_869, %swap3A_870, %swap3A_871] : memref<20x128x128xf32, #tpu.memory_space<vmem>>, vector<1x128x128xf32>
    %swap3A_873 = vector.shape_cast %swap3A_872 : vector<1x128x128xf32> to vector<128x128xf32>
    %swap3A_874 = vector.shape_cast %div3A_868 : vector<128x128xf32> to vector<1x128x128xf32>
    tpu.vector_store %arg10[%swap3A_869, %swap3A_870, %swap3A_871], %swap3A_874 {strides = array<i32>} : memref<20x128x128xf32, #tpu.memory_space<vmem>>, vector<1x128x128xf32>,
    %gt3A_875 = arith.cmpf ogt, %div3A_868, %select_n3A_815 : vector<128x128xf32>
    %select_n3A_876 = arith.select %gt3A_875, %div3A_868, %select_n3A_815 : vector<128x128xi1>, vector<128x128xf32>
    %broadcast_in_dim3A_877 = vector.broadcast %get3A_829 : f32 to vector<128x128xf32>
    %select_n3A_878 = arith.select %gt3A_875, %broadcast_in_dim3A_877, %select_n3A_817 : vector<128x128xi1>, vector<128x128xf32>
    %broadcast_in_dim3A_879 = vector.broadcast %get3A_833 : f32 to vector<128x128xf32>
    %select_n3A_880 = arith.select %gt3A_875, %broadcast_in_dim3A_879, %select_n3A_819 : vector<128x128xi1>, vector<128x128xf32>
    %broadcast_in_dim3A_881 = vector.broadcast %get3A_837 : f32 to vector<128x128xf32>
    %select_n3A_882 = arith.select %gt3A_875, %broadcast_in_dim3A_881, %select_n3A_821 : vector<128x128xi1>, vector<128x128xf32>
    %broadcast_in_dim3A_883 = vector.broadcast %get3A_841 : f32 to vector<128x128xf32>
    %select_n3A_884 = arith.select %gt3A_875, %broadcast_in_dim3A_883, %select_n3A_823 : vector<128x128xi1>, vector<128x128xf32>
    %reduce_max3A_885 = arith.constant dense<0xFF800000> : vector<128xf32>
    %reduce_max3A_886 = vector.multi_reduction <maximumf>, %div3A_868, %reduce_max3A_885 [0] : vector<128x128xf32> to vector<128xf32>
    %get3A_887 = arith.index_cast %add3A_29 : i32 to index
    %get3A_888 = arith.constant 14 : index
    %get3A_889 = arith.constant 0 : index
    %get3A_890 = memref.load %arg1[%get3A_887, %get3A_888, %get3A_889] : memref<16x20x4xf32, #tpu.memory_space<smem>>
    %get3A_891 = arith.index_cast %add3A_29 : i32 to index
    %get3A_892 = arith.constant 14 : index
    %get3A_893 = arith.constant 1 : index
    %get3A_894 = memref.load %arg1[%get3A_891, %get3A_892, %get3A_893] : memref<16x20x4xf32, #tpu.memory_space<smem>>
    %get3A_895 = arith.index_cast %add3A_29 : i32 to index
    %get3A_896 = arith.constant 14 : index
    %get3A_897 = arith.constant 2 : index
    %get3A_898 = memref.load %arg1[%get3A_895, %get3A_896, %get3A_897] : memref<16x20x4xf32, #tpu.memory_space<smem>>
    %get3A_899 = arith.index_cast %add3A_29 : i32 to index
    %get3A_900 = arith.constant 14 : index
    %get3A_901 = arith.constant 3 : index
    %get3A_902 = memref.load %arg1[%get3A_899, %get3A_900, %get3A_901] : memref<16x20x4xf32, #tpu.memory_space<smem>>
    %max3A_903 = vector.broadcast %get3A_890 : f32 to vector<128x128xf32>
    %max3A_904 = arith.maximumf %get3A_5, %max3A_903 : vector<128x128xf32>
    %max3A_905 = vector.broadcast %get3A_894 : f32 to vector<128x128xf32>
    %max3A_906 = arith.maximumf %get3A_10, %max3A_905 : vector<128x128xf32>
    %min3A_907 = vector.broadcast %get3A_898 : f32 to vector<128x128xf32>
    %min3A_908 = arith.minimumf %get3A_15, %min3A_907 : vector<128x128xf32>
    %min3A_909 = vector.broadcast %get3A_902 : f32 to vector<128x128xf32>
    %min3A_910 = arith.minimumf %get3A_20, %min3A_909 : vector<128x128xf32>
    %sub3A_911 = arith.subf %min3A_908, %max3A_904 : vector<128x128xf32>
    %jit3A_912 = arith.constant 0.000000e+00 : f32
    %max3A_913 = vector.broadcast %jit3A_912 : f32 to vector<128x128xf32>
    %max3A_914 = arith.maximumf %max3A_913, %sub3A_911 : vector<128x128xf32>
    %sub3A_915 = arith.subf %min3A_910, %max3A_906 : vector<128x128xf32>
    %jit3A_916 = arith.constant 0.000000e+00 : f32
    %max3A_917 = vector.broadcast %jit3A_916 : f32 to vector<128x128xf32>
    %max3A_918 = arith.maximumf %max3A_917, %sub3A_915 : vector<128x128xf32>
    %mul3A_919 = arith.mulf %max3A_914, %max3A_918 : vector<128x128xf32>
    %sub3A_920 = arith.subf %get3A_898, %get3A_890 : f32
    %sub3A_921 = arith.subf %get3A_902, %get3A_894 : f32
    %mul3A_922 = arith.mulf %sub3A_920, %sub3A_921 : f32
    %add3A_923 = vector.broadcast %mul3A_922 : f32 to vector<128x128xf32>
    %add3A_924 = arith.addf %mul3A, %add3A_923 : vector<128x128xf32>
    %sub3A_925 = arith.subf %add3A_924, %mul3A_919 : vector<128x128xf32>
    %add3A_926 = arith.constant 1.000000e-10 : f32
    %add3A_927 = vector.broadcast %add3A_926 : f32 to vector<128x128xf32>
    %add3A_928 = arith.addf %sub3A_925, %add3A_927 : vector<128x128xf32>
    %div3A_929 = arith.divf %mul3A_919, %add3A_928 : vector<128x128xf32>
    %swap3A_930 = arith.constant 14 : index
    %swap3A_931 = arith.constant 0 : index
    %swap3A_932 = arith.constant 0 : index
    %swap3A_933 = vector.load %arg10[%swap3A_930, %swap3A_931, %swap3A_932] : memref<20x128x128xf32, #tpu.memory_space<vmem>>, vector<1x128x128xf32>
    %swap3A_934 = vector.shape_cast %swap3A_933 : vector<1x128x128xf32> to vector<128x128xf32>
    %swap3A_935 = vector.shape_cast %div3A_929 : vector<128x128xf32> to vector<1x128x128xf32>
    tpu.vector_store %arg10[%swap3A_930, %swap3A_931, %swap3A_932], %swap3A_935 {strides = array<i32>} : memref<20x128x128xf32, #tpu.memory_space<vmem>>, vector<1x128x128xf32>,
    %gt3A_936 = arith.cmpf ogt, %div3A_929, %select_n3A_876 : vector<128x128xf32>
    %select_n3A_937 = arith.select %gt3A_936, %div3A_929, %select_n3A_876 : vector<128x128xi1>, vector<128x128xf32>
    %broadcast_in_dim3A_938 = vector.broadcast %get3A_890 : f32 to vector<128x128xf32>
    %select_n3A_939 = arith.select %gt3A_936, %broadcast_in_dim3A_938, %select_n3A_878 : vector<128x128xi1>, vector<128x128xf32>
    %broadcast_in_dim3A_940 = vector.broadcast %get3A_894 : f32 to vector<128x128xf32>
    %select_n3A_941 = arith.select %gt3A_936, %broadcast_in_dim3A_940, %select_n3A_880 : vector<128x128xi1>, vector<128x128xf32>
    %broadcast_in_dim3A_942 = vector.broadcast %get3A_898 : f32 to vector<128x128xf32>
    %select_n3A_943 = arith.select %gt3A_936, %broadcast_in_dim3A_942, %select_n3A_882 : vector<128x128xi1>, vector<128x128xf32>
    %broadcast_in_dim3A_944 = vector.broadcast %get3A_902 : f32 to vector<128x128xf32>
    %select_n3A_945 = arith.select %gt3A_936, %broadcast_in_dim3A_944, %select_n3A_884 : vector<128x128xi1>, vector<128x128xf32>
    %reduce_max3A_946 = arith.constant dense<0xFF800000> : vector<128xf32>
    %reduce_max3A_947 = vector.multi_reduction <maximumf>, %div3A_929, %reduce_max3A_946 [0] : vector<128x128xf32> to vector<128xf32>
    %get3A_948 = arith.index_cast %add3A_29 : i32 to index
    %get3A_949 = arith.constant 15 : index
    %get3A_950 = arith.constant 0 : index
    %get3A_951 = memref.load %arg1[%get3A_948, %get3A_949, %get3A_950] : memref<16x20x4xf32, #tpu.memory_space<smem>>
    %get3A_952 = arith.index_cast %add3A_29 : i32 to index
    %get3A_953 = arith.constant 15 : index
    %get3A_954 = arith.constant 1 : index
    %get3A_955 = memref.load %arg1[%get3A_952, %get3A_953, %get3A_954] : memref<16x20x4xf32, #tpu.memory_space<smem>>
    %get3A_956 = arith.index_cast %add3A_29 : i32 to index
    %get3A_957 = arith.constant 15 : index
    %get3A_958 = arith.constant 2 : index
    %get3A_959 = memref.load %arg1[%get3A_956, %get3A_957, %get3A_958] : memref<16x20x4xf32, #tpu.memory_space<smem>>
    %get3A_960 = arith.index_cast %add3A_29 : i32 to index
    %get3A_961 = arith.constant 15 : index
    %get3A_962 = arith.constant 3 : index
    %get3A_963 = memref.load %arg1[%get3A_960, %get3A_961, %get3A_962] : memref<16x20x4xf32, #tpu.memory_space<smem>>
    %max3A_964 = vector.broadcast %get3A_951 : f32 to vector<128x128xf32>
    %max3A_965 = arith.maximumf %get3A_5, %max3A_964 : vector<128x128xf32>
    %max3A_966 = vector.broadcast %get3A_955 : f32 to vector<128x128xf32>
    %max3A_967 = arith.maximumf %get3A_10, %max3A_966 : vector<128x128xf32>
    %min3A_968 = vector.broadcast %get3A_959 : f32 to vector<128x128xf32>
    %min3A_969 = arith.minimumf %get3A_15, %min3A_968 : vector<128x128xf32>
    %min3A_970 = vector.broadcast %get3A_963 : f32 to vector<128x128xf32>
    %min3A_971 = arith.minimumf %get3A_20, %min3A_970 : vector<128x128xf32>
    %sub3A_972 = arith.subf %min3A_969, %max3A_965 : vector<128x128xf32>
    %jit3A_973 = arith.constant 0.000000e+00 : f32
    %max3A_974 = vector.broadcast %jit3A_973 : f32 to vector<128x128xf32>
    %max3A_975 = arith.maximumf %max3A_974, %sub3A_972 : vector<128x128xf32>
    %sub3A_976 = arith.subf %min3A_971, %max3A_967 : vector<128x128xf32>
    %jit3A_977 = arith.constant 0.000000e+00 : f32
    %max3A_978 = vector.broadcast %jit3A_977 : f32 to vector<128x128xf32>
    %max3A_979 = arith.maximumf %max3A_978, %sub3A_976 : vector<128x128xf32>
    %mul3A_980 = arith.mulf %max3A_975, %max3A_979 : vector<128x128xf32>
    %sub3A_981 = arith.subf %get3A_959, %get3A_951 : f32
    %sub3A_982 = arith.subf %get3A_963, %get3A_955 : f32
    %mul3A_983 = arith.mulf %sub3A_981, %sub3A_982 : f32
    %add3A_984 = vector.broadcast %mul3A_983 : f32 to vector<128x128xf32>
    %add3A_985 = arith.addf %mul3A, %add3A_984 : vector<128x128xf32>
    %sub3A_986 = arith.subf %add3A_985, %mul3A_980 : vector<128x128xf32>
    %add3A_987 = arith.constant 1.000000e-10 : f32
    %add3A_988 = vector.broadcast %add3A_987 : f32 to vector<128x128xf32>
    %add3A_989 = arith.addf %sub3A_986, %add3A_988 : vector<128x128xf32>
    %div3A_990 = arith.divf %mul3A_980, %add3A_989 : vector<128x128xf32>
    %swap3A_991 = arith.constant 15 : index
    %swap3A_992 = arith.constant 0 : index
    %swap3A_993 = arith.constant 0 : index
    %swap3A_994 = vector.load %arg10[%swap3A_991, %swap3A_992, %swap3A_993] : memref<20x128x128xf32, #tpu.memory_space<vmem>>, vector<1x128x128xf32>
    %swap3A_995 = vector.shape_cast %swap3A_994 : vector<1x128x128xf32> to vector<128x128xf32>
    %swap3A_996 = vector.shape_cast %div3A_990 : vector<128x128xf32> to vector<1x128x128xf32>
    tpu.vector_store %arg10[%swap3A_991, %swap3A_992, %swap3A_993], %swap3A_996 {strides = array<i32>} : memref<20x128x128xf32, #tpu.memory_space<vmem>>, vector<1x128x128xf32>,
    %gt3A_997 = arith.cmpf ogt, %div3A_990, %select_n3A_937 : vector<128x128xf32>
    %select_n3A_998 = arith.select %gt3A_997, %div3A_990, %select_n3A_937 : vector<128x128xi1>, vector<128x128xf32>
    %broadcast_in_dim3A_999 = vector.broadcast %get3A_951 : f32 to vector<128x128xf32>
    %select_n3A_1000 = arith.select %gt3A_997, %broadcast_in_dim3A_999, %select_n3A_939 : vector<128x128xi1>, vector<128x128xf32>
    %broadcast_in_dim3A_1001 = vector.broadcast %get3A_955 : f32 to vector<128x128xf32>
    %select_n3A_1002 = arith.select %gt3A_997, %broadcast_in_dim3A_1001, %select_n3A_941 : vector<128x128xi1>, vector<128x128xf32>
    %broadcast_in_dim3A_1003 = vector.broadcast %get3A_959 : f32 to vector<128x128xf32>
    %select_n3A_1004 = arith.select %gt3A_997, %broadcast_in_dim3A_1003, %select_n3A_943 : vector<128x128xi1>, vector<128x128xf32>
    %broadcast_in_dim3A_1005 = vector.broadcast %get3A_963 : f32 to vector<128x128xf32>
    %select_n3A_1006 = arith.select %gt3A_997, %broadcast_in_dim3A_1005, %select_n3A_945 : vector<128x128xi1>, vector<128x128xf32>
    %reduce_max3A_1007 = arith.constant dense<0xFF800000> : vector<128xf32>
    %reduce_max3A_1008 = vector.multi_reduction <maximumf>, %div3A_990, %reduce_max3A_1007 [0] : vector<128x128xf32> to vector<128xf32>
    %get3A_1009 = arith.index_cast %add3A_29 : i32 to index
    %get3A_1010 = arith.constant 16 : index
    %get3A_1011 = arith.constant 0 : index
    %get3A_1012 = memref.load %arg1[%get3A_1009, %get3A_1010, %get3A_1011] : memref<16x20x4xf32, #tpu.memory_space<smem>>
    %get3A_1013 = arith.index_cast %add3A_29 : i32 to index
    %get3A_1014 = arith.constant 16 : index
    %get3A_1015 = arith.constant 1 : index
    %get3A_1016 = memref.load %arg1[%get3A_1013, %get3A_1014, %get3A_1015] : memref<16x20x4xf32, #tpu.memory_space<smem>>
    %get3A_1017 = arith.index_cast %add3A_29 : i32 to index
    %get3A_1018 = arith.constant 16 : index
    %get3A_1019 = arith.constant 2 : index
    %get3A_1020 = memref.load %arg1[%get3A_1017, %get3A_1018, %get3A_1019] : memref<16x20x4xf32, #tpu.memory_space<smem>>
    %get3A_1021 = arith.index_cast %add3A_29 : i32 to index
    %get3A_1022 = arith.constant 16 : index
    %get3A_1023 = arith.constant 3 : index
    %get3A_1024 = memref.load %arg1[%get3A_1021, %get3A_1022, %get3A_1023] : memref<16x20x4xf32, #tpu.memory_space<smem>>
    %max3A_1025 = vector.broadcast %get3A_1012 : f32 to vector<128x128xf32>
    %max3A_1026 = arith.maximumf %get3A_5, %max3A_1025 : vector<128x128xf32>
    %max3A_1027 = vector.broadcast %get3A_1016 : f32 to vector<128x128xf32>
    %max3A_1028 = arith.maximumf %get3A_10, %max3A_1027 : vector<128x128xf32>
    %min3A_1029 = vector.broadcast %get3A_1020 : f32 to vector<128x128xf32>
    %min3A_1030 = arith.minimumf %get3A_15, %min3A_1029 : vector<128x128xf32>
    %min3A_1031 = vector.broadcast %get3A_1024 : f32 to vector<128x128xf32>
    %min3A_1032 = arith.minimumf %get3A_20, %min3A_1031 : vector<128x128xf32>
    %sub3A_1033 = arith.subf %min3A_1030, %max3A_1026 : vector<128x128xf32>
    %jit3A_1034 = arith.constant 0.000000e+00 : f32
    %max3A_1035 = vector.broadcast %jit3A_1034 : f32 to vector<128x128xf32>
    %max3A_1036 = arith.maximumf %max3A_1035, %sub3A_1033 : vector<128x128xf32>
    %sub3A_1037 = arith.subf %min3A_1032, %max3A_1028 : vector<128x128xf32>
    %jit3A_1038 = arith.constant 0.000000e+00 : f32
    %max3A_1039 = vector.broadcast %jit3A_1038 : f32 to vector<128x128xf32>
    %max3A_1040 = arith.maximumf %max3A_1039, %sub3A_1037 : vector<128x128xf32>
    %mul3A_1041 = arith.mulf %max3A_1036, %max3A_1040 : vector<128x128xf32>
    %sub3A_1042 = arith.subf %get3A_1020, %get3A_1012 : f32
    %sub3A_1043 = arith.subf %get3A_1024, %get3A_1016 : f32
    %mul3A_1044 = arith.mulf %sub3A_1042, %sub3A_1043 : f32
    %add3A_1045 = vector.broadcast %mul3A_1044 : f32 to vector<128x128xf32>
    %add3A_1046 = arith.addf %mul3A, %add3A_1045 : vector<128x128xf32>
    %sub3A_1047 = arith.subf %add3A_1046, %mul3A_1041 : vector<128x128xf32>
    %add3A_1048 = arith.constant 1.000000e-10 : f32
    %add3A_1049 = vector.broadcast %add3A_1048 : f32 to vector<128x128xf32>
    %add3A_1050 = arith.addf %sub3A_1047, %add3A_1049 : vector<128x128xf32>
    %div3A_1051 = arith.divf %mul3A_1041, %add3A_1050 : vector<128x128xf32>
    %swap3A_1052 = arith.constant 16 : index
    %swap3A_1053 = arith.constant 0 : index
    %swap3A_1054 = arith.constant 0 : index
    %swap3A_1055 = vector.load %arg10[%swap3A_1052, %swap3A_1053, %swap3A_1054] : memref<20x128x128xf32, #tpu.memory_space<vmem>>, vector<1x128x128xf32>
    %swap3A_1056 = vector.shape_cast %swap3A_1055 : vector<1x128x128xf32> to vector<128x128xf32>
    %swap3A_1057 = vector.shape_cast %div3A_1051 : vector<128x128xf32> to vector<1x128x128xf32>
    tpu.vector_store %arg10[%swap3A_1052, %swap3A_1053, %swap3A_1054], %swap3A_1057 {strides = array<i32>} : memref<20x128x128xf32, #tpu.memory_space<vmem>>, vector<1x128x128xf32>,
    %gt3A_1058 = arith.cmpf ogt, %div3A_1051, %select_n3A_998 : vector<128x128xf32>
    %select_n3A_1059 = arith.select %gt3A_1058, %div3A_1051, %select_n3A_998 : vector<128x128xi1>, vector<128x128xf32>
    %broadcast_in_dim3A_1060 = vector.broadcast %get3A_1012 : f32 to vector<128x128xf32>
    %select_n3A_1061 = arith.select %gt3A_1058, %broadcast_in_dim3A_1060, %select_n3A_1000 : vector<128x128xi1>, vector<128x128xf32>
    %broadcast_in_dim3A_1062 = vector.broadcast %get3A_1016 : f32 to vector<128x128xf32>
    %select_n3A_1063 = arith.select %gt3A_1058, %broadcast_in_dim3A_1062, %select_n3A_1002 : vector<128x128xi1>, vector<128x128xf32>
    %broadcast_in_dim3A_1064 = vector.broadcast %get3A_1020 : f32 to vector<128x128xf32>
    %select_n3A_1065 = arith.select %gt3A_1058, %broadcast_in_dim3A_1064, %select_n3A_1004 : vector<128x128xi1>, vector<128x128xf32>
    %broadcast_in_dim3A_1066 = vector.broadcast %get3A_1024 : f32 to vector<128x128xf32>
    %select_n3A_1067 = arith.select %gt3A_1058, %broadcast_in_dim3A_1066, %select_n3A_1006 : vector<128x128xi1>, vector<128x128xf32>
    %reduce_max3A_1068 = arith.constant dense<0xFF800000> : vector<128xf32>
    %reduce_max3A_1069 = vector.multi_reduction <maximumf>, %div3A_1051, %reduce_max3A_1068 [0] : vector<128x128xf32> to vector<128xf32>
    %get3A_1070 = arith.index_cast %add3A_29 : i32 to index
    %get3A_1071 = arith.constant 17 : index
    %get3A_1072 = arith.constant 0 : index
    %get3A_1073 = memref.load %arg1[%get3A_1070, %get3A_1071, %get3A_1072] : memref<16x20x4xf32, #tpu.memory_space<smem>>
    %get3A_1074 = arith.index_cast %add3A_29 : i32 to index
    %get3A_1075 = arith.constant 17 : index
    %get3A_1076 = arith.constant 1 : index
    %get3A_1077 = memref.load %arg1[%get3A_1074, %get3A_1075, %get3A_1076] : memref<16x20x4xf32, #tpu.memory_space<smem>>
    %get3A_1078 = arith.index_cast %add3A_29 : i32 to index
    %get3A_1079 = arith.constant 17 : index
    %get3A_1080 = arith.constant 2 : index
    %get3A_1081 = memref.load %arg1[%get3A_1078, %get3A_1079, %get3A_1080] : memref<16x20x4xf32, #tpu.memory_space<smem>>
    %get3A_1082 = arith.index_cast %add3A_29 : i32 to index
    %get3A_1083 = arith.constant 17 : index
    %get3A_1084 = arith.constant 3 : index
    %get3A_1085 = memref.load %arg1[%get3A_1082, %get3A_1083, %get3A_1084] : memref<16x20x4xf32, #tpu.memory_space<smem>>
    %max3A_1086 = vector.broadcast %get3A_1073 : f32 to vector<128x128xf32>
    %max3A_1087 = arith.maximumf %get3A_5, %max3A_1086 : vector<128x128xf32>
    %max3A_1088 = vector.broadcast %get3A_1077 : f32 to vector<128x128xf32>
    %max3A_1089 = arith.maximumf %get3A_10, %max3A_1088 : vector<128x128xf32>
    %min3A_1090 = vector.broadcast %get3A_1081 : f32 to vector<128x128xf32>
    %min3A_1091 = arith.minimumf %get3A_15, %min3A_1090 : vector<128x128xf32>
    %min3A_1092 = vector.broadcast %get3A_1085 : f32 to vector<128x128xf32>
    %min3A_1093 = arith.minimumf %get3A_20, %min3A_1092 : vector<128x128xf32>
    %sub3A_1094 = arith.subf %min3A_1091, %max3A_1087 : vector<128x128xf32>
    %jit3A_1095 = arith.constant 0.000000e+00 : f32
    %max3A_1096 = vector.broadcast %jit3A_1095 : f32 to vector<128x128xf32>
    %max3A_1097 = arith.maximumf %max3A_1096, %sub3A_1094 : vector<128x128xf32>
    %sub3A_1098 = arith.subf %min3A_1093, %max3A_1089 : vector<128x128xf32>
    %jit3A_1099 = arith.constant 0.000000e+00 : f32
    %max3A_1100 = vector.broadcast %jit3A_1099 : f32 to vector<128x128xf32>
    %max3A_1101 = arith.maximumf %max3A_1100, %sub3A_1098 : vector<128x128xf32>
    %mul3A_1102 = arith.mulf %max3A_1097, %max3A_1101 : vector<128x128xf32>
    %sub3A_1103 = arith.subf %get3A_1081, %get3A_1073 : f32
    %sub3A_1104 = arith.subf %get3A_1085, %get3A_1077 : f32
    %mul3A_1105 = arith.mulf %sub3A_1103, %sub3A_1104 : f32
    %add3A_1106 = vector.broadcast %mul3A_1105 : f32 to vector<128x128xf32>
    %add3A_1107 = arith.addf %mul3A, %add3A_1106 : vector<128x128xf32>
    %sub3A_1108 = arith.subf %add3A_1107, %mul3A_1102 : vector<128x128xf32>
    %add3A_1109 = arith.constant 1.000000e-10 : f32
    %add3A_1110 = vector.broadcast %add3A_1109 : f32 to vector<128x128xf32>
    %add3A_1111 = arith.addf %sub3A_1108, %add3A_1110 : vector<128x128xf32>
    %div3A_1112 = arith.divf %mul3A_1102, %add3A_1111 : vector<128x128xf32>
    %swap3A_1113 = arith.constant 17 : index
    %swap3A_1114 = arith.constant 0 : index
    %swap3A_1115 = arith.constant 0 : index
    %swap3A_1116 = vector.load %arg10[%swap3A_1113, %swap3A_1114, %swap3A_1115] : memref<20x128x128xf32, #tpu.memory_space<vmem>>, vector<1x128x128xf32>
    %swap3A_1117 = vector.shape_cast %swap3A_1116 : vector<1x128x128xf32> to vector<128x128xf32>
    %swap3A_1118 = vector.shape_cast %div3A_1112 : vector<128x128xf32> to vector<1x128x128xf32>
    tpu.vector_store %arg10[%swap3A_1113, %swap3A_1114, %swap3A_1115], %swap3A_1118 {strides = array<i32>} : memref<20x128x128xf32, #tpu.memory_space<vmem>>, vector<1x128x128xf32>,
    %gt3A_1119 = arith.cmpf ogt, %div3A_1112, %select_n3A_1059 : vector<128x128xf32>
    %select_n3A_1120 = arith.select %gt3A_1119, %div3A_1112, %select_n3A_1059 : vector<128x128xi1>, vector<128x128xf32>
    %broadcast_in_dim3A_1121 = vector.broadcast %get3A_1073 : f32 to vector<128x128xf32>
    %select_n3A_1122 = arith.select %gt3A_1119, %broadcast_in_dim3A_1121, %select_n3A_1061 : vector<128x128xi1>, vector<128x128xf32>
    %broadcast_in_dim3A_1123 = vector.broadcast %get3A_1077 : f32 to vector<128x128xf32>
    %select_n3A_1124 = arith.select %gt3A_1119, %broadcast_in_dim3A_1123, %select_n3A_1063 : vector<128x128xi1>, vector<128x128xf32>
    %broadcast_in_dim3A_1125 = vector.broadcast %get3A_1081 : f32 to vector<128x128xf32>
    %select_n3A_1126 = arith.select %gt3A_1119, %broadcast_in_dim3A_1125, %select_n3A_1065 : vector<128x128xi1>, vector<128x128xf32>
    %broadcast_in_dim3A_1127 = vector.broadcast %get3A_1085 : f32 to vector<128x128xf32>
    %select_n3A_1128 = arith.select %gt3A_1119, %broadcast_in_dim3A_1127, %select_n3A_1067 : vector<128x128xi1>, vector<128x128xf32>
    %reduce_max3A_1129 = arith.constant dense<0xFF800000> : vector<128xf32>
    %reduce_max3A_1130 = vector.multi_reduction <maximumf>, %div3A_1112, %reduce_max3A_1129 [0] : vector<128x128xf32> to vector<128xf32>
    %get3A_1131 = arith.index_cast %add3A_29 : i32 to index
    %get3A_1132 = arith.constant 18 : index
    %get3A_1133 = arith.constant 0 : index
    %get3A_1134 = memref.load %arg1[%get3A_1131, %get3A_1132, %get3A_1133] : memref<16x20x4xf32, #tpu.memory_space<smem>>
    %get3A_1135 = arith.index_cast %add3A_29 : i32 to index
    %get3A_1136 = arith.constant 18 : index
    %get3A_1137 = arith.constant 1 : index
    %get3A_1138 = memref.load %arg1[%get3A_1135, %get3A_1136, %get3A_1137] : memref<16x20x4xf32, #tpu.memory_space<smem>>
    %get3A_1139 = arith.index_cast %add3A_29 : i32 to index
    %get3A_1140 = arith.constant 18 : index
    %get3A_1141 = arith.constant 2 : index
    %get3A_1142 = memref.load %arg1[%get3A_1139, %get3A_1140, %get3A_1141] : memref<16x20x4xf32, #tpu.memory_space<smem>>
    %get3A_1143 = arith.index_cast %add3A_29 : i32 to index
    %get3A_1144 = arith.constant 18 : index
    %get3A_1145 = arith.constant 3 : index
    %get3A_1146 = memref.load %arg1[%get3A_1143, %get3A_1144, %get3A_1145] : memref<16x20x4xf32, #tpu.memory_space<smem>>
    %max3A_1147 = vector.broadcast %get3A_1134 : f32 to vector<128x128xf32>
    %max3A_1148 = arith.maximumf %get3A_5, %max3A_1147 : vector<128x128xf32>
    %max3A_1149 = vector.broadcast %get3A_1138 : f32 to vector<128x128xf32>
    %max3A_1150 = arith.maximumf %get3A_10, %max3A_1149 : vector<128x128xf32>
    %min3A_1151 = vector.broadcast %get3A_1142 : f32 to vector<128x128xf32>
    %min3A_1152 = arith.minimumf %get3A_15, %min3A_1151 : vector<128x128xf32>
    %min3A_1153 = vector.broadcast %get3A_1146 : f32 to vector<128x128xf32>
    %min3A_1154 = arith.minimumf %get3A_20, %min3A_1153 : vector<128x128xf32>
    %sub3A_1155 = arith.subf %min3A_1152, %max3A_1148 : vector<128x128xf32>
    %jit3A_1156 = arith.constant 0.000000e+00 : f32
    %max3A_1157 = vector.broadcast %jit3A_1156 : f32 to vector<128x128xf32>
    %max3A_1158 = arith.maximumf %max3A_1157, %sub3A_1155 : vector<128x128xf32>
    %sub3A_1159 = arith.subf %min3A_1154, %max3A_1150 : vector<128x128xf32>
    %jit3A_1160 = arith.constant 0.000000e+00 : f32
    %max3A_1161 = vector.broadcast %jit3A_1160 : f32 to vector<128x128xf32>
    %max3A_1162 = arith.maximumf %max3A_1161, %sub3A_1159 : vector<128x128xf32>
    %mul3A_1163 = arith.mulf %max3A_1158, %max3A_1162 : vector<128x128xf32>
    %sub3A_1164 = arith.subf %get3A_1142, %get3A_1134 : f32
    %sub3A_1165 = arith.subf %get3A_1146, %get3A_1138 : f32
    %mul3A_1166 = arith.mulf %sub3A_1164, %sub3A_1165 : f32
    %add3A_1167 = vector.broadcast %mul3A_1166 : f32 to vector<128x128xf32>
    %add3A_1168 = arith.addf %mul3A, %add3A_1167 : vector<128x128xf32>
    %sub3A_1169 = arith.subf %add3A_1168, %mul3A_1163 : vector<128x128xf32>
    %add3A_1170 = arith.constant 1.000000e-10 : f32
    %add3A_1171 = vector.broadcast %add3A_1170 : f32 to vector<128x128xf32>
    %add3A_1172 = arith.addf %sub3A_1169, %add3A_1171 : vector<128x128xf32>
    %div3A_1173 = arith.divf %mul3A_1163, %add3A_1172 : vector<128x128xf32>
    %swap3A_1174 = arith.constant 18 : index
    %swap3A_1175 = arith.constant 0 : index
    %swap3A_1176 = arith.constant 0 : index
    %swap3A_1177 = vector.load %arg10[%swap3A_1174, %swap3A_1175, %swap3A_1176] : memref<20x128x128xf32, #tpu.memory_space<vmem>>, vector<1x128x128xf32>
    %swap3A_1178 = vector.shape_cast %swap3A_1177 : vector<1x128x128xf32> to vector<128x128xf32>
    %swap3A_1179 = vector.shape_cast %div3A_1173 : vector<128x128xf32> to vector<1x128x128xf32>
    tpu.vector_store %arg10[%swap3A_1174, %swap3A_1175, %swap3A_1176], %swap3A_1179 {strides = array<i32>} : memref<20x128x128xf32, #tpu.memory_space<vmem>>, vector<1x128x128xf32>,
    %gt3A_1180 = arith.cmpf ogt, %div3A_1173, %select_n3A_1120 : vector<128x128xf32>
    %select_n3A_1181 = arith.select %gt3A_1180, %div3A_1173, %select_n3A_1120 : vector<128x128xi1>, vector<128x128xf32>
    %broadcast_in_dim3A_1182 = vector.broadcast %get3A_1134 : f32 to vector<128x128xf32>
    %select_n3A_1183 = arith.select %gt3A_1180, %broadcast_in_dim3A_1182, %select_n3A_1122 : vector<128x128xi1>, vector<128x128xf32>
    %broadcast_in_dim3A_1184 = vector.broadcast %get3A_1138 : f32 to vector<128x128xf32>
    %select_n3A_1185 = arith.select %gt3A_1180, %broadcast_in_dim3A_1184, %select_n3A_1124 : vector<128x128xi1>, vector<128x128xf32>
    %broadcast_in_dim3A_1186 = vector.broadcast %get3A_1142 : f32 to vector<128x128xf32>
    %select_n3A_1187 = arith.select %gt3A_1180, %broadcast_in_dim3A_1186, %select_n3A_1126 : vector<128x128xi1>, vector<128x128xf32>
    %broadcast_in_dim3A_1188 = vector.broadcast %get3A_1146 : f32 to vector<128x128xf32>
    %select_n3A_1189 = arith.select %gt3A_1180, %broadcast_in_dim3A_1188, %select_n3A_1128 : vector<128x128xi1>, vector<128x128xf32>
    %reduce_max3A_1190 = arith.constant dense<0xFF800000> : vector<128xf32>
    %reduce_max3A_1191 = vector.multi_reduction <maximumf>, %div3A_1173, %reduce_max3A_1190 [0] : vector<128x128xf32> to vector<128xf32>
    %get3A_1192 = arith.index_cast %add3A_29 : i32 to index
    %get3A_1193 = arith.constant 19 : index
    %get3A_1194 = arith.constant 0 : index
    %get3A_1195 = memref.load %arg1[%get3A_1192, %get3A_1193, %get3A_1194] : memref<16x20x4xf32, #tpu.memory_space<smem>>
    %get3A_1196 = arith.index_cast %add3A_29 : i32 to index
    %get3A_1197 = arith.constant 19 : index
    %get3A_1198 = arith.constant 1 : index
    %get3A_1199 = memref.load %arg1[%get3A_1196, %get3A_1197, %get3A_1198] : memref<16x20x4xf32, #tpu.memory_space<smem>>
    %get3A_1200 = arith.index_cast %add3A_29 : i32 to index
    %get3A_1201 = arith.constant 19 : index
    %get3A_1202 = arith.constant 2 : index
    %get3A_1203 = memref.load %arg1[%get3A_1200, %get3A_1201, %get3A_1202] : memref<16x20x4xf32, #tpu.memory_space<smem>>
    %get3A_1204 = arith.index_cast %add3A_29 : i32 to index
    %get3A_1205 = arith.constant 19 : index
    %get3A_1206 = arith.constant 3 : index
    %get3A_1207 = memref.load %arg1[%get3A_1204, %get3A_1205, %get3A_1206] : memref<16x20x4xf32, #tpu.memory_space<smem>>
    %max3A_1208 = vector.broadcast %get3A_1195 : f32 to vector<128x128xf32>
    %max3A_1209 = arith.maximumf %get3A_5, %max3A_1208 : vector<128x128xf32>
    %max3A_1210 = vector.broadcast %get3A_1199 : f32 to vector<128x128xf32>
    %max3A_1211 = arith.maximumf %get3A_10, %max3A_1210 : vector<128x128xf32>
    %min3A_1212 = vector.broadcast %get3A_1203 : f32 to vector<128x128xf32>
    %min3A_1213 = arith.minimumf %get3A_15, %min3A_1212 : vector<128x128xf32>
    %min3A_1214 = vector.broadcast %get3A_1207 : f32 to vector<128x128xf32>
    %min3A_1215 = arith.minimumf %get3A_20, %min3A_1214 : vector<128x128xf32>
    %sub3A_1216 = arith.subf %min3A_1213, %max3A_1209 : vector<128x128xf32>
    %jit3A_1217 = arith.constant 0.000000e+00 : f32
    %max3A_1218 = vector.broadcast %jit3A_1217 : f32 to vector<128x128xf32>
    %max3A_1219 = arith.maximumf %max3A_1218, %sub3A_1216 : vector<128x128xf32>
    %sub3A_1220 = arith.subf %min3A_1215, %max3A_1211 : vector<128x128xf32>
    %jit3A_1221 = arith.constant 0.000000e+00 : f32
    %max3A_1222 = vector.broadcast %jit3A_1221 : f32 to vector<128x128xf32>
    %max3A_1223 = arith.maximumf %max3A_1222, %sub3A_1220 : vector<128x128xf32>
    %mul3A_1224 = arith.mulf %max3A_1219, %max3A_1223 : vector<128x128xf32>
    %sub3A_1225 = arith.subf %get3A_1203, %get3A_1195 : f32
    %sub3A_1226 = arith.subf %get3A_1207, %get3A_1199 : f32
    %mul3A_1227 = arith.mulf %sub3A_1225, %sub3A_1226 : f32
    %add3A_1228 = vector.broadcast %mul3A_1227 : f32 to vector<128x128xf32>
    %add3A_1229 = arith.addf %mul3A, %add3A_1228 : vector<128x128xf32>
    %sub3A_1230 = arith.subf %add3A_1229, %mul3A_1224 : vector<128x128xf32>
    %add3A_1231 = arith.constant 1.000000e-10 : f32
    %add3A_1232 = vector.broadcast %add3A_1231 : f32 to vector<128x128xf32>
    %add3A_1233 = arith.addf %sub3A_1230, %add3A_1232 : vector<128x128xf32>
    %div3A_1234 = arith.divf %mul3A_1224, %add3A_1233 : vector<128x128xf32>
    %swap3A_1235 = arith.constant 19 : index
    %swap3A_1236 = arith.constant 0 : index
    %swap3A_1237 = arith.constant 0 : index
    %swap3A_1238 = vector.load %arg10[%swap3A_1235, %swap3A_1236, %swap3A_1237] : memref<20x128x128xf32, #tpu.memory_space<vmem>>, vector<1x128x128xf32>
    %swap3A_1239 = vector.shape_cast %swap3A_1238 : vector<1x128x128xf32> to vector<128x128xf32>
    %swap3A_1240 = vector.shape_cast %div3A_1234 : vector<128x128xf32> to vector<1x128x128xf32>
    tpu.vector_store %arg10[%swap3A_1235, %swap3A_1236, %swap3A_1237], %swap3A_1240 {strides = array<i32>} : memref<20x128x128xf32, #tpu.memory_space<vmem>>, vector<1x128x128xf32>,
    %gt3A_1241 = arith.cmpf ogt, %div3A_1234, %select_n3A_1181 : vector<128x128xf32>
    %select_n3A_1242 = arith.select %gt3A_1241, %div3A_1234, %select_n3A_1181 : vector<128x128xi1>, vector<128x128xf32>
    %broadcast_in_dim3A_1243 = vector.broadcast %get3A_1195 : f32 to vector<128x128xf32>
    %select_n3A_1244 = arith.select %gt3A_1241, %broadcast_in_dim3A_1243, %select_n3A_1183 : vector<128x128xi1>, vector<128x128xf32>
    %broadcast_in_dim3A_1245 = vector.broadcast %get3A_1199 : f32 to vector<128x128xf32>
    %select_n3A_1246 = arith.select %gt3A_1241, %broadcast_in_dim3A_1245, %select_n3A_1185 : vector<128x128xi1>, vector<128x128xf32>
    %broadcast_in_dim3A_1247 = vector.broadcast %get3A_1203 : f32 to vector<128x128xf32>
    %select_n3A_1248 = arith.select %gt3A_1241, %broadcast_in_dim3A_1247, %select_n3A_1187 : vector<128x128xi1>, vector<128x128xf32>
    %broadcast_in_dim3A_1249 = vector.broadcast %get3A_1207 : f32 to vector<128x128xf32>
    %select_n3A_1250 = arith.select %gt3A_1241, %broadcast_in_dim3A_1249, %select_n3A_1189 : vector<128x128xi1>, vector<128x128xf32>
    %reduce_max3A_1251 = arith.constant dense<0xFF800000> : vector<128xf32>
    %reduce_max3A_1252 = vector.multi_reduction <maximumf>, %div3A_1234, %reduce_max3A_1251 [0] : vector<128x128xf32> to vector<128xf32>
    %reduce_max3A_1253 = vector.shape_cast %reduce_max3A_93 : vector<128xf32> to vector<1x128xf32>
    %reduce_max3A_1254 = arith.constant dense<0xFF800000> : vector<1xf32>
    %reduce_max3A_1255 = vector.multi_reduction <maximumf>, %reduce_max3A_1253, %reduce_max3A_1254 [1] : vector<1x128xf32> to vector<1xf32>
    %reduce_max3A_1256 = vector.shape_cast %reduce_max3A_1255 : vector<1xf32> to vector<1x1xf32>
    %reduce_max3A_1257 = vector.extract %reduce_max3A_1256[0, 0] : f32 from vector<1x1xf32>
    %reduce_max3A_1258 = vector.shape_cast %reduce_max3A_154 : vector<128xf32> to vector<1x128xf32>
    %reduce_max3A_1259 = arith.constant dense<0xFF800000> : vector<1xf32>
    %reduce_max3A_1260 = vector.multi_reduction <maximumf>, %reduce_max3A_1258, %reduce_max3A_1259 [1] : vector<1x128xf32> to vector<1xf32>
    %reduce_max3A_1261 = vector.shape_cast %reduce_max3A_1260 : vector<1xf32> to vector<1x1xf32>
    %reduce_max3A_1262 = vector.extract %reduce_max3A_1261[0, 0] : f32 from vector<1x1xf32>
    %reduce_max3A_1263 = vector.shape_cast %reduce_max3A_215 : vector<128xf32> to vector<1x128xf32>
    %reduce_max3A_1264 = arith.constant dense<0xFF800000> : vector<1xf32>
    %reduce_max3A_1265 = vector.multi_reduction <maximumf>, %reduce_max3A_1263, %reduce_max3A_1264 [1] : vector<1x128xf32> to vector<1xf32>
    %reduce_max3A_1266 = vector.shape_cast %reduce_max3A_1265 : vector<1xf32> to vector<1x1xf32>
    %reduce_max3A_1267 = vector.extract %reduce_max3A_1266[0, 0] : f32 from vector<1x1xf32>
    %reduce_max3A_1268 = vector.shape_cast %reduce_max3A_276 : vector<128xf32> to vector<1x128xf32>
    %reduce_max3A_1269 = arith.constant dense<0xFF800000> : vector<1xf32>
    %reduce_max3A_1270 = vector.multi_reduction <maximumf>, %reduce_max3A_1268, %reduce_max3A_1269 [1] : vector<1x128xf32> to vector<1xf32>
    %reduce_max3A_1271 = vector.shape_cast %reduce_max3A_1270 : vector<1xf32> to vector<1x1xf32>
    %reduce_max3A_1272 = vector.extract %reduce_max3A_1271[0, 0] : f32 from vector<1x1xf32>
    %reduce_max3A_1273 = vector.shape_cast %reduce_max3A_337 : vector<128xf32> to vector<1x128xf32>
    %reduce_max3A_1274 = arith.constant dense<0xFF800000> : vector<1xf32>
    %reduce_max3A_1275 = vector.multi_reduction <maximumf>, %reduce_max3A_1273, %reduce_max3A_1274 [1] : vector<1x128xf32> to vector<1xf32>
    %reduce_max3A_1276 = vector.shape_cast %reduce_max3A_1275 : vector<1xf32> to vector<1x1xf32>
    %reduce_max3A_1277 = vector.extract %reduce_max3A_1276[0, 0] : f32 from vector<1x1xf32>
    %reduce_max3A_1278 = vector.shape_cast %reduce_max3A_398 : vector<128xf32> to vector<1x128xf32>
    %reduce_max3A_1279 = arith.constant dense<0xFF800000> : vector<1xf32>
    %reduce_max3A_1280 = vector.multi_reduction <maximumf>, %reduce_max3A_1278, %reduce_max3A_1279 [1] : vector<1x128xf32> to vector<1xf32>
    %reduce_max3A_1281 = vector.shape_cast %reduce_max3A_1280 : vector<1xf32> to vector<1x1xf32>
    %reduce_max3A_1282 = vector.extract %reduce_max3A_1281[0, 0] : f32 from vector<1x1xf32>
    %reduce_max3A_1283 = vector.shape_cast %reduce_max3A_459 : vector<128xf32> to vector<1x128xf32>
    %reduce_max3A_1284 = arith.constant dense<0xFF800000> : vector<1xf32>
    %reduce_max3A_1285 = vector.multi_reduction <maximumf>, %reduce_max3A_1283, %reduce_max3A_1284 [1] : vector<1x128xf32> to vector<1xf32>
    %reduce_max3A_1286 = vector.shape_cast %reduce_max3A_1285 : vector<1xf32> to vector<1x1xf32>
    %reduce_max3A_1287 = vector.extract %reduce_max3A_1286[0, 0] : f32 from vector<1x1xf32>
    %reduce_max3A_1288 = vector.shape_cast %reduce_max3A_520 : vector<128xf32> to vector<1x128xf32>
    %reduce_max3A_1289 = arith.constant dense<0xFF800000> : vector<1xf32>
    %reduce_max3A_1290 = vector.multi_reduction <maximumf>, %reduce_max3A_1288, %reduce_max3A_1289 [1] : vector<1x128xf32> to vector<1xf32>
    %reduce_max3A_1291 = vector.shape_cast %reduce_max3A_1290 : vector<1xf32> to vector<1x1xf32>
    %reduce_max3A_1292 = vector.extract %reduce_max3A_1291[0, 0] : f32 from vector<1x1xf32>
    %reduce_max3A_1293 = vector.shape_cast %reduce_max3A_581 : vector<128xf32> to vector<1x128xf32>
    %reduce_max3A_1294 = arith.constant dense<0xFF800000> : vector<1xf32>
    %reduce_max3A_1295 = vector.multi_reduction <maximumf>, %reduce_max3A_1293, %reduce_max3A_1294 [1] : vector<1x128xf32> to vector<1xf32>
    %reduce_max3A_1296 = vector.shape_cast %reduce_max3A_1295 : vector<1xf32> to vector<1x1xf32>
    %reduce_max3A_1297 = vector.extract %reduce_max3A_1296[0, 0] : f32 from vector<1x1xf32>
    %reduce_max3A_1298 = vector.shape_cast %reduce_max3A_642 : vector<128xf32> to vector<1x128xf32>
    %reduce_max3A_1299 = arith.constant dense<0xFF800000> : vector<1xf32>
    %reduce_max3A_1300 = vector.multi_reduction <maximumf>, %reduce_max3A_1298, %reduce_max3A_1299 [1] : vector<1x128xf32> to vector<1xf32>
    %reduce_max3A_1301 = vector.shape_cast %reduce_max3A_1300 : vector<1xf32> to vector<1x1xf32>
    %reduce_max3A_1302 = vector.extract %reduce_max3A_1301[0, 0] : f32 from vector<1x1xf32>
    %reduce_max3A_1303 = vector.shape_cast %reduce_max3A_703 : vector<128xf32> to vector<1x128xf32>
    %reduce_max3A_1304 = arith.constant dense<0xFF800000> : vector<1xf32>
    %reduce_max3A_1305 = vector.multi_reduction <maximumf>, %reduce_max3A_1303, %reduce_max3A_1304 [1] : vector<1x128xf32> to vector<1xf32>
    %reduce_max3A_1306 = vector.shape_cast %reduce_max3A_1305 : vector<1xf32> to vector<1x1xf32>
    %reduce_max3A_1307 = vector.extract %reduce_max3A_1306[0, 0] : f32 from vector<1x1xf32>
    %reduce_max3A_1308 = vector.shape_cast %reduce_max3A_764 : vector<128xf32> to vector<1x128xf32>
    %reduce_max3A_1309 = arith.constant dense<0xFF800000> : vector<1xf32>
    %reduce_max3A_1310 = vector.multi_reduction <maximumf>, %reduce_max3A_1308, %reduce_max3A_1309 [1] : vector<1x128xf32> to vector<1xf32>
    %reduce_max3A_1311 = vector.shape_cast %reduce_max3A_1310 : vector<1xf32> to vector<1x1xf32>
    %reduce_max3A_1312 = vector.extract %reduce_max3A_1311[0, 0] : f32 from vector<1x1xf32>
    %reduce_max3A_1313 = vector.shape_cast %reduce_max3A_825 : vector<128xf32> to vector<1x128xf32>
    %reduce_max3A_1314 = arith.constant dense<0xFF800000> : vector<1xf32>
    %reduce_max3A_1315 = vector.multi_reduction <maximumf>, %reduce_max3A_1313, %reduce_max3A_1314 [1] : vector<1x128xf32> to vector<1xf32>
    %reduce_max3A_1316 = vector.shape_cast %reduce_max3A_1315 : vector<1xf32> to vector<1x1xf32>
    %reduce_max3A_1317 = vector.extract %reduce_max3A_1316[0, 0] : f32 from vector<1x1xf32>
    %reduce_max3A_1318 = vector.shape_cast %reduce_max3A_886 : vector<128xf32> to vector<1x128xf32>
    %reduce_max3A_1319 = arith.constant dense<0xFF800000> : vector<1xf32>
    %reduce_max3A_1320 = vector.multi_reduction <maximumf>, %reduce_max3A_1318, %reduce_max3A_1319 [1] : vector<1x128xf32> to vector<1xf32>
    %reduce_max3A_1321 = vector.shape_cast %reduce_max3A_1320 : vector<1xf32> to vector<1x1xf32>
    %reduce_max3A_1322 = vector.extract %reduce_max3A_1321[0, 0] : f32 from vector<1x1xf32>
    %reduce_max3A_1323 = vector.shape_cast %reduce_max3A_947 : vector<128xf32> to vector<1x128xf32>
    %reduce_max3A_1324 = arith.constant dense<0xFF800000> : vector<1xf32>
    %reduce_max3A_1325 = vector.multi_reduction <maximumf>, %reduce_max3A_1323, %reduce_max3A_1324 [1] : vector<1x128xf32> to vector<1xf32>
    %reduce_max3A_1326 = vector.shape_cast %reduce_max3A_1325 : vector<1xf32> to vector<1x1xf32>
    %reduce_max3A_1327 = vector.extract %reduce_max3A_1326[0, 0] : f32 from vector<1x1xf32>
    %reduce_max3A_1328 = vector.shape_cast %reduce_max3A_1008 : vector<128xf32> to vector<1x128xf32>
    %reduce_max3A_1329 = arith.constant dense<0xFF800000> : vector<1xf32>
    %reduce_max3A_1330 = vector.multi_reduction <maximumf>, %reduce_max3A_1328, %reduce_max3A_1329 [1] : vector<1x128xf32> to vector<1xf32>
    %reduce_max3A_1331 = vector.shape_cast %reduce_max3A_1330 : vector<1xf32> to vector<1x1xf32>
    %reduce_max3A_1332 = vector.extract %reduce_max3A_1331[0, 0] : f32 from vector<1x1xf32>
    %reduce_max3A_1333 = vector.shape_cast %reduce_max3A_1069 : vector<128xf32> to vector<1x128xf32>
    %reduce_max3A_1334 = arith.constant dense<0xFF800000> : vector<1xf32>
    %reduce_max3A_1335 = vector.multi_reduction <maximumf>, %reduce_max3A_1333, %reduce_max3A_1334 [1] : vector<1x128xf32> to vector<1xf32>
    %reduce_max3A_1336 = vector.shape_cast %reduce_max3A_1335 : vector<1xf32> to vector<1x1xf32>
    %reduce_max3A_1337 = vector.extract %reduce_max3A_1336[0, 0] : f32 from vector<1x1xf32>
    %reduce_max3A_1338 = vector.shape_cast %reduce_max3A_1130 : vector<128xf32> to vector<1x128xf32>
    %reduce_max3A_1339 = arith.constant dense<0xFF800000> : vector<1xf32>
    %reduce_max3A_1340 = vector.multi_reduction <maximumf>, %reduce_max3A_1338, %reduce_max3A_1339 [1] : vector<1x128xf32> to vector<1xf32>
    %reduce_max3A_1341 = vector.shape_cast %reduce_max3A_1340 : vector<1xf32> to vector<1x1xf32>
    %reduce_max3A_1342 = vector.extract %reduce_max3A_1341[0, 0] : f32 from vector<1x1xf32>
    %reduce_max3A_1343 = vector.shape_cast %reduce_max3A_1191 : vector<128xf32> to vector<1x128xf32>
    %reduce_max3A_1344 = arith.constant dense<0xFF800000> : vector<1xf32>
    %reduce_max3A_1345 = vector.multi_reduction <maximumf>, %reduce_max3A_1343, %reduce_max3A_1344 [1] : vector<1x128xf32> to vector<1xf32>
    %reduce_max3A_1346 = vector.shape_cast %reduce_max3A_1345 : vector<1xf32> to vector<1x1xf32>
    %reduce_max3A_1347 = vector.extract %reduce_max3A_1346[0, 0] : f32 from vector<1x1xf32>
    %reduce_max3A_1348 = vector.shape_cast %reduce_max3A_1252 : vector<128xf32> to vector<1x128xf32>
    %reduce_max3A_1349 = arith.constant dense<0xFF800000> : vector<1xf32>
    %reduce_max3A_1350 = vector.multi_reduction <maximumf>, %reduce_max3A_1348, %reduce_max3A_1349 [1] : vector<1x128xf32> to vector<1xf32>
    %reduce_max3A_1351 = vector.shape_cast %reduce_max3A_1350 : vector<1xf32> to vector<1x1xf32>
    %reduce_max3A_1352 = vector.extract %reduce_max3A_1351[0, 0] : f32 from vector<1x1xf32>
    %get3A_1353 = arith.constant 0 : index
    %get3A_1354 = arith.constant 0 : index
    %get3A_1355 = arith.constant 0 : index
    %get3A_1356 = vector.load %arg10[%get3A_1353, %get3A_1354, %get3A_1355] : memref<20x128x128xf32, #tpu.memory_space<vmem>>, vector<1x128x128xf32>
    %get3A_1357 = vector.shape_cast %get3A_1356 : vector<1x128x128xf32> to vector<128x128xf32>
    %eq3A_1358 = vector.broadcast %reduce_max3A_1257 : f32 to vector<128x128xf32>
    %eq3A_1359 = arith.cmpf oeq, %get3A_1357, %eq3A_1358 : vector<128x128xf32>
    %jit3A_1360 = arith.constant 16384 : i32
    %broadcast_in_dim3A_1361 = vector.broadcast %jit3A_1360 : i32 to vector<128x128xi32>
    %select_n3A_1362 = arith.select %eq3A_1359, %add3A, %broadcast_in_dim3A_1361 : vector<128x128xi1>, vector<128x128xi32>
    %reduce_min3A = arith.constant dense<2147483647> : vector<128xi32>
    %reduce_min3A_1363 = vector.multi_reduction <minsi>, %select_n3A_1362, %reduce_min3A [0] : vector<128x128xi32> to vector<128xi32>
    %get3A_1364 = arith.constant 1 : index
    %get3A_1365 = arith.constant 0 : index
    %get3A_1366 = arith.constant 0 : index
    %get3A_1367 = vector.load %arg10[%get3A_1364, %get3A_1365, %get3A_1366] : memref<20x128x128xf32, #tpu.memory_space<vmem>>, vector<1x128x128xf32>
    %get3A_1368 = vector.shape_cast %get3A_1367 : vector<1x128x128xf32> to vector<128x128xf32>
    %eq3A_1369 = vector.broadcast %reduce_max3A_1262 : f32 to vector<128x128xf32>
    %eq3A_1370 = arith.cmpf oeq, %get3A_1368, %eq3A_1369 : vector<128x128xf32>
    %jit3A_1371 = arith.constant 16384 : i32
    %broadcast_in_dim3A_1372 = vector.broadcast %jit3A_1371 : i32 to vector<128x128xi32>
    %select_n3A_1373 = arith.select %eq3A_1370, %add3A, %broadcast_in_dim3A_1372 : vector<128x128xi1>, vector<128x128xi32>
    %reduce_min3A_1374 = arith.constant dense<2147483647> : vector<128xi32>
    %reduce_min3A_1375 = vector.multi_reduction <minsi>, %select_n3A_1373, %reduce_min3A_1374 [0] : vector<128x128xi32> to vector<128xi32>
    %get3A_1376 = arith.constant 2 : index
    %get3A_1377 = arith.constant 0 : index
    %get3A_1378 = arith.constant 0 : index
    %get3A_1379 = vector.load %arg10[%get3A_1376, %get3A_1377, %get3A_1378] : memref<20x128x128xf32, #tpu.memory_space<vmem>>, vector<1x128x128xf32>
    %get3A_1380 = vector.shape_cast %get3A_1379 : vector<1x128x128xf32> to vector<128x128xf32>
    %eq3A_1381 = vector.broadcast %reduce_max3A_1267 : f32 to vector<128x128xf32>
    %eq3A_1382 = arith.cmpf oeq, %get3A_1380, %eq3A_1381 : vector<128x128xf32>
    %jit3A_1383 = arith.constant 16384 : i32
    %broadcast_in_dim3A_1384 = vector.broadcast %jit3A_1383 : i32 to vector<128x128xi32>
    %select_n3A_1385 = arith.select %eq3A_1382, %add3A, %broadcast_in_dim3A_1384 : vector<128x128xi1>, vector<128x128xi32>
    %reduce_min3A_1386 = arith.constant dense<2147483647> : vector<128xi32>
    %reduce_min3A_1387 = vector.multi_reduction <minsi>, %select_n3A_1385, %reduce_min3A_1386 [0] : vector<128x128xi32> to vector<128xi32>
    %get3A_1388 = arith.constant 3 : index
    %get3A_1389 = arith.constant 0 : index
    %get3A_1390 = arith.constant 0 : index
    %get3A_1391 = vector.load %arg10[%get3A_1388, %get3A_1389, %get3A_1390] : memref<20x128x128xf32, #tpu.memory_space<vmem>>, vector<1x128x128xf32>
    %get3A_1392 = vector.shape_cast %get3A_1391 : vector<1x128x128xf32> to vector<128x128xf32>
    %eq3A_1393 = vector.broadcast %reduce_max3A_1272 : f32 to vector<128x128xf32>
    %eq3A_1394 = arith.cmpf oeq, %get3A_1392, %eq3A_1393 : vector<128x128xf32>
    %jit3A_1395 = arith.constant 16384 : i32
    %broadcast_in_dim3A_1396 = vector.broadcast %jit3A_1395 : i32 to vector<128x128xi32>
    %select_n3A_1397 = arith.select %eq3A_1394, %add3A, %broadcast_in_dim3A_1396 : vector<128x128xi1>, vector<128x128xi32>
    %reduce_min3A_1398 = arith.constant dense<2147483647> : vector<128xi32>
    %reduce_min3A_1399 = vector.multi_reduction <minsi>, %select_n3A_1397, %reduce_min3A_1398 [0] : vector<128x128xi32> to vector<128xi32>
    %get3A_1400 = arith.constant 4 : index
    %get3A_1401 = arith.constant 0 : index
    %get3A_1402 = arith.constant 0 : index
    %get3A_1403 = vector.load %arg10[%get3A_1400, %get3A_1401, %get3A_1402] : memref<20x128x128xf32, #tpu.memory_space<vmem>>, vector<1x128x128xf32>
    %get3A_1404 = vector.shape_cast %get3A_1403 : vector<1x128x128xf32> to vector<128x128xf32>
    %eq3A_1405 = vector.broadcast %reduce_max3A_1277 : f32 to vector<128x128xf32>
    %eq3A_1406 = arith.cmpf oeq, %get3A_1404, %eq3A_1405 : vector<128x128xf32>
    %jit3A_1407 = arith.constant 16384 : i32
    %broadcast_in_dim3A_1408 = vector.broadcast %jit3A_1407 : i32 to vector<128x128xi32>
    %select_n3A_1409 = arith.select %eq3A_1406, %add3A, %broadcast_in_dim3A_1408 : vector<128x128xi1>, vector<128x128xi32>
    %reduce_min3A_1410 = arith.constant dense<2147483647> : vector<128xi32>
    %reduce_min3A_1411 = vector.multi_reduction <minsi>, %select_n3A_1409, %reduce_min3A_1410 [0] : vector<128x128xi32> to vector<128xi32>
    %get3A_1412 = arith.constant 5 : index
    %get3A_1413 = arith.constant 0 : index
    %get3A_1414 = arith.constant 0 : index
    %get3A_1415 = vector.load %arg10[%get3A_1412, %get3A_1413, %get3A_1414] : memref<20x128x128xf32, #tpu.memory_space<vmem>>, vector<1x128x128xf32>
    %get3A_1416 = vector.shape_cast %get3A_1415 : vector<1x128x128xf32> to vector<128x128xf32>
    %eq3A_1417 = vector.broadcast %reduce_max3A_1282 : f32 to vector<128x128xf32>
    %eq3A_1418 = arith.cmpf oeq, %get3A_1416, %eq3A_1417 : vector<128x128xf32>
    %jit3A_1419 = arith.constant 16384 : i32
    %broadcast_in_dim3A_1420 = vector.broadcast %jit3A_1419 : i32 to vector<128x128xi32>
    %select_n3A_1421 = arith.select %eq3A_1418, %add3A, %broadcast_in_dim3A_1420 : vector<128x128xi1>, vector<128x128xi32>
    %reduce_min3A_1422 = arith.constant dense<2147483647> : vector<128xi32>
    %reduce_min3A_1423 = vector.multi_reduction <minsi>, %select_n3A_1421, %reduce_min3A_1422 [0] : vector<128x128xi32> to vector<128xi32>
    %get3A_1424 = arith.constant 6 : index
    %get3A_1425 = arith.constant 0 : index
    %get3A_1426 = arith.constant 0 : index
    %get3A_1427 = vector.load %arg10[%get3A_1424, %get3A_1425, %get3A_1426] : memref<20x128x128xf32, #tpu.memory_space<vmem>>, vector<1x128x128xf32>
    %get3A_1428 = vector.shape_cast %get3A_1427 : vector<1x128x128xf32> to vector<128x128xf32>
    %eq3A_1429 = vector.broadcast %reduce_max3A_1287 : f32 to vector<128x128xf32>
    %eq3A_1430 = arith.cmpf oeq, %get3A_1428, %eq3A_1429 : vector<128x128xf32>
    %jit3A_1431 = arith.constant 16384 : i32
    %broadcast_in_dim3A_1432 = vector.broadcast %jit3A_1431 : i32 to vector<128x128xi32>
    %select_n3A_1433 = arith.select %eq3A_1430, %add3A, %broadcast_in_dim3A_1432 : vector<128x128xi1>, vector<128x128xi32>
    %reduce_min3A_1434 = arith.constant dense<2147483647> : vector<128xi32>
    %reduce_min3A_1435 = vector.multi_reduction <minsi>, %select_n3A_1433, %reduce_min3A_1434 [0] : vector<128x128xi32> to vector<128xi32>
    %get3A_1436 = arith.constant 7 : index
    %get3A_1437 = arith.constant 0 : index
    %get3A_1438 = arith.constant 0 : index
    %get3A_1439 = vector.load %arg10[%get3A_1436, %get3A_1437, %get3A_1438] : memref<20x128x128xf32, #tpu.memory_space<vmem>>, vector<1x128x128xf32>
    %get3A_1440 = vector.shape_cast %get3A_1439 : vector<1x128x128xf32> to vector<128x128xf32>
    %eq3A_1441 = vector.broadcast %reduce_max3A_1292 : f32 to vector<128x128xf32>
    %eq3A_1442 = arith.cmpf oeq, %get3A_1440, %eq3A_1441 : vector<128x128xf32>
    %jit3A_1443 = arith.constant 16384 : i32
    %broadcast_in_dim3A_1444 = vector.broadcast %jit3A_1443 : i32 to vector<128x128xi32>
    %select_n3A_1445 = arith.select %eq3A_1442, %add3A, %broadcast_in_dim3A_1444 : vector<128x128xi1>, vector<128x128xi32>
    %reduce_min3A_1446 = arith.constant dense<2147483647> : vector<128xi32>
    %reduce_min3A_1447 = vector.multi_reduction <minsi>, %select_n3A_1445, %reduce_min3A_1446 [0] : vector<128x128xi32> to vector<128xi32>
    %get3A_1448 = arith.constant 8 : index
    %get3A_1449 = arith.constant 0 : index
    %get3A_1450 = arith.constant 0 : index
    %get3A_1451 = vector.load %arg10[%get3A_1448, %get3A_1449, %get3A_1450] : memref<20x128x128xf32, #tpu.memory_space<vmem>>, vector<1x128x128xf32>
    %get3A_1452 = vector.shape_cast %get3A_1451 : vector<1x128x128xf32> to vector<128x128xf32>
    %eq3A_1453 = vector.broadcast %reduce_max3A_1297 : f32 to vector<128x128xf32>
    %eq3A_1454 = arith.cmpf oeq, %get3A_1452, %eq3A_1453 : vector<128x128xf32>
    %jit3A_1455 = arith.constant 16384 : i32
    %broadcast_in_dim3A_1456 = vector.broadcast %jit3A_1455 : i32 to vector<128x128xi32>
    %select_n3A_1457 = arith.select %eq3A_1454, %add3A, %broadcast_in_dim3A_1456 : vector<128x128xi1>, vector<128x128xi32>
    %reduce_min3A_1458 = arith.constant dense<2147483647> : vector<128xi32>
    %reduce_min3A_1459 = vector.multi_reduction <minsi>, %select_n3A_1457, %reduce_min3A_1458 [0] : vector<128x128xi32> to vector<128xi32>
    %get3A_1460 = arith.constant 9 : index
    %get3A_1461 = arith.constant 0 : index
    %get3A_1462 = arith.constant 0 : index
    %get3A_1463 = vector.load %arg10[%get3A_1460, %get3A_1461, %get3A_1462] : memref<20x128x128xf32, #tpu.memory_space<vmem>>, vector<1x128x128xf32>
    %get3A_1464 = vector.shape_cast %get3A_1463 : vector<1x128x128xf32> to vector<128x128xf32>
    %eq3A_1465 = vector.broadcast %reduce_max3A_1302 : f32 to vector<128x128xf32>
    %eq3A_1466 = arith.cmpf oeq, %get3A_1464, %eq3A_1465 : vector<128x128xf32>
    %jit3A_1467 = arith.constant 16384 : i32
    %broadcast_in_dim3A_1468 = vector.broadcast %jit3A_1467 : i32 to vector<128x128xi32>
    %select_n3A_1469 = arith.select %eq3A_1466, %add3A, %broadcast_in_dim3A_1468 : vector<128x128xi1>, vector<128x128xi32>
    %reduce_min3A_1470 = arith.constant dense<2147483647> : vector<128xi32>
    %reduce_min3A_1471 = vector.multi_reduction <minsi>, %select_n3A_1469, %reduce_min3A_1470 [0] : vector<128x128xi32> to vector<128xi32>
    %get3A_1472 = arith.constant 10 : index
    %get3A_1473 = arith.constant 0 : index
    %get3A_1474 = arith.constant 0 : index
    %get3A_1475 = vector.load %arg10[%get3A_1472, %get3A_1473, %get3A_1474] : memref<20x128x128xf32, #tpu.memory_space<vmem>>, vector<1x128x128xf32>
    %get3A_1476 = vector.shape_cast %get3A_1475 : vector<1x128x128xf32> to vector<128x128xf32>
    %eq3A_1477 = vector.broadcast %reduce_max3A_1307 : f32 to vector<128x128xf32>
    %eq3A_1478 = arith.cmpf oeq, %get3A_1476, %eq3A_1477 : vector<128x128xf32>
    %jit3A_1479 = arith.constant 16384 : i32
    %broadcast_in_dim3A_1480 = vector.broadcast %jit3A_1479 : i32 to vector<128x128xi32>
    %select_n3A_1481 = arith.select %eq3A_1478, %add3A, %broadcast_in_dim3A_1480 : vector<128x128xi1>, vector<128x128xi32>
    %reduce_min3A_1482 = arith.constant dense<2147483647> : vector<128xi32>
    %reduce_min3A_1483 = vector.multi_reduction <minsi>, %select_n3A_1481, %reduce_min3A_1482 [0] : vector<128x128xi32> to vector<128xi32>
    %get3A_1484 = arith.constant 11 : index
    %get3A_1485 = arith.constant 0 : index
    %get3A_1486 = arith.constant 0 : index
    %get3A_1487 = vector.load %arg10[%get3A_1484, %get3A_1485, %get3A_1486] : memref<20x128x128xf32, #tpu.memory_space<vmem>>, vector<1x128x128xf32>
    %get3A_1488 = vector.shape_cast %get3A_1487 : vector<1x128x128xf32> to vector<128x128xf32>
    %eq3A_1489 = vector.broadcast %reduce_max3A_1312 : f32 to vector<128x128xf32>
    %eq3A_1490 = arith.cmpf oeq, %get3A_1488, %eq3A_1489 : vector<128x128xf32>
    %jit3A_1491 = arith.constant 16384 : i32
    %broadcast_in_dim3A_1492 = vector.broadcast %jit3A_1491 : i32 to vector<128x128xi32>
    %select_n3A_1493 = arith.select %eq3A_1490, %add3A, %broadcast_in_dim3A_1492 : vector<128x128xi1>, vector<128x128xi32>
    %reduce_min3A_1494 = arith.constant dense<2147483647> : vector<128xi32>
    %reduce_min3A_1495 = vector.multi_reduction <minsi>, %select_n3A_1493, %reduce_min3A_1494 [0] : vector<128x128xi32> to vector<128xi32>
    %get3A_1496 = arith.constant 12 : index
    %get3A_1497 = arith.constant 0 : index
    %get3A_1498 = arith.constant 0 : index
    %get3A_1499 = vector.load %arg10[%get3A_1496, %get3A_1497, %get3A_1498] : memref<20x128x128xf32, #tpu.memory_space<vmem>>, vector<1x128x128xf32>
    %get3A_1500 = vector.shape_cast %get3A_1499 : vector<1x128x128xf32> to vector<128x128xf32>
    %eq3A_1501 = vector.broadcast %reduce_max3A_1317 : f32 to vector<128x128xf32>
    %eq3A_1502 = arith.cmpf oeq, %get3A_1500, %eq3A_1501 : vector<128x128xf32>
    %jit3A_1503 = arith.constant 16384 : i32
    %broadcast_in_dim3A_1504 = vector.broadcast %jit3A_1503 : i32 to vector<128x128xi32>
    %select_n3A_1505 = arith.select %eq3A_1502, %add3A, %broadcast_in_dim3A_1504 : vector<128x128xi1>, vector<128x128xi32>
    %reduce_min3A_1506 = arith.constant dense<2147483647> : vector<128xi32>
    %reduce_min3A_1507 = vector.multi_reduction <minsi>, %select_n3A_1505, %reduce_min3A_1506 [0] : vector<128x128xi32> to vector<128xi32>
    %get3A_1508 = arith.constant 13 : index
    %get3A_1509 = arith.constant 0 : index
    %get3A_1510 = arith.constant 0 : index
    %get3A_1511 = vector.load %arg10[%get3A_1508, %get3A_1509, %get3A_1510] : memref<20x128x128xf32, #tpu.memory_space<vmem>>, vector<1x128x128xf32>
    %get3A_1512 = vector.shape_cast %get3A_1511 : vector<1x128x128xf32> to vector<128x128xf32>
    %eq3A_1513 = vector.broadcast %reduce_max3A_1322 : f32 to vector<128x128xf32>
    %eq3A_1514 = arith.cmpf oeq, %get3A_1512, %eq3A_1513 : vector<128x128xf32>
    %jit3A_1515 = arith.constant 16384 : i32
    %broadcast_in_dim3A_1516 = vector.broadcast %jit3A_1515 : i32 to vector<128x128xi32>
    %select_n3A_1517 = arith.select %eq3A_1514, %add3A, %broadcast_in_dim3A_1516 : vector<128x128xi1>, vector<128x128xi32>
    %reduce_min3A_1518 = arith.constant dense<2147483647> : vector<128xi32>
    %reduce_min3A_1519 = vector.multi_reduction <minsi>, %select_n3A_1517, %reduce_min3A_1518 [0] : vector<128x128xi32> to vector<128xi32>
    %get3A_1520 = arith.constant 14 : index
    %get3A_1521 = arith.constant 0 : index
    %get3A_1522 = arith.constant 0 : index
    %get3A_1523 = vector.load %arg10[%get3A_1520, %get3A_1521, %get3A_1522] : memref<20x128x128xf32, #tpu.memory_space<vmem>>, vector<1x128x128xf32>
    %get3A_1524 = vector.shape_cast %get3A_1523 : vector<1x128x128xf32> to vector<128x128xf32>
    %eq3A_1525 = vector.broadcast %reduce_max3A_1327 : f32 to vector<128x128xf32>
    %eq3A_1526 = arith.cmpf oeq, %get3A_1524, %eq3A_1525 : vector<128x128xf32>
    %jit3A_1527 = arith.constant 16384 : i32
    %broadcast_in_dim3A_1528 = vector.broadcast %jit3A_1527 : i32 to vector<128x128xi32>
    %select_n3A_1529 = arith.select %eq3A_1526, %add3A, %broadcast_in_dim3A_1528 : vector<128x128xi1>, vector<128x128xi32>
    %reduce_min3A_1530 = arith.constant dense<2147483647> : vector<128xi32>
    %reduce_min3A_1531 = vector.multi_reduction <minsi>, %select_n3A_1529, %reduce_min3A_1530 [0] : vector<128x128xi32> to vector<128xi32>
    %get3A_1532 = arith.constant 15 : index
    %get3A_1533 = arith.constant 0 : index
    %get3A_1534 = arith.constant 0 : index
    %get3A_1535 = vector.load %arg10[%get3A_1532, %get3A_1533, %get3A_1534] : memref<20x128x128xf32, #tpu.memory_space<vmem>>, vector<1x128x128xf32>
    %get3A_1536 = vector.shape_cast %get3A_1535 : vector<1x128x128xf32> to vector<128x128xf32>
    %eq3A_1537 = vector.broadcast %reduce_max3A_1332 : f32 to vector<128x128xf32>
    %eq3A_1538 = arith.cmpf oeq, %get3A_1536, %eq3A_1537 : vector<128x128xf32>
    %jit3A_1539 = arith.constant 16384 : i32
    %broadcast_in_dim3A_1540 = vector.broadcast %jit3A_1539 : i32 to vector<128x128xi32>
    %select_n3A_1541 = arith.select %eq3A_1538, %add3A, %broadcast_in_dim3A_1540 : vector<128x128xi1>, vector<128x128xi32>
    %reduce_min3A_1542 = arith.constant dense<2147483647> : vector<128xi32>
    %reduce_min3A_1543 = vector.multi_reduction <minsi>, %select_n3A_1541, %reduce_min3A_1542 [0] : vector<128x128xi32> to vector<128xi32>
    %get3A_1544 = arith.constant 16 : index
    %get3A_1545 = arith.constant 0 : index
    %get3A_1546 = arith.constant 0 : index
    %get3A_1547 = vector.load %arg10[%get3A_1544, %get3A_1545, %get3A_1546] : memref<20x128x128xf32, #tpu.memory_space<vmem>>, vector<1x128x128xf32>
    %get3A_1548 = vector.shape_cast %get3A_1547 : vector<1x128x128xf32> to vector<128x128xf32>
    %eq3A_1549 = vector.broadcast %reduce_max3A_1337 : f32 to vector<128x128xf32>
    %eq3A_1550 = arith.cmpf oeq, %get3A_1548, %eq3A_1549 : vector<128x128xf32>
    %jit3A_1551 = arith.constant 16384 : i32
    %broadcast_in_dim3A_1552 = vector.broadcast %jit3A_1551 : i32 to vector<128x128xi32>
    %select_n3A_1553 = arith.select %eq3A_1550, %add3A, %broadcast_in_dim3A_1552 : vector<128x128xi1>, vector<128x128xi32>
    %reduce_min3A_1554 = arith.constant dense<2147483647> : vector<128xi32>
    %reduce_min3A_1555 = vector.multi_reduction <minsi>, %select_n3A_1553, %reduce_min3A_1554 [0] : vector<128x128xi32> to vector<128xi32>
    %get3A_1556 = arith.constant 17 : index
    %get3A_1557 = arith.constant 0 : index
    %get3A_1558 = arith.constant 0 : index
    %get3A_1559 = vector.load %arg10[%get3A_1556, %get3A_1557, %get3A_1558] : memref<20x128x128xf32, #tpu.memory_space<vmem>>, vector<1x128x128xf32>
    %get3A_1560 = vector.shape_cast %get3A_1559 : vector<1x128x128xf32> to vector<128x128xf32>
    %eq3A_1561 = vector.broadcast %reduce_max3A_1342 : f32 to vector<128x128xf32>
    %eq3A_1562 = arith.cmpf oeq, %get3A_1560, %eq3A_1561 : vector<128x128xf32>
    %jit3A_1563 = arith.constant 16384 : i32
    %broadcast_in_dim3A_1564 = vector.broadcast %jit3A_1563 : i32 to vector<128x128xi32>
    %select_n3A_1565 = arith.select %eq3A_1562, %add3A, %broadcast_in_dim3A_1564 : vector<128x128xi1>, vector<128x128xi32>
    %reduce_min3A_1566 = arith.constant dense<2147483647> : vector<128xi32>
    %reduce_min3A_1567 = vector.multi_reduction <minsi>, %select_n3A_1565, %reduce_min3A_1566 [0] : vector<128x128xi32> to vector<128xi32>
    %get3A_1568 = arith.constant 18 : index
    %get3A_1569 = arith.constant 0 : index
    %get3A_1570 = arith.constant 0 : index
    %get3A_1571 = vector.load %arg10[%get3A_1568, %get3A_1569, %get3A_1570] : memref<20x128x128xf32, #tpu.memory_space<vmem>>, vector<1x128x128xf32>
    %get3A_1572 = vector.shape_cast %get3A_1571 : vector<1x128x128xf32> to vector<128x128xf32>
    %eq3A_1573 = vector.broadcast %reduce_max3A_1347 : f32 to vector<128x128xf32>
    %eq3A_1574 = arith.cmpf oeq, %get3A_1572, %eq3A_1573 : vector<128x128xf32>
    %jit3A_1575 = arith.constant 16384 : i32
    %broadcast_in_dim3A_1576 = vector.broadcast %jit3A_1575 : i32 to vector<128x128xi32>
    %select_n3A_1577 = arith.select %eq3A_1574, %add3A, %broadcast_in_dim3A_1576 : vector<128x128xi1>, vector<128x128xi32>
    %reduce_min3A_1578 = arith.constant dense<2147483647> : vector<128xi32>
    %reduce_min3A_1579 = vector.multi_reduction <minsi>, %select_n3A_1577, %reduce_min3A_1578 [0] : vector<128x128xi32> to vector<128xi32>
    %get3A_1580 = arith.constant 19 : index
    %get3A_1581 = arith.constant 0 : index
    %get3A_1582 = arith.constant 0 : index
    %get3A_1583 = vector.load %arg10[%get3A_1580, %get3A_1581, %get3A_1582] : memref<20x128x128xf32, #tpu.memory_space<vmem>>, vector<1x128x128xf32>
    %get3A_1584 = vector.shape_cast %get3A_1583 : vector<1x128x128xf32> to vector<128x128xf32>
    %eq3A_1585 = vector.broadcast %reduce_max3A_1352 : f32 to vector<128x128xf32>
    %eq3A_1586 = arith.cmpf oeq, %get3A_1584, %eq3A_1585 : vector<128x128xf32>
    %jit3A_1587 = arith.constant 16384 : i32
    %broadcast_in_dim3A_1588 = vector.broadcast %jit3A_1587 : i32 to vector<128x128xi32>
    %select_n3A_1589 = arith.select %eq3A_1586, %add3A, %broadcast_in_dim3A_1588 : vector<128x128xi1>, vector<128x128xi32>
    %reduce_min3A_1590 = arith.constant dense<2147483647> : vector<128xi32>
    %reduce_min3A_1591 = vector.multi_reduction <minsi>, %select_n3A_1589, %reduce_min3A_1590 [0] : vector<128x128xi32> to vector<128xi32>
    %reduce_min3A_1592 = vector.shape_cast %reduce_min3A_1363 : vector<128xi32> to vector<1x128xi32>
    %reduce_min3A_1593 = arith.constant dense<2147483647> : vector<1xi32>
    %reduce_min3A_1594 = vector.multi_reduction <minsi>, %reduce_min3A_1592, %reduce_min3A_1593 [1] : vector<1x128xi32> to vector<1xi32>
    %reduce_min3A_1595 = vector.shape_cast %reduce_min3A_1594 : vector<1xi32> to vector<1x1xi32>
    %reduce_min3A_1596 = vector.extract %reduce_min3A_1595[0, 0] : i32 from vector<1x1xi32>
    %reduce_min3A_1597 = vector.shape_cast %reduce_min3A_1375 : vector<128xi32> to vector<1x128xi32>
    %reduce_min3A_1598 = arith.constant dense<2147483647> : vector<1xi32>
    %reduce_min3A_1599 = vector.multi_reduction <minsi>, %reduce_min3A_1597, %reduce_min3A_1598 [1] : vector<1x128xi32> to vector<1xi32>
    %reduce_min3A_1600 = vector.shape_cast %reduce_min3A_1599 : vector<1xi32> to vector<1x1xi32>
    %reduce_min3A_1601 = vector.extract %reduce_min3A_1600[0, 0] : i32 from vector<1x1xi32>
    %reduce_min3A_1602 = vector.shape_cast %reduce_min3A_1387 : vector<128xi32> to vector<1x128xi32>
    %reduce_min3A_1603 = arith.constant dense<2147483647> : vector<1xi32>
    %reduce_min3A_1604 = vector.multi_reduction <minsi>, %reduce_min3A_1602, %reduce_min3A_1603 [1] : vector<1x128xi32> to vector<1xi32>
    %reduce_min3A_1605 = vector.shape_cast %reduce_min3A_1604 : vector<1xi32> to vector<1x1xi32>
    %reduce_min3A_1606 = vector.extract %reduce_min3A_1605[0, 0] : i32 from vector<1x1xi32>
    %reduce_min3A_1607 = vector.shape_cast %reduce_min3A_1399 : vector<128xi32> to vector<1x128xi32>
    %reduce_min3A_1608 = arith.constant dense<2147483647> : vector<1xi32>
    %reduce_min3A_1609 = vector.multi_reduction <minsi>, %reduce_min3A_1607, %reduce_min3A_1608 [1] : vector<1x128xi32> to vector<1xi32>
    %reduce_min3A_1610 = vector.shape_cast %reduce_min3A_1609 : vector<1xi32> to vector<1x1xi32>
    %reduce_min3A_1611 = vector.extract %reduce_min3A_1610[0, 0] : i32 from vector<1x1xi32>
    %reduce_min3A_1612 = vector.shape_cast %reduce_min3A_1411 : vector<128xi32> to vector<1x128xi32>
    %reduce_min3A_1613 = arith.constant dense<2147483647> : vector<1xi32>
    %reduce_min3A_1614 = vector.multi_reduction <minsi>, %reduce_min3A_1612, %reduce_min3A_1613 [1] : vector<1x128xi32> to vector<1xi32>
    %reduce_min3A_1615 = vector.shape_cast %reduce_min3A_1614 : vector<1xi32> to vector<1x1xi32>
    %reduce_min3A_1616 = vector.extract %reduce_min3A_1615[0, 0] : i32 from vector<1x1xi32>
    %reduce_min3A_1617 = vector.shape_cast %reduce_min3A_1423 : vector<128xi32> to vector<1x128xi32>
    %reduce_min3A_1618 = arith.constant dense<2147483647> : vector<1xi32>
    %reduce_min3A_1619 = vector.multi_reduction <minsi>, %reduce_min3A_1617, %reduce_min3A_1618 [1] : vector<1x128xi32> to vector<1xi32>
    %reduce_min3A_1620 = vector.shape_cast %reduce_min3A_1619 : vector<1xi32> to vector<1x1xi32>
    %reduce_min3A_1621 = vector.extract %reduce_min3A_1620[0, 0] : i32 from vector<1x1xi32>
    %reduce_min3A_1622 = vector.shape_cast %reduce_min3A_1435 : vector<128xi32> to vector<1x128xi32>
    %reduce_min3A_1623 = arith.constant dense<2147483647> : vector<1xi32>
    %reduce_min3A_1624 = vector.multi_reduction <minsi>, %reduce_min3A_1622, %reduce_min3A_1623 [1] : vector<1x128xi32> to vector<1xi32>
    %reduce_min3A_1625 = vector.shape_cast %reduce_min3A_1624 : vector<1xi32> to vector<1x1xi32>
    %reduce_min3A_1626 = vector.extract %reduce_min3A_1625[0, 0] : i32 from vector<1x1xi32>
    %reduce_min3A_1627 = vector.shape_cast %reduce_min3A_1447 : vector<128xi32> to vector<1x128xi32>
    %reduce_min3A_1628 = arith.constant dense<2147483647> : vector<1xi32>
    %reduce_min3A_1629 = vector.multi_reduction <minsi>, %reduce_min3A_1627, %reduce_min3A_1628 [1] : vector<1x128xi32> to vector<1xi32>
    %reduce_min3A_1630 = vector.shape_cast %reduce_min3A_1629 : vector<1xi32> to vector<1x1xi32>
    %reduce_min3A_1631 = vector.extract %reduce_min3A_1630[0, 0] : i32 from vector<1x1xi32>
    %reduce_min3A_1632 = vector.shape_cast %reduce_min3A_1459 : vector<128xi32> to vector<1x128xi32>
    %reduce_min3A_1633 = arith.constant dense<2147483647> : vector<1xi32>
    %reduce_min3A_1634 = vector.multi_reduction <minsi>, %reduce_min3A_1632, %reduce_min3A_1633 [1] : vector<1x128xi32> to vector<1xi32>
    %reduce_min3A_1635 = vector.shape_cast %reduce_min3A_1634 : vector<1xi32> to vector<1x1xi32>
    %reduce_min3A_1636 = vector.extract %reduce_min3A_1635[0, 0] : i32 from vector<1x1xi32>
    %reduce_min3A_1637 = vector.shape_cast %reduce_min3A_1471 : vector<128xi32> to vector<1x128xi32>
    %reduce_min3A_1638 = arith.constant dense<2147483647> : vector<1xi32>
    %reduce_min3A_1639 = vector.multi_reduction <minsi>, %reduce_min3A_1637, %reduce_min3A_1638 [1] : vector<1x128xi32> to vector<1xi32>
    %reduce_min3A_1640 = vector.shape_cast %reduce_min3A_1639 : vector<1xi32> to vector<1x1xi32>
    %reduce_min3A_1641 = vector.extract %reduce_min3A_1640[0, 0] : i32 from vector<1x1xi32>
    %reduce_min3A_1642 = vector.shape_cast %reduce_min3A_1483 : vector<128xi32> to vector<1x128xi32>
    %reduce_min3A_1643 = arith.constant dense<2147483647> : vector<1xi32>
    %reduce_min3A_1644 = vector.multi_reduction <minsi>, %reduce_min3A_1642, %reduce_min3A_1643 [1] : vector<1x128xi32> to vector<1xi32>
    %reduce_min3A_1645 = vector.shape_cast %reduce_min3A_1644 : vector<1xi32> to vector<1x1xi32>
    %reduce_min3A_1646 = vector.extract %reduce_min3A_1645[0, 0] : i32 from vector<1x1xi32>
    %reduce_min3A_1647 = vector.shape_cast %reduce_min3A_1495 : vector<128xi32> to vector<1x128xi32>
    %reduce_min3A_1648 = arith.constant dense<2147483647> : vector<1xi32>
    %reduce_min3A_1649 = vector.multi_reduction <minsi>, %reduce_min3A_1647, %reduce_min3A_1648 [1] : vector<1x128xi32> to vector<1xi32>
    %reduce_min3A_1650 = vector.shape_cast %reduce_min3A_1649 : vector<1xi32> to vector<1x1xi32>
    %reduce_min3A_1651 = vector.extract %reduce_min3A_1650[0, 0] : i32 from vector<1x1xi32>
    %reduce_min3A_1652 = vector.shape_cast %reduce_min3A_1507 : vector<128xi32> to vector<1x128xi32>
    %reduce_min3A_1653 = arith.constant dense<2147483647> : vector<1xi32>
    %reduce_min3A_1654 = vector.multi_reduction <minsi>, %reduce_min3A_1652, %reduce_min3A_1653 [1] : vector<1x128xi32> to vector<1xi32>
    %reduce_min3A_1655 = vector.shape_cast %reduce_min3A_1654 : vector<1xi32> to vector<1x1xi32>
    %reduce_min3A_1656 = vector.extract %reduce_min3A_1655[0, 0] : i32 from vector<1x1xi32>
    %reduce_min3A_1657 = vector.shape_cast %reduce_min3A_1519 : vector<128xi32> to vector<1x128xi32>
    %reduce_min3A_1658 = arith.constant dense<2147483647> : vector<1xi32>
    %reduce_min3A_1659 = vector.multi_reduction <minsi>, %reduce_min3A_1657, %reduce_min3A_1658 [1] : vector<1x128xi32> to vector<1xi32>
    %reduce_min3A_1660 = vector.shape_cast %reduce_min3A_1659 : vector<1xi32> to vector<1x1xi32>
    %reduce_min3A_1661 = vector.extract %reduce_min3A_1660[0, 0] : i32 from vector<1x1xi32>
    %reduce_min3A_1662 = vector.shape_cast %reduce_min3A_1531 : vector<128xi32> to vector<1x128xi32>
    %reduce_min3A_1663 = arith.constant dense<2147483647> : vector<1xi32>
    %reduce_min3A_1664 = vector.multi_reduction <minsi>, %reduce_min3A_1662, %reduce_min3A_1663 [1] : vector<1x128xi32> to vector<1xi32>
    %reduce_min3A_1665 = vector.shape_cast %reduce_min3A_1664 : vector<1xi32> to vector<1x1xi32>
    %reduce_min3A_1666 = vector.extract %reduce_min3A_1665[0, 0] : i32 from vector<1x1xi32>
    %reduce_min3A_1667 = vector.shape_cast %reduce_min3A_1543 : vector<128xi32> to vector<1x128xi32>
    %reduce_min3A_1668 = arith.constant dense<2147483647> : vector<1xi32>
    %reduce_min3A_1669 = vector.multi_reduction <minsi>, %reduce_min3A_1667, %reduce_min3A_1668 [1] : vector<1x128xi32> to vector<1xi32>
    %reduce_min3A_1670 = vector.shape_cast %reduce_min3A_1669 : vector<1xi32> to vector<1x1xi32>
    %reduce_min3A_1671 = vector.extract %reduce_min3A_1670[0, 0] : i32 from vector<1x1xi32>
    %reduce_min3A_1672 = vector.shape_cast %reduce_min3A_1555 : vector<128xi32> to vector<1x128xi32>
    %reduce_min3A_1673 = arith.constant dense<2147483647> : vector<1xi32>
    %reduce_min3A_1674 = vector.multi_reduction <minsi>, %reduce_min3A_1672, %reduce_min3A_1673 [1] : vector<1x128xi32> to vector<1xi32>
    %reduce_min3A_1675 = vector.shape_cast %reduce_min3A_1674 : vector<1xi32> to vector<1x1xi32>
    %reduce_min3A_1676 = vector.extract %reduce_min3A_1675[0, 0] : i32 from vector<1x1xi32>
    %reduce_min3A_1677 = vector.shape_cast %reduce_min3A_1567 : vector<128xi32> to vector<1x128xi32>
    %reduce_min3A_1678 = arith.constant dense<2147483647> : vector<1xi32>
    %reduce_min3A_1679 = vector.multi_reduction <minsi>, %reduce_min3A_1677, %reduce_min3A_1678 [1] : vector<1x128xi32> to vector<1xi32>
    %reduce_min3A_1680 = vector.shape_cast %reduce_min3A_1679 : vector<1xi32> to vector<1x1xi32>
    %reduce_min3A_1681 = vector.extract %reduce_min3A_1680[0, 0] : i32 from vector<1x1xi32>
    %reduce_min3A_1682 = vector.shape_cast %reduce_min3A_1579 : vector<128xi32> to vector<1x128xi32>
    %reduce_min3A_1683 = arith.constant dense<2147483647> : vector<1xi32>
    %reduce_min3A_1684 = vector.multi_reduction <minsi>, %reduce_min3A_1682, %reduce_min3A_1683 [1] : vector<1x128xi32> to vector<1xi32>
    %reduce_min3A_1685 = vector.shape_cast %reduce_min3A_1684 : vector<1xi32> to vector<1x1xi32>
    %reduce_min3A_1686 = vector.extract %reduce_min3A_1685[0, 0] : i32 from vector<1x1xi32>
    %reduce_min3A_1687 = vector.shape_cast %reduce_min3A_1591 : vector<128xi32> to vector<1x128xi32>
    %reduce_min3A_1688 = arith.constant dense<2147483647> : vector<1xi32>
    %reduce_min3A_1689 = vector.multi_reduction <minsi>, %reduce_min3A_1687, %reduce_min3A_1688 [1] : vector<1x128xi32> to vector<1xi32>
    %reduce_min3A_1690 = vector.shape_cast %reduce_min3A_1689 : vector<1xi32> to vector<1x1xi32>
    %reduce_min3A_1691 = vector.extract %reduce_min3A_1690[0, 0] : i32 from vector<1x1xi32>
    %eq3A_1692 = vector.broadcast %reduce_min3A_1596 : i32 to vector<128x128xi32>
    %eq3A_1693 = arith.cmpi eq, %add3A, %eq3A_1692 : vector<128x128xi32>
    %or3A = arith.ori %broadcast_in_dim3A_40, %eq3A_1693 : vector<128x128xi1>
    %eq3A_1694 = vector.broadcast %reduce_min3A_1601 : i32 to vector<128x128xi32>
    %eq3A_1695 = arith.cmpi eq, %add3A, %eq3A_1694 : vector<128x128xi32>
    %or3A_1696 = arith.ori %or3A, %eq3A_1695 : vector<128x128xi1>
    %eq3A_1697 = vector.broadcast %reduce_min3A_1606 : i32 to vector<128x128xi32>
    %eq3A_1698 = arith.cmpi eq, %add3A, %eq3A_1697 : vector<128x128xi32>
    %or3A_1699 = arith.ori %or3A_1696, %eq3A_1698 : vector<128x128xi1>
    %eq3A_1700 = vector.broadcast %reduce_min3A_1611 : i32 to vector<128x128xi32>
    %eq3A_1701 = arith.cmpi eq, %add3A, %eq3A_1700 : vector<128x128xi32>
    %or3A_1702 = arith.ori %or3A_1699, %eq3A_1701 : vector<128x128xi1>
    %eq3A_1703 = vector.broadcast %reduce_min3A_1616 : i32 to vector<128x128xi32>
    %eq3A_1704 = arith.cmpi eq, %add3A, %eq3A_1703 : vector<128x128xi32>
    %or3A_1705 = arith.ori %or3A_1702, %eq3A_1704 : vector<128x128xi1>
    %eq3A_1706 = vector.broadcast %reduce_min3A_1621 : i32 to vector<128x128xi32>
    %eq3A_1707 = arith.cmpi eq, %add3A, %eq3A_1706 : vector<128x128xi32>
    %or3A_1708 = arith.ori %or3A_1705, %eq3A_1707 : vector<128x128xi1>
    %eq3A_1709 = vector.broadcast %reduce_min3A_1626 : i32 to vector<128x128xi32>
    %eq3A_1710 = arith.cmpi eq, %add3A, %eq3A_1709 : vector<128x128xi32>
    %or3A_1711 = arith.ori %or3A_1708, %eq3A_1710 : vector<128x128xi1>
    %eq3A_1712 = vector.broadcast %reduce_min3A_1631 : i32 to vector<128x128xi32>
    %eq3A_1713 = arith.cmpi eq, %add3A, %eq3A_1712 : vector<128x128xi32>
    %or3A_1714 = arith.ori %or3A_1711, %eq3A_1713 : vector<128x128xi1>
    %eq3A_1715 = vector.broadcast %reduce_min3A_1636 : i32 to vector<128x128xi32>
    %eq3A_1716 = arith.cmpi eq, %add3A, %eq3A_1715 : vector<128x128xi32>
    %or3A_1717 = arith.ori %or3A_1714, %eq3A_1716 : vector<128x128xi1>
    %eq3A_1718 = vector.broadcast %reduce_min3A_1641 : i32 to vector<128x128xi32>
    %eq3A_1719 = arith.cmpi eq, %add3A, %eq3A_1718 : vector<128x128xi32>
    %or3A_1720 = arith.ori %or3A_1717, %eq3A_1719 : vector<128x128xi1>
    %eq3A_1721 = vector.broadcast %reduce_min3A_1646 : i32 to vector<128x128xi32>
    %eq3A_1722 = arith.cmpi eq, %add3A, %eq3A_1721 : vector<128x128xi32>
    %or3A_1723 = arith.ori %or3A_1720, %eq3A_1722 : vector<128x128xi1>
    %eq3A_1724 = vector.broadcast %reduce_min3A_1651 : i32 to vector<128x128xi32>
    %eq3A_1725 = arith.cmpi eq, %add3A, %eq3A_1724 : vector<128x128xi32>
    %or3A_1726 = arith.ori %or3A_1723, %eq3A_1725 : vector<128x128xi1>
    %eq3A_1727 = vector.broadcast %reduce_min3A_1656 : i32 to vector<128x128xi32>
    %eq3A_1728 = arith.cmpi eq, %add3A, %eq3A_1727 : vector<128x128xi32>
    %or3A_1729 = arith.ori %or3A_1726, %eq3A_1728 : vector<128x128xi1>
    %eq3A_1730 = vector.broadcast %reduce_min3A_1661 : i32 to vector<128x128xi32>
    %eq3A_1731 = arith.cmpi eq, %add3A, %eq3A_1730 : vector<128x128xi32>
    %or3A_1732 = arith.ori %or3A_1729, %eq3A_1731 : vector<128x128xi1>
    %eq3A_1733 = vector.broadcast %reduce_min3A_1666 : i32 to vector<128x128xi32>
    %eq3A_1734 = arith.cmpi eq, %add3A, %eq3A_1733 : vector<128x128xi32>
    %or3A_1735 = arith.ori %or3A_1732, %eq3A_1734 : vector<128x128xi1>
    %eq3A_1736 = vector.broadcast %reduce_min3A_1671 : i32 to vector<128x128xi32>
    %eq3A_1737 = arith.cmpi eq, %add3A, %eq3A_1736 : vector<128x128xi32>
    %or3A_1738 = arith.ori %or3A_1735, %eq3A_1737 : vector<128x128xi1>
    %eq3A_1739 = vector.broadcast %reduce_min3A_1676 : i32 to vector<128x128xi32>
    %eq3A_1740 = arith.cmpi eq, %add3A, %eq3A_1739 : vector<128x128xi32>
    %or3A_1741 = arith.ori %or3A_1738, %eq3A_1740 : vector<128x128xi1>
    %eq3A_1742 = vector.broadcast %reduce_min3A_1681 : i32 to vector<128x128xi32>
    %eq3A_1743 = arith.cmpi eq, %add3A, %eq3A_1742 : vector<128x128xi32>
    %or3A_1744 = arith.ori %or3A_1741, %eq3A_1743 : vector<128x128xi1>
    %eq3A_1745 = vector.broadcast %reduce_min3A_1686 : i32 to vector<128x128xi32>
    %eq3A_1746 = arith.cmpi eq, %add3A, %eq3A_1745 : vector<128x128xi32>
    %or3A_1747 = arith.ori %or3A_1744, %eq3A_1746 : vector<128x128xi1>
    %eq3A_1748 = vector.broadcast %reduce_min3A_1691 : i32 to vector<128x128xi32>
    %eq3A_1749 = arith.cmpi eq, %add3A, %eq3A_1748 : vector<128x128xi32>
    %or3A_1750 = arith.ori %or3A_1747, %eq3A_1749 : vector<128x128xi1>
    %gt3A_1751 = arith.constant 5.000000e-01 : f32
    %gt3A_1752 = vector.broadcast %gt3A_1751 : f32 to vector<128x128xf32>
    %gt3A_1753 = arith.cmpf ogt, %select_n3A_1242, %gt3A_1752 : vector<128x128xf32>
    %or3A_1754 = arith.ori %gt3A_1753, %or3A_1750 : vector<128x128xi1>
    %convert_element_type3A_1755 = arith.extui %or3A_1754 : vector<128x128xi1> to vector<128x128xi32>
    %convert_element_type3A_1756 = arith.sitofp %convert_element_type3A_1755 : vector<128x128xi32> to vector<128x128xf32>
    %reduce_sum3A = vector.shape_cast %convert_element_type3A_1756 : vector<128x128xf32> to vector<1x128x128xf32>
    %reduce_sum3A_1757 = arith.constant dense<0.000000e+00> : vector<1xf32>
    %reduce_sum3A_1758 = vector.multi_reduction <add>, %reduce_sum3A, %reduce_sum3A_1757 [1, 2] : vector<1x128x128xf32> to vector<1xf32>
    %reduce_sum3A_1759 = vector.shape_cast %reduce_sum3A_1758 : vector<1xf32> to vector<1x1x1xf32>
    %reduce_sum3A_1760 = vector.extract %reduce_sum3A_1759[0, 0, 0] : f32 from vector<1x1x1xf32>
    %convert_element_type3A_1761 = arith.fptosi %reduce_sum3A_1760 : f32 to i32
    %get3A_1762 = arith.constant 0 : index
    %get3A_1763 = arith.constant 0 : index
    %get3A_1764 = arith.constant 0 : index
    %get3A_1765 = arith.constant 0 : index
    %get3A_1766 = vector.load %arg3[%get3A_1762, %get3A_1763, %get3A_1764, %get3A_1765] : memref<4x2x128x128xf32, #tpu.memory_space<vmem>>, vector<1x1x128x128xf32>
    %get3A_1767 = vector.shape_cast %get3A_1766 : vector<1x1x128x128xf32> to vector<128x128xf32>
    %get3A_1768 = arith.constant 1 : index
    %get3A_1769 = arith.constant 0 : index
    %get3A_1770 = arith.constant 0 : index
    %get3A_1771 = arith.constant 0 : index
    %get3A_1772 = vector.load %arg3[%get3A_1768, %get3A_1769, %get3A_1770, %get3A_1771] : memref<4x2x128x128xf32, #tpu.memory_space<vmem>>, vector<1x1x128x128xf32>
    %get3A_1773 = vector.shape_cast %get3A_1772 : vector<1x1x128x128xf32> to vector<128x128xf32>
    %get3A_1774 = arith.constant 2 : index
    %get3A_1775 = arith.constant 0 : index
    %get3A_1776 = arith.constant 0 : index
    %get3A_1777 = arith.constant 0 : index
    %get3A_1778 = vector.load %arg3[%get3A_1774, %get3A_1775, %get3A_1776, %get3A_1777] : memref<4x2x128x128xf32, #tpu.memory_space<vmem>>, vector<1x1x128x128xf32>
    %get3A_1779 = vector.shape_cast %get3A_1778 : vector<1x1x128x128xf32> to vector<128x128xf32>
    %get3A_1780 = arith.constant 3 : index
    %get3A_1781 = arith.constant 0 : index
    %get3A_1782 = arith.constant 0 : index
    %get3A_1783 = arith.constant 0 : index
    %get3A_1784 = vector.load %arg3[%get3A_1780, %get3A_1781, %get3A_1782, %get3A_1783] : memref<4x2x128x128xf32, #tpu.memory_space<vmem>>, vector<1x1x128x128xf32>
    %get3A_1785 = vector.shape_cast %get3A_1784 : vector<1x1x128x128xf32> to vector<128x128xf32>
    %max3A_1786 = arith.maximumf %get3A_1767, %select_n3A_1244 : vector<128x128xf32>
    %max3A_1787 = arith.maximumf %get3A_1773, %select_n3A_1246 : vector<128x128xf32>
    %min3A_1788 = arith.minimumf %get3A_1779, %select_n3A_1248 : vector<128x128xf32>
    %min3A_1789 = arith.minimumf %get3A_1785, %select_n3A_1250 : vector<128x128xf32>
    %sub3A_1790 = arith.subf %min3A_1788, %max3A_1786 : vector<128x128xf32>
    %jit3A_1791 = arith.constant 0.000000e+00 : f32
    %max3A_1792 = vector.broadcast %jit3A_1791 : f32 to vector<128x128xf32>
    %max3A_1793 = arith.maximumf %max3A_1792, %sub3A_1790 : vector<128x128xf32>
    %sub3A_1794 = arith.subf %min3A_1789, %max3A_1787 : vector<128x128xf32>
    %jit3A_1795 = arith.constant 0.000000e+00 : f32
    %max3A_1796 = vector.broadcast %jit3A_1795 : f32 to vector<128x128xf32>
    %max3A_1797 = arith.maximumf %max3A_1796, %sub3A_1794 : vector<128x128xf32>
    %mul3A_1798 = arith.mulf %max3A_1793, %max3A_1797 : vector<128x128xf32>
    %sub3A_1799 = arith.subf %get3A_1779, %get3A_1767 : vector<128x128xf32>
    %sub3A_1800 = arith.subf %get3A_1785, %get3A_1773 : vector<128x128xf32>
    %mul3A_1801 = arith.mulf %sub3A_1799, %sub3A_1800 : vector<128x128xf32>
    %sub3A_1802 = arith.subf %select_n3A_1248, %select_n3A_1244 : vector<128x128xf32>
    %sub3A_1803 = arith.subf %select_n3A_1250, %select_n3A_1246 : vector<128x128xf32>
    %mul3A_1804 = arith.mulf %sub3A_1802, %sub3A_1803 : vector<128x128xf32>
    %add3A_1805 = arith.addf %mul3A_1801, %mul3A_1804 : vector<128x128xf32>
    %sub3A_1806 = arith.subf %add3A_1805, %mul3A_1798 : vector<128x128xf32>
    %add3A_1807 = arith.constant 1.000000e-10 : f32
    %add3A_1808 = vector.broadcast %add3A_1807 : f32 to vector<128x128xf32>
    %add3A_1809 = arith.addf %sub3A_1806, %add3A_1808 : vector<128x128xf32>
    %div3A_1810 = arith.divf %mul3A_1798, %add3A_1809 : vector<128x128xf32>
    %add3A_1811 = arith.addf %get3A_1767, %get3A_1779 : vector<128x128xf32>
    %sub3A_1812 = arith.subf %add3A_1811, %select_n3A_1244 : vector<128x128xf32>
    %sub3A_1813 = arith.subf %sub3A_1812, %select_n3A_1248 : vector<128x128xf32>
    %mul3A_1814 = arith.constant 5.000000e-01 : f32
    %mul3A_1815 = vector.broadcast %mul3A_1814 : f32 to vector<128x128xf32>
    %mul3A_1816 = arith.mulf %sub3A_1813, %mul3A_1815 : vector<128x128xf32>
    %integer_pow3A = arith.mulf %mul3A_1816, %mul3A_1816 : vector<128x128xf32>
    %add3A_1817 = arith.addf %get3A_1773, %get3A_1785 : vector<128x128xf32>
    %sub3A_1818 = arith.subf %add3A_1817, %select_n3A_1246 : vector<128x128xf32>
    %sub3A_1819 = arith.subf %sub3A_1818, %select_n3A_1250 : vector<128x128xf32>
    %mul3A_1820 = arith.constant 5.000000e-01 : f32
    %mul3A_1821 = vector.broadcast %mul3A_1820 : f32 to vector<128x128xf32>
    %mul3A_1822 = arith.mulf %sub3A_1819, %mul3A_1821 : vector<128x128xf32>
    %integer_pow3A_1823 = arith.mulf %mul3A_1822, %mul3A_1822 : vector<128x128xf32>
    %add3A_1824 = arith.addf %integer_pow3A, %integer_pow3A_1823 : vector<128x128xf32>
    %min3A_1825 = arith.minimumf %get3A_1767, %select_n3A_1244 : vector<128x128xf32>
    %min3A_1826 = arith.minimumf %get3A_1773, %select_n3A_1246 : vector<128x128xf32>
    %max3A_1827 = arith.maximumf %get3A_1779, %select_n3A_1248 : vector<128x128xf32>
    %max3A_1828 = arith.maximumf %get3A_1785, %select_n3A_1250 : vector<128x128xf32>
    %sub3A_1829 = arith.subf %max3A_1827, %min3A_1825 : vector<128x128xf32>
    %integer_pow3A_1830 = arith.mulf %sub3A_1829, %sub3A_1829 : vector<128x128xf32>
    %sub3A_1831 = arith.subf %max3A_1828, %min3A_1826 : vector<128x128xf32>
    %integer_pow3A_1832 = arith.mulf %sub3A_1831, %sub3A_1831 : vector<128x128xf32>
    %add3A_1833 = arith.addf %integer_pow3A_1830, %integer_pow3A_1832 : vector<128x128xf32>
    %sub3A_1834 = arith.constant 1.000000e+00 : f32
    %sub3A_1835 = vector.broadcast %sub3A_1834 : f32 to vector<128x128xf32>
    %sub3A_1836 = arith.subf %sub3A_1835, %div3A_1810 : vector<128x128xf32>
    %add3A_1837 = arith.constant 1.000000e-10 : f32
    %add3A_1838 = vector.broadcast %add3A_1837 : f32 to vector<128x128xf32>
    %add3A_1839 = arith.addf %add3A_1833, %add3A_1838 : vector<128x128xf32>
    %div3A_1840 = arith.divf %add3A_1824, %add3A_1839 : vector<128x128xf32>
    %add3A_1841 = arith.addf %sub3A_1836, %div3A_1840 : vector<128x128xf32>
    %jit3A_1842 = arith.constant 0.000000e+00 : f32
    %broadcast_in_dim3A_1843 = vector.broadcast %jit3A_1842 : f32 to vector<128x128xf32>
    %select_n3A_1844 = arith.select %or3A_1754, %add3A_1841, %broadcast_in_dim3A_1843 : vector<128x128xi1>, vector<128x128xf32>
    %reduce_sum3A_1845 = vector.shape_cast %select_n3A_1844 : vector<128x128xf32> to vector<1x128x128xf32>
    %reduce_sum3A_1846 = arith.constant dense<0.000000e+00> : vector<1xf32>
    %reduce_sum3A_1847 = vector.multi_reduction <add>, %reduce_sum3A_1845, %reduce_sum3A_1846 [1, 2] : vector<1x128x128xf32> to vector<1xf32>
    %reduce_sum3A_1848 = vector.shape_cast %reduce_sum3A_1847 : vector<1xf32> to vector<1x1x1xf32>
    %reduce_sum3A_1849 = vector.extract %reduce_sum3A_1848[0, 0, 0] : f32 from vector<1x1x1xf32>
    %get3A_1850 = arith.constant 0 : index
    %get3A_1851 = arith.constant 0 : index
    %get3A_1852 = arith.constant 0 : index
    %get3A_1853 = vector.load %arg4[%get3A_1850, %get3A_1851, %get3A_1852] : memref<2x128x128xf32, #tpu.memory_space<vmem>>, vector<1x128x128xf32>
    %get3A_1854 = vector.shape_cast %get3A_1853 : vector<1x128x128xf32> to vector<128x128xf32>
    %sub3A_1855 = arith.constant 1.000000e+00 : f32
    %sub3A_1856 = vector.broadcast %sub3A_1855 : f32 to vector<128x128xf32>
    %sub3A_1857 = arith.subf %sub3A_1856, %get3A_1854 : vector<128x128xf32>
    %add3A_1858 = arith.constant 1.000000e-10 : f32
    %add3A_1859 = vector.broadcast %add3A_1858 : f32 to vector<128x128xf32>
    %add3A_1860 = arith.addf %sub3A_1857, %add3A_1859 : vector<128x128xf32>
    %div3A_1861 = arith.divf %get3A_1854, %add3A_1860 : vector<128x128xf32>
    %log3A = math.log %div3A_1861 : vector<128x128xf32>
    %neg3A = arith.constant 0.000000e+00 : f32
    %neg3A_1862 = vector.broadcast %neg3A : f32 to vector<128x128xf32>
    %neg3A_1863 = arith.subf %neg3A_1862, %log3A : vector<128x128xf32>
    %exp3A = math.exp %neg3A_1863 : vector<128x128xf32>
    %add3A_1864 = arith.constant 1.000000e+00 : f32
    %add3A_1865 = vector.broadcast %add3A_1864 : f32 to vector<128x128xf32>
    %add3A_1866 = arith.addf %add3A_1865, %exp3A : vector<128x128xf32>
    %div3A_1867 = arith.constant 1.000000e+00 : f32
    %div3A_1868 = vector.broadcast %div3A_1867 : f32 to vector<128x128xf32>
    %div3A_1869 = arith.divf %div3A_1868, %add3A_1866 : vector<128x128xf32>
    %abs3A = math.absf %log3A : vector<128x128xf32>
    %neg3A_1870 = arith.constant 0.000000e+00 : f32
    %neg3A_1871 = vector.broadcast %neg3A_1870 : f32 to vector<128x128xf32>
    %neg3A_1872 = arith.subf %neg3A_1871, %abs3A : vector<128x128xf32>
    %exp3A_1873 = math.exp %neg3A_1872 : vector<128x128xf32>
    %log1p3A = math.log1p %exp3A_1873 : vector<128x128xf32>
    %max3A_1874 = arith.constant 0.000000e+00 : f32
    %max3A_1875 = vector.broadcast %max3A_1874 : f32 to vector<128x128xf32>
    %max3A_1876 = arith.maximumf %log3A, %max3A_1875 : vector<128x128xf32>
    %sub3A_1877 = arith.constant 1.000000e+00 : f32
    %sub3A_1878 = vector.broadcast %sub3A_1877 : f32 to vector<128x128xf32>
    %sub3A_1879 = arith.subf %sub3A_1878, %div3A_1869 : vector<128x128xf32>
    %integer_pow3A_1880 = arith.mulf %sub3A_1879, %sub3A_1879 : vector<128x128xf32>
    %mul3A_1881 = arith.constant 2.500000e-01 : f32
    %mul3A_1882 = vector.broadcast %mul3A_1881 : f32 to vector<128x128xf32>
    %mul3A_1883 = arith.mulf %mul3A_1882, %integer_pow3A_1880 : vector<128x128xf32>
    %sub3A_1884 = arith.subf %max3A_1876, %log3A : vector<128x128xf32>
    %add3A_1885 = arith.addf %sub3A_1884, %log1p3A : vector<128x128xf32>
    %mul3A_1886 = arith.mulf %mul3A_1883, %add3A_1885 : vector<128x128xf32>
    %mul3A_1887 = arith.constant 7.500000e-01 : f32
    %mul3A_1888 = vector.broadcast %mul3A_1887 : f32 to vector<128x128xf32>
    %mul3A_1889 = arith.mulf %mul3A_1888, %div3A_1869 : vector<128x128xf32>
    %mul3A_1890 = arith.mulf %mul3A_1889, %div3A_1869 : vector<128x128xf32>
    %add3A_1891 = arith.addf %max3A_1876, %log1p3A : vector<128x128xf32>
    %mul3A_1892 = arith.mulf %mul3A_1890, %add3A_1891 : vector<128x128xf32>
    %jit3A_1893 = arith.constant 0.000000e+00 : f32
    %broadcast_in_dim3A_1894 = vector.broadcast %jit3A_1893 : f32 to vector<128x128xf32>
    %select_n3A_1895 = arith.select %or3A_1754, %mul3A_1886, %broadcast_in_dim3A_1894 : vector<128x128xi1>, vector<128x128xf32>
    %reduce_sum3A_1896 = vector.shape_cast %select_n3A_1895 : vector<128x128xf32> to vector<1x128x128xf32>
    %reduce_sum3A_1897 = arith.constant dense<0.000000e+00> : vector<1xf32>
    %reduce_sum3A_1898 = vector.multi_reduction <add>, %reduce_sum3A_1896, %reduce_sum3A_1897 [1, 2] : vector<1x128x128xf32> to vector<1xf32>
    %reduce_sum3A_1899 = vector.shape_cast %reduce_sum3A_1898 : vector<1xf32> to vector<1x1x1xf32>
    %reduce_sum3A_1900 = vector.extract %reduce_sum3A_1899[0, 0, 0] : f32 from vector<1x1x1xf32>
    %jit3A_1901 = arith.constant 0.000000e+00 : f32
    %broadcast_in_dim3A_1902 = vector.broadcast %jit3A_1901 : f32 to vector<128x128xf32>
    %select_n3A_1903 = arith.select %or3A_1754, %broadcast_in_dim3A_1902, %mul3A_1892 : vector<128x128xi1>, vector<128x128xf32>
    %mul3A_1904 = arith.constant 3 : i32
    %mul3A_1905 = arith.muli %convert_element_type3A_1761, %mul3A_1904 : i32
    %sub3A_1906 = arith.constant 16384 : i32
    %sub3A_1907 = arith.subi %sub3A_1906, %convert_element_type3A_1761 : i32
    %min3A_1908 = arith.minsi %mul3A_1905, %sub3A_1907 : i32
    %get3A_1909 = arith.constant 0 : index
    %get3A_1910 = arith.constant 0 : index
    %get3A_1911 = vector.load %arg5[%get3A_1909, %get3A_1910] : memref<1x128xf32, #tpu.memory_space<vmem>>, vector<1x128xf32>
    %broadcast_in_dim3A_1912 = vector.broadcast %reduce_sum3A_1849 : f32 to vector<1x128xf32>
    %add3A_1913 = arith.addf %get3A_1911, %broadcast_in_dim3A_1912 : vector<1x128xf32>
    %swap3A_1914 = arith.constant 0 : index
    %swap3A_1915 = arith.constant 0 : index
    %swap3A_1916 = vector.load %arg5[%swap3A_1914, %swap3A_1915] : memref<1x128xf32, #tpu.memory_space<vmem>>, vector<1x128xf32>
    tpu.vector_store %arg5[%swap3A_1914, %swap3A_1915], %add3A_1913 {strides = array<i32>} : memref<1x128xf32, #tpu.memory_space<vmem>>, vector<1x128xf32>,
    %get3A_1917 = arith.constant 0 : index
    %get3A_1918 = arith.constant 0 : index
    %get3A_1919 = vector.load %arg6[%get3A_1917, %get3A_1918] : memref<1x128xf32, #tpu.memory_space<vmem>>, vector<1x128xf32>
    %broadcast_in_dim3A_1920 = vector.broadcast %reduce_sum3A_1900 : f32 to vector<1x128xf32>
    %add3A_1921 = arith.addf %get3A_1919, %broadcast_in_dim3A_1920 : vector<1x128xf32>
    %swap3A_1922 = arith.constant 0 : index
    %swap3A_1923 = arith.constant 0 : index
    %swap3A_1924 = vector.load %arg6[%swap3A_1922, %swap3A_1923] : memref<1x128xf32, #tpu.memory_space<vmem>>, vector<1x128xf32>
    tpu.vector_store %arg6[%swap3A_1922, %swap3A_1923], %add3A_1921 {strides = array<i32>} : memref<1x128xf32, #tpu.memory_space<vmem>>, vector<1x128xf32>,
    %get3A_1925 = arith.constant 0 : index
    %get3A_1926 = arith.constant 0 : index
    %get3A_1927 = vector.load %arg7[%get3A_1925, %get3A_1926] : memref<1x128xf32, #tpu.memory_space<vmem>>, vector<1x128xf32>
    %broadcast_in_dim3A_1928 = vector.broadcast %reduce_sum3A_1760 : f32 to vector<1x128xf32>
    %add3A_1929 = arith.addf %get3A_1927, %broadcast_in_dim3A_1928 : vector<1x128xf32>
    %swap3A_1930 = arith.constant 0 : index
    %swap3A_1931 = arith.constant 0 : index
    %swap3A_1932 = vector.load %arg7[%swap3A_1930, %swap3A_1931] : memref<1x128xf32, #tpu.memory_space<vmem>>, vector<1x128xf32>
    tpu.vector_store %arg7[%swap3A_1930, %swap3A_1931], %add3A_1929 {strides = array<i32>} : memref<1x128xf32, #tpu.memory_space<vmem>>, vector<1x128xf32>,
    %broadcast_in_dim3A_1933 = vector.broadcast %min3A_1908 : i32 to vector<1x128xi32>
    %swap3A_1934 = arith.constant 0 : index
    %swap3A_1935 = arith.constant 0 : index
    %swap3A_1936 = arith.constant 0 : index
    %swap3A_1937 = vector.load %arg8[%swap3A_1934, %swap3A_1935, %swap3A_1936] : memref<2x1x128xi32, #tpu.memory_space<vmem>>, vector<1x1x128xi32>
    %swap3A_1938 = vector.shape_cast %swap3A_1937 : vector<1x1x128xi32> to vector<1x128xi32>
    %swap3A_1939 = vector.shape_cast %broadcast_in_dim3A_1933 : vector<1x128xi32> to vector<1x1x128xi32>
    tpu.vector_store %arg8[%swap3A_1934, %swap3A_1935, %swap3A_1936], %swap3A_1939 {strides = array<i32>} : memref<2x1x128xi32, #tpu.memory_space<vmem>>, vector<1x1x128xi32>,
    %bitcast_convert_type3A = tpu.bitcast %select_n3A_1903 : vector<128x128xf32> -> vector<128x128xi32>
    %swap3A_1940 = arith.constant 0 : index
    %swap3A_1941 = arith.constant 0 : index
    %swap3A_1942 = arith.constant 0 : index
    %swap3A_1943 = vector.load %arg9[%swap3A_1940, %swap3A_1941, %swap3A_1942] : memref<2x128x128xi32, #tpu.memory_space<vmem>>, vector<1x128x128xi32>
    %swap3A_1944 = vector.shape_cast %swap3A_1943 : vector<1x128x128xi32> to vector<128x128xi32>
    %swap3A_1945 = vector.shape_cast %bitcast_convert_type3A : vector<128x128xi32> to vector<1x128x128xi32>
    tpu.vector_store %arg9[%swap3A_1940, %swap3A_1941, %swap3A_1942], %swap3A_1945 {strides = array<i32>} : memref<2x128x128xi32, #tpu.memory_space<vmem>>, vector<1x128x128xi32>,
    %mul3A_1946 = arith.constant 2 : i32
    %mul3A_1947 = arith.muli %arg0, %mul3A_1946 : i32
    %add3A_1948 = arith.constant 1 : i32
    %add3A_1949 = arith.addi %mul3A_1947, %add3A_1948 : i32
    %broadcast_in_dim3A_1950 = arith.constant -1.000000e+00 : f32
    %broadcast_in_dim3A_1951 = vector.broadcast %broadcast_in_dim3A_1950 : f32 to vector<128x128xf32>
    %broadcast_in_dim3A_1952 = arith.constant 0.000000e+00 : f32
    %broadcast_in_dim3A_1953 = vector.broadcast %broadcast_in_dim3A_1952 : f32 to vector<128x128xf32>
    %broadcast_in_dim3A_1954 = arith.constant 0.000000e+00 : f32
    %broadcast_in_dim3A_1955 = vector.broadcast %broadcast_in_dim3A_1954 : f32 to vector<128x128xf32>
    %broadcast_in_dim3A_1956 = arith.constant 0.000000e+00 : f32
    %broadcast_in_dim3A_1957 = vector.broadcast %broadcast_in_dim3A_1956 : f32 to vector<128x128xf32>
    %broadcast_in_dim3A_1958 = arith.constant 0.000000e+00 : f32
    %broadcast_in_dim3A_1959 = vector.broadcast %broadcast_in_dim3A_1958 : f32 to vector<128x128xf32>
    %broadcast_in_dim3A_1960 = arith.constant false
    %broadcast_in_dim3A_1961 = vector.broadcast %broadcast_in_dim3A_1960 : i1 to vector<128x128xi1>
    %get3A_1962 = arith.index_cast %add3A_1949 : i32 to index
    %get3A_1963 = arith.constant 0 : index
    %get3A_1964 = arith.constant 0 : index
    %get3A_1965 = memref.load %arg1[%get3A_1962, %get3A_1963, %get3A_1964] : memref<16x20x4xf32, #tpu.memory_space<smem>>
    %get3A_1966 = arith.index_cast %add3A_1949 : i32 to index
    %get3A_1967 = arith.constant 0 : index
    %get3A_1968 = arith.constant 1 : index
    %get3A_1969 = memref.load %arg1[%get3A_1966, %get3A_1967, %get3A_1968] : memref<16x20x4xf32, #tpu.memory_space<smem>>
    %get3A_1970 = arith.index_cast %add3A_1949 : i32 to index
    %get3A_1971 = arith.constant 0 : index
    %get3A_1972 = arith.constant 2 : index
    %get3A_1973 = memref.load %arg1[%get3A_1970, %get3A_1971, %get3A_1972] : memref<16x20x4xf32, #tpu.memory_space<smem>>
    %get3A_1974 = arith.index_cast %add3A_1949 : i32 to index
    %get3A_1975 = arith.constant 0 : index
    %get3A_1976 = arith.constant 3 : index
    %get3A_1977 = memref.load %arg1[%get3A_1974, %get3A_1975, %get3A_1976] : memref<16x20x4xf32, #tpu.memory_space<smem>>
    %max3A_1978 = vector.broadcast %get3A_1965 : f32 to vector<128x128xf32>
    %max3A_1979 = arith.maximumf %get3A_5, %max3A_1978 : vector<128x128xf32>
    %max3A_1980 = vector.broadcast %get3A_1969 : f32 to vector<128x128xf32>
    %max3A_1981 = arith.maximumf %get3A_10, %max3A_1980 : vector<128x128xf32>
    %min3A_1982 = vector.broadcast %get3A_1973 : f32 to vector<128x128xf32>
    %min3A_1983 = arith.minimumf %get3A_15, %min3A_1982 : vector<128x128xf32>
    %min3A_1984 = vector.broadcast %get3A_1977 : f32 to vector<128x128xf32>
    %min3A_1985 = arith.minimumf %get3A_20, %min3A_1984 : vector<128x128xf32>
    %sub3A_1986 = arith.subf %min3A_1983, %max3A_1979 : vector<128x128xf32>
    %jit3A_1987 = arith.constant 0.000000e+00 : f32
    %max3A_1988 = vector.broadcast %jit3A_1987 : f32 to vector<128x128xf32>
    %max3A_1989 = arith.maximumf %max3A_1988, %sub3A_1986 : vector<128x128xf32>
    %sub3A_1990 = arith.subf %min3A_1985, %max3A_1981 : vector<128x128xf32>
    %jit3A_1991 = arith.constant 0.000000e+00 : f32
    %max3A_1992 = vector.broadcast %jit3A_1991 : f32 to vector<128x128xf32>
    %max3A_1993 = arith.maximumf %max3A_1992, %sub3A_1990 : vector<128x128xf32>
    %mul3A_1994 = arith.mulf %max3A_1989, %max3A_1993 : vector<128x128xf32>
    %sub3A_1995 = arith.subf %get3A_1973, %get3A_1965 : f32
    %sub3A_1996 = arith.subf %get3A_1977, %get3A_1969 : f32
    %mul3A_1997 = arith.mulf %sub3A_1995, %sub3A_1996 : f32
    %add3A_1998 = vector.broadcast %mul3A_1997 : f32 to vector<128x128xf32>
    %add3A_1999 = arith.addf %mul3A, %add3A_1998 : vector<128x128xf32>
    %sub3A_2000 = arith.subf %add3A_1999, %mul3A_1994 : vector<128x128xf32>
    %add3A_2001 = arith.constant 1.000000e-10 : f32
    %add3A_2002 = vector.broadcast %add3A_2001 : f32 to vector<128x128xf32>
    %add3A_2003 = arith.addf %sub3A_2000, %add3A_2002 : vector<128x128xf32>
    %div3A_2004 = arith.divf %mul3A_1994, %add3A_2003 : vector<128x128xf32>
    %swap3A_2005 = arith.constant 0 : index
    %swap3A_2006 = arith.constant 0 : index
    %swap3A_2007 = arith.constant 0 : index
    %swap3A_2008 = vector.load %arg10[%swap3A_2005, %swap3A_2006, %swap3A_2007] : memref<20x128x128xf32, #tpu.memory_space<vmem>>, vector<1x128x128xf32>
    %swap3A_2009 = vector.shape_cast %swap3A_2008 : vector<1x128x128xf32> to vector<128x128xf32>
    %swap3A_2010 = vector.shape_cast %div3A_2004 : vector<128x128xf32> to vector<1x128x128xf32>
    tpu.vector_store %arg10[%swap3A_2005, %swap3A_2006, %swap3A_2007], %swap3A_2010 {strides = array<i32>} : memref<20x128x128xf32, #tpu.memory_space<vmem>>, vector<1x128x128xf32>,
    %gt3A_2011 = arith.cmpf ogt, %div3A_2004, %broadcast_in_dim3A_1951 : vector<128x128xf32>
    %select_n3A_2012 = arith.select %gt3A_2011, %div3A_2004, %broadcast_in_dim3A_1951 : vector<128x128xi1>, vector<128x128xf32>
    %broadcast_in_dim3A_2013 = vector.broadcast %get3A_1965 : f32 to vector<128x128xf32>
    %select_n3A_2014 = arith.select %gt3A_2011, %broadcast_in_dim3A_2013, %broadcast_in_dim3A_1953 : vector<128x128xi1>, vector<128x128xf32>
    %broadcast_in_dim3A_2015 = vector.broadcast %get3A_1969 : f32 to vector<128x128xf32>
    %select_n3A_2016 = arith.select %gt3A_2011, %broadcast_in_dim3A_2015, %broadcast_in_dim3A_1955 : vector<128x128xi1>, vector<128x128xf32>
    %broadcast_in_dim3A_2017 = vector.broadcast %get3A_1973 : f32 to vector<128x128xf32>
    %select_n3A_2018 = arith.select %gt3A_2011, %broadcast_in_dim3A_2017, %broadcast_in_dim3A_1957 : vector<128x128xi1>, vector<128x128xf32>
    %broadcast_in_dim3A_2019 = vector.broadcast %get3A_1977 : f32 to vector<128x128xf32>
    %select_n3A_2020 = arith.select %gt3A_2011, %broadcast_in_dim3A_2019, %broadcast_in_dim3A_1959 : vector<128x128xi1>, vector<128x128xf32>
    %reduce_max3A_2021 = arith.constant dense<0xFF800000> : vector<128xf32>
    %reduce_max3A_2022 = vector.multi_reduction <maximumf>, %div3A_2004, %reduce_max3A_2021 [0] : vector<128x128xf32> to vector<128xf32>
    %get3A_2023 = arith.index_cast %add3A_1949 : i32 to index
    %get3A_2024 = arith.constant 1 : index
    %get3A_2025 = arith.constant 0 : index
    %get3A_2026 = memref.load %arg1[%get3A_2023, %get3A_2024, %get3A_2025] : memref<16x20x4xf32, #tpu.memory_space<smem>>
    %get3A_2027 = arith.index_cast %add3A_1949 : i32 to index
    %get3A_2028 = arith.constant 1 : index
    %get3A_2029 = arith.constant 1 : index
    %get3A_2030 = memref.load %arg1[%get3A_2027, %get3A_2028, %get3A_2029] : memref<16x20x4xf32, #tpu.memory_space<smem>>
    %get3A_2031 = arith.index_cast %add3A_1949 : i32 to index
    %get3A_2032 = arith.constant 1 : index
    %get3A_2033 = arith.constant 2 : index
    %get3A_2034 = memref.load %arg1[%get3A_2031, %get3A_2032, %get3A_2033] : memref<16x20x4xf32, #tpu.memory_space<smem>>
    %get3A_2035 = arith.index_cast %add3A_1949 : i32 to index
    %get3A_2036 = arith.constant 1 : index
    %get3A_2037 = arith.constant 3 : index
    %get3A_2038 = memref.load %arg1[%get3A_2035, %get3A_2036, %get3A_2037] : memref<16x20x4xf32, #tpu.memory_space<smem>>
    %max3A_2039 = vector.broadcast %get3A_2026 : f32 to vector<128x128xf32>
    %max3A_2040 = arith.maximumf %get3A_5, %max3A_2039 : vector<128x128xf32>
    %max3A_2041 = vector.broadcast %get3A_2030 : f32 to vector<128x128xf32>
    %max3A_2042 = arith.maximumf %get3A_10, %max3A_2041 : vector<128x128xf32>
    %min3A_2043 = vector.broadcast %get3A_2034 : f32 to vector<128x128xf32>
    %min3A_2044 = arith.minimumf %get3A_15, %min3A_2043 : vector<128x128xf32>
    %min3A_2045 = vector.broadcast %get3A_2038 : f32 to vector<128x128xf32>
    %min3A_2046 = arith.minimumf %get3A_20, %min3A_2045 : vector<128x128xf32>
    %sub3A_2047 = arith.subf %min3A_2044, %max3A_2040 : vector<128x128xf32>
    %jit3A_2048 = arith.constant 0.000000e+00 : f32
    %max3A_2049 = vector.broadcast %jit3A_2048 : f32 to vector<128x128xf32>
    %max3A_2050 = arith.maximumf %max3A_2049, %sub3A_2047 : vector<128x128xf32>
    %sub3A_2051 = arith.subf %min3A_2046, %max3A_2042 : vector<128x128xf32>
    %jit3A_2052 = arith.constant 0.000000e+00 : f32
    %max3A_2053 = vector.broadcast %jit3A_2052 : f32 to vector<128x128xf32>
    %max3A_2054 = arith.maximumf %max3A_2053, %sub3A_2051 : vector<128x128xf32>
    %mul3A_2055 = arith.mulf %max3A_2050, %max3A_2054 : vector<128x128xf32>
    %sub3A_2056 = arith.subf %get3A_2034, %get3A_2026 : f32
    %sub3A_2057 = arith.subf %get3A_2038, %get3A_2030 : f32
    %mul3A_2058 = arith.mulf %sub3A_2056, %sub3A_2057 : f32
    %add3A_2059 = vector.broadcast %mul3A_2058 : f32 to vector<128x128xf32>
    %add3A_2060 = arith.addf %mul3A, %add3A_2059 : vector<128x128xf32>
    %sub3A_2061 = arith.subf %add3A_2060, %mul3A_2055 : vector<128x128xf32>
    %add3A_2062 = arith.constant 1.000000e-10 : f32
    %add3A_2063 = vector.broadcast %add3A_2062 : f32 to vector<128x128xf32>
    %add3A_2064 = arith.addf %sub3A_2061, %add3A_2063 : vector<128x128xf32>
    %div3A_2065 = arith.divf %mul3A_2055, %add3A_2064 : vector<128x128xf32>
    %swap3A_2066 = arith.constant 1 : index
    %swap3A_2067 = arith.constant 0 : index
    %swap3A_2068 = arith.constant 0 : index
    %swap3A_2069 = vector.load %arg10[%swap3A_2066, %swap3A_2067, %swap3A_2068] : memref<20x128x128xf32, #tpu.memory_space<vmem>>, vector<1x128x128xf32>
    %swap3A_2070 = vector.shape_cast %swap3A_2069 : vector<1x128x128xf32> to vector<128x128xf32>
    %swap3A_2071 = vector.shape_cast %div3A_2065 : vector<128x128xf32> to vector<1x128x128xf32>
    tpu.vector_store %arg10[%swap3A_2066, %swap3A_2067, %swap3A_2068], %swap3A_2071 {strides = array<i32>} : memref<20x128x128xf32, #tpu.memory_space<vmem>>, vector<1x128x128xf32>,
    %gt3A_2072 = arith.cmpf ogt, %div3A_2065, %select_n3A_2012 : vector<128x128xf32>
    %select_n3A_2073 = arith.select %gt3A_2072, %div3A_2065, %select_n3A_2012 : vector<128x128xi1>, vector<128x128xf32>
    %broadcast_in_dim3A_2074 = vector.broadcast %get3A_2026 : f32 to vector<128x128xf32>
    %select_n3A_2075 = arith.select %gt3A_2072, %broadcast_in_dim3A_2074, %select_n3A_2014 : vector<128x128xi1>, vector<128x128xf32>
    %broadcast_in_dim3A_2076 = vector.broadcast %get3A_2030 : f32 to vector<128x128xf32>
    %select_n3A_2077 = arith.select %gt3A_2072, %broadcast_in_dim3A_2076, %select_n3A_2016 : vector<128x128xi1>, vector<128x128xf32>
    %broadcast_in_dim3A_2078 = vector.broadcast %get3A_2034 : f32 to vector<128x128xf32>
    %select_n3A_2079 = arith.select %gt3A_2072, %broadcast_in_dim3A_2078, %select_n3A_2018 : vector<128x128xi1>, vector<128x128xf32>
    %broadcast_in_dim3A_2080 = vector.broadcast %get3A_2038 : f32 to vector<128x128xf32>
    %select_n3A_2081 = arith.select %gt3A_2072, %broadcast_in_dim3A_2080, %select_n3A_2020 : vector<128x128xi1>, vector<128x128xf32>
    %reduce_max3A_2082 = arith.constant dense<0xFF800000> : vector<128xf32>
    %reduce_max3A_2083 = vector.multi_reduction <maximumf>, %div3A_2065, %reduce_max3A_2082 [0] : vector<128x128xf32> to vector<128xf32>
    %get3A_2084 = arith.index_cast %add3A_1949 : i32 to index
    %get3A_2085 = arith.constant 2 : index
    %get3A_2086 = arith.constant 0 : index
    %get3A_2087 = memref.load %arg1[%get3A_2084, %get3A_2085, %get3A_2086] : memref<16x20x4xf32, #tpu.memory_space<smem>>
    %get3A_2088 = arith.index_cast %add3A_1949 : i32 to index
    %get3A_2089 = arith.constant 2 : index
    %get3A_2090 = arith.constant 1 : index
    %get3A_2091 = memref.load %arg1[%get3A_2088, %get3A_2089, %get3A_2090] : memref<16x20x4xf32, #tpu.memory_space<smem>>
    %get3A_2092 = arith.index_cast %add3A_1949 : i32 to index
    %get3A_2093 = arith.constant 2 : index
    %get3A_2094 = arith.constant 2 : index
    %get3A_2095 = memref.load %arg1[%get3A_2092, %get3A_2093, %get3A_2094] : memref<16x20x4xf32, #tpu.memory_space<smem>>
    %get3A_2096 = arith.index_cast %add3A_1949 : i32 to index
    %get3A_2097 = arith.constant 2 : index
    %get3A_2098 = arith.constant 3 : index
    %get3A_2099 = memref.load %arg1[%get3A_2096, %get3A_2097, %get3A_2098] : memref<16x20x4xf32, #tpu.memory_space<smem>>
    %max3A_2100 = vector.broadcast %get3A_2087 : f32 to vector<128x128xf32>
    %max3A_2101 = arith.maximumf %get3A_5, %max3A_2100 : vector<128x128xf32>
    %max3A_2102 = vector.broadcast %get3A_2091 : f32 to vector<128x128xf32>
    %max3A_2103 = arith.maximumf %get3A_10, %max3A_2102 : vector<128x128xf32>
    %min3A_2104 = vector.broadcast %get3A_2095 : f32 to vector<128x128xf32>
    %min3A_2105 = arith.minimumf %get3A_15, %min3A_2104 : vector<128x128xf32>
    %min3A_2106 = vector.broadcast %get3A_2099 : f32 to vector<128x128xf32>
    %min3A_2107 = arith.minimumf %get3A_20, %min3A_2106 : vector<128x128xf32>
    %sub3A_2108 = arith.subf %min3A_2105, %max3A_2101 : vector<128x128xf32>
    %jit3A_2109 = arith.constant 0.000000e+00 : f32
    %max3A_2110 = vector.broadcast %jit3A_2109 : f32 to vector<128x128xf32>
    %max3A_2111 = arith.maximumf %max3A_2110, %sub3A_2108 : vector<128x128xf32>
    %sub3A_2112 = arith.subf %min3A_2107, %max3A_2103 : vector<128x128xf32>
    %jit3A_2113 = arith.constant 0.000000e+00 : f32
    %max3A_2114 = vector.broadcast %jit3A_2113 : f32 to vector<128x128xf32>
    %max3A_2115 = arith.maximumf %max3A_2114, %sub3A_2112 : vector<128x128xf32>
    %mul3A_2116 = arith.mulf %max3A_2111, %max3A_2115 : vector<128x128xf32>
    %sub3A_2117 = arith.subf %get3A_2095, %get3A_2087 : f32
    %sub3A_2118 = arith.subf %get3A_2099, %get3A_2091 : f32
    %mul3A_2119 = arith.mulf %sub3A_2117, %sub3A_2118 : f32
    %add3A_2120 = vector.broadcast %mul3A_2119 : f32 to vector<128x128xf32>
    %add3A_2121 = arith.addf %mul3A, %add3A_2120 : vector<128x128xf32>
    %sub3A_2122 = arith.subf %add3A_2121, %mul3A_2116 : vector<128x128xf32>
    %add3A_2123 = arith.constant 1.000000e-10 : f32
    %add3A_2124 = vector.broadcast %add3A_2123 : f32 to vector<128x128xf32>
    %add3A_2125 = arith.addf %sub3A_2122, %add3A_2124 : vector<128x128xf32>
    %div3A_2126 = arith.divf %mul3A_2116, %add3A_2125 : vector<128x128xf32>
    %swap3A_2127 = arith.constant 2 : index
    %swap3A_2128 = arith.constant 0 : index
    %swap3A_2129 = arith.constant 0 : index
    %swap3A_2130 = vector.load %arg10[%swap3A_2127, %swap3A_2128, %swap3A_2129] : memref<20x128x128xf32, #tpu.memory_space<vmem>>, vector<1x128x128xf32>
    %swap3A_2131 = vector.shape_cast %swap3A_2130 : vector<1x128x128xf32> to vector<128x128xf32>
    %swap3A_2132 = vector.shape_cast %div3A_2126 : vector<128x128xf32> to vector<1x128x128xf32>
    tpu.vector_store %arg10[%swap3A_2127, %swap3A_2128, %swap3A_2129], %swap3A_2132 {strides = array<i32>} : memref<20x128x128xf32, #tpu.memory_space<vmem>>, vector<1x128x128xf32>,
    %gt3A_2133 = arith.cmpf ogt, %div3A_2126, %select_n3A_2073 : vector<128x128xf32>
    %select_n3A_2134 = arith.select %gt3A_2133, %div3A_2126, %select_n3A_2073 : vector<128x128xi1>, vector<128x128xf32>
    %broadcast_in_dim3A_2135 = vector.broadcast %get3A_2087 : f32 to vector<128x128xf32>
    %select_n3A_2136 = arith.select %gt3A_2133, %broadcast_in_dim3A_2135, %select_n3A_2075 : vector<128x128xi1>, vector<128x128xf32>
    %broadcast_in_dim3A_2137 = vector.broadcast %get3A_2091 : f32 to vector<128x128xf32>
    %select_n3A_2138 = arith.select %gt3A_2133, %broadcast_in_dim3A_2137, %select_n3A_2077 : vector<128x128xi1>, vector<128x128xf32>
    %broadcast_in_dim3A_2139 = vector.broadcast %get3A_2095 : f32 to vector<128x128xf32>
    %select_n3A_2140 = arith.select %gt3A_2133, %broadcast_in_dim3A_2139, %select_n3A_2079 : vector<128x128xi1>, vector<128x128xf32>
    %broadcast_in_dim3A_2141 = vector.broadcast %get3A_2099 : f32 to vector<128x128xf32>
    %select_n3A_2142 = arith.select %gt3A_2133, %broadcast_in_dim3A_2141, %select_n3A_2081 : vector<128x128xi1>, vector<128x128xf32>
    %reduce_max3A_2143 = arith.constant dense<0xFF800000> : vector<128xf32>
    %reduce_max3A_2144 = vector.multi_reduction <maximumf>, %div3A_2126, %reduce_max3A_2143 [0] : vector<128x128xf32> to vector<128xf32>
    %get3A_2145 = arith.index_cast %add3A_1949 : i32 to index
    %get3A_2146 = arith.constant 3 : index
    %get3A_2147 = arith.constant 0 : index
    %get3A_2148 = memref.load %arg1[%get3A_2145, %get3A_2146, %get3A_2147] : memref<16x20x4xf32, #tpu.memory_space<smem>>
    %get3A_2149 = arith.index_cast %add3A_1949 : i32 to index
    %get3A_2150 = arith.constant 3 : index
    %get3A_2151 = arith.constant 1 : index
    %get3A_2152 = memref.load %arg1[%get3A_2149, %get3A_2150, %get3A_2151] : memref<16x20x4xf32, #tpu.memory_space<smem>>
    %get3A_2153 = arith.index_cast %add3A_1949 : i32 to index
    %get3A_2154 = arith.constant 3 : index
    %get3A_2155 = arith.constant 2 : index
    %get3A_2156 = memref.load %arg1[%get3A_2153, %get3A_2154, %get3A_2155] : memref<16x20x4xf32, #tpu.memory_space<smem>>
    %get3A_2157 = arith.index_cast %add3A_1949 : i32 to index
    %get3A_2158 = arith.constant 3 : index
    %get3A_2159 = arith.constant 3 : index
    %get3A_2160 = memref.load %arg1[%get3A_2157, %get3A_2158, %get3A_2159] : memref<16x20x4xf32, #tpu.memory_space<smem>>
    %max3A_2161 = vector.broadcast %get3A_2148 : f32 to vector<128x128xf32>
    %max3A_2162 = arith.maximumf %get3A_5, %max3A_2161 : vector<128x128xf32>
    %max3A_2163 = vector.broadcast %get3A_2152 : f32 to vector<128x128xf32>
    %max3A_2164 = arith.maximumf %get3A_10, %max3A_2163 : vector<128x128xf32>
    %min3A_2165 = vector.broadcast %get3A_2156 : f32 to vector<128x128xf32>
    %min3A_2166 = arith.minimumf %get3A_15, %min3A_2165 : vector<128x128xf32>
    %min3A_2167 = vector.broadcast %get3A_2160 : f32 to vector<128x128xf32>
    %min3A_2168 = arith.minimumf %get3A_20, %min3A_2167 : vector<128x128xf32>
    %sub3A_2169 = arith.subf %min3A_2166, %max3A_2162 : vector<128x128xf32>
    %jit3A_2170 = arith.constant 0.000000e+00 : f32
    %max3A_2171 = vector.broadcast %jit3A_2170 : f32 to vector<128x128xf32>
    %max3A_2172 = arith.maximumf %max3A_2171, %sub3A_2169 : vector<128x128xf32>
    %sub3A_2173 = arith.subf %min3A_2168, %max3A_2164 : vector<128x128xf32>
    %jit3A_2174 = arith.constant 0.000000e+00 : f32
    %max3A_2175 = vector.broadcast %jit3A_2174 : f32 to vector<128x128xf32>
    %max3A_2176 = arith.maximumf %max3A_2175, %sub3A_2173 : vector<128x128xf32>
    %mul3A_2177 = arith.mulf %max3A_2172, %max3A_2176 : vector<128x128xf32>
    %sub3A_2178 = arith.subf %get3A_2156, %get3A_2148 : f32
    %sub3A_2179 = arith.subf %get3A_2160, %get3A_2152 : f32
    %mul3A_2180 = arith.mulf %sub3A_2178, %sub3A_2179 : f32
    %add3A_2181 = vector.broadcast %mul3A_2180 : f32 to vector<128x128xf32>
    %add3A_2182 = arith.addf %mul3A, %add3A_2181 : vector<128x128xf32>
    %sub3A_2183 = arith.subf %add3A_2182, %mul3A_2177 : vector<128x128xf32>
    %add3A_2184 = arith.constant 1.000000e-10 : f32
    %add3A_2185 = vector.broadcast %add3A_2184 : f32 to vector<128x128xf32>
    %add3A_2186 = arith.addf %sub3A_2183, %add3A_2185 : vector<128x128xf32>
    %div3A_2187 = arith.divf %mul3A_2177, %add3A_2186 : vector<128x128xf32>
    %swap3A_2188 = arith.constant 3 : index
    %swap3A_2189 = arith.constant 0 : index
    %swap3A_2190 = arith.constant 0 : index
    %swap3A_2191 = vector.load %arg10[%swap3A_2188, %swap3A_2189, %swap3A_2190] : memref<20x128x128xf32, #tpu.memory_space<vmem>>, vector<1x128x128xf32>
    %swap3A_2192 = vector.shape_cast %swap3A_2191 : vector<1x128x128xf32> to vector<128x128xf32>
    %swap3A_2193 = vector.shape_cast %div3A_2187 : vector<128x128xf32> to vector<1x128x128xf32>
    tpu.vector_store %arg10[%swap3A_2188, %swap3A_2189, %swap3A_2190], %swap3A_2193 {strides = array<i32>} : memref<20x128x128xf32, #tpu.memory_space<vmem>>, vector<1x128x128xf32>,
    %gt3A_2194 = arith.cmpf ogt, %div3A_2187, %select_n3A_2134 : vector<128x128xf32>
    %select_n3A_2195 = arith.select %gt3A_2194, %div3A_2187, %select_n3A_2134 : vector<128x128xi1>, vector<128x128xf32>
    %broadcast_in_dim3A_2196 = vector.broadcast %get3A_2148 : f32 to vector<128x128xf32>
    %select_n3A_2197 = arith.select %gt3A_2194, %broadcast_in_dim3A_2196, %select_n3A_2136 : vector<128x128xi1>, vector<128x128xf32>
    %broadcast_in_dim3A_2198 = vector.broadcast %get3A_2152 : f32 to vector<128x128xf32>
    %select_n3A_2199 = arith.select %gt3A_2194, %broadcast_in_dim3A_2198, %select_n3A_2138 : vector<128x128xi1>, vector<128x128xf32>
    %broadcast_in_dim3A_2200 = vector.broadcast %get3A_2156 : f32 to vector<128x128xf32>
    %select_n3A_2201 = arith.select %gt3A_2194, %broadcast_in_dim3A_2200, %select_n3A_2140 : vector<128x128xi1>, vector<128x128xf32>
    %broadcast_in_dim3A_2202 = vector.broadcast %get3A_2160 : f32 to vector<128x128xf32>
    %select_n3A_2203 = arith.select %gt3A_2194, %broadcast_in_dim3A_2202, %select_n3A_2142 : vector<128x128xi1>, vector<128x128xf32>
    %reduce_max3A_2204 = arith.constant dense<0xFF800000> : vector<128xf32>
    %reduce_max3A_2205 = vector.multi_reduction <maximumf>, %div3A_2187, %reduce_max3A_2204 [0] : vector<128x128xf32> to vector<128xf32>
    %get3A_2206 = arith.index_cast %add3A_1949 : i32 to index
    %get3A_2207 = arith.constant 4 : index
    %get3A_2208 = arith.constant 0 : index
    %get3A_2209 = memref.load %arg1[%get3A_2206, %get3A_2207, %get3A_2208] : memref<16x20x4xf32, #tpu.memory_space<smem>>
    %get3A_2210 = arith.index_cast %add3A_1949 : i32 to index
    %get3A_2211 = arith.constant 4 : index
    %get3A_2212 = arith.constant 1 : index
    %get3A_2213 = memref.load %arg1[%get3A_2210, %get3A_2211, %get3A_2212] : memref<16x20x4xf32, #tpu.memory_space<smem>>
    %get3A_2214 = arith.index_cast %add3A_1949 : i32 to index
    %get3A_2215 = arith.constant 4 : index
    %get3A_2216 = arith.constant 2 : index
    %get3A_2217 = memref.load %arg1[%get3A_2214, %get3A_2215, %get3A_2216] : memref<16x20x4xf32, #tpu.memory_space<smem>>
    %get3A_2218 = arith.index_cast %add3A_1949 : i32 to index
    %get3A_2219 = arith.constant 4 : index
    %get3A_2220 = arith.constant 3 : index
    %get3A_2221 = memref.load %arg1[%get3A_2218, %get3A_2219, %get3A_2220] : memref<16x20x4xf32, #tpu.memory_space<smem>>
    %max3A_2222 = vector.broadcast %get3A_2209 : f32 to vector<128x128xf32>
    %max3A_2223 = arith.maximumf %get3A_5, %max3A_2222 : vector<128x128xf32>
    %max3A_2224 = vector.broadcast %get3A_2213 : f32 to vector<128x128xf32>
    %max3A_2225 = arith.maximumf %get3A_10, %max3A_2224 : vector<128x128xf32>
    %min3A_2226 = vector.broadcast %get3A_2217 : f32 to vector<128x128xf32>
    %min3A_2227 = arith.minimumf %get3A_15, %min3A_2226 : vector<128x128xf32>
    %min3A_2228 = vector.broadcast %get3A_2221 : f32 to vector<128x128xf32>
    %min3A_2229 = arith.minimumf %get3A_20, %min3A_2228 : vector<128x128xf32>
    %sub3A_2230 = arith.subf %min3A_2227, %max3A_2223 : vector<128x128xf32>
    %jit3A_2231 = arith.constant 0.000000e+00 : f32
    %max3A_2232 = vector.broadcast %jit3A_2231 : f32 to vector<128x128xf32>
    %max3A_2233 = arith.maximumf %max3A_2232, %sub3A_2230 : vector<128x128xf32>
    %sub3A_2234 = arith.subf %min3A_2229, %max3A_2225 : vector<128x128xf32>
    %jit3A_2235 = arith.constant 0.000000e+00 : f32
    %max3A_2236 = vector.broadcast %jit3A_2235 : f32 to vector<128x128xf32>
    %max3A_2237 = arith.maximumf %max3A_2236, %sub3A_2234 : vector<128x128xf32>
    %mul3A_2238 = arith.mulf %max3A_2233, %max3A_2237 : vector<128x128xf32>
    %sub3A_2239 = arith.subf %get3A_2217, %get3A_2209 : f32
    %sub3A_2240 = arith.subf %get3A_2221, %get3A_2213 : f32
    %mul3A_2241 = arith.mulf %sub3A_2239, %sub3A_2240 : f32
    %add3A_2242 = vector.broadcast %mul3A_2241 : f32 to vector<128x128xf32>
    %add3A_2243 = arith.addf %mul3A, %add3A_2242 : vector<128x128xf32>
    %sub3A_2244 = arith.subf %add3A_2243, %mul3A_2238 : vector<128x128xf32>
    %add3A_2245 = arith.constant 1.000000e-10 : f32
    %add3A_2246 = vector.broadcast %add3A_2245 : f32 to vector<128x128xf32>
    %add3A_2247 = arith.addf %sub3A_2244, %add3A_2246 : vector<128x128xf32>
    %div3A_2248 = arith.divf %mul3A_2238, %add3A_2247 : vector<128x128xf32>
    %swap3A_2249 = arith.constant 4 : index
    %swap3A_2250 = arith.constant 0 : index
    %swap3A_2251 = arith.constant 0 : index
    %swap3A_2252 = vector.load %arg10[%swap3A_2249, %swap3A_2250, %swap3A_2251] : memref<20x128x128xf32, #tpu.memory_space<vmem>>, vector<1x128x128xf32>
    %swap3A_2253 = vector.shape_cast %swap3A_2252 : vector<1x128x128xf32> to vector<128x128xf32>
    %swap3A_2254 = vector.shape_cast %div3A_2248 : vector<128x128xf32> to vector<1x128x128xf32>
    tpu.vector_store %arg10[%swap3A_2249, %swap3A_2250, %swap3A_2251], %swap3A_2254 {strides = array<i32>} : memref<20x128x128xf32, #tpu.memory_space<vmem>>, vector<1x128x128xf32>,
    %gt3A_2255 = arith.cmpf ogt, %div3A_2248, %select_n3A_2195 : vector<128x128xf32>
    %select_n3A_2256 = arith.select %gt3A_2255, %div3A_2248, %select_n3A_2195 : vector<128x128xi1>, vector<128x128xf32>
    %broadcast_in_dim3A_2257 = vector.broadcast %get3A_2209 : f32 to vector<128x128xf32>
    %select_n3A_2258 = arith.select %gt3A_2255, %broadcast_in_dim3A_2257, %select_n3A_2197 : vector<128x128xi1>, vector<128x128xf32>
    %broadcast_in_dim3A_2259 = vector.broadcast %get3A_2213 : f32 to vector<128x128xf32>
    %select_n3A_2260 = arith.select %gt3A_2255, %broadcast_in_dim3A_2259, %select_n3A_2199 : vector<128x128xi1>, vector<128x128xf32>
    %broadcast_in_dim3A_2261 = vector.broadcast %get3A_2217 : f32 to vector<128x128xf32>
    %select_n3A_2262 = arith.select %gt3A_2255, %broadcast_in_dim3A_2261, %select_n3A_2201 : vector<128x128xi1>, vector<128x128xf32>
    %broadcast_in_dim3A_2263 = vector.broadcast %get3A_2221 : f32 to vector<128x128xf32>
    %select_n3A_2264 = arith.select %gt3A_2255, %broadcast_in_dim3A_2263, %select_n3A_2203 : vector<128x128xi1>, vector<128x128xf32>
    %reduce_max3A_2265 = arith.constant dense<0xFF800000> : vector<128xf32>
    %reduce_max3A_2266 = vector.multi_reduction <maximumf>, %div3A_2248, %reduce_max3A_2265 [0] : vector<128x128xf32> to vector<128xf32>
    %get3A_2267 = arith.index_cast %add3A_1949 : i32 to index
    %get3A_2268 = arith.constant 5 : index
    %get3A_2269 = arith.constant 0 : index
    %get3A_2270 = memref.load %arg1[%get3A_2267, %get3A_2268, %get3A_2269] : memref<16x20x4xf32, #tpu.memory_space<smem>>
    %get3A_2271 = arith.index_cast %add3A_1949 : i32 to index
    %get3A_2272 = arith.constant 5 : index
    %get3A_2273 = arith.constant 1 : index
    %get3A_2274 = memref.load %arg1[%get3A_2271, %get3A_2272, %get3A_2273] : memref<16x20x4xf32, #tpu.memory_space<smem>>
    %get3A_2275 = arith.index_cast %add3A_1949 : i32 to index
    %get3A_2276 = arith.constant 5 : index
    %get3A_2277 = arith.constant 2 : index
    %get3A_2278 = memref.load %arg1[%get3A_2275, %get3A_2276, %get3A_2277] : memref<16x20x4xf32, #tpu.memory_space<smem>>
    %get3A_2279 = arith.index_cast %add3A_1949 : i32 to index
    %get3A_2280 = arith.constant 5 : index
    %get3A_2281 = arith.constant 3 : index
    %get3A_2282 = memref.load %arg1[%get3A_2279, %get3A_2280, %get3A_2281] : memref<16x20x4xf32, #tpu.memory_space<smem>>
    %max3A_2283 = vector.broadcast %get3A_2270 : f32 to vector<128x128xf32>
    %max3A_2284 = arith.maximumf %get3A_5, %max3A_2283 : vector<128x128xf32>
    %max3A_2285 = vector.broadcast %get3A_2274 : f32 to vector<128x128xf32>
    %max3A_2286 = arith.maximumf %get3A_10, %max3A_2285 : vector<128x128xf32>
    %min3A_2287 = vector.broadcast %get3A_2278 : f32 to vector<128x128xf32>
    %min3A_2288 = arith.minimumf %get3A_15, %min3A_2287 : vector<128x128xf32>
    %min3A_2289 = vector.broadcast %get3A_2282 : f32 to vector<128x128xf32>
    %min3A_2290 = arith.minimumf %get3A_20, %min3A_2289 : vector<128x128xf32>
    %sub3A_2291 = arith.subf %min3A_2288, %max3A_2284 : vector<128x128xf32>
    %jit3A_2292 = arith.constant 0.000000e+00 : f32
    %max3A_2293 = vector.broadcast %jit3A_2292 : f32 to vector<128x128xf32>
    %max3A_2294 = arith.maximumf %max3A_2293, %sub3A_2291 : vector<128x128xf32>
    %sub3A_2295 = arith.subf %min3A_2290, %max3A_2286 : vector<128x128xf32>
    %jit3A_2296 = arith.constant 0.000000e+00 : f32
    %max3A_2297 = vector.broadcast %jit3A_2296 : f32 to vector<128x128xf32>
    %max3A_2298 = arith.maximumf %max3A_2297, %sub3A_2295 : vector<128x128xf32>
    %mul3A_2299 = arith.mulf %max3A_2294, %max3A_2298 : vector<128x128xf32>
    %sub3A_2300 = arith.subf %get3A_2278, %get3A_2270 : f32
    %sub3A_2301 = arith.subf %get3A_2282, %get3A_2274 : f32
    %mul3A_2302 = arith.mulf %sub3A_2300, %sub3A_2301 : f32
    %add3A_2303 = vector.broadcast %mul3A_2302 : f32 to vector<128x128xf32>
    %add3A_2304 = arith.addf %mul3A, %add3A_2303 : vector<128x128xf32>
    %sub3A_2305 = arith.subf %add3A_2304, %mul3A_2299 : vector<128x128xf32>
    %add3A_2306 = arith.constant 1.000000e-10 : f32
    %add3A_2307 = vector.broadcast %add3A_2306 : f32 to vector<128x128xf32>
    %add3A_2308 = arith.addf %sub3A_2305, %add3A_2307 : vector<128x128xf32>
    %div3A_2309 = arith.divf %mul3A_2299, %add3A_2308 : vector<128x128xf32>
    %swap3A_2310 = arith.constant 5 : index
    %swap3A_2311 = arith.constant 0 : index
    %swap3A_2312 = arith.constant 0 : index
    %swap3A_2313 = vector.load %arg10[%swap3A_2310, %swap3A_2311, %swap3A_2312] : memref<20x128x128xf32, #tpu.memory_space<vmem>>, vector<1x128x128xf32>
    %swap3A_2314 = vector.shape_cast %swap3A_2313 : vector<1x128x128xf32> to vector<128x128xf32>
    %swap3A_2315 = vector.shape_cast %div3A_2309 : vector<128x128xf32> to vector<1x128x128xf32>
    tpu.vector_store %arg10[%swap3A_2310, %swap3A_2311, %swap3A_2312], %swap3A_2315 {strides = array<i32>} : memref<20x128x128xf32, #tpu.memory_space<vmem>>, vector<1x128x128xf32>,
    %gt3A_2316 = arith.cmpf ogt, %div3A_2309, %select_n3A_2256 : vector<128x128xf32>
    %select_n3A_2317 = arith.select %gt3A_2316, %div3A_2309, %select_n3A_2256 : vector<128x128xi1>, vector<128x128xf32>
    %broadcast_in_dim3A_2318 = vector.broadcast %get3A_2270 : f32 to vector<128x128xf32>
    %select_n3A_2319 = arith.select %gt3A_2316, %broadcast_in_dim3A_2318, %select_n3A_2258 : vector<128x128xi1>, vector<128x128xf32>
    %broadcast_in_dim3A_2320 = vector.broadcast %get3A_2274 : f32 to vector<128x128xf32>
    %select_n3A_2321 = arith.select %gt3A_2316, %broadcast_in_dim3A_2320, %select_n3A_2260 : vector<128x128xi1>, vector<128x128xf32>
    %broadcast_in_dim3A_2322 = vector.broadcast %get3A_2278 : f32 to vector<128x128xf32>
    %select_n3A_2323 = arith.select %gt3A_2316, %broadcast_in_dim3A_2322, %select_n3A_2262 : vector<128x128xi1>, vector<128x128xf32>
    %broadcast_in_dim3A_2324 = vector.broadcast %get3A_2282 : f32 to vector<128x128xf32>
    %select_n3A_2325 = arith.select %gt3A_2316, %broadcast_in_dim3A_2324, %select_n3A_2264 : vector<128x128xi1>, vector<128x128xf32>
    %reduce_max3A_2326 = arith.constant dense<0xFF800000> : vector<128xf32>
    %reduce_max3A_2327 = vector.multi_reduction <maximumf>, %div3A_2309, %reduce_max3A_2326 [0] : vector<128x128xf32> to vector<128xf32>
    %get3A_2328 = arith.index_cast %add3A_1949 : i32 to index
    %get3A_2329 = arith.constant 6 : index
    %get3A_2330 = arith.constant 0 : index
    %get3A_2331 = memref.load %arg1[%get3A_2328, %get3A_2329, %get3A_2330] : memref<16x20x4xf32, #tpu.memory_space<smem>>
    %get3A_2332 = arith.index_cast %add3A_1949 : i32 to index
    %get3A_2333 = arith.constant 6 : index
    %get3A_2334 = arith.constant 1 : index
    %get3A_2335 = memref.load %arg1[%get3A_2332, %get3A_2333, %get3A_2334] : memref<16x20x4xf32, #tpu.memory_space<smem>>
    %get3A_2336 = arith.index_cast %add3A_1949 : i32 to index
    %get3A_2337 = arith.constant 6 : index
    %get3A_2338 = arith.constant 2 : index
    %get3A_2339 = memref.load %arg1[%get3A_2336, %get3A_2337, %get3A_2338] : memref<16x20x4xf32, #tpu.memory_space<smem>>
    %get3A_2340 = arith.index_cast %add3A_1949 : i32 to index
    %get3A_2341 = arith.constant 6 : index
    %get3A_2342 = arith.constant 3 : index
    %get3A_2343 = memref.load %arg1[%get3A_2340, %get3A_2341, %get3A_2342] : memref<16x20x4xf32, #tpu.memory_space<smem>>
    %max3A_2344 = vector.broadcast %get3A_2331 : f32 to vector<128x128xf32>
    %max3A_2345 = arith.maximumf %get3A_5, %max3A_2344 : vector<128x128xf32>
    %max3A_2346 = vector.broadcast %get3A_2335 : f32 to vector<128x128xf32>
    %max3A_2347 = arith.maximumf %get3A_10, %max3A_2346 : vector<128x128xf32>
    %min3A_2348 = vector.broadcast %get3A_2339 : f32 to vector<128x128xf32>
    %min3A_2349 = arith.minimumf %get3A_15, %min3A_2348 : vector<128x128xf32>
    %min3A_2350 = vector.broadcast %get3A_2343 : f32 to vector<128x128xf32>
    %min3A_2351 = arith.minimumf %get3A_20, %min3A_2350 : vector<128x128xf32>
    %sub3A_2352 = arith.subf %min3A_2349, %max3A_2345 : vector<128x128xf32>
    %jit3A_2353 = arith.constant 0.000000e+00 : f32
    %max3A_2354 = vector.broadcast %jit3A_2353 : f32 to vector<128x128xf32>
    %max3A_2355 = arith.maximumf %max3A_2354, %sub3A_2352 : vector<128x128xf32>
    %sub3A_2356 = arith.subf %min3A_2351, %max3A_2347 : vector<128x128xf32>
    %jit3A_2357 = arith.constant 0.000000e+00 : f32
    %max3A_2358 = vector.broadcast %jit3A_2357 : f32 to vector<128x128xf32>
    %max3A_2359 = arith.maximumf %max3A_2358, %sub3A_2356 : vector<128x128xf32>
    %mul3A_2360 = arith.mulf %max3A_2355, %max3A_2359 : vector<128x128xf32>
    %sub3A_2361 = arith.subf %get3A_2339, %get3A_2331 : f32
    %sub3A_2362 = arith.subf %get3A_2343, %get3A_2335 : f32
    %mul3A_2363 = arith.mulf %sub3A_2361, %sub3A_2362 : f32
    %add3A_2364 = vector.broadcast %mul3A_2363 : f32 to vector<128x128xf32>
    %add3A_2365 = arith.addf %mul3A, %add3A_2364 : vector<128x128xf32>
    %sub3A_2366 = arith.subf %add3A_2365, %mul3A_2360 : vector<128x128xf32>
    %add3A_2367 = arith.constant 1.000000e-10 : f32
    %add3A_2368 = vector.broadcast %add3A_2367 : f32 to vector<128x128xf32>
    %add3A_2369 = arith.addf %sub3A_2366, %add3A_2368 : vector<128x128xf32>
    %div3A_2370 = arith.divf %mul3A_2360, %add3A_2369 : vector<128x128xf32>
    %swap3A_2371 = arith.constant 6 : index
    %swap3A_2372 = arith.constant 0 : index
    %swap3A_2373 = arith.constant 0 : index
    %swap3A_2374 = vector.load %arg10[%swap3A_2371, %swap3A_2372, %swap3A_2373] : memref<20x128x128xf32, #tpu.memory_space<vmem>>, vector<1x128x128xf32>
    %swap3A_2375 = vector.shape_cast %swap3A_2374 : vector<1x128x128xf32> to vector<128x128xf32>
    %swap3A_2376 = vector.shape_cast %div3A_2370 : vector<128x128xf32> to vector<1x128x128xf32>
    tpu.vector_store %arg10[%swap3A_2371, %swap3A_2372, %swap3A_2373], %swap3A_2376 {strides = array<i32>} : memref<20x128x128xf32, #tpu.memory_space<vmem>>, vector<1x128x128xf32>,
    %gt3A_2377 = arith.cmpf ogt, %div3A_2370, %select_n3A_2317 : vector<128x128xf32>
    %select_n3A_2378 = arith.select %gt3A_2377, %div3A_2370, %select_n3A_2317 : vector<128x128xi1>, vector<128x128xf32>
    %broadcast_in_dim3A_2379 = vector.broadcast %get3A_2331 : f32 to vector<128x128xf32>
    %select_n3A_2380 = arith.select %gt3A_2377, %broadcast_in_dim3A_2379, %select_n3A_2319 : vector<128x128xi1>, vector<128x128xf32>
    %broadcast_in_dim3A_2381 = vector.broadcast %get3A_2335 : f32 to vector<128x128xf32>
    %select_n3A_2382 = arith.select %gt3A_2377, %broadcast_in_dim3A_2381, %select_n3A_2321 : vector<128x128xi1>, vector<128x128xf32>
    %broadcast_in_dim3A_2383 = vector.broadcast %get3A_2339 : f32 to vector<128x128xf32>
    %select_n3A_2384 = arith.select %gt3A_2377, %broadcast_in_dim3A_2383, %select_n3A_2323 : vector<128x128xi1>, vector<128x128xf32>
    %broadcast_in_dim3A_2385 = vector.broadcast %get3A_2343 : f32 to vector<128x128xf32>
    %select_n3A_2386 = arith.select %gt3A_2377, %broadcast_in_dim3A_2385, %select_n3A_2325 : vector<128x128xi1>, vector<128x128xf32>
    %reduce_max3A_2387 = arith.constant dense<0xFF800000> : vector<128xf32>
    %reduce_max3A_2388 = vector.multi_reduction <maximumf>, %div3A_2370, %reduce_max3A_2387 [0] : vector<128x128xf32> to vector<128xf32>
    %get3A_2389 = arith.index_cast %add3A_1949 : i32 to index
    %get3A_2390 = arith.constant 7 : index
    %get3A_2391 = arith.constant 0 : index
    %get3A_2392 = memref.load %arg1[%get3A_2389, %get3A_2390, %get3A_2391] : memref<16x20x4xf32, #tpu.memory_space<smem>>
    %get3A_2393 = arith.index_cast %add3A_1949 : i32 to index
    %get3A_2394 = arith.constant 7 : index
    %get3A_2395 = arith.constant 1 : index
    %get3A_2396 = memref.load %arg1[%get3A_2393, %get3A_2394, %get3A_2395] : memref<16x20x4xf32, #tpu.memory_space<smem>>
    %get3A_2397 = arith.index_cast %add3A_1949 : i32 to index
    %get3A_2398 = arith.constant 7 : index
    %get3A_2399 = arith.constant 2 : index
    %get3A_2400 = memref.load %arg1[%get3A_2397, %get3A_2398, %get3A_2399] : memref<16x20x4xf32, #tpu.memory_space<smem>>
    %get3A_2401 = arith.index_cast %add3A_1949 : i32 to index
    %get3A_2402 = arith.constant 7 : index
    %get3A_2403 = arith.constant 3 : index
    %get3A_2404 = memref.load %arg1[%get3A_2401, %get3A_2402, %get3A_2403] : memref<16x20x4xf32, #tpu.memory_space<smem>>
    %max3A_2405 = vector.broadcast %get3A_2392 : f32 to vector<128x128xf32>
    %max3A_2406 = arith.maximumf %get3A_5, %max3A_2405 : vector<128x128xf32>
    %max3A_2407 = vector.broadcast %get3A_2396 : f32 to vector<128x128xf32>
    %max3A_2408 = arith.maximumf %get3A_10, %max3A_2407 : vector<128x128xf32>
    %min3A_2409 = vector.broadcast %get3A_2400 : f32 to vector<128x128xf32>
    %min3A_2410 = arith.minimumf %get3A_15, %min3A_2409 : vector<128x128xf32>
    %min3A_2411 = vector.broadcast %get3A_2404 : f32 to vector<128x128xf32>
    %min3A_2412 = arith.minimumf %get3A_20, %min3A_2411 : vector<128x128xf32>
    %sub3A_2413 = arith.subf %min3A_2410, %max3A_2406 : vector<128x128xf32>
    %jit3A_2414 = arith.constant 0.000000e+00 : f32
    %max3A_2415 = vector.broadcast %jit3A_2414 : f32 to vector<128x128xf32>
    %max3A_2416 = arith.maximumf %max3A_2415, %sub3A_2413 : vector<128x128xf32>
    %sub3A_2417 = arith.subf %min3A_2412, %max3A_2408 : vector<128x128xf32>
    %jit3A_2418 = arith.constant 0.000000e+00 : f32
    %max3A_2419 = vector.broadcast %jit3A_2418 : f32 to vector<128x128xf32>
    %max3A_2420 = arith.maximumf %max3A_2419, %sub3A_2417 : vector<128x128xf32>
    %mul3A_2421 = arith.mulf %max3A_2416, %max3A_2420 : vector<128x128xf32>
    %sub3A_2422 = arith.subf %get3A_2400, %get3A_2392 : f32
    %sub3A_2423 = arith.subf %get3A_2404, %get3A_2396 : f32
    %mul3A_2424 = arith.mulf %sub3A_2422, %sub3A_2423 : f32
    %add3A_2425 = vector.broadcast %mul3A_2424 : f32 to vector<128x128xf32>
    %add3A_2426 = arith.addf %mul3A, %add3A_2425 : vector<128x128xf32>
    %sub3A_2427 = arith.subf %add3A_2426, %mul3A_2421 : vector<128x128xf32>
    %add3A_2428 = arith.constant 1.000000e-10 : f32
    %add3A_2429 = vector.broadcast %add3A_2428 : f32 to vector<128x128xf32>
    %add3A_2430 = arith.addf %sub3A_2427, %add3A_2429 : vector<128x128xf32>
    %div3A_2431 = arith.divf %mul3A_2421, %add3A_2430 : vector<128x128xf32>
    %swap3A_2432 = arith.constant 7 : index
    %swap3A_2433 = arith.constant 0 : index
    %swap3A_2434 = arith.constant 0 : index
    %swap3A_2435 = vector.load %arg10[%swap3A_2432, %swap3A_2433, %swap3A_2434] : memref<20x128x128xf32, #tpu.memory_space<vmem>>, vector<1x128x128xf32>
    %swap3A_2436 = vector.shape_cast %swap3A_2435 : vector<1x128x128xf32> to vector<128x128xf32>
    %swap3A_2437 = vector.shape_cast %div3A_2431 : vector<128x128xf32> to vector<1x128x128xf32>
    tpu.vector_store %arg10[%swap3A_2432, %swap3A_2433, %swap3A_2434], %swap3A_2437 {strides = array<i32>} : memref<20x128x128xf32, #tpu.memory_space<vmem>>, vector<1x128x128xf32>,
    %gt3A_2438 = arith.cmpf ogt, %div3A_2431, %select_n3A_2378 : vector<128x128xf32>
    %select_n3A_2439 = arith.select %gt3A_2438, %div3A_2431, %select_n3A_2378 : vector<128x128xi1>, vector<128x128xf32>
    %broadcast_in_dim3A_2440 = vector.broadcast %get3A_2392 : f32 to vector<128x128xf32>
    %select_n3A_2441 = arith.select %gt3A_2438, %broadcast_in_dim3A_2440, %select_n3A_2380 : vector<128x128xi1>, vector<128x128xf32>
    %broadcast_in_dim3A_2442 = vector.broadcast %get3A_2396 : f32 to vector<128x128xf32>
    %select_n3A_2443 = arith.select %gt3A_2438, %broadcast_in_dim3A_2442, %select_n3A_2382 : vector<128x128xi1>, vector<128x128xf32>
    %broadcast_in_dim3A_2444 = vector.broadcast %get3A_2400 : f32 to vector<128x128xf32>
    %select_n3A_2445 = arith.select %gt3A_2438, %broadcast_in_dim3A_2444, %select_n3A_2384 : vector<128x128xi1>, vector<128x128xf32>
    %broadcast_in_dim3A_2446 = vector.broadcast %get3A_2404 : f32 to vector<128x128xf32>
    %select_n3A_2447 = arith.select %gt3A_2438, %broadcast_in_dim3A_2446, %select_n3A_2386 : vector<128x128xi1>, vector<128x128xf32>
    %reduce_max3A_2448 = arith.constant dense<0xFF800000> : vector<128xf32>
    %reduce_max3A_2449 = vector.multi_reduction <maximumf>, %div3A_2431, %reduce_max3A_2448 [0] : vector<128x128xf32> to vector<128xf32>
    %get3A_2450 = arith.index_cast %add3A_1949 : i32 to index
    %get3A_2451 = arith.constant 8 : index
    %get3A_2452 = arith.constant 0 : index
    %get3A_2453 = memref.load %arg1[%get3A_2450, %get3A_2451, %get3A_2452] : memref<16x20x4xf32, #tpu.memory_space<smem>>
    %get3A_2454 = arith.index_cast %add3A_1949 : i32 to index
    %get3A_2455 = arith.constant 8 : index
    %get3A_2456 = arith.constant 1 : index
    %get3A_2457 = memref.load %arg1[%get3A_2454, %get3A_2455, %get3A_2456] : memref<16x20x4xf32, #tpu.memory_space<smem>>
    %get3A_2458 = arith.index_cast %add3A_1949 : i32 to index
    %get3A_2459 = arith.constant 8 : index
    %get3A_2460 = arith.constant 2 : index
    %get3A_2461 = memref.load %arg1[%get3A_2458, %get3A_2459, %get3A_2460] : memref<16x20x4xf32, #tpu.memory_space<smem>>
    %get3A_2462 = arith.index_cast %add3A_1949 : i32 to index
    %get3A_2463 = arith.constant 8 : index
    %get3A_2464 = arith.constant 3 : index
    %get3A_2465 = memref.load %arg1[%get3A_2462, %get3A_2463, %get3A_2464] : memref<16x20x4xf32, #tpu.memory_space<smem>>
    %max3A_2466 = vector.broadcast %get3A_2453 : f32 to vector<128x128xf32>
    %max3A_2467 = arith.maximumf %get3A_5, %max3A_2466 : vector<128x128xf32>
    %max3A_2468 = vector.broadcast %get3A_2457 : f32 to vector<128x128xf32>
    %max3A_2469 = arith.maximumf %get3A_10, %max3A_2468 : vector<128x128xf32>
    %min3A_2470 = vector.broadcast %get3A_2461 : f32 to vector<128x128xf32>
    %min3A_2471 = arith.minimumf %get3A_15, %min3A_2470 : vector<128x128xf32>
    %min3A_2472 = vector.broadcast %get3A_2465 : f32 to vector<128x128xf32>
    %min3A_2473 = arith.minimumf %get3A_20, %min3A_2472 : vector<128x128xf32>
    %sub3A_2474 = arith.subf %min3A_2471, %max3A_2467 : vector<128x128xf32>
    %jit3A_2475 = arith.constant 0.000000e+00 : f32
    %max3A_2476 = vector.broadcast %jit3A_2475 : f32 to vector<128x128xf32>
    %max3A_2477 = arith.maximumf %max3A_2476, %sub3A_2474 : vector<128x128xf32>
    %sub3A_2478 = arith.subf %min3A_2473, %max3A_2469 : vector<128x128xf32>
    %jit3A_2479 = arith.constant 0.000000e+00 : f32
    %max3A_2480 = vector.broadcast %jit3A_2479 : f32 to vector<128x128xf32>
    %max3A_2481 = arith.maximumf %max3A_2480, %sub3A_2478 : vector<128x128xf32>
    %mul3A_2482 = arith.mulf %max3A_2477, %max3A_2481 : vector<128x128xf32>
    %sub3A_2483 = arith.subf %get3A_2461, %get3A_2453 : f32
    %sub3A_2484 = arith.subf %get3A_2465, %get3A_2457 : f32
    %mul3A_2485 = arith.mulf %sub3A_2483, %sub3A_2484 : f32
    %add3A_2486 = vector.broadcast %mul3A_2485 : f32 to vector<128x128xf32>
    %add3A_2487 = arith.addf %mul3A, %add3A_2486 : vector<128x128xf32>
    %sub3A_2488 = arith.subf %add3A_2487, %mul3A_2482 : vector<128x128xf32>
    %add3A_2489 = arith.constant 1.000000e-10 : f32
    %add3A_2490 = vector.broadcast %add3A_2489 : f32 to vector<128x128xf32>
    %add3A_2491 = arith.addf %sub3A_2488, %add3A_2490 : vector<128x128xf32>
    %div3A_2492 = arith.divf %mul3A_2482, %add3A_2491 : vector<128x128xf32>
    %swap3A_2493 = arith.constant 8 : index
    %swap3A_2494 = arith.constant 0 : index
    %swap3A_2495 = arith.constant 0 : index
    %swap3A_2496 = vector.load %arg10[%swap3A_2493, %swap3A_2494, %swap3A_2495] : memref<20x128x128xf32, #tpu.memory_space<vmem>>, vector<1x128x128xf32>
    %swap3A_2497 = vector.shape_cast %swap3A_2496 : vector<1x128x128xf32> to vector<128x128xf32>
    %swap3A_2498 = vector.shape_cast %div3A_2492 : vector<128x128xf32> to vector<1x128x128xf32>
    tpu.vector_store %arg10[%swap3A_2493, %swap3A_2494, %swap3A_2495], %swap3A_2498 {strides = array<i32>} : memref<20x128x128xf32, #tpu.memory_space<vmem>>, vector<1x128x128xf32>,
    %gt3A_2499 = arith.cmpf ogt, %div3A_2492, %select_n3A_2439 : vector<128x128xf32>
    %select_n3A_2500 = arith.select %gt3A_2499, %div3A_2492, %select_n3A_2439 : vector<128x128xi1>, vector<128x128xf32>
    %broadcast_in_dim3A_2501 = vector.broadcast %get3A_2453 : f32 to vector<128x128xf32>
    %select_n3A_2502 = arith.select %gt3A_2499, %broadcast_in_dim3A_2501, %select_n3A_2441 : vector<128x128xi1>, vector<128x128xf32>
    %broadcast_in_dim3A_2503 = vector.broadcast %get3A_2457 : f32 to vector<128x128xf32>
    %select_n3A_2504 = arith.select %gt3A_2499, %broadcast_in_dim3A_2503, %select_n3A_2443 : vector<128x128xi1>, vector<128x128xf32>
    %broadcast_in_dim3A_2505 = vector.broadcast %get3A_2461 : f32 to vector<128x128xf32>
    %select_n3A_2506 = arith.select %gt3A_2499, %broadcast_in_dim3A_2505, %select_n3A_2445 : vector<128x128xi1>, vector<128x128xf32>
    %broadcast_in_dim3A_2507 = vector.broadcast %get3A_2465 : f32 to vector<128x128xf32>
    %select_n3A_2508 = arith.select %gt3A_2499, %broadcast_in_dim3A_2507, %select_n3A_2447 : vector<128x128xi1>, vector<128x128xf32>
    %reduce_max3A_2509 = arith.constant dense<0xFF800000> : vector<128xf32>
    %reduce_max3A_2510 = vector.multi_reduction <maximumf>, %div3A_2492, %reduce_max3A_2509 [0] : vector<128x128xf32> to vector<128xf32>
    %get3A_2511 = arith.index_cast %add3A_1949 : i32 to index
    %get3A_2512 = arith.constant 9 : index
    %get3A_2513 = arith.constant 0 : index
    %get3A_2514 = memref.load %arg1[%get3A_2511, %get3A_2512, %get3A_2513] : memref<16x20x4xf32, #tpu.memory_space<smem>>
    %get3A_2515 = arith.index_cast %add3A_1949 : i32 to index
    %get3A_2516 = arith.constant 9 : index
    %get3A_2517 = arith.constant 1 : index
    %get3A_2518 = memref.load %arg1[%get3A_2515, %get3A_2516, %get3A_2517] : memref<16x20x4xf32, #tpu.memory_space<smem>>
    %get3A_2519 = arith.index_cast %add3A_1949 : i32 to index
    %get3A_2520 = arith.constant 9 : index
    %get3A_2521 = arith.constant 2 : index
    %get3A_2522 = memref.load %arg1[%get3A_2519, %get3A_2520, %get3A_2521] : memref<16x20x4xf32, #tpu.memory_space<smem>>
    %get3A_2523 = arith.index_cast %add3A_1949 : i32 to index
    %get3A_2524 = arith.constant 9 : index
    %get3A_2525 = arith.constant 3 : index
    %get3A_2526 = memref.load %arg1[%get3A_2523, %get3A_2524, %get3A_2525] : memref<16x20x4xf32, #tpu.memory_space<smem>>
    %max3A_2527 = vector.broadcast %get3A_2514 : f32 to vector<128x128xf32>
    %max3A_2528 = arith.maximumf %get3A_5, %max3A_2527 : vector<128x128xf32>
    %max3A_2529 = vector.broadcast %get3A_2518 : f32 to vector<128x128xf32>
    %max3A_2530 = arith.maximumf %get3A_10, %max3A_2529 : vector<128x128xf32>
    %min3A_2531 = vector.broadcast %get3A_2522 : f32 to vector<128x128xf32>
    %min3A_2532 = arith.minimumf %get3A_15, %min3A_2531 : vector<128x128xf32>
    %min3A_2533 = vector.broadcast %get3A_2526 : f32 to vector<128x128xf32>
    %min3A_2534 = arith.minimumf %get3A_20, %min3A_2533 : vector<128x128xf32>
    %sub3A_2535 = arith.subf %min3A_2532, %max3A_2528 : vector<128x128xf32>
    %jit3A_2536 = arith.constant 0.000000e+00 : f32
    %max3A_2537 = vector.broadcast %jit3A_2536 : f32 to vector<128x128xf32>
    %max3A_2538 = arith.maximumf %max3A_2537, %sub3A_2535 : vector<128x128xf32>
    %sub3A_2539 = arith.subf %min3A_2534, %max3A_2530 : vector<128x128xf32>
    %jit3A_2540 = arith.constant 0.000000e+00 : f32
    %max3A_2541 = vector.broadcast %jit3A_2540 : f32 to vector<128x128xf32>
    %max3A_2542 = arith.maximumf %max3A_2541, %sub3A_2539 : vector<128x128xf32>
    %mul3A_2543 = arith.mulf %max3A_2538, %max3A_2542 : vector<128x128xf32>
    %sub3A_2544 = arith.subf %get3A_2522, %get3A_2514 : f32
    %sub3A_2545 = arith.subf %get3A_2526, %get3A_2518 : f32
    %mul3A_2546 = arith.mulf %sub3A_2544, %sub3A_2545 : f32
    %add3A_2547 = vector.broadcast %mul3A_2546 : f32 to vector<128x128xf32>
    %add3A_2548 = arith.addf %mul3A, %add3A_2547 : vector<128x128xf32>
    %sub3A_2549 = arith.subf %add3A_2548, %mul3A_2543 : vector<128x128xf32>
    %add3A_2550 = arith.constant 1.000000e-10 : f32
    %add3A_2551 = vector.broadcast %add3A_2550 : f32 to vector<128x128xf32>
    %add3A_2552 = arith.addf %sub3A_2549, %add3A_2551 : vector<128x128xf32>
    %div3A_2553 = arith.divf %mul3A_2543, %add3A_2552 : vector<128x128xf32>
    %swap3A_2554 = arith.constant 9 : index
    %swap3A_2555 = arith.constant 0 : index
    %swap3A_2556 = arith.constant 0 : index
    %swap3A_2557 = vector.load %arg10[%swap3A_2554, %swap3A_2555, %swap3A_2556] : memref<20x128x128xf32, #tpu.memory_space<vmem>>, vector<1x128x128xf32>
    %swap3A_2558 = vector.shape_cast %swap3A_2557 : vector<1x128x128xf32> to vector<128x128xf32>
    %swap3A_2559 = vector.shape_cast %div3A_2553 : vector<128x128xf32> to vector<1x128x128xf32>
    tpu.vector_store %arg10[%swap3A_2554, %swap3A_2555, %swap3A_2556], %swap3A_2559 {strides = array<i32>} : memref<20x128x128xf32, #tpu.memory_space<vmem>>, vector<1x128x128xf32>,
    %gt3A_2560 = arith.cmpf ogt, %div3A_2553, %select_n3A_2500 : vector<128x128xf32>
    %select_n3A_2561 = arith.select %gt3A_2560, %div3A_2553, %select_n3A_2500 : vector<128x128xi1>, vector<128x128xf32>
    %broadcast_in_dim3A_2562 = vector.broadcast %get3A_2514 : f32 to vector<128x128xf32>
    %select_n3A_2563 = arith.select %gt3A_2560, %broadcast_in_dim3A_2562, %select_n3A_2502 : vector<128x128xi1>, vector<128x128xf32>
    %broadcast_in_dim3A_2564 = vector.broadcast %get3A_2518 : f32 to vector<128x128xf32>
    %select_n3A_2565 = arith.select %gt3A_2560, %broadcast_in_dim3A_2564, %select_n3A_2504 : vector<128x128xi1>, vector<128x128xf32>
    %broadcast_in_dim3A_2566 = vector.broadcast %get3A_2522 : f32 to vector<128x128xf32>
    %select_n3A_2567 = arith.select %gt3A_2560, %broadcast_in_dim3A_2566, %select_n3A_2506 : vector<128x128xi1>, vector<128x128xf32>
    %broadcast_in_dim3A_2568 = vector.broadcast %get3A_2526 : f32 to vector<128x128xf32>
    %select_n3A_2569 = arith.select %gt3A_2560, %broadcast_in_dim3A_2568, %select_n3A_2508 : vector<128x128xi1>, vector<128x128xf32>
    %reduce_max3A_2570 = arith.constant dense<0xFF800000> : vector<128xf32>
    %reduce_max3A_2571 = vector.multi_reduction <maximumf>, %div3A_2553, %reduce_max3A_2570 [0] : vector<128x128xf32> to vector<128xf32>
    %get3A_2572 = arith.index_cast %add3A_1949 : i32 to index
    %get3A_2573 = arith.constant 10 : index
    %get3A_2574 = arith.constant 0 : index
    %get3A_2575 = memref.load %arg1[%get3A_2572, %get3A_2573, %get3A_2574] : memref<16x20x4xf32, #tpu.memory_space<smem>>
    %get3A_2576 = arith.index_cast %add3A_1949 : i32 to index
    %get3A_2577 = arith.constant 10 : index
    %get3A_2578 = arith.constant 1 : index
    %get3A_2579 = memref.load %arg1[%get3A_2576, %get3A_2577, %get3A_2578] : memref<16x20x4xf32, #tpu.memory_space<smem>>
    %get3A_2580 = arith.index_cast %add3A_1949 : i32 to index
    %get3A_2581 = arith.constant 10 : index
    %get3A_2582 = arith.constant 2 : index
    %get3A_2583 = memref.load %arg1[%get3A_2580, %get3A_2581, %get3A_2582] : memref<16x20x4xf32, #tpu.memory_space<smem>>
    %get3A_2584 = arith.index_cast %add3A_1949 : i32 to index
    %get3A_2585 = arith.constant 10 : index
    %get3A_2586 = arith.constant 3 : index
    %get3A_2587 = memref.load %arg1[%get3A_2584, %get3A_2585, %get3A_2586] : memref<16x20x4xf32, #tpu.memory_space<smem>>
    %max3A_2588 = vector.broadcast %get3A_2575 : f32 to vector<128x128xf32>
    %max3A_2589 = arith.maximumf %get3A_5, %max3A_2588 : vector<128x128xf32>
    %max3A_2590 = vector.broadcast %get3A_2579 : f32 to vector<128x128xf32>
    %max3A_2591 = arith.maximumf %get3A_10, %max3A_2590 : vector<128x128xf32>
    %min3A_2592 = vector.broadcast %get3A_2583 : f32 to vector<128x128xf32>
    %min3A_2593 = arith.minimumf %get3A_15, %min3A_2592 : vector<128x128xf32>
    %min3A_2594 = vector.broadcast %get3A_2587 : f32 to vector<128x128xf32>
    %min3A_2595 = arith.minimumf %get3A_20, %min3A_2594 : vector<128x128xf32>
    %sub3A_2596 = arith.subf %min3A_2593, %max3A_2589 : vector<128x128xf32>
    %jit3A_2597 = arith.constant 0.000000e+00 : f32
    %max3A_2598 = vector.broadcast %jit3A_2597 : f32 to vector<128x128xf32>
    %max3A_2599 = arith.maximumf %max3A_2598, %sub3A_2596 : vector<128x128xf32>
    %sub3A_2600 = arith.subf %min3A_2595, %max3A_2591 : vector<128x128xf32>
    %jit3A_2601 = arith.constant 0.000000e+00 : f32
    %max3A_2602 = vector.broadcast %jit3A_2601 : f32 to vector<128x128xf32>
    %max3A_2603 = arith.maximumf %max3A_2602, %sub3A_2600 : vector<128x128xf32>
    %mul3A_2604 = arith.mulf %max3A_2599, %max3A_2603 : vector<128x128xf32>
    %sub3A_2605 = arith.subf %get3A_2583, %get3A_2575 : f32
    %sub3A_2606 = arith.subf %get3A_2587, %get3A_2579 : f32
    %mul3A_2607 = arith.mulf %sub3A_2605, %sub3A_2606 : f32
    %add3A_2608 = vector.broadcast %mul3A_2607 : f32 to vector<128x128xf32>
    %add3A_2609 = arith.addf %mul3A, %add3A_2608 : vector<128x128xf32>
    %sub3A_2610 = arith.subf %add3A_2609, %mul3A_2604 : vector<128x128xf32>
    %add3A_2611 = arith.constant 1.000000e-10 : f32
    %add3A_2612 = vector.broadcast %add3A_2611 : f32 to vector<128x128xf32>
    %add3A_2613 = arith.addf %sub3A_2610, %add3A_2612 : vector<128x128xf32>
    %div3A_2614 = arith.divf %mul3A_2604, %add3A_2613 : vector<128x128xf32>
    %swap3A_2615 = arith.constant 10 : index
    %swap3A_2616 = arith.constant 0 : index
    %swap3A_2617 = arith.constant 0 : index
    %swap3A_2618 = vector.load %arg10[%swap3A_2615, %swap3A_2616, %swap3A_2617] : memref<20x128x128xf32, #tpu.memory_space<vmem>>, vector<1x128x128xf32>
    %swap3A_2619 = vector.shape_cast %swap3A_2618 : vector<1x128x128xf32> to vector<128x128xf32>
    %swap3A_2620 = vector.shape_cast %div3A_2614 : vector<128x128xf32> to vector<1x128x128xf32>
    tpu.vector_store %arg10[%swap3A_2615, %swap3A_2616, %swap3A_2617], %swap3A_2620 {strides = array<i32>} : memref<20x128x128xf32, #tpu.memory_space<vmem>>, vector<1x128x128xf32>,
    %gt3A_2621 = arith.cmpf ogt, %div3A_2614, %select_n3A_2561 : vector<128x128xf32>
    %select_n3A_2622 = arith.select %gt3A_2621, %div3A_2614, %select_n3A_2561 : vector<128x128xi1>, vector<128x128xf32>
    %broadcast_in_dim3A_2623 = vector.broadcast %get3A_2575 : f32 to vector<128x128xf32>
    %select_n3A_2624 = arith.select %gt3A_2621, %broadcast_in_dim3A_2623, %select_n3A_2563 : vector<128x128xi1>, vector<128x128xf32>
    %broadcast_in_dim3A_2625 = vector.broadcast %get3A_2579 : f32 to vector<128x128xf32>
    %select_n3A_2626 = arith.select %gt3A_2621, %broadcast_in_dim3A_2625, %select_n3A_2565 : vector<128x128xi1>, vector<128x128xf32>
    %broadcast_in_dim3A_2627 = vector.broadcast %get3A_2583 : f32 to vector<128x128xf32>
    %select_n3A_2628 = arith.select %gt3A_2621, %broadcast_in_dim3A_2627, %select_n3A_2567 : vector<128x128xi1>, vector<128x128xf32>
    %broadcast_in_dim3A_2629 = vector.broadcast %get3A_2587 : f32 to vector<128x128xf32>
    %select_n3A_2630 = arith.select %gt3A_2621, %broadcast_in_dim3A_2629, %select_n3A_2569 : vector<128x128xi1>, vector<128x128xf32>
    %reduce_max3A_2631 = arith.constant dense<0xFF800000> : vector<128xf32>
    %reduce_max3A_2632 = vector.multi_reduction <maximumf>, %div3A_2614, %reduce_max3A_2631 [0] : vector<128x128xf32> to vector<128xf32>
    %get3A_2633 = arith.index_cast %add3A_1949 : i32 to index
    %get3A_2634 = arith.constant 11 : index
    %get3A_2635 = arith.constant 0 : index
    %get3A_2636 = memref.load %arg1[%get3A_2633, %get3A_2634, %get3A_2635] : memref<16x20x4xf32, #tpu.memory_space<smem>>
    %get3A_2637 = arith.index_cast %add3A_1949 : i32 to index
    %get3A_2638 = arith.constant 11 : index
    %get3A_2639 = arith.constant 1 : index
    %get3A_2640 = memref.load %arg1[%get3A_2637, %get3A_2638, %get3A_2639] : memref<16x20x4xf32, #tpu.memory_space<smem>>
    %get3A_2641 = arith.index_cast %add3A_1949 : i32 to index
    %get3A_2642 = arith.constant 11 : index
    %get3A_2643 = arith.constant 2 : index
    %get3A_2644 = memref.load %arg1[%get3A_2641, %get3A_2642, %get3A_2643] : memref<16x20x4xf32, #tpu.memory_space<smem>>
    %get3A_2645 = arith.index_cast %add3A_1949 : i32 to index
    %get3A_2646 = arith.constant 11 : index
    %get3A_2647 = arith.constant 3 : index
    %get3A_2648 = memref.load %arg1[%get3A_2645, %get3A_2646, %get3A_2647] : memref<16x20x4xf32, #tpu.memory_space<smem>>
    %max3A_2649 = vector.broadcast %get3A_2636 : f32 to vector<128x128xf32>
    %max3A_2650 = arith.maximumf %get3A_5, %max3A_2649 : vector<128x128xf32>
    %max3A_2651 = vector.broadcast %get3A_2640 : f32 to vector<128x128xf32>
    %max3A_2652 = arith.maximumf %get3A_10, %max3A_2651 : vector<128x128xf32>
    %min3A_2653 = vector.broadcast %get3A_2644 : f32 to vector<128x128xf32>
    %min3A_2654 = arith.minimumf %get3A_15, %min3A_2653 : vector<128x128xf32>
    %min3A_2655 = vector.broadcast %get3A_2648 : f32 to vector<128x128xf32>
    %min3A_2656 = arith.minimumf %get3A_20, %min3A_2655 : vector<128x128xf32>
    %sub3A_2657 = arith.subf %min3A_2654, %max3A_2650 : vector<128x128xf32>
    %jit3A_2658 = arith.constant 0.000000e+00 : f32
    %max3A_2659 = vector.broadcast %jit3A_2658 : f32 to vector<128x128xf32>
    %max3A_2660 = arith.maximumf %max3A_2659, %sub3A_2657 : vector<128x128xf32>
    %sub3A_2661 = arith.subf %min3A_2656, %max3A_2652 : vector<128x128xf32>
    %jit3A_2662 = arith.constant 0.000000e+00 : f32
    %max3A_2663 = vector.broadcast %jit3A_2662 : f32 to vector<128x128xf32>
    %max3A_2664 = arith.maximumf %max3A_2663, %sub3A_2661 : vector<128x128xf32>
    %mul3A_2665 = arith.mulf %max3A_2660, %max3A_2664 : vector<128x128xf32>
    %sub3A_2666 = arith.subf %get3A_2644, %get3A_2636 : f32
    %sub3A_2667 = arith.subf %get3A_2648, %get3A_2640 : f32
    %mul3A_2668 = arith.mulf %sub3A_2666, %sub3A_2667 : f32
    %add3A_2669 = vector.broadcast %mul3A_2668 : f32 to vector<128x128xf32>
    %add3A_2670 = arith.addf %mul3A, %add3A_2669 : vector<128x128xf32>
    %sub3A_2671 = arith.subf %add3A_2670, %mul3A_2665 : vector<128x128xf32>
    %add3A_2672 = arith.constant 1.000000e-10 : f32
    %add3A_2673 = vector.broadcast %add3A_2672 : f32 to vector<128x128xf32>
    %add3A_2674 = arith.addf %sub3A_2671, %add3A_2673 : vector<128x128xf32>
    %div3A_2675 = arith.divf %mul3A_2665, %add3A_2674 : vector<128x128xf32>
    %swap3A_2676 = arith.constant 11 : index
    %swap3A_2677 = arith.constant 0 : index
    %swap3A_2678 = arith.constant 0 : index
    %swap3A_2679 = vector.load %arg10[%swap3A_2676, %swap3A_2677, %swap3A_2678] : memref<20x128x128xf32, #tpu.memory_space<vmem>>, vector<1x128x128xf32>
    %swap3A_2680 = vector.shape_cast %swap3A_2679 : vector<1x128x128xf32> to vector<128x128xf32>
    %swap3A_2681 = vector.shape_cast %div3A_2675 : vector<128x128xf32> to vector<1x128x128xf32>
    tpu.vector_store %arg10[%swap3A_2676, %swap3A_2677, %swap3A_2678], %swap3A_2681 {strides = array<i32>} : memref<20x128x128xf32, #tpu.memory_space<vmem>>, vector<1x128x128xf32>,
    %gt3A_2682 = arith.cmpf ogt, %div3A_2675, %select_n3A_2622 : vector<128x128xf32>
    %select_n3A_2683 = arith.select %gt3A_2682, %div3A_2675, %select_n3A_2622 : vector<128x128xi1>, vector<128x128xf32>
    %broadcast_in_dim3A_2684 = vector.broadcast %get3A_2636 : f32 to vector<128x128xf32>
    %select_n3A_2685 = arith.select %gt3A_2682, %broadcast_in_dim3A_2684, %select_n3A_2624 : vector<128x128xi1>, vector<128x128xf32>
    %broadcast_in_dim3A_2686 = vector.broadcast %get3A_2640 : f32 to vector<128x128xf32>
    %select_n3A_2687 = arith.select %gt3A_2682, %broadcast_in_dim3A_2686, %select_n3A_2626 : vector<128x128xi1>, vector<128x128xf32>
    %broadcast_in_dim3A_2688 = vector.broadcast %get3A_2644 : f32 to vector<128x128xf32>
    %select_n3A_2689 = arith.select %gt3A_2682, %broadcast_in_dim3A_2688, %select_n3A_2628 : vector<128x128xi1>, vector<128x128xf32>
    %broadcast_in_dim3A_2690 = vector.broadcast %get3A_2648 : f32 to vector<128x128xf32>
    %select_n3A_2691 = arith.select %gt3A_2682, %broadcast_in_dim3A_2690, %select_n3A_2630 : vector<128x128xi1>, vector<128x128xf32>
    %reduce_max3A_2692 = arith.constant dense<0xFF800000> : vector<128xf32>
    %reduce_max3A_2693 = vector.multi_reduction <maximumf>, %div3A_2675, %reduce_max3A_2692 [0] : vector<128x128xf32> to vector<128xf32>
    %get3A_2694 = arith.index_cast %add3A_1949 : i32 to index
    %get3A_2695 = arith.constant 12 : index
    %get3A_2696 = arith.constant 0 : index
    %get3A_2697 = memref.load %arg1[%get3A_2694, %get3A_2695, %get3A_2696] : memref<16x20x4xf32, #tpu.memory_space<smem>>
    %get3A_2698 = arith.index_cast %add3A_1949 : i32 to index
    %get3A_2699 = arith.constant 12 : index
    %get3A_2700 = arith.constant 1 : index
    %get3A_2701 = memref.load %arg1[%get3A_2698, %get3A_2699, %get3A_2700] : memref<16x20x4xf32, #tpu.memory_space<smem>>
    %get3A_2702 = arith.index_cast %add3A_1949 : i32 to index
    %get3A_2703 = arith.constant 12 : index
    %get3A_2704 = arith.constant 2 : index
    %get3A_2705 = memref.load %arg1[%get3A_2702, %get3A_2703, %get3A_2704] : memref<16x20x4xf32, #tpu.memory_space<smem>>
    %get3A_2706 = arith.index_cast %add3A_1949 : i32 to index
    %get3A_2707 = arith.constant 12 : index
    %get3A_2708 = arith.constant 3 : index
    %get3A_2709 = memref.load %arg1[%get3A_2706, %get3A_2707, %get3A_2708] : memref<16x20x4xf32, #tpu.memory_space<smem>>
    %max3A_2710 = vector.broadcast %get3A_2697 : f32 to vector<128x128xf32>
    %max3A_2711 = arith.maximumf %get3A_5, %max3A_2710 : vector<128x128xf32>
    %max3A_2712 = vector.broadcast %get3A_2701 : f32 to vector<128x128xf32>
    %max3A_2713 = arith.maximumf %get3A_10, %max3A_2712 : vector<128x128xf32>
    %min3A_2714 = vector.broadcast %get3A_2705 : f32 to vector<128x128xf32>
    %min3A_2715 = arith.minimumf %get3A_15, %min3A_2714 : vector<128x128xf32>
    %min3A_2716 = vector.broadcast %get3A_2709 : f32 to vector<128x128xf32>
    %min3A_2717 = arith.minimumf %get3A_20, %min3A_2716 : vector<128x128xf32>
    %sub3A_2718 = arith.subf %min3A_2715, %max3A_2711 : vector<128x128xf32>
    %jit3A_2719 = arith.constant 0.000000e+00 : f32
    %max3A_2720 = vector.broadcast %jit3A_2719 : f32 to vector<128x128xf32>
    %max3A_2721 = arith.maximumf %max3A_2720, %sub3A_2718 : vector<128x128xf32>
    %sub3A_2722 = arith.subf %min3A_2717, %max3A_2713 : vector<128x128xf32>
    %jit3A_2723 = arith.constant 0.000000e+00 : f32
    %max3A_2724 = vector.broadcast %jit3A_2723 : f32 to vector<128x128xf32>
    %max3A_2725 = arith.maximumf %max3A_2724, %sub3A_2722 : vector<128x128xf32>
    %mul3A_2726 = arith.mulf %max3A_2721, %max3A_2725 : vector<128x128xf32>
    %sub3A_2727 = arith.subf %get3A_2705, %get3A_2697 : f32
    %sub3A_2728 = arith.subf %get3A_2709, %get3A_2701 : f32
    %mul3A_2729 = arith.mulf %sub3A_2727, %sub3A_2728 : f32
    %add3A_2730 = vector.broadcast %mul3A_2729 : f32 to vector<128x128xf32>
    %add3A_2731 = arith.addf %mul3A, %add3A_2730 : vector<128x128xf32>
    %sub3A_2732 = arith.subf %add3A_2731, %mul3A_2726 : vector<128x128xf32>
    %add3A_2733 = arith.constant 1.000000e-10 : f32
    %add3A_2734 = vector.broadcast %add3A_2733 : f32 to vector<128x128xf32>
    %add3A_2735 = arith.addf %sub3A_2732, %add3A_2734 : vector<128x128xf32>
    %div3A_2736 = arith.divf %mul3A_2726, %add3A_2735 : vector<128x128xf32>
    %swap3A_2737 = arith.constant 12 : index
    %swap3A_2738 = arith.constant 0 : index
    %swap3A_2739 = arith.constant 0 : index
    %swap3A_2740 = vector.load %arg10[%swap3A_2737, %swap3A_2738, %swap3A_2739] : memref<20x128x128xf32, #tpu.memory_space<vmem>>, vector<1x128x128xf32>
    %swap3A_2741 = vector.shape_cast %swap3A_2740 : vector<1x128x128xf32> to vector<128x128xf32>
    %swap3A_2742 = vector.shape_cast %div3A_2736 : vector<128x128xf32> to vector<1x128x128xf32>
    tpu.vector_store %arg10[%swap3A_2737, %swap3A_2738, %swap3A_2739], %swap3A_2742 {strides = array<i32>} : memref<20x128x128xf32, #tpu.memory_space<vmem>>, vector<1x128x128xf32>,
    %gt3A_2743 = arith.cmpf ogt, %div3A_2736, %select_n3A_2683 : vector<128x128xf32>
    %select_n3A_2744 = arith.select %gt3A_2743, %div3A_2736, %select_n3A_2683 : vector<128x128xi1>, vector<128x128xf32>
    %broadcast_in_dim3A_2745 = vector.broadcast %get3A_2697 : f32 to vector<128x128xf32>
    %select_n3A_2746 = arith.select %gt3A_2743, %broadcast_in_dim3A_2745, %select_n3A_2685 : vector<128x128xi1>, vector<128x128xf32>
    %broadcast_in_dim3A_2747 = vector.broadcast %get3A_2701 : f32 to vector<128x128xf32>
    %select_n3A_2748 = arith.select %gt3A_2743, %broadcast_in_dim3A_2747, %select_n3A_2687 : vector<128x128xi1>, vector<128x128xf32>
    %broadcast_in_dim3A_2749 = vector.broadcast %get3A_2705 : f32 to vector<128x128xf32>
    %select_n3A_2750 = arith.select %gt3A_2743, %broadcast_in_dim3A_2749, %select_n3A_2689 : vector<128x128xi1>, vector<128x128xf32>
    %broadcast_in_dim3A_2751 = vector.broadcast %get3A_2709 : f32 to vector<128x128xf32>
    %select_n3A_2752 = arith.select %gt3A_2743, %broadcast_in_dim3A_2751, %select_n3A_2691 : vector<128x128xi1>, vector<128x128xf32>
    %reduce_max3A_2753 = arith.constant dense<0xFF800000> : vector<128xf32>
    %reduce_max3A_2754 = vector.multi_reduction <maximumf>, %div3A_2736, %reduce_max3A_2753 [0] : vector<128x128xf32> to vector<128xf32>
    %get3A_2755 = arith.index_cast %add3A_1949 : i32 to index
    %get3A_2756 = arith.constant 13 : index
    %get3A_2757 = arith.constant 0 : index
    %get3A_2758 = memref.load %arg1[%get3A_2755, %get3A_2756, %get3A_2757] : memref<16x20x4xf32, #tpu.memory_space<smem>>
    %get3A_2759 = arith.index_cast %add3A_1949 : i32 to index
    %get3A_2760 = arith.constant 13 : index
    %get3A_2761 = arith.constant 1 : index
    %get3A_2762 = memref.load %arg1[%get3A_2759, %get3A_2760, %get3A_2761] : memref<16x20x4xf32, #tpu.memory_space<smem>>
    %get3A_2763 = arith.index_cast %add3A_1949 : i32 to index
    %get3A_2764 = arith.constant 13 : index
    %get3A_2765 = arith.constant 2 : index
    %get3A_2766 = memref.load %arg1[%get3A_2763, %get3A_2764, %get3A_2765] : memref<16x20x4xf32, #tpu.memory_space<smem>>
    %get3A_2767 = arith.index_cast %add3A_1949 : i32 to index
    %get3A_2768 = arith.constant 13 : index
    %get3A_2769 = arith.constant 3 : index
    %get3A_2770 = memref.load %arg1[%get3A_2767, %get3A_2768, %get3A_2769] : memref<16x20x4xf32, #tpu.memory_space<smem>>
    %max3A_2771 = vector.broadcast %get3A_2758 : f32 to vector<128x128xf32>
    %max3A_2772 = arith.maximumf %get3A_5, %max3A_2771 : vector<128x128xf32>
    %max3A_2773 = vector.broadcast %get3A_2762 : f32 to vector<128x128xf32>
    %max3A_2774 = arith.maximumf %get3A_10, %max3A_2773 : vector<128x128xf32>
    %min3A_2775 = vector.broadcast %get3A_2766 : f32 to vector<128x128xf32>
    %min3A_2776 = arith.minimumf %get3A_15, %min3A_2775 : vector<128x128xf32>
    %min3A_2777 = vector.broadcast %get3A_2770 : f32 to vector<128x128xf32>
    %min3A_2778 = arith.minimumf %get3A_20, %min3A_2777 : vector<128x128xf32>
    %sub3A_2779 = arith.subf %min3A_2776, %max3A_2772 : vector<128x128xf32>
    %jit3A_2780 = arith.constant 0.000000e+00 : f32
    %max3A_2781 = vector.broadcast %jit3A_2780 : f32 to vector<128x128xf32>
    %max3A_2782 = arith.maximumf %max3A_2781, %sub3A_2779 : vector<128x128xf32>
    %sub3A_2783 = arith.subf %min3A_2778, %max3A_2774 : vector<128x128xf32>
    %jit3A_2784 = arith.constant 0.000000e+00 : f32
    %max3A_2785 = vector.broadcast %jit3A_2784 : f32 to vector<128x128xf32>
    %max3A_2786 = arith.maximumf %max3A_2785, %sub3A_2783 : vector<128x128xf32>
    %mul3A_2787 = arith.mulf %max3A_2782, %max3A_2786 : vector<128x128xf32>
    %sub3A_2788 = arith.subf %get3A_2766, %get3A_2758 : f32
    %sub3A_2789 = arith.subf %get3A_2770, %get3A_2762 : f32
    %mul3A_2790 = arith.mulf %sub3A_2788, %sub3A_2789 : f32
    %add3A_2791 = vector.broadcast %mul3A_2790 : f32 to vector<128x128xf32>
    %add3A_2792 = arith.addf %mul3A, %add3A_2791 : vector<128x128xf32>
    %sub3A_2793 = arith.subf %add3A_2792, %mul3A_2787 : vector<128x128xf32>
    %add3A_2794 = arith.constant 1.000000e-10 : f32
    %add3A_2795 = vector.broadcast %add3A_2794 : f32 to vector<128x128xf32>
    %add3A_2796 = arith.addf %sub3A_2793, %add3A_2795 : vector<128x128xf32>
    %div3A_2797 = arith.divf %mul3A_2787, %add3A_2796 : vector<128x128xf32>
    %swap3A_2798 = arith.constant 13 : index
    %swap3A_2799 = arith.constant 0 : index
    %swap3A_2800 = arith.constant 0 : index
    %swap3A_2801 = vector.load %arg10[%swap3A_2798, %swap3A_2799, %swap3A_2800] : memref<20x128x128xf32, #tpu.memory_space<vmem>>, vector<1x128x128xf32>
    %swap3A_2802 = vector.shape_cast %swap3A_2801 : vector<1x128x128xf32> to vector<128x128xf32>
    %swap3A_2803 = vector.shape_cast %div3A_2797 : vector<128x128xf32> to vector<1x128x128xf32>
    tpu.vector_store %arg10[%swap3A_2798, %swap3A_2799, %swap3A_2800], %swap3A_2803 {strides = array<i32>} : memref<20x128x128xf32, #tpu.memory_space<vmem>>, vector<1x128x128xf32>,
    %gt3A_2804 = arith.cmpf ogt, %div3A_2797, %select_n3A_2744 : vector<128x128xf32>
    %select_n3A_2805 = arith.select %gt3A_2804, %div3A_2797, %select_n3A_2744 : vector<128x128xi1>, vector<128x128xf32>
    %broadcast_in_dim3A_2806 = vector.broadcast %get3A_2758 : f32 to vector<128x128xf32>
    %select_n3A_2807 = arith.select %gt3A_2804, %broadcast_in_dim3A_2806, %select_n3A_2746 : vector<128x128xi1>, vector<128x128xf32>
    %broadcast_in_dim3A_2808 = vector.broadcast %get3A_2762 : f32 to vector<128x128xf32>
    %select_n3A_2809 = arith.select %gt3A_2804, %broadcast_in_dim3A_2808, %select_n3A_2748 : vector<128x128xi1>, vector<128x128xf32>
    %broadcast_in_dim3A_2810 = vector.broadcast %get3A_2766 : f32 to vector<128x128xf32>
    %select_n3A_2811 = arith.select %gt3A_2804, %broadcast_in_dim3A_2810, %select_n3A_2750 : vector<128x128xi1>, vector<128x128xf32>
    %broadcast_in_dim3A_2812 = vector.broadcast %get3A_2770 : f32 to vector<128x128xf32>
    %select_n3A_2813 = arith.select %gt3A_2804, %broadcast_in_dim3A_2812, %select_n3A_2752 : vector<128x128xi1>, vector<128x128xf32>
    %reduce_max3A_2814 = arith.constant dense<0xFF800000> : vector<128xf32>
    %reduce_max3A_2815 = vector.multi_reduction <maximumf>, %div3A_2797, %reduce_max3A_2814 [0] : vector<128x128xf32> to vector<128xf32>
    %get3A_2816 = arith.index_cast %add3A_1949 : i32 to index
    %get3A_2817 = arith.constant 14 : index
    %get3A_2818 = arith.constant 0 : index
    %get3A_2819 = memref.load %arg1[%get3A_2816, %get3A_2817, %get3A_2818] : memref<16x20x4xf32, #tpu.memory_space<smem>>
    %get3A_2820 = arith.index_cast %add3A_1949 : i32 to index
    %get3A_2821 = arith.constant 14 : index
    %get3A_2822 = arith.constant 1 : index
    %get3A_2823 = memref.load %arg1[%get3A_2820, %get3A_2821, %get3A_2822] : memref<16x20x4xf32, #tpu.memory_space<smem>>
    %get3A_2824 = arith.index_cast %add3A_1949 : i32 to index
    %get3A_2825 = arith.constant 14 : index
    %get3A_2826 = arith.constant 2 : index
    %get3A_2827 = memref.load %arg1[%get3A_2824, %get3A_2825, %get3A_2826] : memref<16x20x4xf32, #tpu.memory_space<smem>>
    %get3A_2828 = arith.index_cast %add3A_1949 : i32 to index
    %get3A_2829 = arith.constant 14 : index
    %get3A_2830 = arith.constant 3 : index
    %get3A_2831 = memref.load %arg1[%get3A_2828, %get3A_2829, %get3A_2830] : memref<16x20x4xf32, #tpu.memory_space<smem>>
    %max3A_2832 = vector.broadcast %get3A_2819 : f32 to vector<128x128xf32>
    %max3A_2833 = arith.maximumf %get3A_5, %max3A_2832 : vector<128x128xf32>
    %max3A_2834 = vector.broadcast %get3A_2823 : f32 to vector<128x128xf32>
    %max3A_2835 = arith.maximumf %get3A_10, %max3A_2834 : vector<128x128xf32>
    %min3A_2836 = vector.broadcast %get3A_2827 : f32 to vector<128x128xf32>
    %min3A_2837 = arith.minimumf %get3A_15, %min3A_2836 : vector<128x128xf32>
    %min3A_2838 = vector.broadcast %get3A_2831 : f32 to vector<128x128xf32>
    %min3A_2839 = arith.minimumf %get3A_20, %min3A_2838 : vector<128x128xf32>
    %sub3A_2840 = arith.subf %min3A_2837, %max3A_2833 : vector<128x128xf32>
    %jit3A_2841 = arith.constant 0.000000e+00 : f32
    %max3A_2842 = vector.broadcast %jit3A_2841 : f32 to vector<128x128xf32>
    %max3A_2843 = arith.maximumf %max3A_2842, %sub3A_2840 : vector<128x128xf32>
    %sub3A_2844 = arith.subf %min3A_2839, %max3A_2835 : vector<128x128xf32>
    %jit3A_2845 = arith.constant 0.000000e+00 : f32
    %max3A_2846 = vector.broadcast %jit3A_2845 : f32 to vector<128x128xf32>
    %max3A_2847 = arith.maximumf %max3A_2846, %sub3A_2844 : vector<128x128xf32>
    %mul3A_2848 = arith.mulf %max3A_2843, %max3A_2847 : vector<128x128xf32>
    %sub3A_2849 = arith.subf %get3A_2827, %get3A_2819 : f32
    %sub3A_2850 = arith.subf %get3A_2831, %get3A_2823 : f32
    %mul3A_2851 = arith.mulf %sub3A_2849, %sub3A_2850 : f32
    %add3A_2852 = vector.broadcast %mul3A_2851 : f32 to vector<128x128xf32>
    %add3A_2853 = arith.addf %mul3A, %add3A_2852 : vector<128x128xf32>
    %sub3A_2854 = arith.subf %add3A_2853, %mul3A_2848 : vector<128x128xf32>
    %add3A_2855 = arith.constant 1.000000e-10 : f32
    %add3A_2856 = vector.broadcast %add3A_2855 : f32 to vector<128x128xf32>
    %add3A_2857 = arith.addf %sub3A_2854, %add3A_2856 : vector<128x128xf32>
    %div3A_2858 = arith.divf %mul3A_2848, %add3A_2857 : vector<128x128xf32>
    %swap3A_2859 = arith.constant 14 : index
    %swap3A_2860 = arith.constant 0 : index
    %swap3A_2861 = arith.constant 0 : index
    %swap3A_2862 = vector.load %arg10[%swap3A_2859, %swap3A_2860, %swap3A_2861] : memref<20x128x128xf32, #tpu.memory_space<vmem>>, vector<1x128x128xf32>
    %swap3A_2863 = vector.shape_cast %swap3A_2862 : vector<1x128x128xf32> to vector<128x128xf32>
    %swap3A_2864 = vector.shape_cast %div3A_2858 : vector<128x128xf32> to vector<1x128x128xf32>
    tpu.vector_store %arg10[%swap3A_2859, %swap3A_2860, %swap3A_2861], %swap3A_2864 {strides = array<i32>} : memref<20x128x128xf32, #tpu.memory_space<vmem>>, vector<1x128x128xf32>,
    %gt3A_2865 = arith.cmpf ogt, %div3A_2858, %select_n3A_2805 : vector<128x128xf32>
    %select_n3A_2866 = arith.select %gt3A_2865, %div3A_2858, %select_n3A_2805 : vector<128x128xi1>, vector<128x128xf32>
    %broadcast_in_dim3A_2867 = vector.broadcast %get3A_2819 : f32 to vector<128x128xf32>
    %select_n3A_2868 = arith.select %gt3A_2865, %broadcast_in_dim3A_2867, %select_n3A_2807 : vector<128x128xi1>, vector<128x128xf32>
    %broadcast_in_dim3A_2869 = vector.broadcast %get3A_2823 : f32 to vector<128x128xf32>
    %select_n3A_2870 = arith.select %gt3A_2865, %broadcast_in_dim3A_2869, %select_n3A_2809 : vector<128x128xi1>, vector<128x128xf32>
    %broadcast_in_dim3A_2871 = vector.broadcast %get3A_2827 : f32 to vector<128x128xf32>
    %select_n3A_2872 = arith.select %gt3A_2865, %broadcast_in_dim3A_2871, %select_n3A_2811 : vector<128x128xi1>, vector<128x128xf32>
    %broadcast_in_dim3A_2873 = vector.broadcast %get3A_2831 : f32 to vector<128x128xf32>
    %select_n3A_2874 = arith.select %gt3A_2865, %broadcast_in_dim3A_2873, %select_n3A_2813 : vector<128x128xi1>, vector<128x128xf32>
    %reduce_max3A_2875 = arith.constant dense<0xFF800000> : vector<128xf32>
    %reduce_max3A_2876 = vector.multi_reduction <maximumf>, %div3A_2858, %reduce_max3A_2875 [0] : vector<128x128xf32> to vector<128xf32>
    %get3A_2877 = arith.index_cast %add3A_1949 : i32 to index
    %get3A_2878 = arith.constant 15 : index
    %get3A_2879 = arith.constant 0 : index
    %get3A_2880 = memref.load %arg1[%get3A_2877, %get3A_2878, %get3A_2879] : memref<16x20x4xf32, #tpu.memory_space<smem>>
    %get3A_2881 = arith.index_cast %add3A_1949 : i32 to index
    %get3A_2882 = arith.constant 15 : index
    %get3A_2883 = arith.constant 1 : index
    %get3A_2884 = memref.load %arg1[%get3A_2881, %get3A_2882, %get3A_2883] : memref<16x20x4xf32, #tpu.memory_space<smem>>
    %get3A_2885 = arith.index_cast %add3A_1949 : i32 to index
    %get3A_2886 = arith.constant 15 : index
    %get3A_2887 = arith.constant 2 : index
    %get3A_2888 = memref.load %arg1[%get3A_2885, %get3A_2886, %get3A_2887] : memref<16x20x4xf32, #tpu.memory_space<smem>>
    %get3A_2889 = arith.index_cast %add3A_1949 : i32 to index
    %get3A_2890 = arith.constant 15 : index
    %get3A_2891 = arith.constant 3 : index
    %get3A_2892 = memref.load %arg1[%get3A_2889, %get3A_2890, %get3A_2891] : memref<16x20x4xf32, #tpu.memory_space<smem>>
    %max3A_2893 = vector.broadcast %get3A_2880 : f32 to vector<128x128xf32>
    %max3A_2894 = arith.maximumf %get3A_5, %max3A_2893 : vector<128x128xf32>
    %max3A_2895 = vector.broadcast %get3A_2884 : f32 to vector<128x128xf32>
    %max3A_2896 = arith.maximumf %get3A_10, %max3A_2895 : vector<128x128xf32>
    %min3A_2897 = vector.broadcast %get3A_2888 : f32 to vector<128x128xf32>
    %min3A_2898 = arith.minimumf %get3A_15, %min3A_2897 : vector<128x128xf32>
    %min3A_2899 = vector.broadcast %get3A_2892 : f32 to vector<128x128xf32>
    %min3A_2900 = arith.minimumf %get3A_20, %min3A_2899 : vector<128x128xf32>
    %sub3A_2901 = arith.subf %min3A_2898, %max3A_2894 : vector<128x128xf32>
    %jit3A_2902 = arith.constant 0.000000e+00 : f32
    %max3A_2903 = vector.broadcast %jit3A_2902 : f32 to vector<128x128xf32>
    %max3A_2904 = arith.maximumf %max3A_2903, %sub3A_2901 : vector<128x128xf32>
    %sub3A_2905 = arith.subf %min3A_2900, %max3A_2896 : vector<128x128xf32>
    %jit3A_2906 = arith.constant 0.000000e+00 : f32
    %max3A_2907 = vector.broadcast %jit3A_2906 : f32 to vector<128x128xf32>
    %max3A_2908 = arith.maximumf %max3A_2907, %sub3A_2905 : vector<128x128xf32>
    %mul3A_2909 = arith.mulf %max3A_2904, %max3A_2908 : vector<128x128xf32>
    %sub3A_2910 = arith.subf %get3A_2888, %get3A_2880 : f32
    %sub3A_2911 = arith.subf %get3A_2892, %get3A_2884 : f32
    %mul3A_2912 = arith.mulf %sub3A_2910, %sub3A_2911 : f32
    %add3A_2913 = vector.broadcast %mul3A_2912 : f32 to vector<128x128xf32>
    %add3A_2914 = arith.addf %mul3A, %add3A_2913 : vector<128x128xf32>
    %sub3A_2915 = arith.subf %add3A_2914, %mul3A_2909 : vector<128x128xf32>
    %add3A_2916 = arith.constant 1.000000e-10 : f32
    %add3A_2917 = vector.broadcast %add3A_2916 : f32 to vector<128x128xf32>
    %add3A_2918 = arith.addf %sub3A_2915, %add3A_2917 : vector<128x128xf32>
    %div3A_2919 = arith.divf %mul3A_2909, %add3A_2918 : vector<128x128xf32>
    %swap3A_2920 = arith.constant 15 : index
    %swap3A_2921 = arith.constant 0 : index
    %swap3A_2922 = arith.constant 0 : index
    %swap3A_2923 = vector.load %arg10[%swap3A_2920, %swap3A_2921, %swap3A_2922] : memref<20x128x128xf32, #tpu.memory_space<vmem>>, vector<1x128x128xf32>
    %swap3A_2924 = vector.shape_cast %swap3A_2923 : vector<1x128x128xf32> to vector<128x128xf32>
    %swap3A_2925 = vector.shape_cast %div3A_2919 : vector<128x128xf32> to vector<1x128x128xf32>
    tpu.vector_store %arg10[%swap3A_2920, %swap3A_2921, %swap3A_2922], %swap3A_2925 {strides = array<i32>} : memref<20x128x128xf32, #tpu.memory_space<vmem>>, vector<1x128x128xf32>,
    %gt3A_2926 = arith.cmpf ogt, %div3A_2919, %select_n3A_2866 : vector<128x128xf32>
    %select_n3A_2927 = arith.select %gt3A_2926, %div3A_2919, %select_n3A_2866 : vector<128x128xi1>, vector<128x128xf32>
    %broadcast_in_dim3A_2928 = vector.broadcast %get3A_2880 : f32 to vector<128x128xf32>
    %select_n3A_2929 = arith.select %gt3A_2926, %broadcast_in_dim3A_2928, %select_n3A_2868 : vector<128x128xi1>, vector<128x128xf32>
    %broadcast_in_dim3A_2930 = vector.broadcast %get3A_2884 : f32 to vector<128x128xf32>
    %select_n3A_2931 = arith.select %gt3A_2926, %broadcast_in_dim3A_2930, %select_n3A_2870 : vector<128x128xi1>, vector<128x128xf32>
    %broadcast_in_dim3A_2932 = vector.broadcast %get3A_2888 : f32 to vector<128x128xf32>
    %select_n3A_2933 = arith.select %gt3A_2926, %broadcast_in_dim3A_2932, %select_n3A_2872 : vector<128x128xi1>, vector<128x128xf32>
    %broadcast_in_dim3A_2934 = vector.broadcast %get3A_2892 : f32 to vector<128x128xf32>
    %select_n3A_2935 = arith.select %gt3A_2926, %broadcast_in_dim3A_2934, %select_n3A_2874 : vector<128x128xi1>, vector<128x128xf32>
    %reduce_max3A_2936 = arith.constant dense<0xFF800000> : vector<128xf32>
    %reduce_max3A_2937 = vector.multi_reduction <maximumf>, %div3A_2919, %reduce_max3A_2936 [0] : vector<128x128xf32> to vector<128xf32>
    %get3A_2938 = arith.index_cast %add3A_1949 : i32 to index
    %get3A_2939 = arith.constant 16 : index
    %get3A_2940 = arith.constant 0 : index
    %get3A_2941 = memref.load %arg1[%get3A_2938, %get3A_2939, %get3A_2940] : memref<16x20x4xf32, #tpu.memory_space<smem>>
    %get3A_2942 = arith.index_cast %add3A_1949 : i32 to index
    %get3A_2943 = arith.constant 16 : index
    %get3A_2944 = arith.constant 1 : index
    %get3A_2945 = memref.load %arg1[%get3A_2942, %get3A_2943, %get3A_2944] : memref<16x20x4xf32, #tpu.memory_space<smem>>
    %get3A_2946 = arith.index_cast %add3A_1949 : i32 to index
    %get3A_2947 = arith.constant 16 : index
    %get3A_2948 = arith.constant 2 : index
    %get3A_2949 = memref.load %arg1[%get3A_2946, %get3A_2947, %get3A_2948] : memref<16x20x4xf32, #tpu.memory_space<smem>>
    %get3A_2950 = arith.index_cast %add3A_1949 : i32 to index
    %get3A_2951 = arith.constant 16 : index
    %get3A_2952 = arith.constant 3 : index
    %get3A_2953 = memref.load %arg1[%get3A_2950, %get3A_2951, %get3A_2952] : memref<16x20x4xf32, #tpu.memory_space<smem>>
    %max3A_2954 = vector.broadcast %get3A_2941 : f32 to vector<128x128xf32>
    %max3A_2955 = arith.maximumf %get3A_5, %max3A_2954 : vector<128x128xf32>
    %max3A_2956 = vector.broadcast %get3A_2945 : f32 to vector<128x128xf32>
    %max3A_2957 = arith.maximumf %get3A_10, %max3A_2956 : vector<128x128xf32>
    %min3A_2958 = vector.broadcast %get3A_2949 : f32 to vector<128x128xf32>
    %min3A_2959 = arith.minimumf %get3A_15, %min3A_2958 : vector<128x128xf32>
    %min3A_2960 = vector.broadcast %get3A_2953 : f32 to vector<128x128xf32>
    %min3A_2961 = arith.minimumf %get3A_20, %min3A_2960 : vector<128x128xf32>
    %sub3A_2962 = arith.subf %min3A_2959, %max3A_2955 : vector<128x128xf32>
    %jit3A_2963 = arith.constant 0.000000e+00 : f32
    %max3A_2964 = vector.broadcast %jit3A_2963 : f32 to vector<128x128xf32>
    %max3A_2965 = arith.maximumf %max3A_2964, %sub3A_2962 : vector<128x128xf32>
    %sub3A_2966 = arith.subf %min3A_2961, %max3A_2957 : vector<128x128xf32>
    %jit3A_2967 = arith.constant 0.000000e+00 : f32
    %max3A_2968 = vector.broadcast %jit3A_2967 : f32 to vector<128x128xf32>
    %max3A_2969 = arith.maximumf %max3A_2968, %sub3A_2966 : vector<128x128xf32>
    %mul3A_2970 = arith.mulf %max3A_2965, %max3A_2969 : vector<128x128xf32>
    %sub3A_2971 = arith.subf %get3A_2949, %get3A_2941 : f32
    %sub3A_2972 = arith.subf %get3A_2953, %get3A_2945 : f32
    %mul3A_2973 = arith.mulf %sub3A_2971, %sub3A_2972 : f32
    %add3A_2974 = vector.broadcast %mul3A_2973 : f32 to vector<128x128xf32>
    %add3A_2975 = arith.addf %mul3A, %add3A_2974 : vector<128x128xf32>
    %sub3A_2976 = arith.subf %add3A_2975, %mul3A_2970 : vector<128x128xf32>
    %add3A_2977 = arith.constant 1.000000e-10 : f32
    %add3A_2978 = vector.broadcast %add3A_2977 : f32 to vector<128x128xf32>
    %add3A_2979 = arith.addf %sub3A_2976, %add3A_2978 : vector<128x128xf32>
    %div3A_2980 = arith.divf %mul3A_2970, %add3A_2979 : vector<128x128xf32>
    %swap3A_2981 = arith.constant 16 : index
    %swap3A_2982 = arith.constant 0 : index
    %swap3A_2983 = arith.constant 0 : index
    %swap3A_2984 = vector.load %arg10[%swap3A_2981, %swap3A_2982, %swap3A_2983] : memref<20x128x128xf32, #tpu.memory_space<vmem>>, vector<1x128x128xf32>
    %swap3A_2985 = vector.shape_cast %swap3A_2984 : vector<1x128x128xf32> to vector<128x128xf32>
    %swap3A_2986 = vector.shape_cast %div3A_2980 : vector<128x128xf32> to vector<1x128x128xf32>
    tpu.vector_store %arg10[%swap3A_2981, %swap3A_2982, %swap3A_2983], %swap3A_2986 {strides = array<i32>} : memref<20x128x128xf32, #tpu.memory_space<vmem>>, vector<1x128x128xf32>,
    %gt3A_2987 = arith.cmpf ogt, %div3A_2980, %select_n3A_2927 : vector<128x128xf32>
    %select_n3A_2988 = arith.select %gt3A_2987, %div3A_2980, %select_n3A_2927 : vector<128x128xi1>, vector<128x128xf32>
    %broadcast_in_dim3A_2989 = vector.broadcast %get3A_2941 : f32 to vector<128x128xf32>
    %select_n3A_2990 = arith.select %gt3A_2987, %broadcast_in_dim3A_2989, %select_n3A_2929 : vector<128x128xi1>, vector<128x128xf32>
    %broadcast_in_dim3A_2991 = vector.broadcast %get3A_2945 : f32 to vector<128x128xf32>
    %select_n3A_2992 = arith.select %gt3A_2987, %broadcast_in_dim3A_2991, %select_n3A_2931 : vector<128x128xi1>, vector<128x128xf32>
    %broadcast_in_dim3A_2993 = vector.broadcast %get3A_2949 : f32 to vector<128x128xf32>
    %select_n3A_2994 = arith.select %gt3A_2987, %broadcast_in_dim3A_2993, %select_n3A_2933 : vector<128x128xi1>, vector<128x128xf32>
    %broadcast_in_dim3A_2995 = vector.broadcast %get3A_2953 : f32 to vector<128x128xf32>
    %select_n3A_2996 = arith.select %gt3A_2987, %broadcast_in_dim3A_2995, %select_n3A_2935 : vector<128x128xi1>, vector<128x128xf32>
    %reduce_max3A_2997 = arith.constant dense<0xFF800000> : vector<128xf32>
    %reduce_max3A_2998 = vector.multi_reduction <maximumf>, %div3A_2980, %reduce_max3A_2997 [0] : vector<128x128xf32> to vector<128xf32>
    %get3A_2999 = arith.index_cast %add3A_1949 : i32 to index
    %get3A_3000 = arith.constant 17 : index
    %get3A_3001 = arith.constant 0 : index
    %get3A_3002 = memref.load %arg1[%get3A_2999, %get3A_3000, %get3A_3001] : memref<16x20x4xf32, #tpu.memory_space<smem>>
    %get3A_3003 = arith.index_cast %add3A_1949 : i32 to index
    %get3A_3004 = arith.constant 17 : index
    %get3A_3005 = arith.constant 1 : index
    %get3A_3006 = memref.load %arg1[%get3A_3003, %get3A_3004, %get3A_3005] : memref<16x20x4xf32, #tpu.memory_space<smem>>
    %get3A_3007 = arith.index_cast %add3A_1949 : i32 to index
    %get3A_3008 = arith.constant 17 : index
    %get3A_3009 = arith.constant 2 : index
    %get3A_3010 = memref.load %arg1[%get3A_3007, %get3A_3008, %get3A_3009] : memref<16x20x4xf32, #tpu.memory_space<smem>>
    %get3A_3011 = arith.index_cast %add3A_1949 : i32 to index
    %get3A_3012 = arith.constant 17 : index
    %get3A_3013 = arith.constant 3 : index
    %get3A_3014 = memref.load %arg1[%get3A_3011, %get3A_3012, %get3A_3013] : memref<16x20x4xf32, #tpu.memory_space<smem>>
    %max3A_3015 = vector.broadcast %get3A_3002 : f32 to vector<128x128xf32>
    %max3A_3016 = arith.maximumf %get3A_5, %max3A_3015 : vector<128x128xf32>
    %max3A_3017 = vector.broadcast %get3A_3006 : f32 to vector<128x128xf32>
    %max3A_3018 = arith.maximumf %get3A_10, %max3A_3017 : vector<128x128xf32>
    %min3A_3019 = vector.broadcast %get3A_3010 : f32 to vector<128x128xf32>
    %min3A_3020 = arith.minimumf %get3A_15, %min3A_3019 : vector<128x128xf32>
    %min3A_3021 = vector.broadcast %get3A_3014 : f32 to vector<128x128xf32>
    %min3A_3022 = arith.minimumf %get3A_20, %min3A_3021 : vector<128x128xf32>
    %sub3A_3023 = arith.subf %min3A_3020, %max3A_3016 : vector<128x128xf32>
    %jit3A_3024 = arith.constant 0.000000e+00 : f32
    %max3A_3025 = vector.broadcast %jit3A_3024 : f32 to vector<128x128xf32>
    %max3A_3026 = arith.maximumf %max3A_3025, %sub3A_3023 : vector<128x128xf32>
    %sub3A_3027 = arith.subf %min3A_3022, %max3A_3018 : vector<128x128xf32>
    %jit3A_3028 = arith.constant 0.000000e+00 : f32
    %max3A_3029 = vector.broadcast %jit3A_3028 : f32 to vector<128x128xf32>
    %max3A_3030 = arith.maximumf %max3A_3029, %sub3A_3027 : vector<128x128xf32>
    %mul3A_3031 = arith.mulf %max3A_3026, %max3A_3030 : vector<128x128xf32>
    %sub3A_3032 = arith.subf %get3A_3010, %get3A_3002 : f32
    %sub3A_3033 = arith.subf %get3A_3014, %get3A_3006 : f32
    %mul3A_3034 = arith.mulf %sub3A_3032, %sub3A_3033 : f32
    %add3A_3035 = vector.broadcast %mul3A_3034 : f32 to vector<128x128xf32>
    %add3A_3036 = arith.addf %mul3A, %add3A_3035 : vector<128x128xf32>
    %sub3A_3037 = arith.subf %add3A_3036, %mul3A_3031 : vector<128x128xf32>
    %add3A_3038 = arith.constant 1.000000e-10 : f32
    %add3A_3039 = vector.broadcast %add3A_3038 : f32 to vector<128x128xf32>
    %add3A_3040 = arith.addf %sub3A_3037, %add3A_3039 : vector<128x128xf32>
    %div3A_3041 = arith.divf %mul3A_3031, %add3A_3040 : vector<128x128xf32>
    %swap3A_3042 = arith.constant 17 : index
    %swap3A_3043 = arith.constant 0 : index
    %swap3A_3044 = arith.constant 0 : index
    %swap3A_3045 = vector.load %arg10[%swap3A_3042, %swap3A_3043, %swap3A_3044] : memref<20x128x128xf32, #tpu.memory_space<vmem>>, vector<1x128x128xf32>
    %swap3A_3046 = vector.shape_cast %swap3A_3045 : vector<1x128x128xf32> to vector<128x128xf32>
    %swap3A_3047 = vector.shape_cast %div3A_3041 : vector<128x128xf32> to vector<1x128x128xf32>
    tpu.vector_store %arg10[%swap3A_3042, %swap3A_3043, %swap3A_3044], %swap3A_3047 {strides = array<i32>} : memref<20x128x128xf32, #tpu.memory_space<vmem>>, vector<1x128x128xf32>,
    %gt3A_3048 = arith.cmpf ogt, %div3A_3041, %select_n3A_2988 : vector<128x128xf32>
    %select_n3A_3049 = arith.select %gt3A_3048, %div3A_3041, %select_n3A_2988 : vector<128x128xi1>, vector<128x128xf32>
    %broadcast_in_dim3A_3050 = vector.broadcast %get3A_3002 : f32 to vector<128x128xf32>
    %select_n3A_3051 = arith.select %gt3A_3048, %broadcast_in_dim3A_3050, %select_n3A_2990 : vector<128x128xi1>, vector<128x128xf32>
    %broadcast_in_dim3A_3052 = vector.broadcast %get3A_3006 : f32 to vector<128x128xf32>
    %select_n3A_3053 = arith.select %gt3A_3048, %broadcast_in_dim3A_3052, %select_n3A_2992 : vector<128x128xi1>, vector<128x128xf32>
    %broadcast_in_dim3A_3054 = vector.broadcast %get3A_3010 : f32 to vector<128x128xf32>
    %select_n3A_3055 = arith.select %gt3A_3048, %broadcast_in_dim3A_3054, %select_n3A_2994 : vector<128x128xi1>, vector<128x128xf32>
    %broadcast_in_dim3A_3056 = vector.broadcast %get3A_3014 : f32 to vector<128x128xf32>
    %select_n3A_3057 = arith.select %gt3A_3048, %broadcast_in_dim3A_3056, %select_n3A_2996 : vector<128x128xi1>, vector<128x128xf32>
    %reduce_max3A_3058 = arith.constant dense<0xFF800000> : vector<128xf32>
    %reduce_max3A_3059 = vector.multi_reduction <maximumf>, %div3A_3041, %reduce_max3A_3058 [0] : vector<128x128xf32> to vector<128xf32>
    %get3A_3060 = arith.index_cast %add3A_1949 : i32 to index
    %get3A_3061 = arith.constant 18 : index
    %get3A_3062 = arith.constant 0 : index
    %get3A_3063 = memref.load %arg1[%get3A_3060, %get3A_3061, %get3A_3062] : memref<16x20x4xf32, #tpu.memory_space<smem>>
    %get3A_3064 = arith.index_cast %add3A_1949 : i32 to index
    %get3A_3065 = arith.constant 18 : index
    %get3A_3066 = arith.constant 1 : index
    %get3A_3067 = memref.load %arg1[%get3A_3064, %get3A_3065, %get3A_3066] : memref<16x20x4xf32, #tpu.memory_space<smem>>
    %get3A_3068 = arith.index_cast %add3A_1949 : i32 to index
    %get3A_3069 = arith.constant 18 : index
    %get3A_3070 = arith.constant 2 : index
    %get3A_3071 = memref.load %arg1[%get3A_3068, %get3A_3069, %get3A_3070] : memref<16x20x4xf32, #tpu.memory_space<smem>>
    %get3A_3072 = arith.index_cast %add3A_1949 : i32 to index
    %get3A_3073 = arith.constant 18 : index
    %get3A_3074 = arith.constant 3 : index
    %get3A_3075 = memref.load %arg1[%get3A_3072, %get3A_3073, %get3A_3074] : memref<16x20x4xf32, #tpu.memory_space<smem>>
    %max3A_3076 = vector.broadcast %get3A_3063 : f32 to vector<128x128xf32>
    %max3A_3077 = arith.maximumf %get3A_5, %max3A_3076 : vector<128x128xf32>
    %max3A_3078 = vector.broadcast %get3A_3067 : f32 to vector<128x128xf32>
    %max3A_3079 = arith.maximumf %get3A_10, %max3A_3078 : vector<128x128xf32>
    %min3A_3080 = vector.broadcast %get3A_3071 : f32 to vector<128x128xf32>
    %min3A_3081 = arith.minimumf %get3A_15, %min3A_3080 : vector<128x128xf32>
    %min3A_3082 = vector.broadcast %get3A_3075 : f32 to vector<128x128xf32>
    %min3A_3083 = arith.minimumf %get3A_20, %min3A_3082 : vector<128x128xf32>
    %sub3A_3084 = arith.subf %min3A_3081, %max3A_3077 : vector<128x128xf32>
    %jit3A_3085 = arith.constant 0.000000e+00 : f32
    %max3A_3086 = vector.broadcast %jit3A_3085 : f32 to vector<128x128xf32>
    %max3A_3087 = arith.maximumf %max3A_3086, %sub3A_3084 : vector<128x128xf32>
    %sub3A_3088 = arith.subf %min3A_3083, %max3A_3079 : vector<128x128xf32>
    %jit3A_3089 = arith.constant 0.000000e+00 : f32
    %max3A_3090 = vector.broadcast %jit3A_3089 : f32 to vector<128x128xf32>
    %max3A_3091 = arith.maximumf %max3A_3090, %sub3A_3088 : vector<128x128xf32>
    %mul3A_3092 = arith.mulf %max3A_3087, %max3A_3091 : vector<128x128xf32>
    %sub3A_3093 = arith.subf %get3A_3071, %get3A_3063 : f32
    %sub3A_3094 = arith.subf %get3A_3075, %get3A_3067 : f32
    %mul3A_3095 = arith.mulf %sub3A_3093, %sub3A_3094 : f32
    %add3A_3096 = vector.broadcast %mul3A_3095 : f32 to vector<128x128xf32>
    %add3A_3097 = arith.addf %mul3A, %add3A_3096 : vector<128x128xf32>
    %sub3A_3098 = arith.subf %add3A_3097, %mul3A_3092 : vector<128x128xf32>
    %add3A_3099 = arith.constant 1.000000e-10 : f32
    %add3A_3100 = vector.broadcast %add3A_3099 : f32 to vector<128x128xf32>
    %add3A_3101 = arith.addf %sub3A_3098, %add3A_3100 : vector<128x128xf32>
    %div3A_3102 = arith.divf %mul3A_3092, %add3A_3101 : vector<128x128xf32>
    %swap3A_3103 = arith.constant 18 : index
    %swap3A_3104 = arith.constant 0 : index
    %swap3A_3105 = arith.constant 0 : index
    %swap3A_3106 = vector.load %arg10[%swap3A_3103, %swap3A_3104, %swap3A_3105] : memref<20x128x128xf32, #tpu.memory_space<vmem>>, vector<1x128x128xf32>
    %swap3A_3107 = vector.shape_cast %swap3A_3106 : vector<1x128x128xf32> to vector<128x128xf32>
    %swap3A_3108 = vector.shape_cast %div3A_3102 : vector<128x128xf32> to vector<1x128x128xf32>
    tpu.vector_store %arg10[%swap3A_3103, %swap3A_3104, %swap3A_3105], %swap3A_3108 {strides = array<i32>} : memref<20x128x128xf32, #tpu.memory_space<vmem>>, vector<1x128x128xf32>,
    %gt3A_3109 = arith.cmpf ogt, %div3A_3102, %select_n3A_3049 : vector<128x128xf32>
    %select_n3A_3110 = arith.select %gt3A_3109, %div3A_3102, %select_n3A_3049 : vector<128x128xi1>, vector<128x128xf32>
    %broadcast_in_dim3A_3111 = vector.broadcast %get3A_3063 : f32 to vector<128x128xf32>
    %select_n3A_3112 = arith.select %gt3A_3109, %broadcast_in_dim3A_3111, %select_n3A_3051 : vector<128x128xi1>, vector<128x128xf32>
    %broadcast_in_dim3A_3113 = vector.broadcast %get3A_3067 : f32 to vector<128x128xf32>
    %select_n3A_3114 = arith.select %gt3A_3109, %broadcast_in_dim3A_3113, %select_n3A_3053 : vector<128x128xi1>, vector<128x128xf32>
    %broadcast_in_dim3A_3115 = vector.broadcast %get3A_3071 : f32 to vector<128x128xf32>
    %select_n3A_3116 = arith.select %gt3A_3109, %broadcast_in_dim3A_3115, %select_n3A_3055 : vector<128x128xi1>, vector<128x128xf32>
    %broadcast_in_dim3A_3117 = vector.broadcast %get3A_3075 : f32 to vector<128x128xf32>
    %select_n3A_3118 = arith.select %gt3A_3109, %broadcast_in_dim3A_3117, %select_n3A_3057 : vector<128x128xi1>, vector<128x128xf32>
    %reduce_max3A_3119 = arith.constant dense<0xFF800000> : vector<128xf32>
    %reduce_max3A_3120 = vector.multi_reduction <maximumf>, %div3A_3102, %reduce_max3A_3119 [0] : vector<128x128xf32> to vector<128xf32>
    %get3A_3121 = arith.index_cast %add3A_1949 : i32 to index
    %get3A_3122 = arith.constant 19 : index
    %get3A_3123 = arith.constant 0 : index
    %get3A_3124 = memref.load %arg1[%get3A_3121, %get3A_3122, %get3A_3123] : memref<16x20x4xf32, #tpu.memory_space<smem>>
    %get3A_3125 = arith.index_cast %add3A_1949 : i32 to index
    %get3A_3126 = arith.constant 19 : index
    %get3A_3127 = arith.constant 1 : index
    %get3A_3128 = memref.load %arg1[%get3A_3125, %get3A_3126, %get3A_3127] : memref<16x20x4xf32, #tpu.memory_space<smem>>
    %get3A_3129 = arith.index_cast %add3A_1949 : i32 to index
    %get3A_3130 = arith.constant 19 : index
    %get3A_3131 = arith.constant 2 : index
    %get3A_3132 = memref.load %arg1[%get3A_3129, %get3A_3130, %get3A_3131] : memref<16x20x4xf32, #tpu.memory_space<smem>>
    %get3A_3133 = arith.index_cast %add3A_1949 : i32 to index
    %get3A_3134 = arith.constant 19 : index
    %get3A_3135 = arith.constant 3 : index
    %get3A_3136 = memref.load %arg1[%get3A_3133, %get3A_3134, %get3A_3135] : memref<16x20x4xf32, #tpu.memory_space<smem>>
    %max3A_3137 = vector.broadcast %get3A_3124 : f32 to vector<128x128xf32>
    %max3A_3138 = arith.maximumf %get3A_5, %max3A_3137 : vector<128x128xf32>
    %max3A_3139 = vector.broadcast %get3A_3128 : f32 to vector<128x128xf32>
    %max3A_3140 = arith.maximumf %get3A_10, %max3A_3139 : vector<128x128xf32>
    %min3A_3141 = vector.broadcast %get3A_3132 : f32 to vector<128x128xf32>
    %min3A_3142 = arith.minimumf %get3A_15, %min3A_3141 : vector<128x128xf32>
    %min3A_3143 = vector.broadcast %get3A_3136 : f32 to vector<128x128xf32>
    %min3A_3144 = arith.minimumf %get3A_20, %min3A_3143 : vector<128x128xf32>
    %sub3A_3145 = arith.subf %min3A_3142, %max3A_3138 : vector<128x128xf32>
    %jit3A_3146 = arith.constant 0.000000e+00 : f32
    %max3A_3147 = vector.broadcast %jit3A_3146 : f32 to vector<128x128xf32>
    %max3A_3148 = arith.maximumf %max3A_3147, %sub3A_3145 : vector<128x128xf32>
    %sub3A_3149 = arith.subf %min3A_3144, %max3A_3140 : vector<128x128xf32>
    %jit3A_3150 = arith.constant 0.000000e+00 : f32
    %max3A_3151 = vector.broadcast %jit3A_3150 : f32 to vector<128x128xf32>
    %max3A_3152 = arith.maximumf %max3A_3151, %sub3A_3149 : vector<128x128xf32>
    %mul3A_3153 = arith.mulf %max3A_3148, %max3A_3152 : vector<128x128xf32>
    %sub3A_3154 = arith.subf %get3A_3132, %get3A_3124 : f32
    %sub3A_3155 = arith.subf %get3A_3136, %get3A_3128 : f32
    %mul3A_3156 = arith.mulf %sub3A_3154, %sub3A_3155 : f32
    %add3A_3157 = vector.broadcast %mul3A_3156 : f32 to vector<128x128xf32>
    %add3A_3158 = arith.addf %mul3A, %add3A_3157 : vector<128x128xf32>
    %sub3A_3159 = arith.subf %add3A_3158, %mul3A_3153 : vector<128x128xf32>
    %add3A_3160 = arith.constant 1.000000e-10 : f32
    %add3A_3161 = vector.broadcast %add3A_3160 : f32 to vector<128x128xf32>
    %add3A_3162 = arith.addf %sub3A_3159, %add3A_3161 : vector<128x128xf32>
    %div3A_3163 = arith.divf %mul3A_3153, %add3A_3162 : vector<128x128xf32>
    %swap3A_3164 = arith.constant 19 : index
    %swap3A_3165 = arith.constant 0 : index
    %swap3A_3166 = arith.constant 0 : index
    %swap3A_3167 = vector.load %arg10[%swap3A_3164, %swap3A_3165, %swap3A_3166] : memref<20x128x128xf32, #tpu.memory_space<vmem>>, vector<1x128x128xf32>
    %swap3A_3168 = vector.shape_cast %swap3A_3167 : vector<1x128x128xf32> to vector<128x128xf32>
    %swap3A_3169 = vector.shape_cast %div3A_3163 : vector<128x128xf32> to vector<1x128x128xf32>
    tpu.vector_store %arg10[%swap3A_3164, %swap3A_3165, %swap3A_3166], %swap3A_3169 {strides = array<i32>} : memref<20x128x128xf32, #tpu.memory_space<vmem>>, vector<1x128x128xf32>,
    %gt3A_3170 = arith.cmpf ogt, %div3A_3163, %select_n3A_3110 : vector<128x128xf32>
    %select_n3A_3171 = arith.select %gt3A_3170, %div3A_3163, %select_n3A_3110 : vector<128x128xi1>, vector<128x128xf32>
    %broadcast_in_dim3A_3172 = vector.broadcast %get3A_3124 : f32 to vector<128x128xf32>
    %select_n3A_3173 = arith.select %gt3A_3170, %broadcast_in_dim3A_3172, %select_n3A_3112 : vector<128x128xi1>, vector<128x128xf32>
    %broadcast_in_dim3A_3174 = vector.broadcast %get3A_3128 : f32 to vector<128x128xf32>
    %select_n3A_3175 = arith.select %gt3A_3170, %broadcast_in_dim3A_3174, %select_n3A_3114 : vector<128x128xi1>, vector<128x128xf32>
    %broadcast_in_dim3A_3176 = vector.broadcast %get3A_3132 : f32 to vector<128x128xf32>
    %select_n3A_3177 = arith.select %gt3A_3170, %broadcast_in_dim3A_3176, %select_n3A_3116 : vector<128x128xi1>, vector<128x128xf32>
    %broadcast_in_dim3A_3178 = vector.broadcast %get3A_3136 : f32 to vector<128x128xf32>
    %select_n3A_3179 = arith.select %gt3A_3170, %broadcast_in_dim3A_3178, %select_n3A_3118 : vector<128x128xi1>, vector<128x128xf32>
    %reduce_max3A_3180 = arith.constant dense<0xFF800000> : vector<128xf32>
    %reduce_max3A_3181 = vector.multi_reduction <maximumf>, %div3A_3163, %reduce_max3A_3180 [0] : vector<128x128xf32> to vector<128xf32>
    %reduce_max3A_3182 = vector.shape_cast %reduce_max3A_2022 : vector<128xf32> to vector<1x128xf32>
    %reduce_max3A_3183 = arith.constant dense<0xFF800000> : vector<1xf32>
    %reduce_max3A_3184 = vector.multi_reduction <maximumf>, %reduce_max3A_3182, %reduce_max3A_3183 [1] : vector<1x128xf32> to vector<1xf32>
    %reduce_max3A_3185 = vector.shape_cast %reduce_max3A_3184 : vector<1xf32> to vector<1x1xf32>
    %reduce_max3A_3186 = vector.extract %reduce_max3A_3185[0, 0] : f32 from vector<1x1xf32>
    %reduce_max3A_3187 = vector.shape_cast %reduce_max3A_2083 : vector<128xf32> to vector<1x128xf32>
    %reduce_max3A_3188 = arith.constant dense<0xFF800000> : vector<1xf32>
    %reduce_max3A_3189 = vector.multi_reduction <maximumf>, %reduce_max3A_3187, %reduce_max3A_3188 [1] : vector<1x128xf32> to vector<1xf32>
    %reduce_max3A_3190 = vector.shape_cast %reduce_max3A_3189 : vector<1xf32> to vector<1x1xf32>
    %reduce_max3A_3191 = vector.extract %reduce_max3A_3190[0, 0] : f32 from vector<1x1xf32>
    %reduce_max3A_3192 = vector.shape_cast %reduce_max3A_2144 : vector<128xf32> to vector<1x128xf32>
    %reduce_max3A_3193 = arith.constant dense<0xFF800000> : vector<1xf32>
    %reduce_max3A_3194 = vector.multi_reduction <maximumf>, %reduce_max3A_3192, %reduce_max3A_3193 [1] : vector<1x128xf32> to vector<1xf32>
    %reduce_max3A_3195 = vector.shape_cast %reduce_max3A_3194 : vector<1xf32> to vector<1x1xf32>
    %reduce_max3A_3196 = vector.extract %reduce_max3A_3195[0, 0] : f32 from vector<1x1xf32>
    %reduce_max3A_3197 = vector.shape_cast %reduce_max3A_2205 : vector<128xf32> to vector<1x128xf32>
    %reduce_max3A_3198 = arith.constant dense<0xFF800000> : vector<1xf32>
    %reduce_max3A_3199 = vector.multi_reduction <maximumf>, %reduce_max3A_3197, %reduce_max3A_3198 [1] : vector<1x128xf32> to vector<1xf32>
    %reduce_max3A_3200 = vector.shape_cast %reduce_max3A_3199 : vector<1xf32> to vector<1x1xf32>
    %reduce_max3A_3201 = vector.extract %reduce_max3A_3200[0, 0] : f32 from vector<1x1xf32>
    %reduce_max3A_3202 = vector.shape_cast %reduce_max3A_2266 : vector<128xf32> to vector<1x128xf32>
    %reduce_max3A_3203 = arith.constant dense<0xFF800000> : vector<1xf32>
    %reduce_max3A_3204 = vector.multi_reduction <maximumf>, %reduce_max3A_3202, %reduce_max3A_3203 [1] : vector<1x128xf32> to vector<1xf32>
    %reduce_max3A_3205 = vector.shape_cast %reduce_max3A_3204 : vector<1xf32> to vector<1x1xf32>
    %reduce_max3A_3206 = vector.extract %reduce_max3A_3205[0, 0] : f32 from vector<1x1xf32>
    %reduce_max3A_3207 = vector.shape_cast %reduce_max3A_2327 : vector<128xf32> to vector<1x128xf32>
    %reduce_max3A_3208 = arith.constant dense<0xFF800000> : vector<1xf32>
    %reduce_max3A_3209 = vector.multi_reduction <maximumf>, %reduce_max3A_3207, %reduce_max3A_3208 [1] : vector<1x128xf32> to vector<1xf32>
    %reduce_max3A_3210 = vector.shape_cast %reduce_max3A_3209 : vector<1xf32> to vector<1x1xf32>
    %reduce_max3A_3211 = vector.extract %reduce_max3A_3210[0, 0] : f32 from vector<1x1xf32>
    %reduce_max3A_3212 = vector.shape_cast %reduce_max3A_2388 : vector<128xf32> to vector<1x128xf32>
    %reduce_max3A_3213 = arith.constant dense<0xFF800000> : vector<1xf32>
    %reduce_max3A_3214 = vector.multi_reduction <maximumf>, %reduce_max3A_3212, %reduce_max3A_3213 [1] : vector<1x128xf32> to vector<1xf32>
    %reduce_max3A_3215 = vector.shape_cast %reduce_max3A_3214 : vector<1xf32> to vector<1x1xf32>
    %reduce_max3A_3216 = vector.extract %reduce_max3A_3215[0, 0] : f32 from vector<1x1xf32>
    %reduce_max3A_3217 = vector.shape_cast %reduce_max3A_2449 : vector<128xf32> to vector<1x128xf32>
    %reduce_max3A_3218 = arith.constant dense<0xFF800000> : vector<1xf32>
    %reduce_max3A_3219 = vector.multi_reduction <maximumf>, %reduce_max3A_3217, %reduce_max3A_3218 [1] : vector<1x128xf32> to vector<1xf32>
    %reduce_max3A_3220 = vector.shape_cast %reduce_max3A_3219 : vector<1xf32> to vector<1x1xf32>
    %reduce_max3A_3221 = vector.extract %reduce_max3A_3220[0, 0] : f32 from vector<1x1xf32>
    %reduce_max3A_3222 = vector.shape_cast %reduce_max3A_2510 : vector<128xf32> to vector<1x128xf32>
    %reduce_max3A_3223 = arith.constant dense<0xFF800000> : vector<1xf32>
    %reduce_max3A_3224 = vector.multi_reduction <maximumf>, %reduce_max3A_3222, %reduce_max3A_3223 [1] : vector<1x128xf32> to vector<1xf32>
    %reduce_max3A_3225 = vector.shape_cast %reduce_max3A_3224 : vector<1xf32> to vector<1x1xf32>
    %reduce_max3A_3226 = vector.extract %reduce_max3A_3225[0, 0] : f32 from vector<1x1xf32>
    %reduce_max3A_3227 = vector.shape_cast %reduce_max3A_2571 : vector<128xf32> to vector<1x128xf32>
    %reduce_max3A_3228 = arith.constant dense<0xFF800000> : vector<1xf32>
    %reduce_max3A_3229 = vector.multi_reduction <maximumf>, %reduce_max3A_3227, %reduce_max3A_3228 [1] : vector<1x128xf32> to vector<1xf32>
    %reduce_max3A_3230 = vector.shape_cast %reduce_max3A_3229 : vector<1xf32> to vector<1x1xf32>
    %reduce_max3A_3231 = vector.extract %reduce_max3A_3230[0, 0] : f32 from vector<1x1xf32>
    %reduce_max3A_3232 = vector.shape_cast %reduce_max3A_2632 : vector<128xf32> to vector<1x128xf32>
    %reduce_max3A_3233 = arith.constant dense<0xFF800000> : vector<1xf32>
    %reduce_max3A_3234 = vector.multi_reduction <maximumf>, %reduce_max3A_3232, %reduce_max3A_3233 [1] : vector<1x128xf32> to vector<1xf32>
    %reduce_max3A_3235 = vector.shape_cast %reduce_max3A_3234 : vector<1xf32> to vector<1x1xf32>
    %reduce_max3A_3236 = vector.extract %reduce_max3A_3235[0, 0] : f32 from vector<1x1xf32>
    %reduce_max3A_3237 = vector.shape_cast %reduce_max3A_2693 : vector<128xf32> to vector<1x128xf32>
    %reduce_max3A_3238 = arith.constant dense<0xFF800000> : vector<1xf32>
    %reduce_max3A_3239 = vector.multi_reduction <maximumf>, %reduce_max3A_3237, %reduce_max3A_3238 [1] : vector<1x128xf32> to vector<1xf32>
    %reduce_max3A_3240 = vector.shape_cast %reduce_max3A_3239 : vector<1xf32> to vector<1x1xf32>
    %reduce_max3A_3241 = vector.extract %reduce_max3A_3240[0, 0] : f32 from vector<1x1xf32>
    %reduce_max3A_3242 = vector.shape_cast %reduce_max3A_2754 : vector<128xf32> to vector<1x128xf32>
    %reduce_max3A_3243 = arith.constant dense<0xFF800000> : vector<1xf32>
    %reduce_max3A_3244 = vector.multi_reduction <maximumf>, %reduce_max3A_3242, %reduce_max3A_3243 [1] : vector<1x128xf32> to vector<1xf32>
    %reduce_max3A_3245 = vector.shape_cast %reduce_max3A_3244 : vector<1xf32> to vector<1x1xf32>
    %reduce_max3A_3246 = vector.extract %reduce_max3A_3245[0, 0] : f32 from vector<1x1xf32>
    %reduce_max3A_3247 = vector.shape_cast %reduce_max3A_2815 : vector<128xf32> to vector<1x128xf32>
    %reduce_max3A_3248 = arith.constant dense<0xFF800000> : vector<1xf32>
    %reduce_max3A_3249 = vector.multi_reduction <maximumf>, %reduce_max3A_3247, %reduce_max3A_3248 [1] : vector<1x128xf32> to vector<1xf32>
    %reduce_max3A_3250 = vector.shape_cast %reduce_max3A_3249 : vector<1xf32> to vector<1x1xf32>
    %reduce_max3A_3251 = vector.extract %reduce_max3A_3250[0, 0] : f32 from vector<1x1xf32>
    %reduce_max3A_3252 = vector.shape_cast %reduce_max3A_2876 : vector<128xf32> to vector<1x128xf32>
    %reduce_max3A_3253 = arith.constant dense<0xFF800000> : vector<1xf32>
    %reduce_max3A_3254 = vector.multi_reduction <maximumf>, %reduce_max3A_3252, %reduce_max3A_3253 [1] : vector<1x128xf32> to vector<1xf32>
    %reduce_max3A_3255 = vector.shape_cast %reduce_max3A_3254 : vector<1xf32> to vector<1x1xf32>
    %reduce_max3A_3256 = vector.extract %reduce_max3A_3255[0, 0] : f32 from vector<1x1xf32>
    %reduce_max3A_3257 = vector.shape_cast %reduce_max3A_2937 : vector<128xf32> to vector<1x128xf32>
    %reduce_max3A_3258 = arith.constant dense<0xFF800000> : vector<1xf32>
    %reduce_max3A_3259 = vector.multi_reduction <maximumf>, %reduce_max3A_3257, %reduce_max3A_3258 [1] : vector<1x128xf32> to vector<1xf32>
    %reduce_max3A_3260 = vector.shape_cast %reduce_max3A_3259 : vector<1xf32> to vector<1x1xf32>
    %reduce_max3A_3261 = vector.extract %reduce_max3A_3260[0, 0] : f32 from vector<1x1xf32>
    %reduce_max3A_3262 = vector.shape_cast %reduce_max3A_2998 : vector<128xf32> to vector<1x128xf32>
    %reduce_max3A_3263 = arith.constant dense<0xFF800000> : vector<1xf32>
    %reduce_max3A_3264 = vector.multi_reduction <maximumf>, %reduce_max3A_3262, %reduce_max3A_3263 [1] : vector<1x128xf32> to vector<1xf32>
    %reduce_max3A_3265 = vector.shape_cast %reduce_max3A_3264 : vector<1xf32> to vector<1x1xf32>
    %reduce_max3A_3266 = vector.extract %reduce_max3A_3265[0, 0] : f32 from vector<1x1xf32>
    %reduce_max3A_3267 = vector.shape_cast %reduce_max3A_3059 : vector<128xf32> to vector<1x128xf32>
    %reduce_max3A_3268 = arith.constant dense<0xFF800000> : vector<1xf32>
    %reduce_max3A_3269 = vector.multi_reduction <maximumf>, %reduce_max3A_3267, %reduce_max3A_3268 [1] : vector<1x128xf32> to vector<1xf32>
    %reduce_max3A_3270 = vector.shape_cast %reduce_max3A_3269 : vector<1xf32> to vector<1x1xf32>
    %reduce_max3A_3271 = vector.extract %reduce_max3A_3270[0, 0] : f32 from vector<1x1xf32>
    %reduce_max3A_3272 = vector.shape_cast %reduce_max3A_3120 : vector<128xf32> to vector<1x128xf32>
    %reduce_max3A_3273 = arith.constant dense<0xFF800000> : vector<1xf32>
    %reduce_max3A_3274 = vector.multi_reduction <maximumf>, %reduce_max3A_3272, %reduce_max3A_3273 [1] : vector<1x128xf32> to vector<1xf32>
    %reduce_max3A_3275 = vector.shape_cast %reduce_max3A_3274 : vector<1xf32> to vector<1x1xf32>
    %reduce_max3A_3276 = vector.extract %reduce_max3A_3275[0, 0] : f32 from vector<1x1xf32>
    %reduce_max3A_3277 = vector.shape_cast %reduce_max3A_3181 : vector<128xf32> to vector<1x128xf32>
    %reduce_max3A_3278 = arith.constant dense<0xFF800000> : vector<1xf32>
    %reduce_max3A_3279 = vector.multi_reduction <maximumf>, %reduce_max3A_3277, %reduce_max3A_3278 [1] : vector<1x128xf32> to vector<1xf32>
    %reduce_max3A_3280 = vector.shape_cast %reduce_max3A_3279 : vector<1xf32> to vector<1x1xf32>
    %reduce_max3A_3281 = vector.extract %reduce_max3A_3280[0, 0] : f32 from vector<1x1xf32>
    %get3A_3282 = arith.constant 0 : index
    %get3A_3283 = arith.constant 0 : index
    %get3A_3284 = arith.constant 0 : index
    %get3A_3285 = vector.load %arg10[%get3A_3282, %get3A_3283, %get3A_3284] : memref<20x128x128xf32, #tpu.memory_space<vmem>>, vector<1x128x128xf32>
    %get3A_3286 = vector.shape_cast %get3A_3285 : vector<1x128x128xf32> to vector<128x128xf32>
    %eq3A_3287 = vector.broadcast %reduce_max3A_3186 : f32 to vector<128x128xf32>
    %eq3A_3288 = arith.cmpf oeq, %get3A_3286, %eq3A_3287 : vector<128x128xf32>
    %jit3A_3289 = arith.constant 16384 : i32
    %broadcast_in_dim3A_3290 = vector.broadcast %jit3A_3289 : i32 to vector<128x128xi32>
    %select_n3A_3291 = arith.select %eq3A_3288, %add3A, %broadcast_in_dim3A_3290 : vector<128x128xi1>, vector<128x128xi32>
    %reduce_min3A_3292 = arith.constant dense<2147483647> : vector<128xi32>
    %reduce_min3A_3293 = vector.multi_reduction <minsi>, %select_n3A_3291, %reduce_min3A_3292 [0] : vector<128x128xi32> to vector<128xi32>
    %get3A_3294 = arith.constant 1 : index
    %get3A_3295 = arith.constant 0 : index
    %get3A_3296 = arith.constant 0 : index
    %get3A_3297 = vector.load %arg10[%get3A_3294, %get3A_3295, %get3A_3296] : memref<20x128x128xf32, #tpu.memory_space<vmem>>, vector<1x128x128xf32>
    %get3A_3298 = vector.shape_cast %get3A_3297 : vector<1x128x128xf32> to vector<128x128xf32>
    %eq3A_3299 = vector.broadcast %reduce_max3A_3191 : f32 to vector<128x128xf32>
    %eq3A_3300 = arith.cmpf oeq, %get3A_3298, %eq3A_3299 : vector<128x128xf32>
    %jit3A_3301 = arith.constant 16384 : i32
    %broadcast_in_dim3A_3302 = vector.broadcast %jit3A_3301 : i32 to vector<128x128xi32>
    %select_n3A_3303 = arith.select %eq3A_3300, %add3A, %broadcast_in_dim3A_3302 : vector<128x128xi1>, vector<128x128xi32>
    %reduce_min3A_3304 = arith.constant dense<2147483647> : vector<128xi32>
    %reduce_min3A_3305 = vector.multi_reduction <minsi>, %select_n3A_3303, %reduce_min3A_3304 [0] : vector<128x128xi32> to vector<128xi32>
    %get3A_3306 = arith.constant 2 : index
    %get3A_3307 = arith.constant 0 : index
    %get3A_3308 = arith.constant 0 : index
    %get3A_3309 = vector.load %arg10[%get3A_3306, %get3A_3307, %get3A_3308] : memref<20x128x128xf32, #tpu.memory_space<vmem>>, vector<1x128x128xf32>
    %get3A_3310 = vector.shape_cast %get3A_3309 : vector<1x128x128xf32> to vector<128x128xf32>
    %eq3A_3311 = vector.broadcast %reduce_max3A_3196 : f32 to vector<128x128xf32>
    %eq3A_3312 = arith.cmpf oeq, %get3A_3310, %eq3A_3311 : vector<128x128xf32>
    %jit3A_3313 = arith.constant 16384 : i32
    %broadcast_in_dim3A_3314 = vector.broadcast %jit3A_3313 : i32 to vector<128x128xi32>
    %select_n3A_3315 = arith.select %eq3A_3312, %add3A, %broadcast_in_dim3A_3314 : vector<128x128xi1>, vector<128x128xi32>
    %reduce_min3A_3316 = arith.constant dense<2147483647> : vector<128xi32>
    %reduce_min3A_3317 = vector.multi_reduction <minsi>, %select_n3A_3315, %reduce_min3A_3316 [0] : vector<128x128xi32> to vector<128xi32>
    %get3A_3318 = arith.constant 3 : index
    %get3A_3319 = arith.constant 0 : index
    %get3A_3320 = arith.constant 0 : index
    %get3A_3321 = vector.load %arg10[%get3A_3318, %get3A_3319, %get3A_3320] : memref<20x128x128xf32, #tpu.memory_space<vmem>>, vector<1x128x128xf32>
    %get3A_3322 = vector.shape_cast %get3A_3321 : vector<1x128x128xf32> to vector<128x128xf32>
    %eq3A_3323 = vector.broadcast %reduce_max3A_3201 : f32 to vector<128x128xf32>
    %eq3A_3324 = arith.cmpf oeq, %get3A_3322, %eq3A_3323 : vector<128x128xf32>
    %jit3A_3325 = arith.constant 16384 : i32
    %broadcast_in_dim3A_3326 = vector.broadcast %jit3A_3325 : i32 to vector<128x128xi32>
    %select_n3A_3327 = arith.select %eq3A_3324, %add3A, %broadcast_in_dim3A_3326 : vector<128x128xi1>, vector<128x128xi32>
    %reduce_min3A_3328 = arith.constant dense<2147483647> : vector<128xi32>
    %reduce_min3A_3329 = vector.multi_reduction <minsi>, %select_n3A_3327, %reduce_min3A_3328 [0] : vector<128x128xi32> to vector<128xi32>
    %get3A_3330 = arith.constant 4 : index
    %get3A_3331 = arith.constant 0 : index
    %get3A_3332 = arith.constant 0 : index
    %get3A_3333 = vector.load %arg10[%get3A_3330, %get3A_3331, %get3A_3332] : memref<20x128x128xf32, #tpu.memory_space<vmem>>, vector<1x128x128xf32>
    %get3A_3334 = vector.shape_cast %get3A_3333 : vector<1x128x128xf32> to vector<128x128xf32>
    %eq3A_3335 = vector.broadcast %reduce_max3A_3206 : f32 to vector<128x128xf32>
    %eq3A_3336 = arith.cmpf oeq, %get3A_3334, %eq3A_3335 : vector<128x128xf32>
    %jit3A_3337 = arith.constant 16384 : i32
    %broadcast_in_dim3A_3338 = vector.broadcast %jit3A_3337 : i32 to vector<128x128xi32>
    %select_n3A_3339 = arith.select %eq3A_3336, %add3A, %broadcast_in_dim3A_3338 : vector<128x128xi1>, vector<128x128xi32>
    %reduce_min3A_3340 = arith.constant dense<2147483647> : vector<128xi32>
    %reduce_min3A_3341 = vector.multi_reduction <minsi>, %select_n3A_3339, %reduce_min3A_3340 [0] : vector<128x128xi32> to vector<128xi32>
    %get3A_3342 = arith.constant 5 : index
    %get3A_3343 = arith.constant 0 : index
    %get3A_3344 = arith.constant 0 : index
    %get3A_3345 = vector.load %arg10[%get3A_3342, %get3A_3343, %get3A_3344] : memref<20x128x128xf32, #tpu.memory_space<vmem>>, vector<1x128x128xf32>
    %get3A_3346 = vector.shape_cast %get3A_3345 : vector<1x128x128xf32> to vector<128x128xf32>
    %eq3A_3347 = vector.broadcast %reduce_max3A_3211 : f32 to vector<128x128xf32>
    %eq3A_3348 = arith.cmpf oeq, %get3A_3346, %eq3A_3347 : vector<128x128xf32>
    %jit3A_3349 = arith.constant 16384 : i32
    %broadcast_in_dim3A_3350 = vector.broadcast %jit3A_3349 : i32 to vector<128x128xi32>
    %select_n3A_3351 = arith.select %eq3A_3348, %add3A, %broadcast_in_dim3A_3350 : vector<128x128xi1>, vector<128x128xi32>
    %reduce_min3A_3352 = arith.constant dense<2147483647> : vector<128xi32>
    %reduce_min3A_3353 = vector.multi_reduction <minsi>, %select_n3A_3351, %reduce_min3A_3352 [0] : vector<128x128xi32> to vector<128xi32>
    %get3A_3354 = arith.constant 6 : index
    %get3A_3355 = arith.constant 0 : index
    %get3A_3356 = arith.constant 0 : index
    %get3A_3357 = vector.load %arg10[%get3A_3354, %get3A_3355, %get3A_3356] : memref<20x128x128xf32, #tpu.memory_space<vmem>>, vector<1x128x128xf32>
    %get3A_3358 = vector.shape_cast %get3A_3357 : vector<1x128x128xf32> to vector<128x128xf32>
    %eq3A_3359 = vector.broadcast %reduce_max3A_3216 : f32 to vector<128x128xf32>
    %eq3A_3360 = arith.cmpf oeq, %get3A_3358, %eq3A_3359 : vector<128x128xf32>
    %jit3A_3361 = arith.constant 16384 : i32
    %broadcast_in_dim3A_3362 = vector.broadcast %jit3A_3361 : i32 to vector<128x128xi32>
    %select_n3A_3363 = arith.select %eq3A_3360, %add3A, %broadcast_in_dim3A_3362 : vector<128x128xi1>, vector<128x128xi32>
    %reduce_min3A_3364 = arith.constant dense<2147483647> : vector<128xi32>
    %reduce_min3A_3365 = vector.multi_reduction <minsi>, %select_n3A_3363, %reduce_min3A_3364 [0] : vector<128x128xi32> to vector<128xi32>
    %get3A_3366 = arith.constant 7 : index
    %get3A_3367 = arith.constant 0 : index
    %get3A_3368 = arith.constant 0 : index
    %get3A_3369 = vector.load %arg10[%get3A_3366, %get3A_3367, %get3A_3368] : memref<20x128x128xf32, #tpu.memory_space<vmem>>, vector<1x128x128xf32>
    %get3A_3370 = vector.shape_cast %get3A_3369 : vector<1x128x128xf32> to vector<128x128xf32>
    %eq3A_3371 = vector.broadcast %reduce_max3A_3221 : f32 to vector<128x128xf32>
    %eq3A_3372 = arith.cmpf oeq, %get3A_3370, %eq3A_3371 : vector<128x128xf32>
    %jit3A_3373 = arith.constant 16384 : i32
    %broadcast_in_dim3A_3374 = vector.broadcast %jit3A_3373 : i32 to vector<128x128xi32>
    %select_n3A_3375 = arith.select %eq3A_3372, %add3A, %broadcast_in_dim3A_3374 : vector<128x128xi1>, vector<128x128xi32>
    %reduce_min3A_3376 = arith.constant dense<2147483647> : vector<128xi32>
    %reduce_min3A_3377 = vector.multi_reduction <minsi>, %select_n3A_3375, %reduce_min3A_3376 [0] : vector<128x128xi32> to vector<128xi32>
    %get3A_3378 = arith.constant 8 : index
    %get3A_3379 = arith.constant 0 : index
    %get3A_3380 = arith.constant 0 : index
    %get3A_3381 = vector.load %arg10[%get3A_3378, %get3A_3379, %get3A_3380] : memref<20x128x128xf32, #tpu.memory_space<vmem>>, vector<1x128x128xf32>
    %get3A_3382 = vector.shape_cast %get3A_3381 : vector<1x128x128xf32> to vector<128x128xf32>
    %eq3A_3383 = vector.broadcast %reduce_max3A_3226 : f32 to vector<128x128xf32>
    %eq3A_3384 = arith.cmpf oeq, %get3A_3382, %eq3A_3383 : vector<128x128xf32>
    %jit3A_3385 = arith.constant 16384 : i32
    %broadcast_in_dim3A_3386 = vector.broadcast %jit3A_3385 : i32 to vector<128x128xi32>
    %select_n3A_3387 = arith.select %eq3A_3384, %add3A, %broadcast_in_dim3A_3386 : vector<128x128xi1>, vector<128x128xi32>
    %reduce_min3A_3388 = arith.constant dense<2147483647> : vector<128xi32>
    %reduce_min3A_3389 = vector.multi_reduction <minsi>, %select_n3A_3387, %reduce_min3A_3388 [0] : vector<128x128xi32> to vector<128xi32>
    %get3A_3390 = arith.constant 9 : index
    %get3A_3391 = arith.constant 0 : index
    %get3A_3392 = arith.constant 0 : index
    %get3A_3393 = vector.load %arg10[%get3A_3390, %get3A_3391, %get3A_3392] : memref<20x128x128xf32, #tpu.memory_space<vmem>>, vector<1x128x128xf32>
    %get3A_3394 = vector.shape_cast %get3A_3393 : vector<1x128x128xf32> to vector<128x128xf32>
    %eq3A_3395 = vector.broadcast %reduce_max3A_3231 : f32 to vector<128x128xf32>
    %eq3A_3396 = arith.cmpf oeq, %get3A_3394, %eq3A_3395 : vector<128x128xf32>
    %jit3A_3397 = arith.constant 16384 : i32
    %broadcast_in_dim3A_3398 = vector.broadcast %jit3A_3397 : i32 to vector<128x128xi32>
    %select_n3A_3399 = arith.select %eq3A_3396, %add3A, %broadcast_in_dim3A_3398 : vector<128x128xi1>, vector<128x128xi32>
    %reduce_min3A_3400 = arith.constant dense<2147483647> : vector<128xi32>
    %reduce_min3A_3401 = vector.multi_reduction <minsi>, %select_n3A_3399, %reduce_min3A_3400 [0] : vector<128x128xi32> to vector<128xi32>
    %get3A_3402 = arith.constant 10 : index
    %get3A_3403 = arith.constant 0 : index
    %get3A_3404 = arith.constant 0 : index
    %get3A_3405 = vector.load %arg10[%get3A_3402, %get3A_3403, %get3A_3404] : memref<20x128x128xf32, #tpu.memory_space<vmem>>, vector<1x128x128xf32>
    %get3A_3406 = vector.shape_cast %get3A_3405 : vector<1x128x128xf32> to vector<128x128xf32>
    %eq3A_3407 = vector.broadcast %reduce_max3A_3236 : f32 to vector<128x128xf32>
    %eq3A_3408 = arith.cmpf oeq, %get3A_3406, %eq3A_3407 : vector<128x128xf32>
    %jit3A_3409 = arith.constant 16384 : i32
    %broadcast_in_dim3A_3410 = vector.broadcast %jit3A_3409 : i32 to vector<128x128xi32>
    %select_n3A_3411 = arith.select %eq3A_3408, %add3A, %broadcast_in_dim3A_3410 : vector<128x128xi1>, vector<128x128xi32>
    %reduce_min3A_3412 = arith.constant dense<2147483647> : vector<128xi32>
    %reduce_min3A_3413 = vector.multi_reduction <minsi>, %select_n3A_3411, %reduce_min3A_3412 [0] : vector<128x128xi32> to vector<128xi32>
    %get3A_3414 = arith.constant 11 : index
    %get3A_3415 = arith.constant 0 : index
    %get3A_3416 = arith.constant 0 : index
    %get3A_3417 = vector.load %arg10[%get3A_3414, %get3A_3415, %get3A_3416] : memref<20x128x128xf32, #tpu.memory_space<vmem>>, vector<1x128x128xf32>
    %get3A_3418 = vector.shape_cast %get3A_3417 : vector<1x128x128xf32> to vector<128x128xf32>
    %eq3A_3419 = vector.broadcast %reduce_max3A_3241 : f32 to vector<128x128xf32>
    %eq3A_3420 = arith.cmpf oeq, %get3A_3418, %eq3A_3419 : vector<128x128xf32>
    %jit3A_3421 = arith.constant 16384 : i32
    %broadcast_in_dim3A_3422 = vector.broadcast %jit3A_3421 : i32 to vector<128x128xi32>
    %select_n3A_3423 = arith.select %eq3A_3420, %add3A, %broadcast_in_dim3A_3422 : vector<128x128xi1>, vector<128x128xi32>
    %reduce_min3A_3424 = arith.constant dense<2147483647> : vector<128xi32>
    %reduce_min3A_3425 = vector.multi_reduction <minsi>, %select_n3A_3423, %reduce_min3A_3424 [0] : vector<128x128xi32> to vector<128xi32>
    %get3A_3426 = arith.constant 12 : index
    %get3A_3427 = arith.constant 0 : index
    %get3A_3428 = arith.constant 0 : index
    %get3A_3429 = vector.load %arg10[%get3A_3426, %get3A_3427, %get3A_3428] : memref<20x128x128xf32, #tpu.memory_space<vmem>>, vector<1x128x128xf32>
    %get3A_3430 = vector.shape_cast %get3A_3429 : vector<1x128x128xf32> to vector<128x128xf32>
    %eq3A_3431 = vector.broadcast %reduce_max3A_3246 : f32 to vector<128x128xf32>
    %eq3A_3432 = arith.cmpf oeq, %get3A_3430, %eq3A_3431 : vector<128x128xf32>
    %jit3A_3433 = arith.constant 16384 : i32
    %broadcast_in_dim3A_3434 = vector.broadcast %jit3A_3433 : i32 to vector<128x128xi32>
    %select_n3A_3435 = arith.select %eq3A_3432, %add3A, %broadcast_in_dim3A_3434 : vector<128x128xi1>, vector<128x128xi32>
    %reduce_min3A_3436 = arith.constant dense<2147483647> : vector<128xi32>
    %reduce_min3A_3437 = vector.multi_reduction <minsi>, %select_n3A_3435, %reduce_min3A_3436 [0] : vector<128x128xi32> to vector<128xi32>
    %get3A_3438 = arith.constant 13 : index
    %get3A_3439 = arith.constant 0 : index
    %get3A_3440 = arith.constant 0 : index
    %get3A_3441 = vector.load %arg10[%get3A_3438, %get3A_3439, %get3A_3440] : memref<20x128x128xf32, #tpu.memory_space<vmem>>, vector<1x128x128xf32>
    %get3A_3442 = vector.shape_cast %get3A_3441 : vector<1x128x128xf32> to vector<128x128xf32>
    %eq3A_3443 = vector.broadcast %reduce_max3A_3251 : f32 to vector<128x128xf32>
    %eq3A_3444 = arith.cmpf oeq, %get3A_3442, %eq3A_3443 : vector<128x128xf32>
    %jit3A_3445 = arith.constant 16384 : i32
    %broadcast_in_dim3A_3446 = vector.broadcast %jit3A_3445 : i32 to vector<128x128xi32>
    %select_n3A_3447 = arith.select %eq3A_3444, %add3A, %broadcast_in_dim3A_3446 : vector<128x128xi1>, vector<128x128xi32>
    %reduce_min3A_3448 = arith.constant dense<2147483647> : vector<128xi32>
    %reduce_min3A_3449 = vector.multi_reduction <minsi>, %select_n3A_3447, %reduce_min3A_3448 [0] : vector<128x128xi32> to vector<128xi32>
    %get3A_3450 = arith.constant 14 : index
    %get3A_3451 = arith.constant 0 : index
    %get3A_3452 = arith.constant 0 : index
    %get3A_3453 = vector.load %arg10[%get3A_3450, %get3A_3451, %get3A_3452] : memref<20x128x128xf32, #tpu.memory_space<vmem>>, vector<1x128x128xf32>
    %get3A_3454 = vector.shape_cast %get3A_3453 : vector<1x128x128xf32> to vector<128x128xf32>
    %eq3A_3455 = vector.broadcast %reduce_max3A_3256 : f32 to vector<128x128xf32>
    %eq3A_3456 = arith.cmpf oeq, %get3A_3454, %eq3A_3455 : vector<128x128xf32>
    %jit3A_3457 = arith.constant 16384 : i32
    %broadcast_in_dim3A_3458 = vector.broadcast %jit3A_3457 : i32 to vector<128x128xi32>
    %select_n3A_3459 = arith.select %eq3A_3456, %add3A, %broadcast_in_dim3A_3458 : vector<128x128xi1>, vector<128x128xi32>
    %reduce_min3A_3460 = arith.constant dense<2147483647> : vector<128xi32>
    %reduce_min3A_3461 = vector.multi_reduction <minsi>, %select_n3A_3459, %reduce_min3A_3460 [0] : vector<128x128xi32> to vector<128xi32>
    %get3A_3462 = arith.constant 15 : index
    %get3A_3463 = arith.constant 0 : index
    %get3A_3464 = arith.constant 0 : index
    %get3A_3465 = vector.load %arg10[%get3A_3462, %get3A_3463, %get3A_3464] : memref<20x128x128xf32, #tpu.memory_space<vmem>>, vector<1x128x128xf32>
    %get3A_3466 = vector.shape_cast %get3A_3465 : vector<1x128x128xf32> to vector<128x128xf32>
    %eq3A_3467 = vector.broadcast %reduce_max3A_3261 : f32 to vector<128x128xf32>
    %eq3A_3468 = arith.cmpf oeq, %get3A_3466, %eq3A_3467 : vector<128x128xf32>
    %jit3A_3469 = arith.constant 16384 : i32
    %broadcast_in_dim3A_3470 = vector.broadcast %jit3A_3469 : i32 to vector<128x128xi32>
    %select_n3A_3471 = arith.select %eq3A_3468, %add3A, %broadcast_in_dim3A_3470 : vector<128x128xi1>, vector<128x128xi32>
    %reduce_min3A_3472 = arith.constant dense<2147483647> : vector<128xi32>
    %reduce_min3A_3473 = vector.multi_reduction <minsi>, %select_n3A_3471, %reduce_min3A_3472 [0] : vector<128x128xi32> to vector<128xi32>
    %get3A_3474 = arith.constant 16 : index
    %get3A_3475 = arith.constant 0 : index
    %get3A_3476 = arith.constant 0 : index
    %get3A_3477 = vector.load %arg10[%get3A_3474, %get3A_3475, %get3A_3476] : memref<20x128x128xf32, #tpu.memory_space<vmem>>, vector<1x128x128xf32>
    %get3A_3478 = vector.shape_cast %get3A_3477 : vector<1x128x128xf32> to vector<128x128xf32>
    %eq3A_3479 = vector.broadcast %reduce_max3A_3266 : f32 to vector<128x128xf32>
    %eq3A_3480 = arith.cmpf oeq, %get3A_3478, %eq3A_3479 : vector<128x128xf32>
    %jit3A_3481 = arith.constant 16384 : i32
    %broadcast_in_dim3A_3482 = vector.broadcast %jit3A_3481 : i32 to vector<128x128xi32>
    %select_n3A_3483 = arith.select %eq3A_3480, %add3A, %broadcast_in_dim3A_3482 : vector<128x128xi1>, vector<128x128xi32>
    %reduce_min3A_3484 = arith.constant dense<2147483647> : vector<128xi32>
    %reduce_min3A_3485 = vector.multi_reduction <minsi>, %select_n3A_3483, %reduce_min3A_3484 [0] : vector<128x128xi32> to vector<128xi32>
    %get3A_3486 = arith.constant 17 : index
    %get3A_3487 = arith.constant 0 : index
    %get3A_3488 = arith.constant 0 : index
    %get3A_3489 = vector.load %arg10[%get3A_3486, %get3A_3487, %get3A_3488] : memref<20x128x128xf32, #tpu.memory_space<vmem>>, vector<1x128x128xf32>
    %get3A_3490 = vector.shape_cast %get3A_3489 : vector<1x128x128xf32> to vector<128x128xf32>
    %eq3A_3491 = vector.broadcast %reduce_max3A_3271 : f32 to vector<128x128xf32>
    %eq3A_3492 = arith.cmpf oeq, %get3A_3490, %eq3A_3491 : vector<128x128xf32>
    %jit3A_3493 = arith.constant 16384 : i32
    %broadcast_in_dim3A_3494 = vector.broadcast %jit3A_3493 : i32 to vector<128x128xi32>
    %select_n3A_3495 = arith.select %eq3A_3492, %add3A, %broadcast_in_dim3A_3494 : vector<128x128xi1>, vector<128x128xi32>
    %reduce_min3A_3496 = arith.constant dense<2147483647> : vector<128xi32>
    %reduce_min3A_3497 = vector.multi_reduction <minsi>, %select_n3A_3495, %reduce_min3A_3496 [0] : vector<128x128xi32> to vector<128xi32>
    %get3A_3498 = arith.constant 18 : index
    %get3A_3499 = arith.constant 0 : index
    %get3A_3500 = arith.constant 0 : index
    %get3A_3501 = vector.load %arg10[%get3A_3498, %get3A_3499, %get3A_3500] : memref<20x128x128xf32, #tpu.memory_space<vmem>>, vector<1x128x128xf32>
    %get3A_3502 = vector.shape_cast %get3A_3501 : vector<1x128x128xf32> to vector<128x128xf32>
    %eq3A_3503 = vector.broadcast %reduce_max3A_3276 : f32 to vector<128x128xf32>
    %eq3A_3504 = arith.cmpf oeq, %get3A_3502, %eq3A_3503 : vector<128x128xf32>
    %jit3A_3505 = arith.constant 16384 : i32
    %broadcast_in_dim3A_3506 = vector.broadcast %jit3A_3505 : i32 to vector<128x128xi32>
    %select_n3A_3507 = arith.select %eq3A_3504, %add3A, %broadcast_in_dim3A_3506 : vector<128x128xi1>, vector<128x128xi32>
    %reduce_min3A_3508 = arith.constant dense<2147483647> : vector<128xi32>
    %reduce_min3A_3509 = vector.multi_reduction <minsi>, %select_n3A_3507, %reduce_min3A_3508 [0] : vector<128x128xi32> to vector<128xi32>
    %get3A_3510 = arith.constant 19 : index
    %get3A_3511 = arith.constant 0 : index
    %get3A_3512 = arith.constant 0 : index
    %get3A_3513 = vector.load %arg10[%get3A_3510, %get3A_3511, %get3A_3512] : memref<20x128x128xf32, #tpu.memory_space<vmem>>, vector<1x128x128xf32>
    %get3A_3514 = vector.shape_cast %get3A_3513 : vector<1x128x128xf32> to vector<128x128xf32>
    %eq3A_3515 = vector.broadcast %reduce_max3A_3281 : f32 to vector<128x128xf32>
    %eq3A_3516 = arith.cmpf oeq, %get3A_3514, %eq3A_3515 : vector<128x128xf32>
    %jit3A_3517 = arith.constant 16384 : i32
    %broadcast_in_dim3A_3518 = vector.broadcast %jit3A_3517 : i32 to vector<128x128xi32>
    %select_n3A_3519 = arith.select %eq3A_3516, %add3A, %broadcast_in_dim3A_3518 : vector<128x128xi1>, vector<128x128xi32>
    %reduce_min3A_3520 = arith.constant dense<2147483647> : vector<128xi32>
    %reduce_min3A_3521 = vector.multi_reduction <minsi>, %select_n3A_3519, %reduce_min3A_3520 [0] : vector<128x128xi32> to vector<128xi32>
    %reduce_min3A_3522 = vector.shape_cast %reduce_min3A_3293 : vector<128xi32> to vector<1x128xi32>
    %reduce_min3A_3523 = arith.constant dense<2147483647> : vector<1xi32>
    %reduce_min3A_3524 = vector.multi_reduction <minsi>, %reduce_min3A_3522, %reduce_min3A_3523 [1] : vector<1x128xi32> to vector<1xi32>
    %reduce_min3A_3525 = vector.shape_cast %reduce_min3A_3524 : vector<1xi32> to vector<1x1xi32>
    %reduce_min3A_3526 = vector.extract %reduce_min3A_3525[0, 0] : i32 from vector<1x1xi32>
    %reduce_min3A_3527 = vector.shape_cast %reduce_min3A_3305 : vector<128xi32> to vector<1x128xi32>
    %reduce_min3A_3528 = arith.constant dense<2147483647> : vector<1xi32>
    %reduce_min3A_3529 = vector.multi_reduction <minsi>, %reduce_min3A_3527, %reduce_min3A_3528 [1] : vector<1x128xi32> to vector<1xi32>
    %reduce_min3A_3530 = vector.shape_cast %reduce_min3A_3529 : vector<1xi32> to vector<1x1xi32>
    %reduce_min3A_3531 = vector.extract %reduce_min3A_3530[0, 0] : i32 from vector<1x1xi32>
    %reduce_min3A_3532 = vector.shape_cast %reduce_min3A_3317 : vector<128xi32> to vector<1x128xi32>
    %reduce_min3A_3533 = arith.constant dense<2147483647> : vector<1xi32>
    %reduce_min3A_3534 = vector.multi_reduction <minsi>, %reduce_min3A_3532, %reduce_min3A_3533 [1] : vector<1x128xi32> to vector<1xi32>
    %reduce_min3A_3535 = vector.shape_cast %reduce_min3A_3534 : vector<1xi32> to vector<1x1xi32>
    %reduce_min3A_3536 = vector.extract %reduce_min3A_3535[0, 0] : i32 from vector<1x1xi32>
    %reduce_min3A_3537 = vector.shape_cast %reduce_min3A_3329 : vector<128xi32> to vector<1x128xi32>
    %reduce_min3A_3538 = arith.constant dense<2147483647> : vector<1xi32>
    %reduce_min3A_3539 = vector.multi_reduction <minsi>, %reduce_min3A_3537, %reduce_min3A_3538 [1] : vector<1x128xi32> to vector<1xi32>
    %reduce_min3A_3540 = vector.shape_cast %reduce_min3A_3539 : vector<1xi32> to vector<1x1xi32>
    %reduce_min3A_3541 = vector.extract %reduce_min3A_3540[0, 0] : i32 from vector<1x1xi32>
    %reduce_min3A_3542 = vector.shape_cast %reduce_min3A_3341 : vector<128xi32> to vector<1x128xi32>
    %reduce_min3A_3543 = arith.constant dense<2147483647> : vector<1xi32>
    %reduce_min3A_3544 = vector.multi_reduction <minsi>, %reduce_min3A_3542, %reduce_min3A_3543 [1] : vector<1x128xi32> to vector<1xi32>
    %reduce_min3A_3545 = vector.shape_cast %reduce_min3A_3544 : vector<1xi32> to vector<1x1xi32>
    %reduce_min3A_3546 = vector.extract %reduce_min3A_3545[0, 0] : i32 from vector<1x1xi32>
    %reduce_min3A_3547 = vector.shape_cast %reduce_min3A_3353 : vector<128xi32> to vector<1x128xi32>
    %reduce_min3A_3548 = arith.constant dense<2147483647> : vector<1xi32>
    %reduce_min3A_3549 = vector.multi_reduction <minsi>, %reduce_min3A_3547, %reduce_min3A_3548 [1] : vector<1x128xi32> to vector<1xi32>
    %reduce_min3A_3550 = vector.shape_cast %reduce_min3A_3549 : vector<1xi32> to vector<1x1xi32>
    %reduce_min3A_3551 = vector.extract %reduce_min3A_3550[0, 0] : i32 from vector<1x1xi32>
    %reduce_min3A_3552 = vector.shape_cast %reduce_min3A_3365 : vector<128xi32> to vector<1x128xi32>
    %reduce_min3A_3553 = arith.constant dense<2147483647> : vector<1xi32>
    %reduce_min3A_3554 = vector.multi_reduction <minsi>, %reduce_min3A_3552, %reduce_min3A_3553 [1] : vector<1x128xi32> to vector<1xi32>
    %reduce_min3A_3555 = vector.shape_cast %reduce_min3A_3554 : vector<1xi32> to vector<1x1xi32>
    %reduce_min3A_3556 = vector.extract %reduce_min3A_3555[0, 0] : i32 from vector<1x1xi32>
    %reduce_min3A_3557 = vector.shape_cast %reduce_min3A_3377 : vector<128xi32> to vector<1x128xi32>
    %reduce_min3A_3558 = arith.constant dense<2147483647> : vector<1xi32>
    %reduce_min3A_3559 = vector.multi_reduction <minsi>, %reduce_min3A_3557, %reduce_min3A_3558 [1] : vector<1x128xi32> to vector<1xi32>
    %reduce_min3A_3560 = vector.shape_cast %reduce_min3A_3559 : vector<1xi32> to vector<1x1xi32>
    %reduce_min3A_3561 = vector.extract %reduce_min3A_3560[0, 0] : i32 from vector<1x1xi32>
    %reduce_min3A_3562 = vector.shape_cast %reduce_min3A_3389 : vector<128xi32> to vector<1x128xi32>
    %reduce_min3A_3563 = arith.constant dense<2147483647> : vector<1xi32>
    %reduce_min3A_3564 = vector.multi_reduction <minsi>, %reduce_min3A_3562, %reduce_min3A_3563 [1] : vector<1x128xi32> to vector<1xi32>
    %reduce_min3A_3565 = vector.shape_cast %reduce_min3A_3564 : vector<1xi32> to vector<1x1xi32>
    %reduce_min3A_3566 = vector.extract %reduce_min3A_3565[0, 0] : i32 from vector<1x1xi32>
    %reduce_min3A_3567 = vector.shape_cast %reduce_min3A_3401 : vector<128xi32> to vector<1x128xi32>
    %reduce_min3A_3568 = arith.constant dense<2147483647> : vector<1xi32>
    %reduce_min3A_3569 = vector.multi_reduction <minsi>, %reduce_min3A_3567, %reduce_min3A_3568 [1] : vector<1x128xi32> to vector<1xi32>
    %reduce_min3A_3570 = vector.shape_cast %reduce_min3A_3569 : vector<1xi32> to vector<1x1xi32>
    %reduce_min3A_3571 = vector.extract %reduce_min3A_3570[0, 0] : i32 from vector<1x1xi32>
    %reduce_min3A_3572 = vector.shape_cast %reduce_min3A_3413 : vector<128xi32> to vector<1x128xi32>
    %reduce_min3A_3573 = arith.constant dense<2147483647> : vector<1xi32>
    %reduce_min3A_3574 = vector.multi_reduction <minsi>, %reduce_min3A_3572, %reduce_min3A_3573 [1] : vector<1x128xi32> to vector<1xi32>
    %reduce_min3A_3575 = vector.shape_cast %reduce_min3A_3574 : vector<1xi32> to vector<1x1xi32>
    %reduce_min3A_3576 = vector.extract %reduce_min3A_3575[0, 0] : i32 from vector<1x1xi32>
    %reduce_min3A_3577 = vector.shape_cast %reduce_min3A_3425 : vector<128xi32> to vector<1x128xi32>
    %reduce_min3A_3578 = arith.constant dense<2147483647> : vector<1xi32>
    %reduce_min3A_3579 = vector.multi_reduction <minsi>, %reduce_min3A_3577, %reduce_min3A_3578 [1] : vector<1x128xi32> to vector<1xi32>
    %reduce_min3A_3580 = vector.shape_cast %reduce_min3A_3579 : vector<1xi32> to vector<1x1xi32>
    %reduce_min3A_3581 = vector.extract %reduce_min3A_3580[0, 0] : i32 from vector<1x1xi32>
    %reduce_min3A_3582 = vector.shape_cast %reduce_min3A_3437 : vector<128xi32> to vector<1x128xi32>
    %reduce_min3A_3583 = arith.constant dense<2147483647> : vector<1xi32>
    %reduce_min3A_3584 = vector.multi_reduction <minsi>, %reduce_min3A_3582, %reduce_min3A_3583 [1] : vector<1x128xi32> to vector<1xi32>
    %reduce_min3A_3585 = vector.shape_cast %reduce_min3A_3584 : vector<1xi32> to vector<1x1xi32>
    %reduce_min3A_3586 = vector.extract %reduce_min3A_3585[0, 0] : i32 from vector<1x1xi32>
    %reduce_min3A_3587 = vector.shape_cast %reduce_min3A_3449 : vector<128xi32> to vector<1x128xi32>
    %reduce_min3A_3588 = arith.constant dense<2147483647> : vector<1xi32>
    %reduce_min3A_3589 = vector.multi_reduction <minsi>, %reduce_min3A_3587, %reduce_min3A_3588 [1] : vector<1x128xi32> to vector<1xi32>
    %reduce_min3A_3590 = vector.shape_cast %reduce_min3A_3589 : vector<1xi32> to vector<1x1xi32>
    %reduce_min3A_3591 = vector.extract %reduce_min3A_3590[0, 0] : i32 from vector<1x1xi32>
    %reduce_min3A_3592 = vector.shape_cast %reduce_min3A_3461 : vector<128xi32> to vector<1x128xi32>
    %reduce_min3A_3593 = arith.constant dense<2147483647> : vector<1xi32>
    %reduce_min3A_3594 = vector.multi_reduction <minsi>, %reduce_min3A_3592, %reduce_min3A_3593 [1] : vector<1x128xi32> to vector<1xi32>
    %reduce_min3A_3595 = vector.shape_cast %reduce_min3A_3594 : vector<1xi32> to vector<1x1xi32>
    %reduce_min3A_3596 = vector.extract %reduce_min3A_3595[0, 0] : i32 from vector<1x1xi32>
    %reduce_min3A_3597 = vector.shape_cast %reduce_min3A_3473 : vector<128xi32> to vector<1x128xi32>
    %reduce_min3A_3598 = arith.constant dense<2147483647> : vector<1xi32>
    %reduce_min3A_3599 = vector.multi_reduction <minsi>, %reduce_min3A_3597, %reduce_min3A_3598 [1] : vector<1x128xi32> to vector<1xi32>
    %reduce_min3A_3600 = vector.shape_cast %reduce_min3A_3599 : vector<1xi32> to vector<1x1xi32>
    %reduce_min3A_3601 = vector.extract %reduce_min3A_3600[0, 0] : i32 from vector<1x1xi32>
    %reduce_min3A_3602 = vector.shape_cast %reduce_min3A_3485 : vector<128xi32> to vector<1x128xi32>
    %reduce_min3A_3603 = arith.constant dense<2147483647> : vector<1xi32>
    %reduce_min3A_3604 = vector.multi_reduction <minsi>, %reduce_min3A_3602, %reduce_min3A_3603 [1] : vector<1x128xi32> to vector<1xi32>
    %reduce_min3A_3605 = vector.shape_cast %reduce_min3A_3604 : vector<1xi32> to vector<1x1xi32>
    %reduce_min3A_3606 = vector.extract %reduce_min3A_3605[0, 0] : i32 from vector<1x1xi32>
    %reduce_min3A_3607 = vector.shape_cast %reduce_min3A_3497 : vector<128xi32> to vector<1x128xi32>
    %reduce_min3A_3608 = arith.constant dense<2147483647> : vector<1xi32>
    %reduce_min3A_3609 = vector.multi_reduction <minsi>, %reduce_min3A_3607, %reduce_min3A_3608 [1] : vector<1x128xi32> to vector<1xi32>
    %reduce_min3A_3610 = vector.shape_cast %reduce_min3A_3609 : vector<1xi32> to vector<1x1xi32>
    %reduce_min3A_3611 = vector.extract %reduce_min3A_3610[0, 0] : i32 from vector<1x1xi32>
    %reduce_min3A_3612 = vector.shape_cast %reduce_min3A_3509 : vector<128xi32> to vector<1x128xi32>
    %reduce_min3A_3613 = arith.constant dense<2147483647> : vector<1xi32>
    %reduce_min3A_3614 = vector.multi_reduction <minsi>, %reduce_min3A_3612, %reduce_min3A_3613 [1] : vector<1x128xi32> to vector<1xi32>
    %reduce_min3A_3615 = vector.shape_cast %reduce_min3A_3614 : vector<1xi32> to vector<1x1xi32>
    %reduce_min3A_3616 = vector.extract %reduce_min3A_3615[0, 0] : i32 from vector<1x1xi32>
    %reduce_min3A_3617 = vector.shape_cast %reduce_min3A_3521 : vector<128xi32> to vector<1x128xi32>
    %reduce_min3A_3618 = arith.constant dense<2147483647> : vector<1xi32>
    %reduce_min3A_3619 = vector.multi_reduction <minsi>, %reduce_min3A_3617, %reduce_min3A_3618 [1] : vector<1x128xi32> to vector<1xi32>
    %reduce_min3A_3620 = vector.shape_cast %reduce_min3A_3619 : vector<1xi32> to vector<1x1xi32>
    %reduce_min3A_3621 = vector.extract %reduce_min3A_3620[0, 0] : i32 from vector<1x1xi32>
    %eq3A_3622 = vector.broadcast %reduce_min3A_3526 : i32 to vector<128x128xi32>
    %eq3A_3623 = arith.cmpi eq, %add3A, %eq3A_3622 : vector<128x128xi32>
    %or3A_3624 = arith.ori %broadcast_in_dim3A_1961, %eq3A_3623 : vector<128x128xi1>
    %eq3A_3625 = vector.broadcast %reduce_min3A_3531 : i32 to vector<128x128xi32>
    %eq3A_3626 = arith.cmpi eq, %add3A, %eq3A_3625 : vector<128x128xi32>
    %or3A_3627 = arith.ori %or3A_3624, %eq3A_3626 : vector<128x128xi1>
    %eq3A_3628 = vector.broadcast %reduce_min3A_3536 : i32 to vector<128x128xi32>
    %eq3A_3629 = arith.cmpi eq, %add3A, %eq3A_3628 : vector<128x128xi32>
    %or3A_3630 = arith.ori %or3A_3627, %eq3A_3629 : vector<128x128xi1>
    %eq3A_3631 = vector.broadcast %reduce_min3A_3541 : i32 to vector<128x128xi32>
    %eq3A_3632 = arith.cmpi eq, %add3A, %eq3A_3631 : vector<128x128xi32>
    %or3A_3633 = arith.ori %or3A_3630, %eq3A_3632 : vector<128x128xi1>
    %eq3A_3634 = vector.broadcast %reduce_min3A_3546 : i32 to vector<128x128xi32>
    %eq3A_3635 = arith.cmpi eq, %add3A, %eq3A_3634 : vector<128x128xi32>
    %or3A_3636 = arith.ori %or3A_3633, %eq3A_3635 : vector<128x128xi1>
    %eq3A_3637 = vector.broadcast %reduce_min3A_3551 : i32 to vector<128x128xi32>
    %eq3A_3638 = arith.cmpi eq, %add3A, %eq3A_3637 : vector<128x128xi32>
    %or3A_3639 = arith.ori %or3A_3636, %eq3A_3638 : vector<128x128xi1>
    %eq3A_3640 = vector.broadcast %reduce_min3A_3556 : i32 to vector<128x128xi32>
    %eq3A_3641 = arith.cmpi eq, %add3A, %eq3A_3640 : vector<128x128xi32>
    %or3A_3642 = arith.ori %or3A_3639, %eq3A_3641 : vector<128x128xi1>
    %eq3A_3643 = vector.broadcast %reduce_min3A_3561 : i32 to vector<128x128xi32>
    %eq3A_3644 = arith.cmpi eq, %add3A, %eq3A_3643 : vector<128x128xi32>
    %or3A_3645 = arith.ori %or3A_3642, %eq3A_3644 : vector<128x128xi1>
    %eq3A_3646 = vector.broadcast %reduce_min3A_3566 : i32 to vector<128x128xi32>
    %eq3A_3647 = arith.cmpi eq, %add3A, %eq3A_3646 : vector<128x128xi32>
    %or3A_3648 = arith.ori %or3A_3645, %eq3A_3647 : vector<128x128xi1>
    %eq3A_3649 = vector.broadcast %reduce_min3A_3571 : i32 to vector<128x128xi32>
    %eq3A_3650 = arith.cmpi eq, %add3A, %eq3A_3649 : vector<128x128xi32>
    %or3A_3651 = arith.ori %or3A_3648, %eq3A_3650 : vector<128x128xi1>
    %eq3A_3652 = vector.broadcast %reduce_min3A_3576 : i32 to vector<128x128xi32>
    %eq3A_3653 = arith.cmpi eq, %add3A, %eq3A_3652 : vector<128x128xi32>
    %or3A_3654 = arith.ori %or3A_3651, %eq3A_3653 : vector<128x128xi1>
    %eq3A_3655 = vector.broadcast %reduce_min3A_3581 : i32 to vector<128x128xi32>
    %eq3A_3656 = arith.cmpi eq, %add3A, %eq3A_3655 : vector<128x128xi32>
    %or3A_3657 = arith.ori %or3A_3654, %eq3A_3656 : vector<128x128xi1>
    %eq3A_3658 = vector.broadcast %reduce_min3A_3586 : i32 to vector<128x128xi32>
    %eq3A_3659 = arith.cmpi eq, %add3A, %eq3A_3658 : vector<128x128xi32>
    %or3A_3660 = arith.ori %or3A_3657, %eq3A_3659 : vector<128x128xi1>
    %eq3A_3661 = vector.broadcast %reduce_min3A_3591 : i32 to vector<128x128xi32>
    %eq3A_3662 = arith.cmpi eq, %add3A, %eq3A_3661 : vector<128x128xi32>
    %or3A_3663 = arith.ori %or3A_3660, %eq3A_3662 : vector<128x128xi1>
    %eq3A_3664 = vector.broadcast %reduce_min3A_3596 : i32 to vector<128x128xi32>
    %eq3A_3665 = arith.cmpi eq, %add3A, %eq3A_3664 : vector<128x128xi32>
    %or3A_3666 = arith.ori %or3A_3663, %eq3A_3665 : vector<128x128xi1>
    %eq3A_3667 = vector.broadcast %reduce_min3A_3601 : i32 to vector<128x128xi32>
    %eq3A_3668 = arith.cmpi eq, %add3A, %eq3A_3667 : vector<128x128xi32>
    %or3A_3669 = arith.ori %or3A_3666, %eq3A_3668 : vector<128x128xi1>
    %eq3A_3670 = vector.broadcast %reduce_min3A_3606 : i32 to vector<128x128xi32>
    %eq3A_3671 = arith.cmpi eq, %add3A, %eq3A_3670 : vector<128x128xi32>
    %or3A_3672 = arith.ori %or3A_3669, %eq3A_3671 : vector<128x128xi1>
    %eq3A_3673 = vector.broadcast %reduce_min3A_3611 : i32 to vector<128x128xi32>
    %eq3A_3674 = arith.cmpi eq, %add3A, %eq3A_3673 : vector<128x128xi32>
    %or3A_3675 = arith.ori %or3A_3672, %eq3A_3674 : vector<128x128xi1>
    %eq3A_3676 = vector.broadcast %reduce_min3A_3616 : i32 to vector<128x128xi32>
    %eq3A_3677 = arith.cmpi eq, %add3A, %eq3A_3676 : vector<128x128xi32>
    %or3A_3678 = arith.ori %or3A_3675, %eq3A_3677 : vector<128x128xi1>
    %eq3A_3679 = vector.broadcast %reduce_min3A_3621 : i32 to vector<128x128xi32>
    %eq3A_3680 = arith.cmpi eq, %add3A, %eq3A_3679 : vector<128x128xi32>
    %or3A_3681 = arith.ori %or3A_3678, %eq3A_3680 : vector<128x128xi1>
    %gt3A_3682 = arith.constant 5.000000e-01 : f32
    %gt3A_3683 = vector.broadcast %gt3A_3682 : f32 to vector<128x128xf32>
    %gt3A_3684 = arith.cmpf ogt, %select_n3A_3171, %gt3A_3683 : vector<128x128xf32>
    %or3A_3685 = arith.ori %gt3A_3684, %or3A_3681 : vector<128x128xi1>
    %convert_element_type3A_3686 = arith.extui %or3A_3685 : vector<128x128xi1> to vector<128x128xi32>
    %convert_element_type3A_3687 = arith.sitofp %convert_element_type3A_3686 : vector<128x128xi32> to vector<128x128xf32>
    %reduce_sum3A_3688 = vector.shape_cast %convert_element_type3A_3687 : vector<128x128xf32> to vector<1x128x128xf32>
    %reduce_sum3A_3689 = arith.constant dense<0.000000e+00> : vector<1xf32>
    %reduce_sum3A_3690 = vector.multi_reduction <add>, %reduce_sum3A_3688, %reduce_sum3A_3689 [1, 2] : vector<1x128x128xf32> to vector<1xf32>
    %reduce_sum3A_3691 = vector.shape_cast %reduce_sum3A_3690 : vector<1xf32> to vector<1x1x1xf32>
    %reduce_sum3A_3692 = vector.extract %reduce_sum3A_3691[0, 0, 0] : f32 from vector<1x1x1xf32>
    %convert_element_type3A_3693 = arith.fptosi %reduce_sum3A_3692 : f32 to i32
    %get3A_3694 = arith.constant 0 : index
    %get3A_3695 = arith.constant 1 : index
    %get3A_3696 = arith.constant 0 : index
    %get3A_3697 = arith.constant 0 : index
    %get3A_3698 = vector.load %arg3[%get3A_3694, %get3A_3695, %get3A_3696, %get3A_3697] : memref<4x2x128x128xf32, #tpu.memory_space<vmem>>, vector<1x1x128x128xf32>
    %get3A_3699 = vector.shape_cast %get3A_3698 : vector<1x1x128x128xf32> to vector<128x128xf32>
    %get3A_3700 = arith.constant 1 : index
    %get3A_3701 = arith.constant 1 : index
    %get3A_3702 = arith.constant 0 : index
    %get3A_3703 = arith.constant 0 : index
    %get3A_3704 = vector.load %arg3[%get3A_3700, %get3A_3701, %get3A_3702, %get3A_3703] : memref<4x2x128x128xf32, #tpu.memory_space<vmem>>, vector<1x1x128x128xf32>
    %get3A_3705 = vector.shape_cast %get3A_3704 : vector<1x1x128x128xf32> to vector<128x128xf32>
    %get3A_3706 = arith.constant 2 : index
    %get3A_3707 = arith.constant 1 : index
    %get3A_3708 = arith.constant 0 : index
    %get3A_3709 = arith.constant 0 : index
    %get3A_3710 = vector.load %arg3[%get3A_3706, %get3A_3707, %get3A_3708, %get3A_3709] : memref<4x2x128x128xf32, #tpu.memory_space<vmem>>, vector<1x1x128x128xf32>
    %get3A_3711 = vector.shape_cast %get3A_3710 : vector<1x1x128x128xf32> to vector<128x128xf32>
    %get3A_3712 = arith.constant 3 : index
    %get3A_3713 = arith.constant 1 : index
    %get3A_3714 = arith.constant 0 : index
    %get3A_3715 = arith.constant 0 : index
    %get3A_3716 = vector.load %arg3[%get3A_3712, %get3A_3713, %get3A_3714, %get3A_3715] : memref<4x2x128x128xf32, #tpu.memory_space<vmem>>, vector<1x1x128x128xf32>
    %get3A_3717 = vector.shape_cast %get3A_3716 : vector<1x1x128x128xf32> to vector<128x128xf32>
    %max3A_3718 = arith.maximumf %get3A_3699, %select_n3A_3173 : vector<128x128xf32>
    %max3A_3719 = arith.maximumf %get3A_3705, %select_n3A_3175 : vector<128x128xf32>
    %min3A_3720 = arith.minimumf %get3A_3711, %select_n3A_3177 : vector<128x128xf32>
    %min3A_3721 = arith.minimumf %get3A_3717, %select_n3A_3179 : vector<128x128xf32>
    %sub3A_3722 = arith.subf %min3A_3720, %max3A_3718 : vector<128x128xf32>
    %jit3A_3723 = arith.constant 0.000000e+00 : f32
    %max3A_3724 = vector.broadcast %jit3A_3723 : f32 to vector<128x128xf32>
    %max3A_3725 = arith.maximumf %max3A_3724, %sub3A_3722 : vector<128x128xf32>
    %sub3A_3726 = arith.subf %min3A_3721, %max3A_3719 : vector<128x128xf32>
    %jit3A_3727 = arith.constant 0.000000e+00 : f32
    %max3A_3728 = vector.broadcast %jit3A_3727 : f32 to vector<128x128xf32>
    %max3A_3729 = arith.maximumf %max3A_3728, %sub3A_3726 : vector<128x128xf32>
    %mul3A_3730 = arith.mulf %max3A_3725, %max3A_3729 : vector<128x128xf32>
    %sub3A_3731 = arith.subf %get3A_3711, %get3A_3699 : vector<128x128xf32>
    %sub3A_3732 = arith.subf %get3A_3717, %get3A_3705 : vector<128x128xf32>
    %mul3A_3733 = arith.mulf %sub3A_3731, %sub3A_3732 : vector<128x128xf32>
    %sub3A_3734 = arith.subf %select_n3A_3177, %select_n3A_3173 : vector<128x128xf32>
    %sub3A_3735 = arith.subf %select_n3A_3179, %select_n3A_3175 : vector<128x128xf32>
    %mul3A_3736 = arith.mulf %sub3A_3734, %sub3A_3735 : vector<128x128xf32>
    %add3A_3737 = arith.addf %mul3A_3733, %mul3A_3736 : vector<128x128xf32>
    %sub3A_3738 = arith.subf %add3A_3737, %mul3A_3730 : vector<128x128xf32>
    %add3A_3739 = arith.constant 1.000000e-10 : f32
    %add3A_3740 = vector.broadcast %add3A_3739 : f32 to vector<128x128xf32>
    %add3A_3741 = arith.addf %sub3A_3738, %add3A_3740 : vector<128x128xf32>
    %div3A_3742 = arith.divf %mul3A_3730, %add3A_3741 : vector<128x128xf32>
    %add3A_3743 = arith.addf %get3A_3699, %get3A_3711 : vector<128x128xf32>
    %sub3A_3744 = arith.subf %add3A_3743, %select_n3A_3173 : vector<128x128xf32>
    %sub3A_3745 = arith.subf %sub3A_3744, %select_n3A_3177 : vector<128x128xf32>
    %mul3A_3746 = arith.constant 5.000000e-01 : f32
    %mul3A_3747 = vector.broadcast %mul3A_3746 : f32 to vector<128x128xf32>
    %mul3A_3748 = arith.mulf %sub3A_3745, %mul3A_3747 : vector<128x128xf32>
    %integer_pow3A_3749 = arith.mulf %mul3A_3748, %mul3A_3748 : vector<128x128xf32>
    %add3A_3750 = arith.addf %get3A_3705, %get3A_3717 : vector<128x128xf32>
    %sub3A_3751 = arith.subf %add3A_3750, %select_n3A_3175 : vector<128x128xf32>
    %sub3A_3752 = arith.subf %sub3A_3751, %select_n3A_3179 : vector<128x128xf32>
    %mul3A_3753 = arith.constant 5.000000e-01 : f32
    %mul3A_3754 = vector.broadcast %mul3A_3753 : f32 to vector<128x128xf32>
    %mul3A_3755 = arith.mulf %sub3A_3752, %mul3A_3754 : vector<128x128xf32>
    %integer_pow3A_3756 = arith.mulf %mul3A_3755, %mul3A_3755 : vector<128x128xf32>
    %add3A_3757 = arith.addf %integer_pow3A_3749, %integer_pow3A_3756 : vector<128x128xf32>
    %min3A_3758 = arith.minimumf %get3A_3699, %select_n3A_3173 : vector<128x128xf32>
    %min3A_3759 = arith.minimumf %get3A_3705, %select_n3A_3175 : vector<128x128xf32>
    %max3A_3760 = arith.maximumf %get3A_3711, %select_n3A_3177 : vector<128x128xf32>
    %max3A_3761 = arith.maximumf %get3A_3717, %select_n3A_3179 : vector<128x128xf32>
    %sub3A_3762 = arith.subf %max3A_3760, %min3A_3758 : vector<128x128xf32>
    %integer_pow3A_3763 = arith.mulf %sub3A_3762, %sub3A_3762 : vector<128x128xf32>
    %sub3A_3764 = arith.subf %max3A_3761, %min3A_3759 : vector<128x128xf32>
    %integer_pow3A_3765 = arith.mulf %sub3A_3764, %sub3A_3764 : vector<128x128xf32>
    %add3A_3766 = arith.addf %integer_pow3A_3763, %integer_pow3A_3765 : vector<128x128xf32>
    %sub3A_3767 = arith.constant 1.000000e+00 : f32
    %sub3A_3768 = vector.broadcast %sub3A_3767 : f32 to vector<128x128xf32>
    %sub3A_3769 = arith.subf %sub3A_3768, %div3A_3742 : vector<128x128xf32>
    %add3A_3770 = arith.constant 1.000000e-10 : f32
    %add3A_3771 = vector.broadcast %add3A_3770 : f32 to vector<128x128xf32>
    %add3A_3772 = arith.addf %add3A_3766, %add3A_3771 : vector<128x128xf32>
    %div3A_3773 = arith.divf %add3A_3757, %add3A_3772 : vector<128x128xf32>
    %add3A_3774 = arith.addf %sub3A_3769, %div3A_3773 : vector<128x128xf32>
    %jit3A_3775 = arith.constant 0.000000e+00 : f32
    %broadcast_in_dim3A_3776 = vector.broadcast %jit3A_3775 : f32 to vector<128x128xf32>
    %select_n3A_3777 = arith.select %or3A_3685, %add3A_3774, %broadcast_in_dim3A_3776 : vector<128x128xi1>, vector<128x128xf32>
    %reduce_sum3A_3778 = vector.shape_cast %select_n3A_3777 : vector<128x128xf32> to vector<1x128x128xf32>
    %reduce_sum3A_3779 = arith.constant dense<0.000000e+00> : vector<1xf32>
    %reduce_sum3A_3780 = vector.multi_reduction <add>, %reduce_sum3A_3778, %reduce_sum3A_3779 [1, 2] : vector<1x128x128xf32> to vector<1xf32>
    %reduce_sum3A_3781 = vector.shape_cast %reduce_sum3A_3780 : vector<1xf32> to vector<1x1x1xf32>
    %reduce_sum3A_3782 = vector.extract %reduce_sum3A_3781[0, 0, 0] : f32 from vector<1x1x1xf32>
    %get3A_3783 = arith.constant 1 : index
    %get3A_3784 = arith.constant 0 : index
    %get3A_3785 = arith.constant 0 : index
    %get3A_3786 = vector.load %arg4[%get3A_3783, %get3A_3784, %get3A_3785] : memref<2x128x128xf32, #tpu.memory_space<vmem>>, vector<1x128x128xf32>
    %get3A_3787 = vector.shape_cast %get3A_3786 : vector<1x128x128xf32> to vector<128x128xf32>
    %sub3A_3788 = arith.constant 1.000000e+00 : f32
    %sub3A_3789 = vector.broadcast %sub3A_3788 : f32 to vector<128x128xf32>
    %sub3A_3790 = arith.subf %sub3A_3789, %get3A_3787 : vector<128x128xf32>
    %add3A_3791 = arith.constant 1.000000e-10 : f32
    %add3A_3792 = vector.broadcast %add3A_3791 : f32 to vector<128x128xf32>
    %add3A_3793 = arith.addf %sub3A_3790, %add3A_3792 : vector<128x128xf32>
    %div3A_3794 = arith.divf %get3A_3787, %add3A_3793 : vector<128x128xf32>
    %log3A_3795 = math.log %div3A_3794 : vector<128x128xf32>
    %neg3A_3796 = arith.constant 0.000000e+00 : f32
    %neg3A_3797 = vector.broadcast %neg3A_3796 : f32 to vector<128x128xf32>
    %neg3A_3798 = arith.subf %neg3A_3797, %log3A_3795 : vector<128x128xf32>
    %exp3A_3799 = math.exp %neg3A_3798 : vector<128x128xf32>
    %add3A_3800 = arith.constant 1.000000e+00 : f32
    %add3A_3801 = vector.broadcast %add3A_3800 : f32 to vector<128x128xf32>
    %add3A_3802 = arith.addf %add3A_3801, %exp3A_3799 : vector<128x128xf32>
    %div3A_3803 = arith.constant 1.000000e+00 : f32
    %div3A_3804 = vector.broadcast %div3A_3803 : f32 to vector<128x128xf32>
    %div3A_3805 = arith.divf %div3A_3804, %add3A_3802 : vector<128x128xf32>
    %abs3A_3806 = math.absf %log3A_3795 : vector<128x128xf32>
    %neg3A_3807 = arith.constant 0.000000e+00 : f32
    %neg3A_3808 = vector.broadcast %neg3A_3807 : f32 to vector<128x128xf32>
    %neg3A_3809 = arith.subf %neg3A_3808, %abs3A_3806 : vector<128x128xf32>
    %exp3A_3810 = math.exp %neg3A_3809 : vector<128x128xf32>
    %log1p3A_3811 = math.log1p %exp3A_3810 : vector<128x128xf32>
    %max3A_3812 = arith.constant 0.000000e+00 : f32
    %max3A_3813 = vector.broadcast %max3A_3812 : f32 to vector<128x128xf32>
    %max3A_3814 = arith.maximumf %log3A_3795, %max3A_3813 : vector<128x128xf32>
    %sub3A_3815 = arith.constant 1.000000e+00 : f32
    %sub3A_3816 = vector.broadcast %sub3A_3815 : f32 to vector<128x128xf32>
    %sub3A_3817 = arith.subf %sub3A_3816, %div3A_3805 : vector<128x128xf32>
    %integer_pow3A_3818 = arith.mulf %sub3A_3817, %sub3A_3817 : vector<128x128xf32>
    %mul3A_3819 = arith.constant 2.500000e-01 : f32
    %mul3A_3820 = vector.broadcast %mul3A_3819 : f32 to vector<128x128xf32>
    %mul3A_3821 = arith.mulf %mul3A_3820, %integer_pow3A_3818 : vector<128x128xf32>
    %sub3A_3822 = arith.subf %max3A_3814, %log3A_3795 : vector<128x128xf32>
    %add3A_3823 = arith.addf %sub3A_3822, %log1p3A_3811 : vector<128x128xf32>
    %mul3A_3824 = arith.mulf %mul3A_3821, %add3A_3823 : vector<128x128xf32>
    %mul3A_3825 = arith.constant 7.500000e-01 : f32
    %mul3A_3826 = vector.broadcast %mul3A_3825 : f32 to vector<128x128xf32>
    %mul3A_3827 = arith.mulf %mul3A_3826, %div3A_3805 : vector<128x128xf32>
    %mul3A_3828 = arith.mulf %mul3A_3827, %div3A_3805 : vector<128x128xf32>
    %add3A_3829 = arith.addf %max3A_3814, %log1p3A_3811 : vector<128x128xf32>
    %mul3A_3830 = arith.mulf %mul3A_3828, %add3A_3829 : vector<128x128xf32>
    %jit3A_3831 = arith.constant 0.000000e+00 : f32
    %broadcast_in_dim3A_3832 = vector.broadcast %jit3A_3831 : f32 to vector<128x128xf32>
    %select_n3A_3833 = arith.select %or3A_3685, %mul3A_3824, %broadcast_in_dim3A_3832 : vector<128x128xi1>, vector<128x128xf32>
    %reduce_sum3A_3834 = vector.shape_cast %select_n3A_3833 : vector<128x128xf32> to vector<1x128x128xf32>
    %reduce_sum3A_3835 = arith.constant dense<0.000000e+00> : vector<1xf32>
    %reduce_sum3A_3836 = vector.multi_reduction <add>, %reduce_sum3A_3834, %reduce_sum3A_3835 [1, 2] : vector<1x128x128xf32> to vector<1xf32>
    %reduce_sum3A_3837 = vector.shape_cast %reduce_sum3A_3836 : vector<1xf32> to vector<1x1x1xf32>
    %reduce_sum3A_3838 = vector.extract %reduce_sum3A_3837[0, 0, 0] : f32 from vector<1x1x1xf32>
    %jit3A_3839 = arith.constant 0.000000e+00 : f32
    %broadcast_in_dim3A_3840 = vector.broadcast %jit3A_3839 : f32 to vector<128x128xf32>
    %select_n3A_3841 = arith.select %or3A_3685, %broadcast_in_dim3A_3840, %mul3A_3830 : vector<128x128xi1>, vector<128x128xf32>
    %mul3A_3842 = arith.constant 3 : i32
    %mul3A_3843 = arith.muli %convert_element_type3A_3693, %mul3A_3842 : i32
    %sub3A_3844 = arith.constant 16384 : i32
    %sub3A_3845 = arith.subi %sub3A_3844, %convert_element_type3A_3693 : i32
    %min3A_3846 = arith.minsi %mul3A_3843, %sub3A_3845 : i32
    %get3A_3847 = arith.constant 0 : index
    %get3A_3848 = arith.constant 0 : index
    %get3A_3849 = vector.load %arg5[%get3A_3847, %get3A_3848] : memref<1x128xf32, #tpu.memory_space<vmem>>, vector<1x128xf32>
    %broadcast_in_dim3A_3850 = vector.broadcast %reduce_sum3A_3782 : f32 to vector<1x128xf32>
    %add3A_3851 = arith.addf %get3A_3849, %broadcast_in_dim3A_3850 : vector<1x128xf32>
    %swap3A_3852 = arith.constant 0 : index
    %swap3A_3853 = arith.constant 0 : index
    %swap3A_3854 = vector.load %arg5[%swap3A_3852, %swap3A_3853] : memref<1x128xf32, #tpu.memory_space<vmem>>, vector<1x128xf32>
    tpu.vector_store %arg5[%swap3A_3852, %swap3A_3853], %add3A_3851 {strides = array<i32>} : memref<1x128xf32, #tpu.memory_space<vmem>>, vector<1x128xf32>,
    %get3A_3855 = arith.constant 0 : index
    %get3A_3856 = arith.constant 0 : index
    %get3A_3857 = vector.load %arg6[%get3A_3855, %get3A_3856] : memref<1x128xf32, #tpu.memory_space<vmem>>, vector<1x128xf32>
    %broadcast_in_dim3A_3858 = vector.broadcast %reduce_sum3A_3838 : f32 to vector<1x128xf32>
    %add3A_3859 = arith.addf %get3A_3857, %broadcast_in_dim3A_3858 : vector<1x128xf32>
    %swap3A_3860 = arith.constant 0 : index
    %swap3A_3861 = arith.constant 0 : index
    %swap3A_3862 = vector.load %arg6[%swap3A_3860, %swap3A_3861] : memref<1x128xf32, #tpu.memory_space<vmem>>, vector<1x128xf32>
    tpu.vector_store %arg6[%swap3A_3860, %swap3A_3861], %add3A_3859 {strides = array<i32>} : memref<1x128xf32, #tpu.memory_space<vmem>>, vector<1x128xf32>,
    %get3A_3863 = arith.constant 0 : index
    %get3A_3864 = arith.constant 0 : index
    %get3A_3865 = vector.load %arg7[%get3A_3863, %get3A_3864] : memref<1x128xf32, #tpu.memory_space<vmem>>, vector<1x128xf32>
    %broadcast_in_dim3A_3866 = vector.broadcast %reduce_sum3A_3692 : f32 to vector<1x128xf32>
    %add3A_3867 = arith.addf %get3A_3865, %broadcast_in_dim3A_3866 : vector<1x128xf32>
    %swap3A_3868 = arith.constant 0 : index
    %swap3A_3869 = arith.constant 0 : index
    %swap3A_3870 = vector.load %arg7[%swap3A_3868, %swap3A_3869] : memref<1x128xf32, #tpu.memory_space<vmem>>, vector<1x128xf32>
    tpu.vector_store %arg7[%swap3A_3868, %swap3A_3869], %add3A_3867 {strides = array<i32>} : memref<1x128xf32, #tpu.memory_space<vmem>>, vector<1x128xf32>,
    %broadcast_in_dim3A_3871 = vector.broadcast %min3A_3846 : i32 to vector<1x128xi32>
    %swap3A_3872 = arith.constant 1 : index
    %swap3A_3873 = arith.constant 0 : index
    %swap3A_3874 = arith.constant 0 : index
    %swap3A_3875 = vector.load %arg8[%swap3A_3872, %swap3A_3873, %swap3A_3874] : memref<2x1x128xi32, #tpu.memory_space<vmem>>, vector<1x1x128xi32>
    %swap3A_3876 = vector.shape_cast %swap3A_3875 : vector<1x1x128xi32> to vector<1x128xi32>
    %swap3A_3877 = vector.shape_cast %broadcast_in_dim3A_3871 : vector<1x128xi32> to vector<1x1x128xi32>
    tpu.vector_store %arg8[%swap3A_3872, %swap3A_3873, %swap3A_3874], %swap3A_3877 {strides = array<i32>} : memref<2x1x128xi32, #tpu.memory_space<vmem>>, vector<1x1x128xi32>,
    %bitcast_convert_type3A_3878 = tpu.bitcast %select_n3A_3841 : vector<128x128xf32> -> vector<128x128xi32>
    %swap3A_3879 = arith.constant 1 : index
    %swap3A_3880 = arith.constant 0 : index
    %swap3A_3881 = arith.constant 0 : index
    %swap3A_3882 = vector.load %arg9[%swap3A_3879, %swap3A_3880, %swap3A_3881] : memref<2x128x128xi32, #tpu.memory_space<vmem>>, vector<1x128x128xi32>
    %swap3A_3883 = vector.shape_cast %swap3A_3882 : vector<1x128x128xi32> to vector<128x128xi32>
    %swap3A_3884 = vector.shape_cast %bitcast_convert_type3A_3878 : vector<128x128xi32> to vector<1x128x128xi32>
    tpu.vector_store %arg9[%swap3A_3879, %swap3A_3880, %swap3A_3881], %swap3A_3884 {strides = array<i32>} : memref<2x128x128xi32, #tpu.memory_space<vmem>>, vector<1x128x128xi32>,
    return
  }
  func.func @transform_0(%arg0: i32) -> (i32, i32, i32) {
    %c0_i32 = arith.constant 0 : i32
    %c0_i32_0 = arith.constant 0 : i32
    %c0_i32_1 = arith.constant 0 : i32
    %c0_i32_2 = arith.constant 0 : i32
    return %c0_i32, %c0_i32_0, %c0_i32_1 : i32, i32, i32
  }
  func.func @transform_1(%arg0: i32) -> (i32, i32, i32) {
    %c0_i32 = arith.constant 0 : i32
    %c0_i32_0 = arith.constant 0 : i32
    %c0_i32_1 = arith.constant 0 : i32
    %c0_i32_2 = arith.constant 0 : i32
    return %c0_i32, %c0_i32_0, %c0_i32_1 : i32, i32, i32
  }
  func.func @transform_2(%arg0: i32) -> (i32, i32, i32, i32) {
    %c0_i32 = arith.constant 0 : i32
    %c0_i32_0 = arith.constant 0 : i32
    %c0_i32_1 = arith.constant 0 : i32
    %c0_i32_2 = arith.constant 0 : i32
    return %c0_i32, %arg0, %c0_i32_0, %c0_i32_1 : i32, i32, i32, i32
  }
  func.func @transform_3(%arg0: i32) -> (i32, i32, i32) {
    %c0_i32 = arith.constant 0 : i32
    %c0_i32_0 = arith.constant 0 : i32
    %c0_i32_1 = arith.constant 0 : i32
    return %arg0, %c0_i32, %c0_i32_0 : i32, i32, i32
  }
  func.func @transform_4(%arg0: i32) -> (i32, i32) {
    %c0_i32 = arith.constant 0 : i32
    %c0_i32_0 = arith.constant 0 : i32
    %c0_i32_1 = arith.constant 0 : i32
    return %c0_i32, %c0_i32_0 : i32, i32
  }
  func.func @transform_5(%arg0: i32) -> (i32, i32) {
    %c0_i32 = arith.constant 0 : i32
    %c0_i32_0 = arith.constant 0 : i32
    %c0_i32_1 = arith.constant 0 : i32
    return %c0_i32, %c0_i32_0 : i32, i32
  }
  func.func @transform_6(%arg0: i32) -> (i32, i32) {
    %c0_i32 = arith.constant 0 : i32
    %c0_i32_0 = arith.constant 0 : i32
    %c0_i32_1 = arith.constant 0 : i32
    return %c0_i32, %c0_i32_0 : i32, i32
  }
  func.func @transform_7(%arg0: i32) -> (i32, i32, i32) {
    %c0_i32 = arith.constant 0 : i32
    %c0_i32_0 = arith.constant 0 : i32
    %c0_i32_1 = arith.constant 0 : i32
    return %arg0, %c0_i32, %c0_i32_0 : i32, i32, i32
  }
  func.func @transform_8(%arg0: i32) -> (i32, i32, i32) {
    %c0_i32 = arith.constant 0 : i32
    %c0_i32_0 = arith.constant 0 : i32
    %c0_i32_1 = arith.constant 0 : i32
    return %arg0, %c0_i32, %c0_i32_0 : i32, i32, i32
  }
}

</mosaic_0001>

<sc_bundles>
// kernel: kernel.4.cloned.1.call-start
scs
__scs_entry_jumppad:
0x0: {  	(pc) =	sbr.rel $0x88, $3  }
0x1: {  	(tag) =	ssettag $0x0;
	lr =	simm.s32 $0x1  }
0x2: {  	[smem:$0x3F9D] =	sst lr;
	_ =	strace $0xD0000000  }
0x3: {  	_ = 	snop  }
0x4: {  	_ = 	snop  }
0x5: {  	_ = 	snop  }
0x6: {  	_ = 	snop  }
0x7: {  	_ = 	snop  }
__scs_overlays_trampoline_lowered:
0x8: {  	[smem:$0x3FAC] =	sst s0  }
0x9: {  	[smem:$0x3FAD] =	sst s1  }
0xa: {  	[smem:$0x3FAE] =	sst s2  }
0xb: {  	[smem:$0x3FAF] =	sst s3  }
0xc: {  	[smem:$0x3FB0] =	sst s4  }
0xd: {  	[smem:$0x3FB1] =	sst s5  }
0xe: {  	[smem:$0x3FB2] =	sst s6  }
0xf: {  	[smem:$0x3FB3] =	sst s7  }
0x10: {  	[smem:$0x3FB4] =	sst s8  }
0x11: {  	[smem:$0x3FB5] =	sst s9;
	s0 =	simm.s32 @!p0 $0x0  }
0x12: {  	s1 =	sld [smem:$0x3F9B];
	s0 =	simm.s32 @p0 $0x1  }
0x13: {  	[smem:$0x3FB6] =	sst s0;
	s0 =	simm.s32 @!p1 $0x0  }
0x14: {  	s2 =	sld [smem:$0x3F9A];
	s0 =	simm.s32 @p1 $0x1  }
0x15: {  	[smem:$0x3FB7] =	sst s0;
	s0 =	simm.s32 @!p2 $0x0  }
0x16: {  	s3 =	sld [smem:$0x3FDB];
	s0 =	simm.s32 @p2 $0x1  }
0x17: {  	s4 =	simm.s32 $0x1BF5;
	[smem:$0x3FB9] =	sst s0  }
0x18: {  	s0 =	sld [smem:$0x3F9C];
	_ =	swait.ge [sflag:s4], $0x0  }
0x19: {  	s7 =	sld [smem:$0x3F9D]  }
0x1a: {  	s8 =	sadd.s32 $0xFFFFE003, lr  }
0x1b: {  	s9 =	sadd.s32 $0xFFFFFEF7, lr;
	s5 =	simm.s32 $0xFFFFFFFF;
	p2 =	slt.u32 s8, $0xFFFFF086  }
0x1c: {  	p1 =	slt.u32 s9, $0xF7A;
	s5 =	simm.s32 @!p2 $0x0  }
0x1d: {  	s5 =	simm.s32 @p1 $0x1;
	p0 =	seq.s32 s7, s2  }
0x1e: {  	s7 =	smul.u32 @!p0 $0xF7A, s2;
	p2 =	seq.s32 @!p0 s5, $0x0  }
0x1f: {  	s9 =	smul.u32 $0xF7A, s1;
	s8 =	simm.s32 @!p0 $0x1BF5;
	p2 =	por !p2, p0  }
0x20: {  	[sflag:s8] =	ssyncset.s32 @!p0 $0xFFFFF086;
	s6 =	sadd.s32 @!p0 s3, s7;
	s7 =	simm.s32 @!p0 $0x108  }
0x21: {  	s3 =	sadd.s32 s3, s9;
	s6 =	sadd.s32 @!p0 $0x88, s6;
	s7 =	simm.s32 @p2 $0x1082  }
0x22: {  	[simem:s7], [sflag:s8] =	dma.local @!p0 [hbm:s6], $0xF7A  }
0x23: {  	s9 =	sor.u32 $0xD0000000, s2;
	s6 =	simm.s32 $0x108;
	_ =	swait.ge @!p0 [sflag:s8], $0x0  }
0x24: {  	s3 =	sadd.s32 $0x88, s3;
	s6 =	simm.s32 @!p1 $0x1082;
	[sflag:s4] =	ssyncset.s32 $0xFFFFF086  }
0x25: {  	[simem:s6], [sflag:s4] =	dma.local [hbm:s3], $0xF7A  }
0x26: {  	[smem:$0x3F9D] =	sst s1;
	(tag) =	ssettag s2;
	_ =	strace s9  }
0x27: {  	s1 =	sld [smem:$0x3FAD]  }
0x28: {  	s2 =	sld [smem:$0x3FAE]  }
0x29: {  	s4 =	sld [smem:$0x3FB0]  }
0x2a: {  	p0 =	seq.s32 s5, $0x0;
	s5 =	sld [smem:$0x3FB1]  }
0x2b: {  	s6 =	sld [smem:$0x3FB2]  }
0x2c: {  	s7 =	sld [smem:$0x3FB3]  }
0x2d: {  	s3 =	simm.s32 $0x108;
	s8 =	sld [smem:$0x3FB4]  }
0x2e: {  	s3 =	simm.s32 @!p0 $0x1082;
	s9 =	sld [smem:$0x3FB5]  }
0x2f: {  	lr =	sadd.s32 s0, s3;
	s0 =	sld [smem:$0x3FAC]  }
0x30: {  	s3 =	sld [smem:$0x3FAF]  }
0x31: {  	[smem:$0x3FB8] =	sst s10  }
0x32: {  	s10 =	sld [smem:$0x3FB6];
	_ =	sdelay $0x3  }
0x33: {  	p0 =	seq.s32 s10, $0x1;
	s10 =	sld [smem:$0x3FB8];
	_ =	sdelay $0x3  }
0x34: {  	[smem:$0x3FB8] =	sst s10  }
0x35: {  	s10 =	sld [smem:$0x3FB7];
	_ =	sdelay $0x3  }
0x36: {  	p1 =	seq.s32 s10, $0x1;
	s10 =	sld [smem:$0x3FB8];
	_ =	sdelay $0x3  }
0x37: {  	[smem:$0x3FB8] =	sst s10  }
0x38: {  	s10 =	sld [smem:$0x3FB9]  }
0x39: {  	_ = 	snop;
	(pc) =	sbr.ind lr, $3  }
0x3a: {  	_ = 	snop  }
0x3b: {  	_ = 	snop  }
0x3c: {  	p2 =	seq.s32 s10, $0x1;
	s10 =	sld [smem:$0x3FB8]  }
0x3d: {  	_ =	shalt  }
0x3e: {  	_ =	shalt  }
0x3f: {  	_ =	shalt  }
0x40: {  	_ =	shalt  }
0x41: {  	_ =	shalt  }
0x42: {  	_ =	shalt  }
0x43: {  	_ =	shalt  }
0x44: {  	_ =	shalt  }
0x45: {  	_ =	shalt  }
0x46: {  	_ =	shalt  }
0x47: {  	_ =	shalt  }
0x48: {  	_ =	shalt  }
0x49: {  	_ =	shalt  }
0x4a: {  	_ =	shalt  }
0x4b: {  	_ =	shalt  }
0x4c: {  	_ =	shalt  }
0x4d: {  	_ =	shalt  }
0x4e: {  	_ =	shalt  }
0x4f: {  	_ =	shalt  }
0x50: {  	_ =	shalt  }
0x51: {  	_ =	shalt  }
0x52: {  	_ =	shalt  }
0x53: {  	_ =	shalt  }
0x54: {  	_ =	shalt  }
0x55: {  	_ =	shalt  }
0x56: {  	_ =	shalt  }
0x57: {  	_ =	shalt  }
0x58: {  	_ =	shalt  }
0x59: {  	_ =	shalt  }
0x5a: {  	_ =	shalt  }
0x5b: {  	_ =	shalt  }
0x5c: {  	_ =	shalt  }
0x5d: {  	_ =	shalt  }
0x5e: {  	_ =	shalt  }
0x5f: {  	_ =	shalt  }
0x60: {  	_ =	shalt  }
0x61: {  	_ =	shalt  }
0x62: {  	_ =	shalt  }
0x63: {  	_ =	shalt  }
0x64: {  	_ =	shalt  }
0x65: {  	_ =	shalt  }
0x66: {  	_ =	shalt  }
0x67: {  	_ =	shalt  }
0x68: {  	_ =	shalt  }
0x69: {  	_ =	shalt  }
0x6a: {  	_ =	shalt  }
0x6b: {  	_ =	shalt  }
0x6c: {  	_ =	shalt  }
0x6d: {  	_ =	shalt  }
0x6e: {  	_ =	shalt  }
0x6f: {  	_ =	shalt  }
0x70: {  	_ =	shalt  }
0x71: {  	_ =	shalt  }
0x72: {  	_ =	shalt  }
0x73: {  	_ =	shalt  }
0x74: {  	_ =	shalt  }
0x75: {  	_ =	shalt  }
0x76: {  	_ =	shalt  }
0x77: {  	_ =	shalt  }
0x78: {  	_ =	shalt  }
0x79: {  	_ =	shalt  }
0x7a: {  	_ =	shalt  }
0x7b: {  	_ =	shalt  }
0x7c: {  	_ =	shalt  }
0x7d: {  	_ =	shalt  }
0x7e: {  	_ =	shalt  }
0x7f: {  	_ =	shalt  }
0x80: {  	_ =	shalt  }
0x81: {  	_ =	shalt  }
0x82: {  	_ =	shalt  }
0x83: {  	_ =	shalt  }
0x84: {  	_ =	shalt  }
0x85: {  	_ =	shalt  }
0x86: {  	_ =	shalt  }
0x87: {  	_ =	shalt  }
.Lfunc_end0:
.L_simem_size_0:
called_computation_lowered:
.L_overlay_start_0:
0x88: {  	s2 =	sld [smem:$0x3FD9]  }
0x89: {  	s3 =	sld [smem:$0x3FFE];
	_ =	sdelay $0x1  }
0x8a: {  	s1 =	srdreg.scid  }
0x8b: {  	s0 =	sand.u32 $0x1, s1  }
0x8c: {  	s16 =	sshll.u32 s0, $0xA;
	s2 =	sadd.s32 s3, s2  }
0x8d: {  	s2 =	sadd.s32 s2, s16  }
0x8e: {  	[smem:$0x3FC4] =	sst s2  }
0x8f: {  	_ = 	snop  }
0x90: {  	(tm) =	ssettm $0x1  }
0x91: {  	s17 =	sld [smem:$0x3FFB];
	_ =	sdelay $0x3  }
0x92: {  	_ =	strace s17  }
0x93: {  	s2 =	sld [smem:$0x3FFC];
	_ =	sdelay $0x3  }
0x94: {  	_ =	strace s2  }
0x95: {  	s2 =	sld [smem:$0x3FFD];
	_ =	sdelay $0x3  }
0x96: {  	_ =	strace s2  }
0x97: {  	_ =	strace $0x8FFFFFFF  }
0x98: {  	s18 =	sld [smem:$0x3FDB];
	_ =	sdelay $0x1  }
0x99: {  	s19 =	simm.s32 $_scs_section_size  }
0x9a: {  	s4 =	simm.s32 $_size__tile_overlayer_lowered;
	s5 =	simm.s32 $_tile_overlayer_lowered  }
0x9b: {  	s22 =	simm.s32 $0x1BFF;
	s21 =	sshll.u32 s5, $0x1;
	s2 =	sadd.s32 s19, s18  }
0x9c: {  	s6 =	simm.s32 $0x0;
	s20 =	sshll.u32 s4, $0x1;
	s4 =	sadd.s32 s21, s2  }
0x9d: {  	[timem:s6], [sflag:s22] =	dma.local [hbm:s4], s20  }
0x9e: {  	_ =	swait.ge [sflag:s22], s20  }
0x9f: {  	s3 =	ssub.s32 $0x0, s20;
	[sflag:s22] =	ssyncset.done $0x0  }
0xa0: {  	[sflag:s22] =	ssyncadd.s32 s3;
	_ =	sdelay $0x1  }
0xa1: {  	s23 =	simm.s32 $0x1B8B  }
0xa2: {  	_ =	swait.ge [sflag:s23], $0x1  }
0xa3: {  	[sflag:s23] =	ssyncset.done $0x0  }
0xa4: {  	s25 =	simm.s32 $0x1B8E;
	s24 =	sld [smem:$0x3FFE];
	[sflag:s23] =	ssyncadd.s32 $0xFFFFFFFF  }
0xa5: {  	s26 =	simm.s32 $execute0_lowered;
	[smem:$0x3FD2] =	sst s25  }
0xa6: {  	s4 =	sshll.u32 s26, $0x1;
	_ =	strace $0x80000046;
	[dreg:$0x1] =	wrdreg $0xFFFFFFFF  }
0xa7: {  	s28 =	simm.s32 $_size_execute0_lowered;
	s2 =	sadd.s32 s2, s4;
	[dreg:$0x0] =	wrdreg $0x0  }
0xa8: {  	s4 =	sshll.u32 s28, $0x1;
	[dreg:$0x2] =	wrdreg s2  }
0xa9: {  	[dreg:$0x3] =	wrdreg s4  }
0xaa: {  	[dreg:$0x4] =	wrdreg $0xC0  }
0xab: {  	_ =	task [dreg:s6], $0x5FFFF  }
0xac: {  	[dreg:$0x1] =	wrdreg $0xFFFFFFFF  }
0xad: {  	[dreg:$0x0] =	wrdreg $0x60  }
0xae: {  	[dreg:$0x2] =	wrdreg s24  }
0xaf: {  	[dreg:$0x3] =	wrdreg $0x9  }
0xb0: {  	_ =	task.clear_ibuf [dreg:s6], $0x4FFFF;
	_ =	strace $0x90000046  }
0xb1: {  	s29 =	simm.s32 $0x9;
	_ =	strace $0x80000048  }
0xb2: {  	_ =	swait.ge [sflag:s29], $0x1  }
0xb3: {  	[sflag:s29] =	ssyncadd.s32 $0xFFFFFFFF  }
0xb4: {  	_ =	strace $0x90000048  }
0xb5: {  	_ =	sfence  }
0xb6: {  	s30 =	sld [smem:$0x0];
	_ =	sdelay $0x2  }
0xb7: {  	s31 =	sshll.u32 s1, $0xD;
	s1 =	sshrl.u32 s1, $0x2  }
0xb8: {  	s3 =	sand.u32 $0x4000, s31;
	s1 =	sadd.s32 s1, s30  }
0xb9: {  	s0 =	sor.u32 s3, s0;
	s1 =	sshll.u32 s1, $0x11  }
0xba: {  	s0 =	sor.u32 s1, s0  }
0xbb: {  	s0 =	sadd.s32 $0x8F2B, s0  }
0xbc: {  	[sflag:s0] =	ssyncadd.remote.s32 $0x1  }
0xbd: {  	_ =	sfence.sel $0xFFFF  }
0xbe: {  	[dreg:$0x0] =	wrdreg $0xFFFFFFFF;
	(pc) =	sbr.abs _section_cstart, $3  }
0xbf: {  	[dreg:$0x1] =	wrdreg $0xFFFFFFFF  }
0xc0: {  	_ =	task.clear_ibuf [dreg:s6], $0x2FFFF;
	_ =	strace $0x9FFFFFFF  }
0xc1: {  	(tm) =	ssettm $0x7FFFFFFF  }
tec
execute0_lowered:
.L_overlay_start_1:
0x0: {  	(tag) =	ssettag $0x1  }
0x1: {  	s1 =	stileid.u32  }
0x2: {  	p0 =	sgt.u32 s1, $0x7  }
.Ltmp0:
0x3: {  	_ = 	snop;
	(pc) =	sbr.rel @p0 .LBB2_9-.Ltmp0, $4  }
0x4: {  	_ = 	snop  }
0x5: {  	s3 =	rddreg [dreg:$0x0];
	s2 =	simm.s32 $0x0  }
0x6: {  	[smem:$0x7FF] =	sst s2  }
0x7: {  	s0 =	rddreg [dreg:$0x1];
	_ =	strace $0x80000047  }
0x8: {  	s4 =	srdreg.scid  }
0x9: {  	s5 =	sshll.u32 s1, $0x8;
	s6 =	sshrl.u32 s1, $0x2;
	s8 =	sadd.s32 $0x800, s3  }
0xa: {  	s10 =	simm.s32 $0x4000;
	s11 =	simm.s32 $0x4080;
	s4 =	sand.u32 $0x1, s4  }
0xb: {  	s12 =	simm.s32 $0x0;
	s5 =	sand.u32 $0x300, s5;
	s7 =	sshll.u32 s4, $0x7  }
0xc: {  	s30 =	sshll.u32 s6, $0xA;
	s4 =	ssub.s32 $0x2, s4;
	s5 =	sor.u32 s7, s5  }
0xd: {  	s6 =	sshll.u32 s6, $0x11;
	s9 =	sshrl.u32 s4, $0x1;
	s7 =	sor.u32 s30, s5  }
0xe: {  	s5 =	sor.u32 s6, s5;
	s31 =	ssub.s32 s4, s9;
	s9 =	simm.s32 $0x1  }
0xf: {  	s7 =	sshrl.u32 s7, $0x3;
	s5 =	sshrl.u32 s5, $0x3;
	s6 =	smax.u32 s31, $0x1  }
0x10: {  	s7 =	sadd.s32 s7, s3;
	s5 =	sadd.s32 s8, s5;
	s8 =	simm.s32 $0x400  }
0x11: {  	s3 =	sadd.s32 $0x8800, s7;
	s4 =	sadd.s32 $0x8A00, s7;
	s7 =	simm.s32 $0x80  }
.LBB2_2:
0x12: {  	s15 =	simm.s32 $0x0  }
0x13: {  	[tilespmem:s15], [sflag:$0x1] =	stream.strided.gather [hbm4b:s5+s7], $0x4000, s8, s7, $0x38;
	[tilespmem:$0x4100] =	vst v63  }
0x14: {  	_ =	swait.ge [sflag:s9], $0x4000  }
0x15: {  	[sflag:s9] =	ssyncset.done $0x0  }
0x16: {  	[sflag:s9] =	ssyncadd.s32 $0xFFFFC000  }
0x17: {  	[tilespmem:s10], [sflag:$0x1] =	stream.linear.gather [hbm4b:s3+s15], $0x80, $0x38;
	[tilespmem:$0x4100] =	vst v63  }
0x18: {  	_ =	swait.ge [sflag:s9], $0x80  }
0x19: {  	[sflag:s9] =	ssyncset.done $0x0  }
0x1a: {  	[sflag:s9] =	ssyncadd.s32 $0xFFFFFF80  }
0x1b: {  	v0 =	vld [tilespmem:$0x4000];
	_ =	sdelay $0x4  }
0x1c: {  	v0 =	vxor.u32 $0x80000000, v0  }
0x1d: {  	(xrf0) =	vmax.scan.msk.u32 $0xffff, v0;
	_ =	sdelay $0x5  }
0x1e: {  	v0, _, _ =	vpop (xrf0)  }
0x1f: {  	(v2sf) =	vpush v0, $0xF;
	_ =	sdelay $0xe  }
0x20: {  	s16 =	simm.s32 $0x7F7FFFFF;
	s17 =	simm.s32 $0x0;
	s13 =	spop (v2sf)  }
.LBB2_3:
0x21: {  	s19 =	simm.s32 $0x80  }
0x22: {  	s14 =	ssub.s32 s16, s15;
	v1 =	vld [tilespmem:s19+$0xFFFFFF80]  }
0x23: {  	s14 =	sadd.s32 $0x1, s14;
	v2 =	vld [tilespmem:s19+$0xFFFFFF90]  }
0x24: {  	v3 =	vld [tilespmem:s19+$0xFFFFFFA0];
	s14 =	sshra.s32 s14, $0x1  }
0x25: {  	v4 =	vld [tilespmem:s19+$0xFFFFFFB0];
	s14 =	sadd.s32 s15, s14  }
0x26: {  	v5 =	vld [tilespmem:s19+$0xFFFFFFC0];
	v0 =	vmov s14  }
0x27: {  	vm0 =	vge.s32 v1, v0;
	v1 =	vld [tilespmem:s19+$0xFFFFFFD0]  }
0x28: {  	v6 =	vmpcnt.ones.xlane vm0;
	vm0 =	vge.s32 v2, v0;
	v2 =	vld [tilespmem:s19+$0xFFFFFFE0]  }
0x29: {  	v7 =	vimm.s32 $0x0;
	v8 =	vmpcnt.ones.xlane vm0;
	vm0 =	vge.s32 v3, v0;
	v3 =	vld [tilespmem:s19+$0xFFFFFFF0]  }
0x2a: {  	v6 =	vadd.s32 v7, v6;
	v7 =	vmpcnt.ones.xlane vm0;
	vm0 =	vge.s32 v4, v0;
	v4 =	vld [tilespmem:s19+$0x0]  }
0x2b: {  	v6 =	vadd.s32 v8, v6;
	v8 =	vmpcnt.ones.xlane vm0;
	vm0 =	vge.s32 v5, v0;
	v5 =	vld [tilespmem:s19+$0x10]  }
0x2c: {  	v9 =	vld [tilespmem:s19+$0x20];
	v6 =	vadd.s32 v7, v6;
	v7 =	vmpcnt.ones.xlane vm0;
	vm0 =	vge.s32 v1, v0  }
0x2d: {  	v1 =	vld [tilespmem:s19+$0x30];
	v6 =	vadd.s32 v8, v6;
	v8 =	vmpcnt.ones.xlane vm0;
	vm0 =	vge.s32 v2, v0  }
0x2e: {  	v2 =	vld [tilespmem:s19+$0x40];
	v6 =	vadd.s32 v7, v6;
	v7 =	vmpcnt.ones.xlane vm0;
	vm0 =	vge.s32 v3, v0  }
0x2f: {  	v3 =	vld [tilespmem:s19+$0x50];
	v6 =	vadd.s32 v8, v6;
	v8 =	vmpcnt.ones.xlane vm0;
	vm0 =	vge.s32 v4, v0  }
0x30: {  	v4 =	vld [tilespmem:s19+$0x60];
	v7 =	vadd.s32 v7, v6;
	v6 =	vmpcnt.ones.xlane vm0;
	vm0 =	vge.s32 v5, v0  }
0x31: {  	s18 =	simm.s32 $0x0;
	v5 =	vld [tilespmem:s19+$0x70];
	s19 =	simm.s32 $0x180;
	v8 =	vadd.s32 v8, v7;
	v7 =	vmpcnt.ones.xlane vm0;
	vm0 =	vge.s32 v9, v0  }
.LBB2_4:
0x32: {  	v9 =	vld [tilespmem:s19+$0xFFFFFF80];
	s18 =	sadd.s32 $0x10, s18;
	v6 =	vadd.s32 v6, v8;
	v8 =	vmpcnt.ones.xlane vm0;
	vm0 =	vge.s32 v1, v0  }
0x33: {  	v1 =	vld [tilespmem:s19+$0xFFFFFF90];
	p0 =	slt.u32 s18, $0x3F0;
	v6 =	vadd.s32 v7, v6;
	v7 =	vmpcnt.ones.xlane vm0;
	vm0 =	vge.s32 v2, v0  }
0x34: {  	v2 =	vld [tilespmem:s19+$0xFFFFFFA0];
	v6 =	vadd.s32 v8, v6;
	v8 =	vmpcnt.ones.xlane vm0;
	vm0 =	vge.s32 v3, v0  }
0x35: {  	v3 =	vld [tilespmem:s19+$0xFFFFFFB0];
	v6 =	vadd.s32 v7, v6;
	v7 =	vmpcnt.ones.xlane vm0;
	vm0 =	vge.s32 v4, v0  }
0x36: {  	v4 =	vld [tilespmem:s19+$0xFFFFFFC0];
	v6 =	vadd.s32 v8, v6;
	v8 =	vmpcnt.ones.xlane vm0;
	vm0 =	vge.s32 v5, v0  }
0x37: {  	vm1 =	vge.s32 v9, v0;
	v5 =	vld [tilespmem:s19+$0xFFFFFFD0];
	v6 =	vadd.s32 v7, v6;
	v7 =	vmpcnt.ones.xlane vm0  }
0x38: {  	v9 =	vmpcnt.ones.xlane vm1;
	vm0 =	vge.s32 v1, v0;
	v1 =	vld [tilespmem:s19+$0xFFFFFFE0];
	v6 =	vadd.s32 v8, v6  }
0x39: {  	v8 =	vmpcnt.ones.xlane vm0;
	vm0 =	vge.s32 v2, v0;
	v2 =	vld [tilespmem:s19+$0xFFFFFFF0];
	v6 =	vadd.s32 v7, v6  }
0x3a: {  	v6 =	vadd.s32 v6, v9;
	v7 =	vmpcnt.ones.xlane vm0;
	vm0 =	vge.s32 v3, v0;
	v3 =	vld [tilespmem:s19+$0x0]  }
0x3b: {  	v6 =	vadd.s32 v8, v6;
	v8 =	vmpcnt.ones.xlane vm0;
	vm0 =	vge.s32 v4, v0;
	v4 =	vld [tilespmem:s19+$0x10]  }
0x3c: {  	v6 =	vadd.s32 v7, v6;
	v7 =	vmpcnt.ones.xlane vm0;
	vm0 =	vge.s32 v5, v0;
	v5 =	vld [tilespmem:s19+$0x20]  }
.Ltmp1:
0x3d: {  	v6 =	vadd.s32 v8, v6;
	v8 =	vmpcnt.ones.xlane vm0;
	vm0 =	vge.s32 v1, v0;
	v1 =	vld [tilespmem:s19+$0x30];
	(pc) =	sbr.rel @p0 .LBB2_4-.Ltmp1, $4  }
0x3e: {  	v6 =	vadd.s32 v7, v6;
	v7 =	vmpcnt.ones.xlane vm0;
	vm0 =	vge.s32 v2, v0;
	v2 =	vld [tilespmem:s19+$0x40]  }
0x3f: {  	v6 =	vadd.s32 v8, v6;
	v8 =	vmpcnt.ones.xlane vm0;
	vm0 =	vge.s32 v3, v0;
	v3 =	vld [tilespmem:s19+$0x50]  }
0x40: {  	v7 =	vadd.s32 v7, v6;
	v6 =	vmpcnt.ones.xlane vm0;
	vm0 =	vge.s32 v4, v0;
	v4 =	vld [tilespmem:s19+$0x60]  }
0x41: {  	v8 =	vadd.s32 v8, v7;
	v7 =	vmpcnt.ones.xlane vm0;
	vm0 =	vge.s32 v5, v0;
	v5 =	vld [tilespmem:s19+$0x70];
	s19 =	sadd.s32 $0x100, s19  }
0x42: {  	v6 =	vadd.s32 v6, v8;
	v58 =	vmpcnt.ones.xlane vm0;
	vm11 =	vge.s32 v1, v0  }
0x43: {  	v59 =	vadd.s32 v7, v6;
	v60 =	vmpcnt.ones.xlane vm11;
	vm12 =	vge.s32 v2, v0  }
0x44: {  	v1 =	vadd.s32 v58, v59;
	v2 =	vmpcnt.ones.xlane vm12;
	vm13 =	vge.s32 v3, v0  }
0x45: {  	v1 =	vadd.s32 v60, v1;
	v3 =	vmpcnt.ones.xlane vm13;
	vm14 =	vge.s32 v4, v0  }
0x46: {  	v1 =	vadd.s32 v2, v1;
	v61 =	vmpcnt.ones.xlane vm14;
	vm15 =	vge.s32 v5, v0  }
0x47: {  	v62 =	vadd.s32 v3, v1;
	v63 =	vmpcnt.ones.xlane vm15  }
0x48: {  	v0 =	vadd.s32 v61, v62  }
0x49: {  	v0 =	vadd.s32 v63, v0  }
0x4a: {  	v0 =	vxor.u32 $0x80000000, v0  }
0x4b: {  	(xrf0) =	vmax.scan.msk.u32 $0xffff, v0;
	_ =	sdelay $0x5  }
0x4c: {  	v0, _, _ =	vpop (xrf0)  }
0x4d: {  	(v2sf) =	vpush v0, $0xF;
	_ =	sdelay $0xb  }
0x4e: {  	s17 =	sadd.s32 $0x1, s17  }
0x4f: {  	p1 =	seq.s32 s17, $0x1F  }
.Ltmp2:
0x50: {  	_ = 	snop;
	(pc) =	sbr.rel @!p1 .LBB2_3-.Ltmp2, $4  }
0x51: {  	s18 =	spop (v2sf)  }
0x52: {  	p0 =	slt.u32 s18, s13  }
0x53: {  	s18 =	sadd.s32 $0xFFFFFFFF, s14;
	s14 =	smov.u32 @p0 s15  }
0x54: {  	s16 =	smov.u32 @p0 s18;
	s15 =	smov.u32 s14  }
0x55: {  	s15 =	simm.s32 $0x40  }
0x56: {  	v5 =	vld [tilespmem:s15+$0xFFFFFFC0];
	_ =	sdelay $0x1  }
0x57: {  	v6 =	vld [tilespmem:s15+$0xFFFFFFD0];
	_ =	sdelay $0x1  }
0x58: {  	v0 =	vmov s14;
	v7 =	vld [tilespmem:s15+$0xFFFFFFE0]  }
0x59: {  	v8 =	vld [tilespmem:s15+$0xFFFFFFF0];
	vm2 =	vgt.s32 v5, v0  }
0x5a: {  	v3 =	vimm.f32 $0.0e+00;
	v1 =	vld [tilespmem:s15+$0x30];
	v5 =	vnsel vm2, $0x0, v5  }
0x5b: {  	v9 =	vld [tilespmem:s15+$0x0];
	vm3 =	vgt.s32 v6, v0;
	v5 =	vadd.f32 v5, v3  }
0x5c: {  	v2 =	vld [tilespmem:s15+$0x20];
	v6 =	vnsel vm3, $0x0, v6  }
0x5d: {  	vm4 =	vgt.s32 v7, v0;
	v3 =	vld [tilespmem:s15+$0x10];
	v5 =	vadd.f32 v6, v5  }
0x5e: {  	v4 =	vimm.s32 $0x0;
	vm5 =	vgt.s32 v8, v0;
	v6 =	vnsel vm4, $0x0, v7  }
0x5f: {  	vm0 =	vgt.s32 v1, v0;
	v7 =	vnsel vm5, $0x0, v8;
	v5 =	vadd.f32 v6, v5  }
0x60: {  	v8 =	vmpcnt.ones.xlane vm3;
	vm3 =	vgt.s32 v9, v0;
	v6 =	vmpcnt.ones.xlane vm2  }
0x61: {  	vm1 =	vgt.s32 v2, v0;
	v9 =	vnsel vm3, $0x0, v9;
	v7 =	vadd.f32 v7, v5  }
0x62: {  	vm2 =	vgt.s32 v3, v0;
	v5 =	vadd.s32 v4, v6;
	v4 =	vmpcnt.ones.xlane vm4  }
0x63: {  	s16 =	simm.s32 $0xC0;
	s15 =	simm.s32 $0x0;
	v6 =	vadd.s32 v8, v5;
	v5 =	vmpcnt.ones.xlane vm5;
	v7 =	vadd.f32 v9, v7  }
.LBB2_7:
0x64: {  	v8 =	vld [tilespmem:s16+$0xFFFFFFC0];
	s15 =	sadd.s32 $0x8, s15;
	v4 =	vadd.s32 v4, v6;
	v6 =	vmpcnt.ones.xlane vm3;
	v3 =	vnsel vm2, $0x0, v3  }
0x65: {  	p0 =	slt.u32 s15, $0x3F8;
	v4 =	vadd.s32 v5, v4;
	v3 =	vadd.f32 v3, v7;
	v5 =	vmpcnt.ones.xlane vm2  }
0x66: {  	v2 =	vnsel vm1, $0x0, v2;
	v7 =	vld [tilespmem:s16+$0xFFFFFFD0];
	v4 =	vadd.s32 v6, v4;
	v6 =	vmpcnt.ones.xlane vm1  }
0x67: {  	v9 =	vld [tilespmem:s16+$0x30];
	v4 =	vadd.s32 v5, v4;
	v3 =	vadd.f32 v2, v3;
	v5 =	vmpcnt.ones.xlane vm0  }
0x68: {  	v1 =	vnsel vm0, $0x0, v1;
	v10 =	vld [tilespmem:s16+$0xFFFFFFE0];
	v4 =	vadd.s32 v6, v4  }
0x69: {  	vm2 =	vgt.s32 v8, v0;
	v2 =	vld [tilespmem:s16+$0x20];
	v11 =	vadd.f32 v1, v3;
	v4 =	vadd.s32 v5, v4  }
0x6a: {  	v3 =	vnsel vm2, $0x0, v8;
	v5 =	vld [tilespmem:s16+$0xFFFFFFF0]  }
0x6b: {  	v6 =	vadd.f32 v3, v11;
	vm3 =	vgt.s32 v7, v0;
	v3 =	vld [tilespmem:s16+$0x10]  }
0x6c: {  	v7 =	vnsel vm3, $0x0, v7;
	v8 =	vld [tilespmem:s16+$0x0];
	v1 =	vmov v9  }
0x6d: {  	v6 =	vadd.f32 v7, v6;
	vm4 =	vgt.s32 v10, v0  }
0x6e: {  	vm0 =	vgt.s32 v1, v0;
	v7 =	vnsel vm4, $0x0, v10  }
.Ltmp3:
0x6f: {  	vm1 =	vgt.s32 v2, v0;
	v6 =	vadd.f32 v7, v6;
	vm5 =	vgt.s32 v5, v0;
	(pc) =	sbr.rel @p0 .LBB2_7-.Ltmp3, $4  }
0x70: {  	v7 =	vmpcnt.ones.xlane vm2;
	v5 =	vnsel vm5, $0x0, v5;
	vm2 =	vgt.s32 v3, v0  }
0x71: {  	v9 =	vmpcnt.ones.xlane vm3;
	v10 =	vadd.f32 v5, v6;
	vm3 =	vgt.s32 v8, v0  }
0x72: {  	v5 =	vadd.s32 v4, v7;
	v4 =	vmpcnt.ones.xlane vm4;
	v7 =	vnsel vm3, $0x0, v8  }
0x73: {  	s16 =	sadd.s32 $0x80, s16;
	v6 =	vadd.s32 v9, v5;
	v5 =	vmpcnt.ones.xlane vm5;
	v7 =	vadd.f32 v7, v10  }
0x74: {  	v0 =	vnsel vm2, $0x0, v3  }
0x75: {  	v0 =	vadd.f32 v0, v7  }
0x76: {  	v2 =	vnsel vm1, $0x0, v2  }
0x77: {  	v0 =	vadd.f32 v2, v0  }
0x78: {  	v1 =	vnsel vm0, $0x0, v1  }
0x79: {  	v54 =	vadd.s32 v4, v6;
	v55 =	vmpcnt.ones.xlane vm3;
	v0 =	vadd.f32 v1, v0  }
0x7a: {  	v57 =	vmpcnt.ones.xlane vm2;
	v56 =	vadd.s32 v5, v54  }
0x7b: {  	v58 =	vmpcnt.ones.xlane vm1;
	v1 =	vadd.s32 v55, v56;
	(xrf2) =	vadd.scan.msk.f32 $0xffff, v0  }
0x7c: {  	v60 =	vmpcnt.ones.xlane vm0;
	v59 =	vadd.s32 v57, v1  }
0x7d: {  	v0 =	vadd.s32 v58, v59  }
0x7e: {  	v0 =	vadd.s32 v60, v0  }
0x7f: {  	v0 =	vxor.u32 $0x80000000, v0  }
0x80: {  	(xrf0) =	vmax.scan.msk.u32 $0xffff, v0;
	_ =	sdelay $0x4  }
0x81: {  	v61, _, _ =	vpop (xrf2)  }
0x82: {  	v62, _, _ =	vpop (xrf0);
	(v2sf) =	vpush v61, $0xF  }
0x83: {  	(v2sf) =	vpush v62, $0xF;
	_ =	sdelay $0xd  }
0x84: {  	s15 =	spop (v2sf)  }
0x85: {  	s16 =	spop (v2sf)  }
0x86: {  	s13 =	sxor.u32 $0x80000000, s13;
	s16 =	sxor.u32 $0x80000000, s16  }
0x87: {  	s16 =	ssub.s32 s13, s16  }
0x88: {  	s16 =	scvt.s32.f32 s16;
	_ =	sdelay $0x1  }
0x89: {  	s14 =	smul.f32 s16, s14;
	_ =	sdelay $0x1  }
0x8a: {  	s14 =	sadd.f32 s14, s15  }
0x8b: {  	p0 =	sgt.s32 s13, $0x0  }
0x8c: {  	s12 =	sadd.s32 $0x1, s12;
	s14 =	simm.s32 @!p0 $0x0  }
0x8d: {  	p0 =	sne.s32 s12, s6;
	v63 =	vmov s14  }
.Ltmp4:
0x8e: {  	[tilespmem:$0x4080] =	vst v63;
	(pc) =	sbr.rel @p0 .LBB2_2-.Ltmp4, $4  }
0x8f: {  	[hbm4b:s4+s2] =	stream.linear.scatter [tilespmem:s11], [sflag:$0x1], $0x80, $0x38;
	[tilespmem:$0x4100] =	vst v63  }
0x90: {  	_ =	swait.ge [sflag:s9], $0x80  }
0x91: {  	[sflag:s9] =	ssyncset.done $0x0  }
0x92: {  	[sflag:s9] =	ssyncadd.s32 $0xFFFFFF80  }
.LBB2_9:
0x93: {  	_ =	sfence.sel $0x180000  }
0x94: {  	[bflag:$0x0] =	sbarrier.arrive $0xFFFF  }
0x95: {  	p0 =	sne.s32 s1, $0x0;
	_ =	strace $0x90000047  }
0x96: {  	s0 =	sadd.s32 @!p0 $0x100000, s0;
	[bflag:$0x2] =	sbarrier.arrive $0xFFFF  }
0x97: {  	[sflag:s0] =	ssyncadd.tile.s32 @!p0 $0x1;
	_ =	shalt  }
.Lfunc_end2:
_tile_overlayer_lowered:
.L_overlay_start_2:
0x98: {  	(tag) =	ssettag $0x2  }
0x99: {  	s0 =	rddreg [dreg:$0x0];
	s2 =	stileid.u32  }
0x9a: {  	s1 =	rddreg [dreg:$0x1];
	p0 =	sne.s32 s2, $0x0  }
0x9b: {  	s3 =	rddreg [dreg:$0x2];
	[bflag:$0x3] =	sbarrier.arrive $0xFFFF;
	s2 =	simm.s32 @!p0 $0x1C01  }
0x9c: {  	[timem:s3], [sflag:s2] =	dma.local @!p0 [hbm:s0], s1  }
0x9d: {  	s0 =	simm.s32 @!p0 $0x1  }
0x9e: {  	_ =	swait.ge @!p0 [sflag:s0], s1  }
0x9f: {  	s1 =	ssub.s32 @!p0 $0x0, s1;
	[sflag:s0] =	ssyncset.done @!p0 $0x0  }
0xa0: {  	[sflag:s0] =	ssyncadd.s32 @!p0 s1  }
0xa1: {  	[bflag:$0x3] =	sbarrier.arrive $0xFFFF  }
0xa2: {  	_ =	shalt  }

</sc_bundles>
